<compile_context>
chip_gen: v7x
topology: tpu7x:2x2x1
jax: 0.10.2.dev20260603
libtpu: 0.0.44.dev20260713+nightly
codegen_flags: <defaults>
</compile_context>

<pallas_src>
import functools

import jax
import jax.numpy as jnp
from jax import lax
from jax.experimental import pallas as pl
from jax.experimental.pallas import tpu as pltpu
from jax.experimental.pallas import tpu_sc as plsc

N_NODES = 10000
D = 128
NP = 10240
NC = 2
NS = 16
NW = NC * NS
K = 64
E = 320000
CPT = 160
EP = NW * CPT * K
RPT = NP // NS
B = 4096
N_CAST = 10
KG = 128
CAST_CPT = (B * N_CAST) // (NW * KG)
FC_HID = 256


def _mesh():
    return plsc.VectorSubcoreMesh(
        core_axis_name="c", subcore_axis_name="s", num_cores=NC, num_subcores=NS
    )


NBUF = 4
ISTG = 40
N0 = 160
N1 = 160
TOTCH = NS * (N0 + N1)


def _segsum_body(table, srcw, dstw, out, src_v, dst_v, rows, acc, gsems, ssems):
    c = lax.axis_index("c")
    s = lax.axis_index("s")
    row0 = s * RPT
    cb = s * (N0 // ISTG) + c * (NS * (N0 // ISTG) + s - s * (N0 // ISTG))

    @pl.loop(0, K)
    def _zr(i):
        for k in range(D // 16):
            rows[0, i, pl.ds(k * 16, 16)] = jnp.zeros((16,), jnp.float32)

    for k in range(RPT // K):
        pltpu.sync_copy(rows.at[0], acc.at[pl.ds(row0 + k * K, K)])
    plsc.subcore_barrier()

    def _run_seg(seg0):
        pltpu.sync_copy(srcw.at[seg0], src_v)
        pltpu.sync_copy(dstw.at[seg0], dst_v)
        for b in range(NBUF):
            pltpu.async_copy(table.at[src_v.at[b]], rows.at[b], gsems.at[b])

        @pl.loop(0, ISTG // NBUF)
        def _it(jj):
            base = jj * NBUF
            for b in range(NBUF):
                j = base + b
                pltpu.make_async_copy(table.at[src_v.at[j]], rows.at[b],
                                      gsems.at[b]).wait()
                pltpu.async_copy(rows.at[b], acc.at[dst_v.at[j]],
                                 ssems.at[b], add=True).wait()
                jn = jnp.minimum(base + NBUF + b, ISTG - 1)
                pltpu.async_copy(table.at[src_v.at[jn]], rows.at[b],
                                 gsems.at[b])

        for b in range(NBUF):
            pltpu.make_async_copy(table.at[src_v.at[ISTG - 1]], rows.at[b],
                                  gsems.at[b]).wait()

    nseg = (N0 // ISTG) + c * ((N1 // ISTG) - (N0 // ISTG))

    @pl.loop(0, nseg)
    def _seg(t):
        _run_seg(cb + t)

    plsc.subcore_barrier()
    pltpu.sync_copy(acc.at[pl.ds(row0, RPT)], out.at[pl.ds(c * NP + row0, RPT)])


def _segsum_partials(table, srcw, dstw):
    kern = functools.partial(
        pl.kernel,
        out_type=jax.ShapeDtypeStruct((NC * NP, D), jnp.float32),
        mesh=_mesh(),
        scratch_types=[
            pltpu.VMEM((ISTG, K), jnp.int32),
            pltpu.VMEM((ISTG, K), jnp.int32),
            pltpu.VMEM((NBUF, K, D), jnp.float32),
            pltpu.VMEM_SHARED((NP, D), jnp.float32),
            pltpu.SemaphoreType.DMA((NBUF,)),
            pltpu.SemaphoreType.DMA((NBUF,)),
        ],
    )(_segsum_body)
    return kern(table, srcw, dstw)


GBUF = 4


def _gather_body(table, idxw, out, idx_v, rows, gsems, ssems):
    c = lax.axis_index("c")
    s = lax.axis_index("s")
    wid = c * NS + s
    U = CAST_CPT
    pltpu.sync_copy(idxw.at[wid], idx_v)

    def _off(u):
        return wid * (CAST_CPT * KG) + u * KG

    for b in range(GBUF):
        pltpu.async_copy(table.at[idx_v.at[b]], rows.at[b], gsems.at[b])

    @pl.loop(0, U // GBUF)
    def _it(jj):
        base = jj * GBUF
        descs = []
        for b in range(GBUF):
            u = base + b
            pltpu.make_async_copy(table.at[idx_v.at[u]], rows.at[b],
                                  gsems.at[b]).wait()
            descs.append(pltpu.async_copy(rows.at[b],
                                          out.at[pl.ds(_off(u), KG)],
                                          ssems.at[b]))
        for b in range(GBUF):
            descs[b].wait()
            un = jnp.minimum(base + GBUF + b, U - 1)
            pltpu.async_copy(table.at[idx_v.at[un]], rows.at[b], gsems.at[b])

    for b in range(GBUF):
        pltpu.make_async_copy(table.at[idx_v.at[U - 1]], rows.at[b],
                              gsems.at[b]).wait()


def _gather_cast(table, idxw):
    kern = functools.partial(
        pl.kernel,
        out_type=jax.ShapeDtypeStruct((B * N_CAST, D), jnp.float32),
        mesh=_mesh(),
        scratch_types=[
            pltpu.VMEM((CAST_CPT, KG), jnp.int32),
            pltpu.VMEM((GBUF, KG, D), jnp.float32),
            pltpu.SemaphoreType.DMA((GBUF,)),
            pltpu.SemaphoreType.DMA((GBUF,)),
        ],
    )(_gather_body)
    return kern(table, idxw)


def _tc_gcn(p, b, W, relu):
    blk = 1024
    grid = (NP // blk,)
    return pl.pallas_call(
        functools.partial(_tc_gcn_run, relu=relu),
        grid=grid,
        in_specs=[
            pl.BlockSpec((blk, D), lambda i: (i, 0)),
            pl.BlockSpec((blk, D), lambda i: (i + NP // blk, 0)),
            pl.BlockSpec((1, D), lambda i: (0, 0)),
            pl.BlockSpec((D, D), lambda i: (0, 0)),
        ],
        out_specs=pl.BlockSpec((blk, D), lambda i: (i, 0)),
        out_shape=jax.ShapeDtypeStruct((NP, D), jnp.float32),
    )(p, p, b, W)


def _tc_gcn_run(p0, p1, b1, w1, o, *, relu):
    a = p0[...] + p1[...]
    x = jnp.dot(a, w1[...], preferred_element_type=jnp.float32) + b1[...]
    o[...] = jnp.maximum(x, 0.0) if relu else x


def _tc_head_body(g, movie, wf1a, wf1b, bf1, wf2, bf2, o):
    mblk = g.shape[0] // N_CAST
    s = g[...].reshape(mblk, N_CAST, D)
    acc = jnp.dot(movie[...], wf1b[...], preferred_element_type=jnp.float32)
    for j in range(N_CAST):
        acc = acc + jnp.dot(s[:, j, :], wf1a[j],
                            preferred_element_type=jnp.float32)
    hidden = jnp.maximum(acc + bf1[...], 0.0)
    o[...] = jnp.dot(hidden, wf2[...], preferred_element_type=jnp.float32) + bf2[...]


def _tc_head(G, movie, wf1a, wf1b, bf1, wf2, bf2):
    mblk = 512
    grid = (B // mblk,)
    return pl.pallas_call(
        _tc_head_body,
        grid=grid,
        in_specs=[
            pl.BlockSpec((mblk * N_CAST, D), lambda i: (i, 0)),
            pl.BlockSpec((mblk, 32), lambda i: (i, 0)),
            pl.BlockSpec((N_CAST, D, FC_HID), lambda i: (0, 0, 0)),
            pl.BlockSpec((32, FC_HID), lambda i: (0, 0)),
            pl.BlockSpec((1, FC_HID), lambda i: (0, 0)),
            pl.BlockSpec((FC_HID, 1), lambda i: (0, 0)),
            pl.BlockSpec((1, 1), lambda i: (0, 0)),
        ],
        out_specs=pl.BlockSpec((mblk, 1), lambda i: (i, 0)),
        out_shape=jax.ShapeDtypeStruct((B, 1), jnp.float32),
    )(G, movie, wf1a, wf1b, bf1, wf2, bf2)


def kernel(graph_features, movie_features, cast_indices, edge_index,
           W_g1, b_g1, W_g2, b_g2, W_f1, b_f1, W_f2, b_f2):
    src = edge_index[0].astype(jnp.int32)
    dst = edge_index[1].astype(jnp.int32)
    pad = EP - E
    pad_dst = N_NODES + (jnp.arange(pad, dtype=jnp.int32) % (NP - N_NODES))
    srcw = jnp.concatenate([src, jnp.zeros((pad,), jnp.int32)]).reshape(
        TOTCH // ISTG, ISTG, K)
    dstw = jnp.concatenate([dst, pad_dst]).reshape(TOTCH // ISTG, ISTG, K)

    p = _segsum_partials(graph_features, srcw, dstw)
    h = _tc_gcn(p, b_g1.reshape(1, D), W_g1, relu=True)
    r = _segsum_partials(h, srcw, dstw)
    embed = _tc_gcn(r, b_g2.reshape(1, D), W_g2, relu=False)

    idxw = cast_indices.reshape(-1).astype(jnp.int32).reshape(NW, CAST_CPT, KG)
    G = _gather_cast(embed, idxw)

    wf1a = W_f1[: N_CAST * D].reshape(N_CAST, D, FC_HID)
    wf1b = W_f1[N_CAST * D:]
    return _tc_head(
        G, movie_features, wf1a, wf1b,
        b_f1.reshape(1, FC_HID), W_f2, b_f2.reshape(1, 1),
    )

# --- scband reference (transcript-rebuilt; emitter-appended) ---
"""Pipeline reference for scband-movie-net-49855980372462 (READ-ONLY COPY).

The authoritative reference and input builder live on the scoring server;
editing this copy changes nothing except your own understanding.
"""

import jax, jax.numpy as jnp
import numpy as np

N_NODES = 10000
N_EDGES = 320000
D_FEAT = 128
N_HID = 128
N_OUT = 128
B = 4096
N_CAST = 10
N_MOVIE_FEATS = 32
FC_HID = 256


def setup_inputs(seed: int = 0) -> dict:
    key = jax.random.key(seed)
    ks = jax.random.split(key, 12)
    graph_features = jax.random.normal(ks[0], (N_NODES, D_FEAT), dtype=jnp.float32)
    movie_features = jax.random.normal(ks[1], (B, N_MOVIE_FEATS), dtype=jnp.float32)
    cast_indices = jax.random.randint(ks[2], (B, N_CAST), 0, N_NODES)
    # fixed cast graph (baked into the module at __init__ time in the torch version)
    edge_index = jax.random.randint(ks[3], (2, N_EDGES), 0, N_NODES)
    # GCN layer params (2 layers: d_feat->hidden, hidden->out)
    W_g1 = jax.random.normal(ks[4], (D_FEAT, N_HID), dtype=jnp.float32) * (1.0 / np.sqrt(D_FEAT))
    b_g1 = jnp.zeros((N_HID,), dtype=jnp.float32)
    W_g2 = jax.random.normal(ks[5], (N_HID, N_OUT), dtype=jnp.float32) * (1.0 / np.sqrt(N_HID))
    b_g2 = jnp.zeros((N_OUT,), dtype=jnp.float32)
    # simple_dnn params: input = n_gcn_out * n_cast + n_movie_feats
    fc_in = N_OUT * N_CAST + N_MOVIE_FEATS
    W_f1 = jax.random.normal(ks[6], (fc_in, FC_HID), dtype=jnp.float32) * (1.0 / np.sqrt(fc_in))
    b_f1 = jnp.zeros((FC_HID,), dtype=jnp.float32)
    W_f2 = jax.random.normal(ks[7], (FC_HID, 1), dtype=jnp.float32) * (1.0 / np.sqrt(FC_HID))
    b_f2 = jnp.zeros((1,), dtype=jnp.float32)
    return {
        "graph_features": graph_features,
        "movie_features": movie_features,
        "cast_indices": cast_indices,
        "edge_index": edge_index,
        "W_g1": W_g1, "b_g1": b_g1,
        "W_g2": W_g2, "b_g2": b_g2,
        "W_f1": W_f1, "b_f1": b_f1,
        "W_f2": W_f2, "b_f2": b_f2,
    }


def _gcn_layer(h, src, dst, W, b, activation):
    # message passing: gather from src, scatter-add (segment_sum) to dst
    msgs = jnp.take(h, src, axis=0)
    agg = jax.ops.segment_sum(msgs, dst, num_segments=N_NODES)
    out = agg @ W + b
    if activation:
        out = jax.nn.relu(out)
    return out


def reference(graph_features, movie_features, cast_indices, edge_index,
              W_g1, b_g1, W_g2, b_g2, W_f1, b_f1, W_f2, b_f2):
    src = edge_index[0]
    dst = edge_index[1]
    # GCN over fixed cast graph
    h = _gcn_layer(graph_features, src, dst, W_g1, b_g1, activation=True)
    embed_mat = _gcn_layer(h, src, dst, W_g2, b_g2, activation=False)
    # gather cast embeddings per movie and flatten
    cast_features = jnp.take(embed_mat, cast_indices.reshape(-1), axis=0)
    cast_features = cast_features.reshape(cast_indices.shape[0], -1)
    fc_features = jnp.concatenate((cast_features, movie_features), axis=1)
    # simple_dnn head
    hidden = jax.nn.relu(fc_features @ W_f1 + b_f1)
    out = hidden @ W_f2 + b_f2
    return out

if __name__ == "__main__":
    import jax
    _d = setup_inputs()
    print(jax.jit(kernel)(*tuple(_d.values())))

</pallas_src>

<mosaic_0001>
#map = affine_map<(d0, d1) -> (0, 0)>
#map1 = affine_map<(d0, d1) -> (0, 0, 0)>
module attributes {stable_mosaic.version = 14 : i64} {
  func.func @_gather_body(%arg0: i32, %arg1: i32, %arg2: memref<10240x128xf32, #tpu.memory_space<hbm>>, %arg3: memref<32x10x128xi32, #tpu.memory_space<hbm>>, %arg4: memref<40960x128xf32, #tpu.memory_space<hbm>>, %arg5: memref<10x128xi32, #tpu.memory_space<vmem>>, %arg6: memref<4x128x128xf32, #tpu.memory_space<vmem>>, %arg7: memref<4x!tpu.dma_semaphore, #tpu.memory_space<semaphore_mem>>, %arg8: memref<4x!tpu.dma_semaphore, #tpu.memory_space<semaphore_mem>>) attributes {dimension_semantics = [#tpu.dimension_semantics<core_parallel>, #tpu.dimension_semantics<subcore_parallel>], iteration_bounds = array<i64: 2, 16>, scalar_prefetch = 0 : i64, scratch_operands = 4 : i64, tpu.core_type = #tpu.core_type<sc_vector_subcore>, window_params = [{transform_indices = #map}, {transform_indices = #map1}, {transform_indices = #map}]} {
    %mul3A = arith.constant 16 : i32
    %mul3A_0 = arith.muli %arg0, %mul3A : i32
    %add3A = arith.addi %mul3A_0, %arg1 : i32
    "tpu.region"() ({
      %run_scoped3A = tpu.sem_alloc : memref<!tpu.dma_semaphore, #tpu.memory_space<semaphore_mem>>
      %dma_start3A_123 = arith.constant 0 : i32
      %dma_start3A_124 = arith.constant 0 : i32
      %dma_start3A_125 = tpu.memref_slice %arg3[%add3A, %dma_start3A_123, %dma_start3A_124] : memref<32x10x128xi32, #tpu.memory_space<hbm>> -> memref<1x10x128xi32, #tpu.memory_space<hbm>>
      %dma_start3A_126 = tpu.memref_squeeze %dma_start3A_125 : memref<1x10x128xi32, #tpu.memory_space<hbm>> -> memref<10x128xi32, #tpu.memory_space<hbm>>
      %dma_start3A_127 = arith.constant 0 : i32
      %dma_start3A_128 = arith.constant 0 : i32
      %dma_start3A_129 = tpu.memref_slice %arg3[%add3A, %dma_start3A_127, %dma_start3A_128] : memref<32x10x128xi32, #tpu.memory_space<hbm>> -> memref<1x10x128xi32, #tpu.memory_space<hbm>>
      %dma_start3A_130 = tpu.memref_squeeze %dma_start3A_129 : memref<1x10x128xi32, #tpu.memory_space<hbm>> -> memref<10x128xi32, #tpu.memory_space<hbm>>
      tpu.enqueue_dma source(%dma_start3A_130 : memref<10x128xi32, #tpu.memory_space<hbm>>) target(%arg5 : memref<10x128xi32, #tpu.memory_space<vmem>>) target_semaphore(%run_scoped3A : memref<!tpu.dma_semaphore, #tpu.memory_space<semaphore_mem>>)
      %dma_wait3A_131 = arith.constant 0 : i32
      %dma_wait3A_132 = arith.constant 0 : i32
      %dma_wait3A_133 = tpu.memref_slice %arg3[%add3A, %dma_wait3A_131, %dma_wait3A_132] : memref<32x10x128xi32, #tpu.memory_space<hbm>> -> memref<1x10x128xi32, #tpu.memory_space<hbm>>
      %dma_wait3A_134 = tpu.memref_squeeze %dma_wait3A_133 : memref<1x10x128xi32, #tpu.memory_space<hbm>> -> memref<10x128xi32, #tpu.memory_space<hbm>>
      %dma_wait3A_135 = arith.constant 0 : i32
      %dma_wait3A_136 = arith.constant 0 : i32
      %dma_wait3A_137 = tpu.memref_slice %arg3[%add3A, %dma_wait3A_135, %dma_wait3A_136] : memref<32x10x128xi32, #tpu.memory_space<hbm>> -> memref<1x10x128xi32, #tpu.memory_space<hbm>>
      %dma_wait3A_138 = tpu.memref_squeeze %dma_wait3A_137 : memref<1x10x128xi32, #tpu.memory_space<hbm>> -> memref<10x128xi32, #tpu.memory_space<hbm>>
      tpu.wait_dma2 semaphore(%run_scoped3A : memref<!tpu.dma_semaphore, #tpu.memory_space<semaphore_mem>>) src(%dma_wait3A_138 : memref<10x128xi32, #tpu.memory_space<hbm>>) dst(%arg5 : memref<10x128xi32, #tpu.memory_space<vmem>>)
      tpu.yield
    }) : () -> ()
    %dma_start3A = arith.constant 0 : i32
    %dma_start3A_1 = arith.constant 0 : i32
    %dma_start3A_2 = arith.constant 0 : i32
    %dma_start3A_3 = arith.constant 0 : i32
    %dma_start3A_4 = arith.constant 0 : i32
    %dma_start3A_5 = tpu.memref_slice %arg6[%dma_start3A_1, %dma_start3A_3, %dma_start3A_4] : memref<4x128x128xf32, #tpu.memory_space<vmem>> -> memref<1x128x128xf32, #tpu.memory_space<vmem>>
    %dma_start3A_6 = tpu.memref_squeeze %dma_start3A_5 : memref<1x128x128xf32, #tpu.memory_space<vmem>> -> memref<128x128xf32, #tpu.memory_space<vmem>>
    %dma_start3A_7 = arith.constant 0 : i32
    %dma_start3A_8 = tpu.memref_slice %arg5[%dma_start3A, %dma_start3A_7] : memref<10x128xi32, #tpu.memory_space<vmem>> -> memref<1x128xi32, #tpu.memory_space<vmem>>
    %dma_start3A_9 = tpu.memref_squeeze %dma_start3A_8 : memref<1x128xi32, #tpu.memory_space<vmem>> -> memref<128xi32, #tpu.memory_space<vmem>>
    %dma_start3A_10 = arith.constant 0 : i32
    %dma_start3A_11 = arith.constant 0 : i32
    %dma_start3A_12 = tpu.memref_slice %arg2[%dma_start3A_10, %dma_start3A_11] : memref<10240x128xf32, #tpu.memory_space<hbm>> -> memref<10240x128xf32, #tpu.memory_space<hbm>>
    %dma_start3A_13 = tpu.memref_slice %arg7[%dma_start3A_2] : memref<4x!tpu.dma_semaphore, #tpu.memory_space<semaphore_mem>> -> memref<1x!tpu.dma_semaphore, #tpu.memory_space<semaphore_mem>>
    %dma_start3A_14 = tpu.memref_squeeze %dma_start3A_13 : memref<1x!tpu.dma_semaphore, #tpu.memory_space<semaphore_mem>> -> memref<!tpu.dma_semaphore, #tpu.memory_space<semaphore_mem>>
    tpu.enqueue_indirect_dma source(%dma_start3A_12 : memref<10240x128xf32, #tpu.memory_space<hbm>>) target(%dma_start3A_6 : memref<128x128xf32, #tpu.memory_space<vmem>>) offsets(%dma_start3A_9 : memref<128xi32, #tpu.memory_space<vmem>>) semaphore(%dma_start3A_14 : memref<!tpu.dma_semaphore, #tpu.memory_space<semaphore_mem>>)
    %dma_start3A_15 = arith.constant 1 : i32
    %dma_start3A_16 = arith.constant 1 : i32
    %dma_start3A_17 = arith.constant 1 : i32
    %dma_start3A_18 = arith.constant 0 : i32
    %dma_start3A_19 = arith.constant 0 : i32
    %dma_start3A_20 = tpu.memref_slice %arg6[%dma_start3A_16, %dma_start3A_18, %dma_start3A_19] : memref<4x128x128xf32, #tpu.memory_space<vmem>> -> memref<1x128x128xf32, #tpu.memory_space<vmem>>
    %dma_start3A_21 = tpu.memref_squeeze %dma_start3A_20 : memref<1x128x128xf32, #tpu.memory_space<vmem>> -> memref<128x128xf32, #tpu.memory_space<vmem>>
    %dma_start3A_22 = arith.constant 0 : i32
    %dma_start3A_23 = tpu.memref_slice %arg5[%dma_start3A_15, %dma_start3A_22] : memref<10x128xi32, #tpu.memory_space<vmem>> -> memref<1x128xi32, #tpu.memory_space<vmem>>
    %dma_start3A_24 = tpu.memref_squeeze %dma_start3A_23 : memref<1x128xi32, #tpu.memory_space<vmem>> -> memref<128xi32, #tpu.memory_space<vmem>>
    %dma_start3A_25 = arith.constant 0 : i32
    %dma_start3A_26 = arith.constant 0 : i32
    %dma_start3A_27 = tpu.memref_slice %arg2[%dma_start3A_25, %dma_start3A_26] : memref<10240x128xf32, #tpu.memory_space<hbm>> -> memref<10240x128xf32, #tpu.memory_space<hbm>>
    %dma_start3A_28 = tpu.memref_slice %arg7[%dma_start3A_17] : memref<4x!tpu.dma_semaphore, #tpu.memory_space<semaphore_mem>> -> memref<1x!tpu.dma_semaphore, #tpu.memory_space<semaphore_mem>>
    %dma_start3A_29 = tpu.memref_squeeze %dma_start3A_28 : memref<1x!tpu.dma_semaphore, #tpu.memory_space<semaphore_mem>> -> memref<!tpu.dma_semaphore, #tpu.memory_space<semaphore_mem>>
    tpu.enqueue_indirect_dma source(%dma_start3A_27 : memref<10240x128xf32, #tpu.memory_space<hbm>>) target(%dma_start3A_21 : memref<128x128xf32, #tpu.memory_space<vmem>>) offsets(%dma_start3A_24 : memref<128xi32, #tpu.memory_space<vmem>>) semaphore(%dma_start3A_29 : memref<!tpu.dma_semaphore, #tpu.memory_space<semaphore_mem>>)
    %dma_start3A_30 = arith.constant 2 : i32
    %dma_start3A_31 = arith.constant 2 : i32
    %dma_start3A_32 = arith.constant 2 : i32
    %dma_start3A_33 = arith.constant 0 : i32
    %dma_start3A_34 = arith.constant 0 : i32
    %dma_start3A_35 = tpu.memref_slice %arg6[%dma_start3A_31, %dma_start3A_33, %dma_start3A_34] : memref<4x128x128xf32, #tpu.memory_space<vmem>> -> memref<1x128x128xf32, #tpu.memory_space<vmem>>
    %dma_start3A_36 = tpu.memref_squeeze %dma_start3A_35 : memref<1x128x128xf32, #tpu.memory_space<vmem>> -> memref<128x128xf32, #tpu.memory_space<vmem>>
    %dma_start3A_37 = arith.constant 0 : i32
    %dma_start3A_38 = tpu.memref_slice %arg5[%dma_start3A_30, %dma_start3A_37] : memref<10x128xi32, #tpu.memory_space<vmem>> -> memref<1x128xi32, #tpu.memory_space<vmem>>
    %dma_start3A_39 = tpu.memref_squeeze %dma_start3A_38 : memref<1x128xi32, #tpu.memory_space<vmem>> -> memref<128xi32, #tpu.memory_space<vmem>>
    %dma_start3A_40 = arith.constant 0 : i32
    %dma_start3A_41 = arith.constant 0 : i32
    %dma_start3A_42 = tpu.memref_slice %arg2[%dma_start3A_40, %dma_start3A_41] : memref<10240x128xf32, #tpu.memory_space<hbm>> -> memref<10240x128xf32, #tpu.memory_space<hbm>>
    %dma_start3A_43 = tpu.memref_slice %arg7[%dma_start3A_32] : memref<4x!tpu.dma_semaphore, #tpu.memory_space<semaphore_mem>> -> memref<1x!tpu.dma_semaphore, #tpu.memory_space<semaphore_mem>>
    %dma_start3A_44 = tpu.memref_squeeze %dma_start3A_43 : memref<1x!tpu.dma_semaphore, #tpu.memory_space<semaphore_mem>> -> memref<!tpu.dma_semaphore, #tpu.memory_space<semaphore_mem>>
    tpu.enqueue_indirect_dma source(%dma_start3A_42 : memref<10240x128xf32, #tpu.memory_space<hbm>>) target(%dma_start3A_36 : memref<128x128xf32, #tpu.memory_space<vmem>>) offsets(%dma_start3A_39 : memref<128xi32, #tpu.memory_space<vmem>>) semaphore(%dma_start3A_44 : memref<!tpu.dma_semaphore, #tpu.memory_space<semaphore_mem>>)
    %dma_start3A_45 = arith.constant 3 : i32
    %dma_start3A_46 = arith.constant 3 : i32
    %dma_start3A_47 = arith.constant 3 : i32
    %dma_start3A_48 = arith.constant 0 : i32
    %dma_start3A_49 = arith.constant 0 : i32
    %dma_start3A_50 = tpu.memref_slice %arg6[%dma_start3A_46, %dma_start3A_48, %dma_start3A_49] : memref<4x128x128xf32, #tpu.memory_space<vmem>> -> memref<1x128x128xf32, #tpu.memory_space<vmem>>
    %dma_start3A_51 = tpu.memref_squeeze %dma_start3A_50 : memref<1x128x128xf32, #tpu.memory_space<vmem>> -> memref<128x128xf32, #tpu.memory_space<vmem>>
    %dma_start3A_52 = arith.constant 0 : i32
    %dma_start3A_53 = tpu.memref_slice %arg5[%dma_start3A_45, %dma_start3A_52] : memref<10x128xi32, #tpu.memory_space<vmem>> -> memref<1x128xi32, #tpu.memory_space<vmem>>
    %dma_start3A_54 = tpu.memref_squeeze %dma_start3A_53 : memref<1x128xi32, #tpu.memory_space<vmem>> -> memref<128xi32, #tpu.memory_space<vmem>>
    %dma_start3A_55 = arith.constant 0 : i32
    %dma_start3A_56 = arith.constant 0 : i32
    %dma_start3A_57 = tpu.memref_slice %arg2[%dma_start3A_55, %dma_start3A_56] : memref<10240x128xf32, #tpu.memory_space<hbm>> -> memref<10240x128xf32, #tpu.memory_space<hbm>>
    %dma_start3A_58 = tpu.memref_slice %arg7[%dma_start3A_47] : memref<4x!tpu.dma_semaphore, #tpu.memory_space<semaphore_mem>> -> memref<1x!tpu.dma_semaphore, #tpu.memory_space<semaphore_mem>>
    %dma_start3A_59 = tpu.memref_squeeze %dma_start3A_58 : memref<1x!tpu.dma_semaphore, #tpu.memory_space<semaphore_mem>> -> memref<!tpu.dma_semaphore, #tpu.memory_space<semaphore_mem>>
    tpu.enqueue_indirect_dma source(%dma_start3A_57 : memref<10240x128xf32, #tpu.memory_space<hbm>>) target(%dma_start3A_51 : memref<128x128xf32, #tpu.memory_space<vmem>>) offsets(%dma_start3A_54 : memref<128xi32, #tpu.memory_space<vmem>>) semaphore(%dma_start3A_59 : memref<!tpu.dma_semaphore, #tpu.memory_space<semaphore_mem>>)
    %scan3A = arith.constant 0 : i32
    %scan3A_60 = arith.constant 2 : i32
    %scan3A_61 = arith.addi %scan3A, %scan3A_60 : i32
    %scan3A_62 = arith.constant 1 : i32
    scf.for %scan3A_123 = %scan3A to %scan3A_61 step %scan3A_62  : i32 {
      %mul3A_124 = arith.constant 1 : i32
      %mul3A_125 = arith.muli %scan3A_123, %mul3A_124 : i32
      %add3A_126 = arith.constant 0 : i32
      %add3A_127 = arith.addi %add3A_126, %mul3A_125 : i32
      %mul3A_128 = arith.constant 4 : i32
      %mul3A_129 = arith.muli %add3A_127, %mul3A_128 : i32
      %add3A_130 = arith.constant 0 : i32
      %add3A_131 = arith.addi %mul3A_129, %add3A_130 : i32
      %dma_wait3A_132 = arith.constant 0 : i32
      %dma_wait3A_133 = arith.constant 0 : i32
      %dma_wait3A_134 = arith.constant 0 : i32
      %dma_wait3A_135 = arith.constant 0 : i32
      %dma_wait3A_136 = tpu.memref_slice %arg6[%dma_wait3A_132, %dma_wait3A_134, %dma_wait3A_135] : memref<4x128x128xf32, #tpu.memory_space<vmem>> -> memref<1x128x128xf32, #tpu.memory_space<vmem>>
      %dma_wait3A_137 = tpu.memref_squeeze %dma_wait3A_136 : memref<1x128x128xf32, #tpu.memory_space<vmem>> -> memref<128x128xf32, #tpu.memory_space<vmem>>
      %dma_wait3A_138 = arith.constant 0 : i32
      %dma_wait3A_139 = tpu.memref_slice %arg5[%add3A_131, %dma_wait3A_138] : memref<10x128xi32, #tpu.memory_space<vmem>> -> memref<1x128xi32, #tpu.memory_space<vmem>>
      %dma_wait3A_140 = tpu.memref_squeeze %dma_wait3A_139 : memref<1x128xi32, #tpu.memory_space<vmem>> -> memref<128xi32, #tpu.memory_space<vmem>>
      %dma_wait3A_141 = arith.constant 0 : i32
      %dma_wait3A_142 = arith.constant 0 : i32
      %dma_wait3A_143 = tpu.memref_slice %arg2[%dma_wait3A_141, %dma_wait3A_142] : memref<10240x128xf32, #tpu.memory_space<hbm>> -> memref<10240x128xf32, #tpu.memory_space<hbm>>
      %dma_wait3A_144 = tpu.memref_slice %arg7[%dma_wait3A_133] : memref<4x!tpu.dma_semaphore, #tpu.memory_space<semaphore_mem>> -> memref<1x!tpu.dma_semaphore, #tpu.memory_space<semaphore_mem>>
      %dma_wait3A_145 = tpu.memref_squeeze %dma_wait3A_144 : memref<1x!tpu.dma_semaphore, #tpu.memory_space<semaphore_mem>> -> memref<!tpu.dma_semaphore, #tpu.memory_space<semaphore_mem>>
      tpu.wait_indirect_dma semaphore(%dma_wait3A_145 : memref<!tpu.dma_semaphore, #tpu.memory_space<semaphore_mem>>) src(%dma_wait3A_143 : memref<10240x128xf32, #tpu.memory_space<hbm>>) dst(%dma_wait3A_137 : memref<128x128xf32, #tpu.memory_space<vmem>>)
      %mul3A_146 = arith.constant 1280 : i32
      %mul3A_147 = arith.muli %add3A, %mul3A_146 : i32
      %mul3A_148 = arith.constant 128 : i32
      %mul3A_149 = arith.muli %add3A_131, %mul3A_148 : i32
      %add3A_150 = arith.addi %mul3A_147, %mul3A_149 : i32
      %dma_start3A_151 = arith.constant 0 : i32
      %dma_start3A_152 = arith.constant 0 : i32
      %dma_start3A_153 = arith.constant 0 : i32
      %dma_start3A_154 = arith.constant 0 : i32
      %dma_start3A_155 = tpu.memref_slice %arg6[%dma_start3A_151, %dma_start3A_153, %dma_start3A_154] : memref<4x128x128xf32, #tpu.memory_space<vmem>> -> memref<1x128x128xf32, #tpu.memory_space<vmem>>
      %dma_start3A_156 = tpu.memref_squeeze %dma_start3A_155 : memref<1x128x128xf32, #tpu.memory_space<vmem>> -> memref<128x128xf32, #tpu.memory_space<vmem>>
      %dma_start3A_157 = arith.constant 0 : i32
      %dma_start3A_158 = tpu.memref_slice %arg4[%add3A_150, %dma_start3A_157] : memref<40960x128xf32, #tpu.memory_space<hbm>> -> memref<128x128xf32, #tpu.memory_space<hbm>>
      %dma_start3A_159 = tpu.memref_slice %arg8[%dma_start3A_152] : memref<4x!tpu.dma_semaphore, #tpu.memory_space<semaphore_mem>> -> memref<1x!tpu.dma_semaphore, #tpu.memory_space<semaphore_mem>>
      %dma_start3A_160 = tpu.memref_squeeze %dma_start3A_159 : memref<1x!tpu.dma_semaphore, #tpu.memory_space<semaphore_mem>> -> memref<!tpu.dma_semaphore, #tpu.memory_space<semaphore_mem>>
      %dma_start3A_161 = arith.constant 0 : i32
      %dma_start3A_162 = tpu.memref_slice %arg4[%add3A_150, %dma_start3A_161] : memref<40960x128xf32, #tpu.memory_space<hbm>> -> memref<128x128xf32, #tpu.memory_space<hbm>>
      %dma_start3A_163 = arith.constant 0 : i32
      %dma_start3A_164 = arith.constant 0 : i32
      %dma_start3A_165 = tpu.memref_slice %arg6[%dma_start3A_151, %dma_start3A_163, %dma_start3A_164] : memref<4x128x128xf32, #tpu.memory_space<vmem>> -> memref<1x128x128xf32, #tpu.memory_space<vmem>>
      %dma_start3A_166 = tpu.memref_squeeze %dma_start3A_165 : memref<1x128x128xf32, #tpu.memory_space<vmem>> -> memref<128x128xf32, #tpu.memory_space<vmem>>
      tpu.enqueue_dma source(%dma_start3A_166 : memref<128x128xf32, #tpu.memory_space<vmem>>) target(%dma_start3A_162 : memref<128x128xf32, #tpu.memory_space<hbm>>) target_semaphore(%dma_start3A_160 : memref<!tpu.dma_semaphore, #tpu.memory_space<semaphore_mem>>)
      %add3A_167 = arith.constant 1 : i32
      %add3A_168 = arith.addi %mul3A_129, %add3A_167 : i32
      %dma_wait3A_169 = arith.constant 1 : i32
      %dma_wait3A_170 = arith.constant 1 : i32
      %dma_wait3A_171 = arith.constant 0 : i32
      %dma_wait3A_172 = arith.constant 0 : i32
      %dma_wait3A_173 = tpu.memref_slice %arg6[%dma_wait3A_169, %dma_wait3A_171, %dma_wait3A_172] : memref<4x128x128xf32, #tpu.memory_space<vmem>> -> memref<1x128x128xf32, #tpu.memory_space<vmem>>
      %dma_wait3A_174 = tpu.memref_squeeze %dma_wait3A_173 : memref<1x128x128xf32, #tpu.memory_space<vmem>> -> memref<128x128xf32, #tpu.memory_space<vmem>>
      %dma_wait3A_175 = arith.constant 0 : i32
      %dma_wait3A_176 = tpu.memref_slice %arg5[%add3A_168, %dma_wait3A_175] : memref<10x128xi32, #tpu.memory_space<vmem>> -> memref<1x128xi32, #tpu.memory_space<vmem>>
      %dma_wait3A_177 = tpu.memref_squeeze %dma_wait3A_176 : memref<1x128xi32, #tpu.memory_space<vmem>> -> memref<128xi32, #tpu.memory_space<vmem>>
      %dma_wait3A_178 = arith.constant 0 : i32
      %dma_wait3A_179 = arith.constant 0 : i32
      %dma_wait3A_180 = tpu.memref_slice %arg2[%dma_wait3A_178, %dma_wait3A_179] : memref<10240x128xf32, #tpu.memory_space<hbm>> -> memref<10240x128xf32, #tpu.memory_space<hbm>>
      %dma_wait3A_181 = tpu.memref_slice %arg7[%dma_wait3A_170] : memref<4x!tpu.dma_semaphore, #tpu.memory_space<semaphore_mem>> -> memref<1x!tpu.dma_semaphore, #tpu.memory_space<semaphore_mem>>
      %dma_wait3A_182 = tpu.memref_squeeze %dma_wait3A_181 : memref<1x!tpu.dma_semaphore, #tpu.memory_space<semaphore_mem>> -> memref<!tpu.dma_semaphore, #tpu.memory_space<semaphore_mem>>
      tpu.wait_indirect_dma semaphore(%dma_wait3A_182 : memref<!tpu.dma_semaphore, #tpu.memory_space<semaphore_mem>>) src(%dma_wait3A_180 : memref<10240x128xf32, #tpu.memory_space<hbm>>) dst(%dma_wait3A_174 : memref<128x128xf32, #tpu.memory_space<vmem>>)
      %mul3A_183 = arith.constant 1280 : i32
      %mul3A_184 = arith.muli %add3A, %mul3A_183 : i32
      %mul3A_185 = arith.constant 128 : i32
      %mul3A_186 = arith.muli %add3A_168, %mul3A_185 : i32
      %add3A_187 = arith.addi %mul3A_184, %mul3A_186 : i32
      %dma_start3A_188 = arith.constant 1 : i32
      %dma_start3A_189 = arith.constant 1 : i32
      %dma_start3A_190 = arith.constant 0 : i32
      %dma_start3A_191 = arith.constant 0 : i32
      %dma_start3A_192 = tpu.memref_slice %arg6[%dma_start3A_188, %dma_start3A_190, %dma_start3A_191] : memref<4x128x128xf32, #tpu.memory_space<vmem>> -> memref<1x128x128xf32, #tpu.memory_space<vmem>>
      %dma_start3A_193 = tpu.memref_squeeze %dma_start3A_192 : memref<1x128x128xf32, #tpu.memory_space<vmem>> -> memref<128x128xf32, #tpu.memory_space<vmem>>
      %dma_start3A_194 = arith.constant 0 : i32
      %dma_start3A_195 = tpu.memref_slice %arg4[%add3A_187, %dma_start3A_194] : memref<40960x128xf32, #tpu.memory_space<hbm>> -> memref<128x128xf32, #tpu.memory_space<hbm>>
      %dma_start3A_196 = tpu.memref_slice %arg8[%dma_start3A_189] : memref<4x!tpu.dma_semaphore, #tpu.memory_space<semaphore_mem>> -> memref<1x!tpu.dma_semaphore, #tpu.memory_space<semaphore_mem>>
      %dma_start3A_197 = tpu.memref_squeeze %dma_start3A_196 : memref<1x!tpu.dma_semaphore, #tpu.memory_space<semaphore_mem>> -> memref<!tpu.dma_semaphore, #tpu.memory_space<semaphore_mem>>
      %dma_start3A_198 = arith.constant 0 : i32
      %dma_start3A_199 = tpu.memref_slice %arg4[%add3A_187, %dma_start3A_198] : memref<40960x128xf32, #tpu.memory_space<hbm>> -> memref<128x128xf32, #tpu.memory_space<hbm>>
      %dma_start3A_200 = arith.constant 0 : i32
      %dma_start3A_201 = arith.constant 0 : i32
      %dma_start3A_202 = tpu.memref_slice %arg6[%dma_start3A_188, %dma_start3A_200, %dma_start3A_201] : memref<4x128x128xf32, #tpu.memory_space<vmem>> -> memref<1x128x128xf32, #tpu.memory_space<vmem>>
      %dma_start3A_203 = tpu.memref_squeeze %dma_start3A_202 : memref<1x128x128xf32, #tpu.memory_space<vmem>> -> memref<128x128xf32, #tpu.memory_space<vmem>>
      tpu.enqueue_dma source(%dma_start3A_203 : memref<128x128xf32, #tpu.memory_space<vmem>>) target(%dma_start3A_199 : memref<128x128xf32, #tpu.memory_space<hbm>>) target_semaphore(%dma_start3A_197 : memref<!tpu.dma_semaphore, #tpu.memory_space<semaphore_mem>>)
      %add3A_204 = arith.constant 2 : i32
      %add3A_205 = arith.addi %mul3A_129, %add3A_204 : i32
      %dma_wait3A_206 = arith.constant 2 : i32
      %dma_wait3A_207 = arith.constant 2 : i32
      %dma_wait3A_208 = arith.constant 0 : i32
      %dma_wait3A_209 = arith.constant 0 : i32
      %dma_wait3A_210 = tpu.memref_slice %arg6[%dma_wait3A_206, %dma_wait3A_208, %dma_wait3A_209] : memref<4x128x128xf32, #tpu.memory_space<vmem>> -> memref<1x128x128xf32, #tpu.memory_space<vmem>>
      %dma_wait3A_211 = tpu.memref_squeeze %dma_wait3A_210 : memref<1x128x128xf32, #tpu.memory_space<vmem>> -> memref<128x128xf32, #tpu.memory_space<vmem>>
      %dma_wait3A_212 = arith.constant 0 : i32
      %dma_wait3A_213 = tpu.memref_slice %arg5[%add3A_205, %dma_wait3A_212] : memref<10x128xi32, #tpu.memory_space<vmem>> -> memref<1x128xi32, #tpu.memory_space<vmem>>
      %dma_wait3A_214 = tpu.memref_squeeze %dma_wait3A_213 : memref<1x128xi32, #tpu.memory_space<vmem>> -> memref<128xi32, #tpu.memory_space<vmem>>
      %dma_wait3A_215 = arith.constant 0 : i32
      %dma_wait3A_216 = arith.constant 0 : i32
      %dma_wait3A_217 = tpu.memref_slice %arg2[%dma_wait3A_215, %dma_wait3A_216] : memref<10240x128xf32, #tpu.memory_space<hbm>> -> memref<10240x128xf32, #tpu.memory_space<hbm>>
      %dma_wait3A_218 = tpu.memref_slice %arg7[%dma_wait3A_207] : memref<4x!tpu.dma_semaphore, #tpu.memory_space<semaphore_mem>> -> memref<1x!tpu.dma_semaphore, #tpu.memory_space<semaphore_mem>>
      %dma_wait3A_219 = tpu.memref_squeeze %dma_wait3A_218 : memref<1x!tpu.dma_semaphore, #tpu.memory_space<semaphore_mem>> -> memref<!tpu.dma_semaphore, #tpu.memory_space<semaphore_mem>>
      tpu.wait_indirect_dma semaphore(%dma_wait3A_219 : memref<!tpu.dma_semaphore, #tpu.memory_space<semaphore_mem>>) src(%dma_wait3A_217 : memref<10240x128xf32, #tpu.memory_space<hbm>>) dst(%dma_wait3A_211 : memref<128x128xf32, #tpu.memory_space<vmem>>)
      %mul3A_220 = arith.constant 1280 : i32
      %mul3A_221 = arith.muli %add3A, %mul3A_220 : i32
      %mul3A_222 = arith.constant 128 : i32
      %mul3A_223 = arith.muli %add3A_205, %mul3A_222 : i32
      %add3A_224 = arith.addi %mul3A_221, %mul3A_223 : i32
      %dma_start3A_225 = arith.constant 2 : i32
      %dma_start3A_226 = arith.constant 2 : i32
      %dma_start3A_227 = arith.constant 0 : i32
      %dma_start3A_228 = arith.constant 0 : i32
      %dma_start3A_229 = tpu.memref_slice %arg6[%dma_start3A_225, %dma_start3A_227, %dma_start3A_228] : memref<4x128x128xf32, #tpu.memory_space<vmem>> -> memref<1x128x128xf32, #tpu.memory_space<vmem>>
      %dma_start3A_230 = tpu.memref_squeeze %dma_start3A_229 : memref<1x128x128xf32, #tpu.memory_space<vmem>> -> memref<128x128xf32, #tpu.memory_space<vmem>>
      %dma_start3A_231 = arith.constant 0 : i32
      %dma_start3A_232 = tpu.memref_slice %arg4[%add3A_224, %dma_start3A_231] : memref<40960x128xf32, #tpu.memory_space<hbm>> -> memref<128x128xf32, #tpu.memory_space<hbm>>
      %dma_start3A_233 = tpu.memref_slice %arg8[%dma_start3A_226] : memref<4x!tpu.dma_semaphore, #tpu.memory_space<semaphore_mem>> -> memref<1x!tpu.dma_semaphore, #tpu.memory_space<semaphore_mem>>
      %dma_start3A_234 = tpu.memref_squeeze %dma_start3A_233 : memref<1x!tpu.dma_semaphore, #tpu.memory_space<semaphore_mem>> -> memref<!tpu.dma_semaphore, #tpu.memory_space<semaphore_mem>>
      %dma_start3A_235 = arith.constant 0 : i32
      %dma_start3A_236 = tpu.memref_slice %arg4[%add3A_224, %dma_start3A_235] : memref<40960x128xf32, #tpu.memory_space<hbm>> -> memref<128x128xf32, #tpu.memory_space<hbm>>
      %dma_start3A_237 = arith.constant 0 : i32
      %dma_start3A_238 = arith.constant 0 : i32
      %dma_start3A_239 = tpu.memref_slice %arg6[%dma_start3A_225, %dma_start3A_237, %dma_start3A_238] : memref<4x128x128xf32, #tpu.memory_space<vmem>> -> memref<1x128x128xf32, #tpu.memory_space<vmem>>
      %dma_start3A_240 = tpu.memref_squeeze %dma_start3A_239 : memref<1x128x128xf32, #tpu.memory_space<vmem>> -> memref<128x128xf32, #tpu.memory_space<vmem>>
      tpu.enqueue_dma source(%dma_start3A_240 : memref<128x128xf32, #tpu.memory_space<vmem>>) target(%dma_start3A_236 : memref<128x128xf32, #tpu.memory_space<hbm>>) target_semaphore(%dma_start3A_234 : memref<!tpu.dma_semaphore, #tpu.memory_space<semaphore_mem>>)
      %add3A_241 = arith.constant 3 : i32
      %add3A_242 = arith.addi %mul3A_129, %add3A_241 : i32
      %dma_wait3A_243 = arith.constant 3 : i32
      %dma_wait3A_244 = arith.constant 3 : i32
      %dma_wait3A_245 = arith.constant 0 : i32
      %dma_wait3A_246 = arith.constant 0 : i32
      %dma_wait3A_247 = tpu.memref_slice %arg6[%dma_wait3A_243, %dma_wait3A_245, %dma_wait3A_246] : memref<4x128x128xf32, #tpu.memory_space<vmem>> -> memref<1x128x128xf32, #tpu.memory_space<vmem>>
      %dma_wait3A_248 = tpu.memref_squeeze %dma_wait3A_247 : memref<1x128x128xf32, #tpu.memory_space<vmem>> -> memref<128x128xf32, #tpu.memory_space<vmem>>
      %dma_wait3A_249 = arith.constant 0 : i32
      %dma_wait3A_250 = tpu.memref_slice %arg5[%add3A_242, %dma_wait3A_249] : memref<10x128xi32, #tpu.memory_space<vmem>> -> memref<1x128xi32, #tpu.memory_space<vmem>>
      %dma_wait3A_251 = tpu.memref_squeeze %dma_wait3A_250 : memref<1x128xi32, #tpu.memory_space<vmem>> -> memref<128xi32, #tpu.memory_space<vmem>>
      %dma_wait3A_252 = arith.constant 0 : i32
      %dma_wait3A_253 = arith.constant 0 : i32
      %dma_wait3A_254 = tpu.memref_slice %arg2[%dma_wait3A_252, %dma_wait3A_253] : memref<10240x128xf32, #tpu.memory_space<hbm>> -> memref<10240x128xf32, #tpu.memory_space<hbm>>
      %dma_wait3A_255 = tpu.memref_slice %arg7[%dma_wait3A_244] : memref<4x!tpu.dma_semaphore, #tpu.memory_space<semaphore_mem>> -> memref<1x!tpu.dma_semaphore, #tpu.memory_space<semaphore_mem>>
      %dma_wait3A_256 = tpu.memref_squeeze %dma_wait3A_255 : memref<1x!tpu.dma_semaphore, #tpu.memory_space<semaphore_mem>> -> memref<!tpu.dma_semaphore, #tpu.memory_space<semaphore_mem>>
      tpu.wait_indirect_dma semaphore(%dma_wait3A_256 : memref<!tpu.dma_semaphore, #tpu.memory_space<semaphore_mem>>) src(%dma_wait3A_254 : memref<10240x128xf32, #tpu.memory_space<hbm>>) dst(%dma_wait3A_248 : memref<128x128xf32, #tpu.memory_space<vmem>>)
      %mul3A_257 = arith.constant 1280 : i32
      %mul3A_258 = arith.muli %add3A, %mul3A_257 : i32
      %mul3A_259 = arith.constant 128 : i32
      %mul3A_260 = arith.muli %add3A_242, %mul3A_259 : i32
      %add3A_261 = arith.addi %mul3A_258, %mul3A_260 : i32
      %dma_start3A_262 = arith.constant 3 : i32
      %dma_start3A_263 = arith.constant 3 : i32
      %dma_start3A_264 = arith.constant 0 : i32
      %dma_start3A_265 = arith.constant 0 : i32
      %dma_start3A_266 = tpu.memref_slice %arg6[%dma_start3A_262, %dma_start3A_264, %dma_start3A_265] : memref<4x128x128xf32, #tpu.memory_space<vmem>> -> memref<1x128x128xf32, #tpu.memory_space<vmem>>
      %dma_start3A_267 = tpu.memref_squeeze %dma_start3A_266 : memref<1x128x128xf32, #tpu.memory_space<vmem>> -> memref<128x128xf32, #tpu.memory_space<vmem>>
      %dma_start3A_268 = arith.constant 0 : i32
      %dma_start3A_269 = tpu.memref_slice %arg4[%add3A_261, %dma_start3A_268] : memref<40960x128xf32, #tpu.memory_space<hbm>> -> memref<128x128xf32, #tpu.memory_space<hbm>>
      %dma_start3A_270 = tpu.memref_slice %arg8[%dma_start3A_263] : memref<4x!tpu.dma_semaphore, #tpu.memory_space<semaphore_mem>> -> memref<1x!tpu.dma_semaphore, #tpu.memory_space<semaphore_mem>>
      %dma_start3A_271 = tpu.memref_squeeze %dma_start3A_270 : memref<1x!tpu.dma_semaphore, #tpu.memory_space<semaphore_mem>> -> memref<!tpu.dma_semaphore, #tpu.memory_space<semaphore_mem>>
      %dma_start3A_272 = arith.constant 0 : i32
      %dma_start3A_273 = tpu.memref_slice %arg4[%add3A_261, %dma_start3A_272] : memref<40960x128xf32, #tpu.memory_space<hbm>> -> memref<128x128xf32, #tpu.memory_space<hbm>>
      %dma_start3A_274 = arith.constant 0 : i32
      %dma_start3A_275 = arith.constant 0 : i32
      %dma_start3A_276 = tpu.memref_slice %arg6[%dma_start3A_262, %dma_start3A_274, %dma_start3A_275] : memref<4x128x128xf32, #tpu.memory_space<vmem>> -> memref<1x128x128xf32, #tpu.memory_space<vmem>>
      %dma_start3A_277 = tpu.memref_squeeze %dma_start3A_276 : memref<1x128x128xf32, #tpu.memory_space<vmem>> -> memref<128x128xf32, #tpu.memory_space<vmem>>
      tpu.enqueue_dma source(%dma_start3A_277 : memref<128x128xf32, #tpu.memory_space<vmem>>) target(%dma_start3A_273 : memref<128x128xf32, #tpu.memory_space<hbm>>) target_semaphore(%dma_start3A_271 : memref<!tpu.dma_semaphore, #tpu.memory_space<semaphore_mem>>)
      %dma_wait3A_278 = arith.constant 0 : i32
      %dma_wait3A_279 = arith.constant 0 : i32
      %dma_wait3A_280 = arith.constant 0 : i32
      %dma_wait3A_281 = arith.constant 0 : i32
      %dma_wait3A_282 = tpu.memref_slice %arg6[%dma_wait3A_278, %dma_wait3A_280, %dma_wait3A_281] : memref<4x128x128xf32, #tpu.memory_space<vmem>> -> memref<1x128x128xf32, #tpu.memory_space<vmem>>
      %dma_wait3A_283 = tpu.memref_squeeze %dma_wait3A_282 : memref<1x128x128xf32, #tpu.memory_space<vmem>> -> memref<128x128xf32, #tpu.memory_space<vmem>>
      %dma_wait3A_284 = arith.constant 0 : i32
      %dma_wait3A_285 = tpu.memref_slice %arg4[%add3A_150, %dma_wait3A_284] : memref<40960x128xf32, #tpu.memory_space<hbm>> -> memref<128x128xf32, #tpu.memory_space<hbm>>
      %dma_wait3A_286 = tpu.memref_slice %arg8[%dma_wait3A_279] : memref<4x!tpu.dma_semaphore, #tpu.memory_space<semaphore_mem>> -> memref<1x!tpu.dma_semaphore, #tpu.memory_space<semaphore_mem>>
      %dma_wait3A_287 = tpu.memref_squeeze %dma_wait3A_286 : memref<1x!tpu.dma_semaphore, #tpu.memory_space<semaphore_mem>> -> memref<!tpu.dma_semaphore, #tpu.memory_space<semaphore_mem>>
      %dma_wait3A_288 = arith.constant 0 : i32
      %dma_wait3A_289 = tpu.memref_slice %arg4[%add3A_150, %dma_wait3A_288] : memref<40960x128xf32, #tpu.memory_space<hbm>> -> memref<128x128xf32, #tpu.memory_space<hbm>>
      %dma_wait3A_290 = arith.constant 0 : i32
      %dma_wait3A_291 = arith.constant 0 : i32
      %dma_wait3A_292 = tpu.memref_slice %arg6[%dma_wait3A_278, %dma_wait3A_290, %dma_wait3A_291] : memref<4x128x128xf32, #tpu.memory_space<vmem>> -> memref<1x128x128xf32, #tpu.memory_space<vmem>>
      %dma_wait3A_293 = tpu.memref_squeeze %dma_wait3A_292 : memref<1x128x128xf32, #tpu.memory_space<vmem>> -> memref<128x128xf32, #tpu.memory_space<vmem>>
      tpu.wait_dma2 semaphore(%dma_wait3A_287 : memref<!tpu.dma_semaphore, #tpu.memory_space<semaphore_mem>>) src(%dma_wait3A_293 : memref<128x128xf32, #tpu.memory_space<vmem>>) dst(%dma_wait3A_289 : memref<128x128xf32, #tpu.memory_space<hbm>>)
      %add3A_294 = arith.constant 4 : i32
      %add3A_295 = arith.addi %mul3A_129, %add3A_294 : i32
      %add3A_296 = arith.constant 0 : i32
      %add3A_297 = arith.addi %add3A_295, %add3A_296 : i32
      %min3A = arith.constant 9 : i32
      %min3A_298 = arith.minsi %add3A_297, %min3A : i32
      %dma_start3A_299 = arith.constant 0 : i32
      %dma_start3A_300 = arith.constant 0 : i32
      %dma_start3A_301 = arith.constant 0 : i32
      %dma_start3A_302 = arith.constant 0 : i32
      %dma_start3A_303 = tpu.memref_slice %arg6[%dma_start3A_299, %dma_start3A_301, %dma_start3A_302] : memref<4x128x128xf32, #tpu.memory_space<vmem>> -> memref<1x128x128xf32, #tpu.memory_space<vmem>>
      %dma_start3A_304 = tpu.memref_squeeze %dma_start3A_303 : memref<1x128x128xf32, #tpu.memory_space<vmem>> -> memref<128x128xf32, #tpu.memory_space<vmem>>
      %dma_start3A_305 = arith.constant 0 : i32
      %dma_start3A_306 = tpu.memref_slice %arg5[%min3A_298, %dma_start3A_305] : memref<10x128xi32, #tpu.memory_space<vmem>> -> memref<1x128xi32, #tpu.memory_space<vmem>>
      %dma_start3A_307 = tpu.memref_squeeze %dma_start3A_306 : memref<1x128xi32, #tpu.memory_space<vmem>> -> memref<128xi32, #tpu.memory_space<vmem>>
      %dma_start3A_308 = arith.constant 0 : i32
      %dma_start3A_309 = arith.constant 0 : i32
      %dma_start3A_310 = tpu.memref_slice %arg2[%dma_start3A_308, %dma_start3A_309] : memref<10240x128xf32, #tpu.memory_space<hbm>> -> memref<10240x128xf32, #tpu.memory_space<hbm>>
      %dma_start3A_311 = tpu.memref_slice %arg7[%dma_start3A_300] : memref<4x!tpu.dma_semaphore, #tpu.memory_space<semaphore_mem>> -> memref<1x!tpu.dma_semaphore, #tpu.memory_space<semaphore_mem>>
      %dma_start3A_312 = tpu.memref_squeeze %dma_start3A_311 : memref<1x!tpu.dma_semaphore, #tpu.memory_space<semaphore_mem>> -> memref<!tpu.dma_semaphore, #tpu.memory_space<semaphore_mem>>
      tpu.enqueue_indirect_dma source(%dma_start3A_310 : memref<10240x128xf32, #tpu.memory_space<hbm>>) target(%dma_start3A_304 : memref<128x128xf32, #tpu.memory_space<vmem>>) offsets(%dma_start3A_307 : memref<128xi32, #tpu.memory_space<vmem>>) semaphore(%dma_start3A_312 : memref<!tpu.dma_semaphore, #tpu.memory_space<semaphore_mem>>)
      %dma_wait3A_313 = arith.constant 1 : i32
      %dma_wait3A_314 = arith.constant 1 : i32
      %dma_wait3A_315 = arith.constant 0 : i32
      %dma_wait3A_316 = arith.constant 0 : i32
      %dma_wait3A_317 = tpu.memref_slice %arg6[%dma_wait3A_313, %dma_wait3A_315, %dma_wait3A_316] : memref<4x128x128xf32, #tpu.memory_space<vmem>> -> memref<1x128x128xf32, #tpu.memory_space<vmem>>
      %dma_wait3A_318 = tpu.memref_squeeze %dma_wait3A_317 : memref<1x128x128xf32, #tpu.memory_space<vmem>> -> memref<128x128xf32, #tpu.memory_space<vmem>>
      %dma_wait3A_319 = arith.constant 0 : i32
      %dma_wait3A_320 = tpu.memref_slice %arg4[%add3A_187, %dma_wait3A_319] : memref<40960x128xf32, #tpu.memory_space<hbm>> -> memref<128x128xf32, #tpu.memory_space<hbm>>
      %dma_wait3A_321 = tpu.memref_slice %arg8[%dma_wait3A_314] : memref<4x!tpu.dma_semaphore, #tpu.memory_space<semaphore_mem>> -> memref<1x!tpu.dma_semaphore, #tpu.memory_space<semaphore_mem>>
      %dma_wait3A_322 = tpu.memref_squeeze %dma_wait3A_321 : memref<1x!tpu.dma_semaphore, #tpu.memory_space<semaphore_mem>> -> memref<!tpu.dma_semaphore, #tpu.memory_space<semaphore_mem>>
      %dma_wait3A_323 = arith.constant 0 : i32
      %dma_wait3A_324 = tpu.memref_slice %arg4[%add3A_187, %dma_wait3A_323] : memref<40960x128xf32, #tpu.memory_space<hbm>> -> memref<128x128xf32, #tpu.memory_space<hbm>>
      %dma_wait3A_325 = arith.constant 0 : i32
      %dma_wait3A_326 = arith.constant 0 : i32
      %dma_wait3A_327 = tpu.memref_slice %arg6[%dma_wait3A_313, %dma_wait3A_325, %dma_wait3A_326] : memref<4x128x128xf32, #tpu.memory_space<vmem>> -> memref<1x128x128xf32, #tpu.memory_space<vmem>>
      %dma_wait3A_328 = tpu.memref_squeeze %dma_wait3A_327 : memref<1x128x128xf32, #tpu.memory_space<vmem>> -> memref<128x128xf32, #tpu.memory_space<vmem>>
      tpu.wait_dma2 semaphore(%dma_wait3A_322 : memref<!tpu.dma_semaphore, #tpu.memory_space<semaphore_mem>>) src(%dma_wait3A_328 : memref<128x128xf32, #tpu.memory_space<vmem>>) dst(%dma_wait3A_324 : memref<128x128xf32, #tpu.memory_space<hbm>>)
      %add3A_329 = arith.constant 4 : i32
      %add3A_330 = arith.addi %mul3A_129, %add3A_329 : i32
      %add3A_331 = arith.constant 1 : i32
      %add3A_332 = arith.addi %add3A_330, %add3A_331 : i32
      %min3A_333 = arith.constant 9 : i32
      %min3A_334 = arith.minsi %add3A_332, %min3A_333 : i32
      %dma_start3A_335 = arith.constant 1 : i32
      %dma_start3A_336 = arith.constant 1 : i32
      %dma_start3A_337 = arith.constant 0 : i32
      %dma_start3A_338 = arith.constant 0 : i32
      %dma_start3A_339 = tpu.memref_slice %arg6[%dma_start3A_335, %dma_start3A_337, %dma_start3A_338] : memref<4x128x128xf32, #tpu.memory_space<vmem>> -> memref<1x128x128xf32, #tpu.memory_space<vmem>>
      %dma_start3A_340 = tpu.memref_squeeze %dma_start3A_339 : memref<1x128x128xf32, #tpu.memory_space<vmem>> -> memref<128x128xf32, #tpu.memory_space<vmem>>
      %dma_start3A_341 = arith.constant 0 : i32
      %dma_start3A_342 = tpu.memref_slice %arg5[%min3A_334, %dma_start3A_341] : memref<10x128xi32, #tpu.memory_space<vmem>> -> memref<1x128xi32, #tpu.memory_space<vmem>>
      %dma_start3A_343 = tpu.memref_squeeze %dma_start3A_342 : memref<1x128xi32, #tpu.memory_space<vmem>> -> memref<128xi32, #tpu.memory_space<vmem>>
      %dma_start3A_344 = arith.constant 0 : i32
      %dma_start3A_345 = arith.constant 0 : i32
      %dma_start3A_346 = tpu.memref_slice %arg2[%dma_start3A_344, %dma_start3A_345] : memref<10240x128xf32, #tpu.memory_space<hbm>> -> memref<10240x128xf32, #tpu.memory_space<hbm>>
      %dma_start3A_347 = tpu.memref_slice %arg7[%dma_start3A_336] : memref<4x!tpu.dma_semaphore, #tpu.memory_space<semaphore_mem>> -> memref<1x!tpu.dma_semaphore, #tpu.memory_space<semaphore_mem>>
      %dma_start3A_348 = tpu.memref_squeeze %dma_start3A_347 : memref<1x!tpu.dma_semaphore, #tpu.memory_space<semaphore_mem>> -> memref<!tpu.dma_semaphore, #tpu.memory_space<semaphore_mem>>
      tpu.enqueue_indirect_dma source(%dma_start3A_346 : memref<10240x128xf32, #tpu.memory_space<hbm>>) target(%dma_start3A_340 : memref<128x128xf32, #tpu.memory_space<vmem>>) offsets(%dma_start3A_343 : memref<128xi32, #tpu.memory_space<vmem>>) semaphore(%dma_start3A_348 : memref<!tpu.dma_semaphore, #tpu.memory_space<semaphore_mem>>)
      %dma_wait3A_349 = arith.constant 2 : i32
      %dma_wait3A_350 = arith.constant 2 : i32
      %dma_wait3A_351 = arith.constant 0 : i32
      %dma_wait3A_352 = arith.constant 0 : i32
      %dma_wait3A_353 = tpu.memref_slice %arg6[%dma_wait3A_349, %dma_wait3A_351, %dma_wait3A_352] : memref<4x128x128xf32, #tpu.memory_space<vmem>> -> memref<1x128x128xf32, #tpu.memory_space<vmem>>
      %dma_wait3A_354 = tpu.memref_squeeze %dma_wait3A_353 : memref<1x128x128xf32, #tpu.memory_space<vmem>> -> memref<128x128xf32, #tpu.memory_space<vmem>>
      %dma_wait3A_355 = arith.constant 0 : i32
      %dma_wait3A_356 = tpu.memref_slice %arg4[%add3A_224, %dma_wait3A_355] : memref<40960x128xf32, #tpu.memory_space<hbm>> -> memref<128x128xf32, #tpu.memory_space<hbm>>
      %dma_wait3A_357 = tpu.memref_slice %arg8[%dma_wait3A_350] : memref<4x!tpu.dma_semaphore, #tpu.memory_space<semaphore_mem>> -> memref<1x!tpu.dma_semaphore, #tpu.memory_space<semaphore_mem>>
      %dma_wait3A_358 = tpu.memref_squeeze %dma_wait3A_357 : memref<1x!tpu.dma_semaphore, #tpu.memory_space<semaphore_mem>> -> memref<!tpu.dma_semaphore, #tpu.memory_space<semaphore_mem>>
      %dma_wait3A_359 = arith.constant 0 : i32
      %dma_wait3A_360 = tpu.memref_slice %arg4[%add3A_224, %dma_wait3A_359] : memref<40960x128xf32, #tpu.memory_space<hbm>> -> memref<128x128xf32, #tpu.memory_space<hbm>>
      %dma_wait3A_361 = arith.constant 0 : i32
      %dma_wait3A_362 = arith.constant 0 : i32
      %dma_wait3A_363 = tpu.memref_slice %arg6[%dma_wait3A_349, %dma_wait3A_361, %dma_wait3A_362] : memref<4x128x128xf32, #tpu.memory_space<vmem>> -> memref<1x128x128xf32, #tpu.memory_space<vmem>>
      %dma_wait3A_364 = tpu.memref_squeeze %dma_wait3A_363 : memref<1x128x128xf32, #tpu.memory_space<vmem>> -> memref<128x128xf32, #tpu.memory_space<vmem>>
      tpu.wait_dma2 semaphore(%dma_wait3A_358 : memref<!tpu.dma_semaphore, #tpu.memory_space<semaphore_mem>>) src(%dma_wait3A_364 : memref<128x128xf32, #tpu.memory_space<vmem>>) dst(%dma_wait3A_360 : memref<128x128xf32, #tpu.memory_space<hbm>>)
      %add3A_365 = arith.constant 4 : i32
      %add3A_366 = arith.addi %mul3A_129, %add3A_365 : i32
      %add3A_367 = arith.constant 2 : i32
      %add3A_368 = arith.addi %add3A_366, %add3A_367 : i32
      %min3A_369 = arith.constant 9 : i32
      %min3A_370 = arith.minsi %add3A_368, %min3A_369 : i32
      %dma_start3A_371 = arith.constant 2 : i32
      %dma_start3A_372 = arith.constant 2 : i32
      %dma_start3A_373 = arith.constant 0 : i32
      %dma_start3A_374 = arith.constant 0 : i32
      %dma_start3A_375 = tpu.memref_slice %arg6[%dma_start3A_371, %dma_start3A_373, %dma_start3A_374] : memref<4x128x128xf32, #tpu.memory_space<vmem>> -> memref<1x128x128xf32, #tpu.memory_space<vmem>>
      %dma_start3A_376 = tpu.memref_squeeze %dma_start3A_375 : memref<1x128x128xf32, #tpu.memory_space<vmem>> -> memref<128x128xf32, #tpu.memory_space<vmem>>
      %dma_start3A_377 = arith.constant 0 : i32
      %dma_start3A_378 = tpu.memref_slice %arg5[%min3A_370, %dma_start3A_377] : memref<10x128xi32, #tpu.memory_space<vmem>> -> memref<1x128xi32, #tpu.memory_space<vmem>>
      %dma_start3A_379 = tpu.memref_squeeze %dma_start3A_378 : memref<1x128xi32, #tpu.memory_space<vmem>> -> memref<128xi32, #tpu.memory_space<vmem>>
      %dma_start3A_380 = arith.constant 0 : i32
      %dma_start3A_381 = arith.constant 0 : i32
      %dma_start3A_382 = tpu.memref_slice %arg2[%dma_start3A_380, %dma_start3A_381] : memref<10240x128xf32, #tpu.memory_space<hbm>> -> memref<10240x128xf32, #tpu.memory_space<hbm>>
      %dma_start3A_383 = tpu.memref_slice %arg7[%dma_start3A_372] : memref<4x!tpu.dma_semaphore, #tpu.memory_space<semaphore_mem>> -> memref<1x!tpu.dma_semaphore, #tpu.memory_space<semaphore_mem>>
      %dma_start3A_384 = tpu.memref_squeeze %dma_start3A_383 : memref<1x!tpu.dma_semaphore, #tpu.memory_space<semaphore_mem>> -> memref<!tpu.dma_semaphore, #tpu.memory_space<semaphore_mem>>
      tpu.enqueue_indirect_dma source(%dma_start3A_382 : memref<10240x128xf32, #tpu.memory_space<hbm>>) target(%dma_start3A_376 : memref<128x128xf32, #tpu.memory_space<vmem>>) offsets(%dma_start3A_379 : memref<128xi32, #tpu.memory_space<vmem>>) semaphore(%dma_start3A_384 : memref<!tpu.dma_semaphore, #tpu.memory_space<semaphore_mem>>)
      %dma_wait3A_385 = arith.constant 3 : i32
      %dma_wait3A_386 = arith.constant 3 : i32
      %dma_wait3A_387 = arith.constant 0 : i32
      %dma_wait3A_388 = arith.constant 0 : i32
      %dma_wait3A_389 = tpu.memref_slice %arg6[%dma_wait3A_385, %dma_wait3A_387, %dma_wait3A_388] : memref<4x128x128xf32, #tpu.memory_space<vmem>> -> memref<1x128x128xf32, #tpu.memory_space<vmem>>
      %dma_wait3A_390 = tpu.memref_squeeze %dma_wait3A_389 : memref<1x128x128xf32, #tpu.memory_space<vmem>> -> memref<128x128xf32, #tpu.memory_space<vmem>>
      %dma_wait3A_391 = arith.constant 0 : i32
      %dma_wait3A_392 = tpu.memref_slice %arg4[%add3A_261, %dma_wait3A_391] : memref<40960x128xf32, #tpu.memory_space<hbm>> -> memref<128x128xf32, #tpu.memory_space<hbm>>
      %dma_wait3A_393 = tpu.memref_slice %arg8[%dma_wait3A_386] : memref<4x!tpu.dma_semaphore, #tpu.memory_space<semaphore_mem>> -> memref<1x!tpu.dma_semaphore, #tpu.memory_space<semaphore_mem>>
      %dma_wait3A_394 = tpu.memref_squeeze %dma_wait3A_393 : memref<1x!tpu.dma_semaphore, #tpu.memory_space<semaphore_mem>> -> memref<!tpu.dma_semaphore, #tpu.memory_space<semaphore_mem>>
      %dma_wait3A_395 = arith.constant 0 : i32
      %dma_wait3A_396 = tpu.memref_slice %arg4[%add3A_261, %dma_wait3A_395] : memref<40960x128xf32, #tpu.memory_space<hbm>> -> memref<128x128xf32, #tpu.memory_space<hbm>>
      %dma_wait3A_397 = arith.constant 0 : i32
      %dma_wait3A_398 = arith.constant 0 : i32
      %dma_wait3A_399 = tpu.memref_slice %arg6[%dma_wait3A_385, %dma_wait3A_397, %dma_wait3A_398] : memref<4x128x128xf32, #tpu.memory_space<vmem>> -> memref<1x128x128xf32, #tpu.memory_space<vmem>>
      %dma_wait3A_400 = tpu.memref_squeeze %dma_wait3A_399 : memref<1x128x128xf32, #tpu.memory_space<vmem>> -> memref<128x128xf32, #tpu.memory_space<vmem>>
      tpu.wait_dma2 semaphore(%dma_wait3A_394 : memref<!tpu.dma_semaphore, #tpu.memory_space<semaphore_mem>>) src(%dma_wait3A_400 : memref<128x128xf32, #tpu.memory_space<vmem>>) dst(%dma_wait3A_396 : memref<128x128xf32, #tpu.memory_space<hbm>>)
      %add3A_401 = arith.constant 4 : i32
      %add3A_402 = arith.addi %mul3A_129, %add3A_401 : i32
      %add3A_403 = arith.constant 3 : i32
      %add3A_404 = arith.addi %add3A_402, %add3A_403 : i32
      %min3A_405 = arith.constant 9 : i32
      %min3A_406 = arith.minsi %add3A_404, %min3A_405 : i32
      %dma_start3A_407 = arith.constant 3 : i32
      %dma_start3A_408 = arith.constant 3 : i32
      %dma_start3A_409 = arith.constant 0 : i32
      %dma_start3A_410 = arith.constant 0 : i32
      %dma_start3A_411 = tpu.memref_slice %arg6[%dma_start3A_407, %dma_start3A_409, %dma_start3A_410] : memref<4x128x128xf32, #tpu.memory_space<vmem>> -> memref<1x128x128xf32, #tpu.memory_space<vmem>>
      %dma_start3A_412 = tpu.memref_squeeze %dma_start3A_411 : memref<1x128x128xf32, #tpu.memory_space<vmem>> -> memref<128x128xf32, #tpu.memory_space<vmem>>
      %dma_start3A_413 = arith.constant 0 : i32
      %dma_start3A_414 = tpu.memref_slice %arg5[%min3A_406, %dma_start3A_413] : memref<10x128xi32, #tpu.memory_space<vmem>> -> memref<1x128xi32, #tpu.memory_space<vmem>>
      %dma_start3A_415 = tpu.memref_squeeze %dma_start3A_414 : memref<1x128xi32, #tpu.memory_space<vmem>> -> memref<128xi32, #tpu.memory_space<vmem>>
      %dma_start3A_416 = arith.constant 0 : i32
      %dma_start3A_417 = arith.constant 0 : i32
      %dma_start3A_418 = tpu.memref_slice %arg2[%dma_start3A_416, %dma_start3A_417] : memref<10240x128xf32, #tpu.memory_space<hbm>> -> memref<10240x128xf32, #tpu.memory_space<hbm>>
      %dma_start3A_419 = tpu.memref_slice %arg7[%dma_start3A_408] : memref<4x!tpu.dma_semaphore, #tpu.memory_space<semaphore_mem>> -> memref<1x!tpu.dma_semaphore, #tpu.memory_space<semaphore_mem>>
      %dma_start3A_420 = tpu.memref_squeeze %dma_start3A_419 : memref<1x!tpu.dma_semaphore, #tpu.memory_space<semaphore_mem>> -> memref<!tpu.dma_semaphore, #tpu.memory_space<semaphore_mem>>
      tpu.enqueue_indirect_dma source(%dma_start3A_418 : memref<10240x128xf32, #tpu.memory_space<hbm>>) target(%dma_start3A_412 : memref<128x128xf32, #tpu.memory_space<vmem>>) offsets(%dma_start3A_415 : memref<128xi32, #tpu.memory_space<vmem>>) semaphore(%dma_start3A_420 : memref<!tpu.dma_semaphore, #tpu.memory_space<semaphore_mem>>)
    }
    %scan3A_63 = arith.constant 2 : i32
    %dma_wait3A = arith.constant 9 : i32
    %dma_wait3A_64 = arith.constant 0 : i32
    %dma_wait3A_65 = arith.constant 0 : i32
    %dma_wait3A_66 = arith.constant 0 : i32
    %dma_wait3A_67 = arith.constant 0 : i32
    %dma_wait3A_68 = tpu.memref_slice %arg6[%dma_wait3A_64, %dma_wait3A_66, %dma_wait3A_67] : memref<4x128x128xf32, #tpu.memory_space<vmem>> -> memref<1x128x128xf32, #tpu.memory_space<vmem>>
    %dma_wait3A_69 = tpu.memref_squeeze %dma_wait3A_68 : memref<1x128x128xf32, #tpu.memory_space<vmem>> -> memref<128x128xf32, #tpu.memory_space<vmem>>
    %dma_wait3A_70 = arith.constant 0 : i32
    %dma_wait3A_71 = tpu.memref_slice %arg5[%dma_wait3A, %dma_wait3A_70] : memref<10x128xi32, #tpu.memory_space<vmem>> -> memref<1x128xi32, #tpu.memory_space<vmem>>
    %dma_wait3A_72 = tpu.memref_squeeze %dma_wait3A_71 : memref<1x128xi32, #tpu.memory_space<vmem>> -> memref<128xi32, #tpu.memory_space<vmem>>
    %dma_wait3A_73 = arith.constant 0 : i32
    %dma_wait3A_74 = arith.constant 0 : i32
    %dma_wait3A_75 = tpu.memref_slice %arg2[%dma_wait3A_73, %dma_wait3A_74] : memref<10240x128xf32, #tpu.memory_space<hbm>> -> memref<10240x128xf32, #tpu.memory_space<hbm>>
    %dma_wait3A_76 = tpu.memref_slice %arg7[%dma_wait3A_65] : memref<4x!tpu.dma_semaphore, #tpu.memory_space<semaphore_mem>> -> memref<1x!tpu.dma_semaphore, #tpu.memory_space<semaphore_mem>>
    %dma_wait3A_77 = tpu.memref_squeeze %dma_wait3A_76 : memref<1x!tpu.dma_semaphore, #tpu.memory_space<semaphore_mem>> -> memref<!tpu.dma_semaphore, #tpu.memory_space<semaphore_mem>>
    tpu.wait_indirect_dma semaphore(%dma_wait3A_77 : memref<!tpu.dma_semaphore, #tpu.memory_space<semaphore_mem>>) src(%dma_wait3A_75 : memref<10240x128xf32, #tpu.memory_space<hbm>>) dst(%dma_wait3A_69 : memref<128x128xf32, #tpu.memory_space<vmem>>)
    %dma_wait3A_78 = arith.constant 9 : i32
    %dma_wait3A_79 = arith.constant 1 : i32
    %dma_wait3A_80 = arith.constant 1 : i32
    %dma_wait3A_81 = arith.constant 0 : i32
    %dma_wait3A_82 = arith.constant 0 : i32
    %dma_wait3A_83 = tpu.memref_slice %arg6[%dma_wait3A_79, %dma_wait3A_81, %dma_wait3A_82] : memref<4x128x128xf32, #tpu.memory_space<vmem>> -> memref<1x128x128xf32, #tpu.memory_space<vmem>>
    %dma_wait3A_84 = tpu.memref_squeeze %dma_wait3A_83 : memref<1x128x128xf32, #tpu.memory_space<vmem>> -> memref<128x128xf32, #tpu.memory_space<vmem>>
    %dma_wait3A_85 = arith.constant 0 : i32
    %dma_wait3A_86 = tpu.memref_slice %arg5[%dma_wait3A_78, %dma_wait3A_85] : memref<10x128xi32, #tpu.memory_space<vmem>> -> memref<1x128xi32, #tpu.memory_space<vmem>>
    %dma_wait3A_87 = tpu.memref_squeeze %dma_wait3A_86 : memref<1x128xi32, #tpu.memory_space<vmem>> -> memref<128xi32, #tpu.memory_space<vmem>>
    %dma_wait3A_88 = arith.constant 0 : i32
    %dma_wait3A_89 = arith.constant 0 : i32
    %dma_wait3A_90 = tpu.memref_slice %arg2[%dma_wait3A_88, %dma_wait3A_89] : memref<10240x128xf32, #tpu.memory_space<hbm>> -> memref<10240x128xf32, #tpu.memory_space<hbm>>
    %dma_wait3A_91 = tpu.memref_slice %arg7[%dma_wait3A_80] : memref<4x!tpu.dma_semaphore, #tpu.memory_space<semaphore_mem>> -> memref<1x!tpu.dma_semaphore, #tpu.memory_space<semaphore_mem>>
    %dma_wait3A_92 = tpu.memref_squeeze %dma_wait3A_91 : memref<1x!tpu.dma_semaphore, #tpu.memory_space<semaphore_mem>> -> memref<!tpu.dma_semaphore, #tpu.memory_space<semaphore_mem>>
    tpu.wait_indirect_dma semaphore(%dma_wait3A_92 : memref<!tpu.dma_semaphore, #tpu.memory_space<semaphore_mem>>) src(%dma_wait3A_90 : memref<10240x128xf32, #tpu.memory_space<hbm>>) dst(%dma_wait3A_84 : memref<128x128xf32, #tpu.memory_space<vmem>>)
    %dma_wait3A_93 = arith.constant 9 : i32
    %dma_wait3A_94 = arith.constant 2 : i32
    %dma_wait3A_95 = arith.constant 2 : i32
    %dma_wait3A_96 = arith.constant 0 : i32
    %dma_wait3A_97 = arith.constant 0 : i32
    %dma_wait3A_98 = tpu.memref_slice %arg6[%dma_wait3A_94, %dma_wait3A_96, %dma_wait3A_97] : memref<4x128x128xf32, #tpu.memory_space<vmem>> -> memref<1x128x128xf32, #tpu.memory_space<vmem>>
    %dma_wait3A_99 = tpu.memref_squeeze %dma_wait3A_98 : memref<1x128x128xf32, #tpu.memory_space<vmem>> -> memref<128x128xf32, #tpu.memory_space<vmem>>
    %dma_wait3A_100 = arith.constant 0 : i32
    %dma_wait3A_101 = tpu.memref_slice %arg5[%dma_wait3A_93, %dma_wait3A_100] : memref<10x128xi32, #tpu.memory_space<vmem>> -> memref<1x128xi32, #tpu.memory_space<vmem>>
    %dma_wait3A_102 = tpu.memref_squeeze %dma_wait3A_101 : memref<1x128xi32, #tpu.memory_space<vmem>> -> memref<128xi32, #tpu.memory_space<vmem>>
    %dma_wait3A_103 = arith.constant 0 : i32
    %dma_wait3A_104 = arith.constant 0 : i32
    %dma_wait3A_105 = tpu.memref_slice %arg2[%dma_wait3A_103, %dma_wait3A_104] : memref<10240x128xf32, #tpu.memory_space<hbm>> -> memref<10240x128xf32, #tpu.memory_space<hbm>>
    %dma_wait3A_106 = tpu.memref_slice %arg7[%dma_wait3A_95] : memref<4x!tpu.dma_semaphore, #tpu.memory_space<semaphore_mem>> -> memref<1x!tpu.dma_semaphore, #tpu.memory_space<semaphore_mem>>
    %dma_wait3A_107 = tpu.memref_squeeze %dma_wait3A_106 : memref<1x!tpu.dma_semaphore, #tpu.memory_space<semaphore_mem>> -> memref<!tpu.dma_semaphore, #tpu.memory_space<semaphore_mem>>
    tpu.wait_indirect_dma semaphore(%dma_wait3A_107 : memref<!tpu.dma_semaphore, #tpu.memory_space<semaphore_mem>>) src(%dma_wait3A_105 : memref<10240x128xf32, #tpu.memory_space<hbm>>) dst(%dma_wait3A_99 : memref<128x128xf32, #tpu.memory_space<vmem>>)
    %dma_wait3A_108 = arith.constant 9 : i32
    %dma_wait3A_109 = arith.constant 3 : i32
    %dma_wait3A_110 = arith.constant 3 : i32
    %dma_wait3A_111 = arith.constant 0 : i32
    %dma_wait3A_112 = arith.constant 0 : i32
    %dma_wait3A_113 = tpu.memref_slice %arg6[%dma_wait3A_109, %dma_wait3A_111, %dma_wait3A_112] : memref<4x128x128xf32, #tpu.memory_space<vmem>> -> memref<1x128x128xf32, #tpu.memory_space<vmem>>
    %dma_wait3A_114 = tpu.memref_squeeze %dma_wait3A_113 : memref<1x128x128xf32, #tpu.memory_space<vmem>> -> memref<128x128xf32, #tpu.memory_space<vmem>>
    %dma_wait3A_115 = arith.constant 0 : i32
    %dma_wait3A_116 = tpu.memref_slice %arg5[%dma_wait3A_108, %dma_wait3A_115] : memref<10x128xi32, #tpu.memory_space<vmem>> -> memref<1x128xi32, #tpu.memory_space<vmem>>
    %dma_wait3A_117 = tpu.memref_squeeze %dma_wait3A_116 : memref<1x128xi32, #tpu.memory_space<vmem>> -> memref<128xi32, #tpu.memory_space<vmem>>
    %dma_wait3A_118 = arith.constant 0 : i32
    %dma_wait3A_119 = arith.constant 0 : i32
    %dma_wait3A_120 = tpu.memref_slice %arg2[%dma_wait3A_118, %dma_wait3A_119] : memref<10240x128xf32, #tpu.memory_space<hbm>> -> memref<10240x128xf32, #tpu.memory_space<hbm>>
    %dma_wait3A_121 = tpu.memref_slice %arg7[%dma_wait3A_110] : memref<4x!tpu.dma_semaphore, #tpu.memory_space<semaphore_mem>> -> memref<1x!tpu.dma_semaphore, #tpu.memory_space<semaphore_mem>>
    %dma_wait3A_122 = tpu.memref_squeeze %dma_wait3A_121 : memref<1x!tpu.dma_semaphore, #tpu.memory_space<semaphore_mem>> -> memref<!tpu.dma_semaphore, #tpu.memory_space<semaphore_mem>>
    tpu.wait_indirect_dma semaphore(%dma_wait3A_122 : memref<!tpu.dma_semaphore, #tpu.memory_space<semaphore_mem>>) src(%dma_wait3A_120 : memref<10240x128xf32, #tpu.memory_space<hbm>>) dst(%dma_wait3A_114 : memref<128x128xf32, #tpu.memory_space<vmem>>)
    return
  }
}

#map = affine_map<(d0, d1) -> (0, 0)>
#map1 = affine_map<(d0, d1) -> (0, 0, 0)>
module attributes {stable_mosaic.version = 14 : i64} {
  func.func @_segsum_body(%arg0: i32, %arg1: i32, %arg2: memref<10000x128xf32, #tpu.memory_space<hbm>>, %arg3: memref<128x40x64xi32, #tpu.memory_space<hbm>>, %arg4: memref<128x40x64xi32, #tpu.memory_space<hbm>>, %arg5: memref<20480x128xf32, #tpu.memory_space<hbm>>, %arg6: memref<40x64xi32, #tpu.memory_space<vmem>>, %arg7: memref<40x64xi32, #tpu.memory_space<vmem>>, %arg8: memref<4x64x128xf32, #tpu.memory_space<vmem>>, %arg9: memref<10240x128xf32, #tpu.memory_space<vmem_shared>>, %arg10: memref<4x!tpu.dma_semaphore, #tpu.memory_space<semaphore_mem>>, %arg11: memref<4x!tpu.dma_semaphore, #tpu.memory_space<semaphore_mem>>) attributes {dimension_semantics = [#tpu.dimension_semantics<core_parallel>, #tpu.dimension_semantics<subcore_parallel>], iteration_bounds = array<i64: 2, 16>, scalar_prefetch = 0 : i64, scratch_operands = 6 : i64, tpu.core_type = #tpu.core_type<sc_vector_subcore>, window_params = [{transform_indices = #map}, {transform_indices = #map1}, {transform_indices = #map1}, {transform_indices = #map}]} {
    %mul3A = arith.constant 640 : i32
    %mul3A_0 = arith.muli %arg1, %mul3A : i32
    %mul3A_1 = arith.constant 4 : i32
    %mul3A_2 = arith.muli %arg1, %mul3A_1 : i32
    %add3A = arith.constant 64 : i32
    %add3A_3 = arith.addi %add3A, %arg1 : i32
    %mul3A_4 = arith.constant 4 : i32
    %mul3A_5 = arith.muli %arg1, %mul3A_4 : i32
    %sub3A = arith.subi %add3A_3, %mul3A_5 : i32
    %mul3A_6 = arith.muli %arg0, %sub3A : i32
    %add3A_7 = arith.addi %mul3A_2, %mul3A_6 : i32
    %scan3A = arith.constant 0 : i32
    %scan3A_8 = arith.constant 64 : i32
    %scan3A_9 = arith.addi %scan3A, %scan3A_8 : i32
    %scan3A_10 = arith.constant 1 : i32
    scf.for %scan3A_66 = %scan3A to %scan3A_9 step %scan3A_10  : i32 {
      %mul3A_67 = arith.constant 1 : i32
      %mul3A_68 = arith.muli %scan3A_66, %mul3A_67 : i32
      %add3A_69 = arith.constant 0 : i32
      %add3A_70 = arith.addi %add3A_69, %mul3A_68 : i32
      %broadcast_in_dim3A = arith.constant 0.000000e+00 : f32
      %broadcast_in_dim3A_71 = vector.broadcast %broadcast_in_dim3A : f32 to vector<16xf32>
      %swap3A = arith.constant 0 : i32
      %swap3A_72 = arith.index_cast %swap3A : i32 to index
      %swap3A_73 = arith.index_cast %add3A_70 : i32 to index
      %swap3A_74 = arith.constant 0 : index
      %swap3A_75 = tpu.vector_load %arg8[%swap3A_72, %swap3A_73, %swap3A_74] {strides = array<i32>} : memref<4x64x128xf32, #tpu.memory_space<vmem>>, vector<1x1x16xf32>,
      %swap3A_76 = vector.shape_cast %swap3A_75 : vector<1x1x16xf32> to vector<16xf32>
      %swap3A_77 = vector.shape_cast %broadcast_in_dim3A_71 : vector<16xf32> to vector<1x1x16xf32>
      tpu.vector_store %arg8[%swap3A_72, %swap3A_73, %swap3A_74], %swap3A_77 {strides = array<i32>} : memref<4x64x128xf32, #tpu.memory_space<vmem>>, vector<1x1x16xf32>,
      %broadcast_in_dim3A_78 = arith.constant 0.000000e+00 : f32
      %broadcast_in_dim3A_79 = vector.broadcast %broadcast_in_dim3A_78 : f32 to vector<16xf32>
      %swap3A_80 = arith.constant 0 : i32
      %swap3A_81 = arith.index_cast %swap3A_80 : i32 to index
      %swap3A_82 = arith.index_cast %add3A_70 : i32 to index
      %swap3A_83 = arith.constant 16 : index
      %swap3A_84 = tpu.vector_load %arg8[%swap3A_81, %swap3A_82, %swap3A_83] {strides = array<i32>} : memref<4x64x128xf32, #tpu.memory_space<vmem>>, vector<1x1x16xf32>,
      %swap3A_85 = vector.shape_cast %swap3A_84 : vector<1x1x16xf32> to vector<16xf32>
      %swap3A_86 = vector.shape_cast %broadcast_in_dim3A_79 : vector<16xf32> to vector<1x1x16xf32>
      tpu.vector_store %arg8[%swap3A_81, %swap3A_82, %swap3A_83], %swap3A_86 {strides = array<i32>} : memref<4x64x128xf32, #tpu.memory_space<vmem>>, vector<1x1x16xf32>,
      %broadcast_in_dim3A_87 = arith.constant 0.000000e+00 : f32
      %broadcast_in_dim3A_88 = vector.broadcast %broadcast_in_dim3A_87 : f32 to vector<16xf32>
      %swap3A_89 = arith.constant 0 : i32
      %swap3A_90 = arith.index_cast %swap3A_89 : i32 to index
      %swap3A_91 = arith.index_cast %add3A_70 : i32 to index
      %swap3A_92 = arith.constant 32 : index
      %swap3A_93 = tpu.vector_load %arg8[%swap3A_90, %swap3A_91, %swap3A_92] {strides = array<i32>} : memref<4x64x128xf32, #tpu.memory_space<vmem>>, vector<1x1x16xf32>,
      %swap3A_94 = vector.shape_cast %swap3A_93 : vector<1x1x16xf32> to vector<16xf32>
      %swap3A_95 = vector.shape_cast %broadcast_in_dim3A_88 : vector<16xf32> to vector<1x1x16xf32>
      tpu.vector_store %arg8[%swap3A_90, %swap3A_91, %swap3A_92], %swap3A_95 {strides = array<i32>} : memref<4x64x128xf32, #tpu.memory_space<vmem>>, vector<1x1x16xf32>,
      %broadcast_in_dim3A_96 = arith.constant 0.000000e+00 : f32
      %broadcast_in_dim3A_97 = vector.broadcast %broadcast_in_dim3A_96 : f32 to vector<16xf32>
      %swap3A_98 = arith.constant 0 : i32
      %swap3A_99 = arith.index_cast %swap3A_98 : i32 to index
      %swap3A_100 = arith.index_cast %add3A_70 : i32 to index
      %swap3A_101 = arith.constant 48 : index
      %swap3A_102 = tpu.vector_load %arg8[%swap3A_99, %swap3A_100, %swap3A_101] {strides = array<i32>} : memref<4x64x128xf32, #tpu.memory_space<vmem>>, vector<1x1x16xf32>,
      %swap3A_103 = vector.shape_cast %swap3A_102 : vector<1x1x16xf32> to vector<16xf32>
      %swap3A_104 = vector.shape_cast %broadcast_in_dim3A_97 : vector<16xf32> to vector<1x1x16xf32>
      tpu.vector_store %arg8[%swap3A_99, %swap3A_100, %swap3A_101], %swap3A_104 {strides = array<i32>} : memref<4x64x128xf32, #tpu.memory_space<vmem>>, vector<1x1x16xf32>,
      %broadcast_in_dim3A_105 = arith.constant 0.000000e+00 : f32
      %broadcast_in_dim3A_106 = vector.broadcast %broadcast_in_dim3A_105 : f32 to vector<16xf32>
      %swap3A_107 = arith.constant 0 : i32
      %swap3A_108 = arith.index_cast %swap3A_107 : i32 to index
      %swap3A_109 = arith.index_cast %add3A_70 : i32 to index
      %swap3A_110 = arith.constant 64 : index
      %swap3A_111 = tpu.vector_load %arg8[%swap3A_108, %swap3A_109, %swap3A_110] {strides = array<i32>} : memref<4x64x128xf32, #tpu.memory_space<vmem>>, vector<1x1x16xf32>,
      %swap3A_112 = vector.shape_cast %swap3A_111 : vector<1x1x16xf32> to vector<16xf32>
      %swap3A_113 = vector.shape_cast %broadcast_in_dim3A_106 : vector<16xf32> to vector<1x1x16xf32>
      tpu.vector_store %arg8[%swap3A_108, %swap3A_109, %swap3A_110], %swap3A_113 {strides = array<i32>} : memref<4x64x128xf32, #tpu.memory_space<vmem>>, vector<1x1x16xf32>,
      %broadcast_in_dim3A_114 = arith.constant 0.000000e+00 : f32
      %broadcast_in_dim3A_115 = vector.broadcast %broadcast_in_dim3A_114 : f32 to vector<16xf32>
      %swap3A_116 = arith.constant 0 : i32
      %swap3A_117 = arith.index_cast %swap3A_116 : i32 to index
      %swap3A_118 = arith.index_cast %add3A_70 : i32 to index
      %swap3A_119 = arith.constant 80 : index
      %swap3A_120 = tpu.vector_load %arg8[%swap3A_117, %swap3A_118, %swap3A_119] {strides = array<i32>} : memref<4x64x128xf32, #tpu.memory_space<vmem>>, vector<1x1x16xf32>,
      %swap3A_121 = vector.shape_cast %swap3A_120 : vector<1x1x16xf32> to vector<16xf32>
      %swap3A_122 = vector.shape_cast %broadcast_in_dim3A_115 : vector<16xf32> to vector<1x1x16xf32>
      tpu.vector_store %arg8[%swap3A_117, %swap3A_118, %swap3A_119], %swap3A_122 {strides = array<i32>} : memref<4x64x128xf32, #tpu.memory_space<vmem>>, vector<1x1x16xf32>,
      %broadcast_in_dim3A_123 = arith.constant 0.000000e+00 : f32
      %broadcast_in_dim3A_124 = vector.broadcast %broadcast_in_dim3A_123 : f32 to vector<16xf32>
      %swap3A_125 = arith.constant 0 : i32
      %swap3A_126 = arith.index_cast %swap3A_125 : i32 to index
      %swap3A_127 = arith.index_cast %add3A_70 : i32 to index
      %swap3A_128 = arith.constant 96 : index
      %swap3A_129 = tpu.vector_load %arg8[%swap3A_126, %swap3A_127, %swap3A_128] {strides = array<i32>} : memref<4x64x128xf32, #tpu.memory_space<vmem>>, vector<1x1x16xf32>,
      %swap3A_130 = vector.shape_cast %swap3A_129 : vector<1x1x16xf32> to vector<16xf32>
      %swap3A_131 = vector.shape_cast %broadcast_in_dim3A_124 : vector<16xf32> to vector<1x1x16xf32>
      tpu.vector_store %arg8[%swap3A_126, %swap3A_127, %swap3A_128], %swap3A_131 {strides = array<i32>} : memref<4x64x128xf32, #tpu.memory_space<vmem>>, vector<1x1x16xf32>,
      %broadcast_in_dim3A_132 = arith.constant 0.000000e+00 : f32
      %broadcast_in_dim3A_133 = vector.broadcast %broadcast_in_dim3A_132 : f32 to vector<16xf32>
      %swap3A_134 = arith.constant 0 : i32
      %swap3A_135 = arith.index_cast %swap3A_134 : i32 to index
      %swap3A_136 = arith.index_cast %add3A_70 : i32 to index
      %swap3A_137 = arith.constant 112 : index
      %swap3A_138 = tpu.vector_load %arg8[%swap3A_135, %swap3A_136, %swap3A_137] {strides = array<i32>} : memref<4x64x128xf32, #tpu.memory_space<vmem>>, vector<1x1x16xf32>,
      %swap3A_139 = vector.shape_cast %swap3A_138 : vector<1x1x16xf32> to vector<16xf32>
      %swap3A_140 = vector.shape_cast %broadcast_in_dim3A_133 : vector<16xf32> to vector<1x1x16xf32>
      tpu.vector_store %arg8[%swap3A_135, %swap3A_136, %swap3A_137], %swap3A_140 {strides = array<i32>} : memref<4x64x128xf32, #tpu.memory_space<vmem>>, vector<1x1x16xf32>,
    }
    %scan3A_11 = arith.constant 64 : i32
    %add3A_12 = arith.constant 0 : i32
    %add3A_13 = arith.addi %mul3A_0, %add3A_12 : i32
    %run_scoped3A = arith.constant 0 : i32
    "tpu.region"() ({
      %run_scoped3A_66 = tpu.sem_alloc : memref<!tpu.dma_semaphore, #tpu.memory_space<semaphore_mem>>
      %dma_start3A = arith.constant 0 : i32
      %dma_start3A_67 = arith.constant 0 : i32
      %dma_start3A_68 = tpu.memref_slice %arg8[%run_scoped3A, %dma_start3A, %dma_start3A_67] : memref<4x64x128xf32, #tpu.memory_space<vmem>> -> memref<1x64x128xf32, #tpu.memory_space<vmem>>
      %dma_start3A_69 = tpu.memref_squeeze %dma_start3A_68 : memref<1x64x128xf32, #tpu.memory_space<vmem>> -> memref<64x128xf32, #tpu.memory_space<vmem>>
      %dma_start3A_70 = arith.constant 0 : i32
      %dma_start3A_71 = tpu.memref_slice %arg9[%add3A_13, %dma_start3A_70] : memref<10240x128xf32, #tpu.memory_space<vmem_shared>> -> memref<64x128xf32, #tpu.memory_space<vmem_shared>>
      %dma_start3A_72 = arith.constant 0 : i32
      %dma_start3A_73 = tpu.memref_slice %arg9[%add3A_13, %dma_start3A_72] : memref<10240x128xf32, #tpu.memory_space<vmem_shared>> -> memref<64x128xf32, #tpu.memory_space<vmem_shared>>
      %dma_start3A_74 = arith.constant 0 : i32
      %dma_start3A_75 = arith.constant 0 : i32
      %dma_start3A_76 = tpu.memref_slice %arg8[%run_scoped3A, %dma_start3A_74, %dma_start3A_75] : memref<4x64x128xf32, #tpu.memory_space<vmem>> -> memref<1x64x128xf32, #tpu.memory_space<vmem>>
      %dma_start3A_77 = tpu.memref_squeeze %dma_start3A_76 : memref<1x64x128xf32, #tpu.memory_space<vmem>> -> memref<64x128xf32, #tpu.memory_space<vmem>>
      tpu.enqueue_dma source(%dma_start3A_77 : memref<64x128xf32, #tpu.memory_space<vmem>>) target(%dma_start3A_73 : memref<64x128xf32, #tpu.memory_space<vmem_shared>>) target_semaphore(%run_scoped3A_66 : memref<!tpu.dma_semaphore, #tpu.memory_space<semaphore_mem>>)
      %dma_wait3A = arith.constant 0 : i32
      %dma_wait3A_78 = arith.constant 0 : i32
      %dma_wait3A_79 = tpu.memref_slice %arg8[%run_scoped3A, %dma_wait3A, %dma_wait3A_78] : memref<4x64x128xf32, #tpu.memory_space<vmem>> -> memref<1x64x128xf32, #tpu.memory_space<vmem>>
      %dma_wait3A_80 = tpu.memref_squeeze %dma_wait3A_79 : memref<1x64x128xf32, #tpu.memory_space<vmem>> -> memref<64x128xf32, #tpu.memory_space<vmem>>
      %dma_wait3A_81 = arith.constant 0 : i32
      %dma_wait3A_82 = tpu.memref_slice %arg9[%add3A_13, %dma_wait3A_81] : memref<10240x128xf32, #tpu.memory_space<vmem_shared>> -> memref<64x128xf32, #tpu.memory_space<vmem_shared>>
      %dma_wait3A_83 = arith.constant 0 : i32
      %dma_wait3A_84 = tpu.memref_slice %arg9[%add3A_13, %dma_wait3A_83] : memref<10240x128xf32, #tpu.memory_space<vmem_shared>> -> memref<64x128xf32, #tpu.memory_space<vmem_shared>>
      %dma_wait3A_85 = arith.constant 0 : i32
      %dma_wait3A_86 = arith.constant 0 : i32
      %dma_wait3A_87 = tpu.memref_slice %arg8[%run_scoped3A, %dma_wait3A_85, %dma_wait3A_86] : memref<4x64x128xf32, #tpu.memory_space<vmem>> -> memref<1x64x128xf32, #tpu.memory_space<vmem>>
      %dma_wait3A_88 = tpu.memref_squeeze %dma_wait3A_87 : memref<1x64x128xf32, #tpu.memory_space<vmem>> -> memref<64x128xf32, #tpu.memory_space<vmem>>
      tpu.wait_dma2 semaphore(%run_scoped3A_66 : memref<!tpu.dma_semaphore, #tpu.memory_space<semaphore_mem>>) src(%dma_wait3A_88 : memref<64x128xf32, #tpu.memory_space<vmem>>) dst(%dma_wait3A_84 : memref<64x128xf32, #tpu.memory_space<vmem_shared>>)
      tpu.yield
    }) : () -> ()
    %add3A_14 = arith.constant 64 : i32
    %add3A_15 = arith.addi %mul3A_0, %add3A_14 : i32
    %run_scoped3A_16 = arith.constant 0 : i32
    "tpu.region"() ({
      %run_scoped3A_66 = tpu.sem_alloc : memref<!tpu.dma_semaphore, #tpu.memory_space<semaphore_mem>>
      %dma_start3A = arith.constant 0 : i32
      %dma_start3A_67 = arith.constant 0 : i32
      %dma_start3A_68 = tpu.memref_slice %arg8[%run_scoped3A_16, %dma_start3A, %dma_start3A_67] : memref<4x64x128xf32, #tpu.memory_space<vmem>> -> memref<1x64x128xf32, #tpu.memory_space<vmem>>
      %dma_start3A_69 = tpu.memref_squeeze %dma_start3A_68 : memref<1x64x128xf32, #tpu.memory_space<vmem>> -> memref<64x128xf32, #tpu.memory_space<vmem>>
      %dma_start3A_70 = arith.constant 0 : i32
      %dma_start3A_71 = tpu.memref_slice %arg9[%add3A_15, %dma_start3A_70] : memref<10240x128xf32, #tpu.memory_space<vmem_shared>> -> memref<64x128xf32, #tpu.memory_space<vmem_shared>>
      %dma_start3A_72 = arith.constant 0 : i32
      %dma_start3A_73 = tpu.memref_slice %arg9[%add3A_15, %dma_start3A_72] : memref<10240x128xf32, #tpu.memory_space<vmem_shared>> -> memref<64x128xf32, #tpu.memory_space<vmem_shared>>
      %dma_start3A_74 = arith.constant 0 : i32
      %dma_start3A_75 = arith.constant 0 : i32
      %dma_start3A_76 = tpu.memref_slice %arg8[%run_scoped3A_16, %dma_start3A_74, %dma_start3A_75] : memref<4x64x128xf32, #tpu.memory_space<vmem>> -> memref<1x64x128xf32, #tpu.memory_space<vmem>>
      %dma_start3A_77 = tpu.memref_squeeze %dma_start3A_76 : memref<1x64x128xf32, #tpu.memory_space<vmem>> -> memref<64x128xf32, #tpu.memory_space<vmem>>
      tpu.enqueue_dma source(%dma_start3A_77 : memref<64x128xf32, #tpu.memory_space<vmem>>) target(%dma_start3A_73 : memref<64x128xf32, #tpu.memory_space<vmem_shared>>) target_semaphore(%run_scoped3A_66 : memref<!tpu.dma_semaphore, #tpu.memory_space<semaphore_mem>>)
      %dma_wait3A = arith.constant 0 : i32
      %dma_wait3A_78 = arith.constant 0 : i32
      %dma_wait3A_79 = tpu.memref_slice %arg8[%run_scoped3A_16, %dma_wait3A, %dma_wait3A_78] : memref<4x64x128xf32, #tpu.memory_space<vmem>> -> memref<1x64x128xf32, #tpu.memory_space<vmem>>
      %dma_wait3A_80 = tpu.memref_squeeze %dma_wait3A_79 : memref<1x64x128xf32, #tpu.memory_space<vmem>> -> memref<64x128xf32, #tpu.memory_space<vmem>>
      %dma_wait3A_81 = arith.constant 0 : i32
      %dma_wait3A_82 = tpu.memref_slice %arg9[%add3A_15, %dma_wait3A_81] : memref<10240x128xf32, #tpu.memory_space<vmem_shared>> -> memref<64x128xf32, #tpu.memory_space<vmem_shared>>
      %dma_wait3A_83 = arith.constant 0 : i32
      %dma_wait3A_84 = tpu.memref_slice %arg9[%add3A_15, %dma_wait3A_83] : memref<10240x128xf32, #tpu.memory_space<vmem_shared>> -> memref<64x128xf32, #tpu.memory_space<vmem_shared>>
      %dma_wait3A_85 = arith.constant 0 : i32
      %dma_wait3A_86 = arith.constant 0 : i32
      %dma_wait3A_87 = tpu.memref_slice %arg8[%run_scoped3A_16, %dma_wait3A_85, %dma_wait3A_86] : memref<4x64x128xf32, #tpu.memory_space<vmem>> -> memref<1x64x128xf32, #tpu.memory_space<vmem>>
      %dma_wait3A_88 = tpu.memref_squeeze %dma_wait3A_87 : memref<1x64x128xf32, #tpu.memory_space<vmem>> -> memref<64x128xf32, #tpu.memory_space<vmem>>
      tpu.wait_dma2 semaphore(%run_scoped3A_66 : memref<!tpu.dma_semaphore, #tpu.memory_space<semaphore_mem>>) src(%dma_wait3A_88 : memref<64x128xf32, #tpu.memory_space<vmem>>) dst(%dma_wait3A_84 : memref<64x128xf32, #tpu.memory_space<vmem_shared>>)
      tpu.yield
    }) : () -> ()
    %add3A_17 = arith.constant 128 : i32
    %add3A_18 = arith.addi %mul3A_0, %add3A_17 : i32
    %run_scoped3A_19 = arith.constant 0 : i32
    "tpu.region"() ({
      %run_scoped3A_66 = tpu.sem_alloc : memref<!tpu.dma_semaphore, #tpu.memory_space<semaphore_mem>>
      %dma_start3A = arith.constant 0 : i32
      %dma_start3A_67 = arith.constant 0 : i32
      %dma_start3A_68 = tpu.memref_slice %arg8[%run_scoped3A_19, %dma_start3A, %dma_start3A_67] : memref<4x64x128xf32, #tpu.memory_space<vmem>> -> memref<1x64x128xf32, #tpu.memory_space<vmem>>
      %dma_start3A_69 = tpu.memref_squeeze %dma_start3A_68 : memref<1x64x128xf32, #tpu.memory_space<vmem>> -> memref<64x128xf32, #tpu.memory_space<vmem>>
      %dma_start3A_70 = arith.constant 0 : i32
      %dma_start3A_71 = tpu.memref_slice %arg9[%add3A_18, %dma_start3A_70] : memref<10240x128xf32, #tpu.memory_space<vmem_shared>> -> memref<64x128xf32, #tpu.memory_space<vmem_shared>>
      %dma_start3A_72 = arith.constant 0 : i32
      %dma_start3A_73 = tpu.memref_slice %arg9[%add3A_18, %dma_start3A_72] : memref<10240x128xf32, #tpu.memory_space<vmem_shared>> -> memref<64x128xf32, #tpu.memory_space<vmem_shared>>
      %dma_start3A_74 = arith.constant 0 : i32
      %dma_start3A_75 = arith.constant 0 : i32
      %dma_start3A_76 = tpu.memref_slice %arg8[%run_scoped3A_19, %dma_start3A_74, %dma_start3A_75] : memref<4x64x128xf32, #tpu.memory_space<vmem>> -> memref<1x64x128xf32, #tpu.memory_space<vmem>>
      %dma_start3A_77 = tpu.memref_squeeze %dma_start3A_76 : memref<1x64x128xf32, #tpu.memory_space<vmem>> -> memref<64x128xf32, #tpu.memory_space<vmem>>
      tpu.enqueue_dma source(%dma_start3A_77 : memref<64x128xf32, #tpu.memory_space<vmem>>) target(%dma_start3A_73 : memref<64x128xf32, #tpu.memory_space<vmem_shared>>) target_semaphore(%run_scoped3A_66 : memref<!tpu.dma_semaphore, #tpu.memory_space<semaphore_mem>>)
      %dma_wait3A = arith.constant 0 : i32
      %dma_wait3A_78 = arith.constant 0 : i32
      %dma_wait3A_79 = tpu.memref_slice %arg8[%run_scoped3A_19, %dma_wait3A, %dma_wait3A_78] : memref<4x64x128xf32, #tpu.memory_space<vmem>> -> memref<1x64x128xf32, #tpu.memory_space<vmem>>
      %dma_wait3A_80 = tpu.memref_squeeze %dma_wait3A_79 : memref<1x64x128xf32, #tpu.memory_space<vmem>> -> memref<64x128xf32, #tpu.memory_space<vmem>>
      %dma_wait3A_81 = arith.constant 0 : i32
      %dma_wait3A_82 = tpu.memref_slice %arg9[%add3A_18, %dma_wait3A_81] : memref<10240x128xf32, #tpu.memory_space<vmem_shared>> -> memref<64x128xf32, #tpu.memory_space<vmem_shared>>
      %dma_wait3A_83 = arith.constant 0 : i32
      %dma_wait3A_84 = tpu.memref_slice %arg9[%add3A_18, %dma_wait3A_83] : memref<10240x128xf32, #tpu.memory_space<vmem_shared>> -> memref<64x128xf32, #tpu.memory_space<vmem_shared>>
      %dma_wait3A_85 = arith.constant 0 : i32
      %dma_wait3A_86 = arith.constant 0 : i32
      %dma_wait3A_87 = tpu.memref_slice %arg8[%run_scoped3A_19, %dma_wait3A_85, %dma_wait3A_86] : memref<4x64x128xf32, #tpu.memory_space<vmem>> -> memref<1x64x128xf32, #tpu.memory_space<vmem>>
      %dma_wait3A_88 = tpu.memref_squeeze %dma_wait3A_87 : memref<1x64x128xf32, #tpu.memory_space<vmem>> -> memref<64x128xf32, #tpu.memory_space<vmem>>
      tpu.wait_dma2 semaphore(%run_scoped3A_66 : memref<!tpu.dma_semaphore, #tpu.memory_space<semaphore_mem>>) src(%dma_wait3A_88 : memref<64x128xf32, #tpu.memory_space<vmem>>) dst(%dma_wait3A_84 : memref<64x128xf32, #tpu.memory_space<vmem_shared>>)
      tpu.yield
    }) : () -> ()
    %add3A_20 = arith.constant 192 : i32
    %add3A_21 = arith.addi %mul3A_0, %add3A_20 : i32
    %run_scoped3A_22 = arith.constant 0 : i32
    "tpu.region"() ({
      %run_scoped3A_66 = tpu.sem_alloc : memref<!tpu.dma_semaphore, #tpu.memory_space<semaphore_mem>>
      %dma_start3A = arith.constant 0 : i32
      %dma_start3A_67 = arith.constant 0 : i32
      %dma_start3A_68 = tpu.memref_slice %arg8[%run_scoped3A_22, %dma_start3A, %dma_start3A_67] : memref<4x64x128xf32, #tpu.memory_space<vmem>> -> memref<1x64x128xf32, #tpu.memory_space<vmem>>
      %dma_start3A_69 = tpu.memref_squeeze %dma_start3A_68 : memref<1x64x128xf32, #tpu.memory_space<vmem>> -> memref<64x128xf32, #tpu.memory_space<vmem>>
      %dma_start3A_70 = arith.constant 0 : i32
      %dma_start3A_71 = tpu.memref_slice %arg9[%add3A_21, %dma_start3A_70] : memref<10240x128xf32, #tpu.memory_space<vmem_shared>> -> memref<64x128xf32, #tpu.memory_space<vmem_shared>>
      %dma_start3A_72 = arith.constant 0 : i32
      %dma_start3A_73 = tpu.memref_slice %arg9[%add3A_21, %dma_start3A_72] : memref<10240x128xf32, #tpu.memory_space<vmem_shared>> -> memref<64x128xf32, #tpu.memory_space<vmem_shared>>
      %dma_start3A_74 = arith.constant 0 : i32
      %dma_start3A_75 = arith.constant 0 : i32
      %dma_start3A_76 = tpu.memref_slice %arg8[%run_scoped3A_22, %dma_start3A_74, %dma_start3A_75] : memref<4x64x128xf32, #tpu.memory_space<vmem>> -> memref<1x64x128xf32, #tpu.memory_space<vmem>>
      %dma_start3A_77 = tpu.memref_squeeze %dma_start3A_76 : memref<1x64x128xf32, #tpu.memory_space<vmem>> -> memref<64x128xf32, #tpu.memory_space<vmem>>
      tpu.enqueue_dma source(%dma_start3A_77 : memref<64x128xf32, #tpu.memory_space<vmem>>) target(%dma_start3A_73 : memref<64x128xf32, #tpu.memory_space<vmem_shared>>) target_semaphore(%run_scoped3A_66 : memref<!tpu.dma_semaphore, #tpu.memory_space<semaphore_mem>>)
      %dma_wait3A = arith.constant 0 : i32
      %dma_wait3A_78 = arith.constant 0 : i32
      %dma_wait3A_79 = tpu.memref_slice %arg8[%run_scoped3A_22, %dma_wait3A, %dma_wait3A_78] : memref<4x64x128xf32, #tpu.memory_space<vmem>> -> memref<1x64x128xf32, #tpu.memory_space<vmem>>
      %dma_wait3A_80 = tpu.memref_squeeze %dma_wait3A_79 : memref<1x64x128xf32, #tpu.memory_space<vmem>> -> memref<64x128xf32, #tpu.memory_space<vmem>>
      %dma_wait3A_81 = arith.constant 0 : i32
      %dma_wait3A_82 = tpu.memref_slice %arg9[%add3A_21, %dma_wait3A_81] : memref<10240x128xf32, #tpu.memory_space<vmem_shared>> -> memref<64x128xf32, #tpu.memory_space<vmem_shared>>
      %dma_wait3A_83 = arith.constant 0 : i32
      %dma_wait3A_84 = tpu.memref_slice %arg9[%add3A_21, %dma_wait3A_83] : memref<10240x128xf32, #tpu.memory_space<vmem_shared>> -> memref<64x128xf32, #tpu.memory_space<vmem_shared>>
      %dma_wait3A_85 = arith.constant 0 : i32
      %dma_wait3A_86 = arith.constant 0 : i32
      %dma_wait3A_87 = tpu.memref_slice %arg8[%run_scoped3A_22, %dma_wait3A_85, %dma_wait3A_86] : memref<4x64x128xf32, #tpu.memory_space<vmem>> -> memref<1x64x128xf32, #tpu.memory_space<vmem>>
      %dma_wait3A_88 = tpu.memref_squeeze %dma_wait3A_87 : memref<1x64x128xf32, #tpu.memory_space<vmem>> -> memref<64x128xf32, #tpu.memory_space<vmem>>
      tpu.wait_dma2 semaphore(%run_scoped3A_66 : memref<!tpu.dma_semaphore, #tpu.memory_space<semaphore_mem>>) src(%dma_wait3A_88 : memref<64x128xf32, #tpu.memory_space<vmem>>) dst(%dma_wait3A_84 : memref<64x128xf32, #tpu.memory_space<vmem_shared>>)
      tpu.yield
    }) : () -> ()
    %add3A_23 = arith.constant 256 : i32
    %add3A_24 = arith.addi %mul3A_0, %add3A_23 : i32
    %run_scoped3A_25 = arith.constant 0 : i32
    "tpu.region"() ({
      %run_scoped3A_66 = tpu.sem_alloc : memref<!tpu.dma_semaphore, #tpu.memory_space<semaphore_mem>>
      %dma_start3A = arith.constant 0 : i32
      %dma_start3A_67 = arith.constant 0 : i32
      %dma_start3A_68 = tpu.memref_slice %arg8[%run_scoped3A_25, %dma_start3A, %dma_start3A_67] : memref<4x64x128xf32, #tpu.memory_space<vmem>> -> memref<1x64x128xf32, #tpu.memory_space<vmem>>
      %dma_start3A_69 = tpu.memref_squeeze %dma_start3A_68 : memref<1x64x128xf32, #tpu.memory_space<vmem>> -> memref<64x128xf32, #tpu.memory_space<vmem>>
      %dma_start3A_70 = arith.constant 0 : i32
      %dma_start3A_71 = tpu.memref_slice %arg9[%add3A_24, %dma_start3A_70] : memref<10240x128xf32, #tpu.memory_space<vmem_shared>> -> memref<64x128xf32, #tpu.memory_space<vmem_shared>>
      %dma_start3A_72 = arith.constant 0 : i32
      %dma_start3A_73 = tpu.memref_slice %arg9[%add3A_24, %dma_start3A_72] : memref<10240x128xf32, #tpu.memory_space<vmem_shared>> -> memref<64x128xf32, #tpu.memory_space<vmem_shared>>
      %dma_start3A_74 = arith.constant 0 : i32
      %dma_start3A_75 = arith.constant 0 : i32
      %dma_start3A_76 = tpu.memref_slice %arg8[%run_scoped3A_25, %dma_start3A_74, %dma_start3A_75] : memref<4x64x128xf32, #tpu.memory_space<vmem>> -> memref<1x64x128xf32, #tpu.memory_space<vmem>>
      %dma_start3A_77 = tpu.memref_squeeze %dma_start3A_76 : memref<1x64x128xf32, #tpu.memory_space<vmem>> -> memref<64x128xf32, #tpu.memory_space<vmem>>
      tpu.enqueue_dma source(%dma_start3A_77 : memref<64x128xf32, #tpu.memory_space<vmem>>) target(%dma_start3A_73 : memref<64x128xf32, #tpu.memory_space<vmem_shared>>) target_semaphore(%run_scoped3A_66 : memref<!tpu.dma_semaphore, #tpu.memory_space<semaphore_mem>>)
      %dma_wait3A = arith.constant 0 : i32
      %dma_wait3A_78 = arith.constant 0 : i32
      %dma_wait3A_79 = tpu.memref_slice %arg8[%run_scoped3A_25, %dma_wait3A, %dma_wait3A_78] : memref<4x64x128xf32, #tpu.memory_space<vmem>> -> memref<1x64x128xf32, #tpu.memory_space<vmem>>
      %dma_wait3A_80 = tpu.memref_squeeze %dma_wait3A_79 : memref<1x64x128xf32, #tpu.memory_space<vmem>> -> memref<64x128xf32, #tpu.memory_space<vmem>>
      %dma_wait3A_81 = arith.constant 0 : i32
      %dma_wait3A_82 = tpu.memref_slice %arg9[%add3A_24, %dma_wait3A_81] : memref<10240x128xf32, #tpu.memory_space<vmem_shared>> -> memref<64x128xf32, #tpu.memory_space<vmem_shared>>
      %dma_wait3A_83 = arith.constant 0 : i32
      %dma_wait3A_84 = tpu.memref_slice %arg9[%add3A_24, %dma_wait3A_83] : memref<10240x128xf32, #tpu.memory_space<vmem_shared>> -> memref<64x128xf32, #tpu.memory_space<vmem_shared>>
      %dma_wait3A_85 = arith.constant 0 : i32
      %dma_wait3A_86 = arith.constant 0 : i32
      %dma_wait3A_87 = tpu.memref_slice %arg8[%run_scoped3A_25, %dma_wait3A_85, %dma_wait3A_86] : memref<4x64x128xf32, #tpu.memory_space<vmem>> -> memref<1x64x128xf32, #tpu.memory_space<vmem>>
      %dma_wait3A_88 = tpu.memref_squeeze %dma_wait3A_87 : memref<1x64x128xf32, #tpu.memory_space<vmem>> -> memref<64x128xf32, #tpu.memory_space<vmem>>
      tpu.wait_dma2 semaphore(%run_scoped3A_66 : memref<!tpu.dma_semaphore, #tpu.memory_space<semaphore_mem>>) src(%dma_wait3A_88 : memref<64x128xf32, #tpu.memory_space<vmem>>) dst(%dma_wait3A_84 : memref<64x128xf32, #tpu.memory_space<vmem_shared>>)
      tpu.yield
    }) : () -> ()
    %add3A_26 = arith.constant 320 : i32
    %add3A_27 = arith.addi %mul3A_0, %add3A_26 : i32
    %run_scoped3A_28 = arith.constant 0 : i32
    "tpu.region"() ({
      %run_scoped3A_66 = tpu.sem_alloc : memref<!tpu.dma_semaphore, #tpu.memory_space<semaphore_mem>>
      %dma_start3A = arith.constant 0 : i32
      %dma_start3A_67 = arith.constant 0 : i32
      %dma_start3A_68 = tpu.memref_slice %arg8[%run_scoped3A_28, %dma_start3A, %dma_start3A_67] : memref<4x64x128xf32, #tpu.memory_space<vmem>> -> memref<1x64x128xf32, #tpu.memory_space<vmem>>
      %dma_start3A_69 = tpu.memref_squeeze %dma_start3A_68 : memref<1x64x128xf32, #tpu.memory_space<vmem>> -> memref<64x128xf32, #tpu.memory_space<vmem>>
      %dma_start3A_70 = arith.constant 0 : i32
      %dma_start3A_71 = tpu.memref_slice %arg9[%add3A_27, %dma_start3A_70] : memref<10240x128xf32, #tpu.memory_space<vmem_shared>> -> memref<64x128xf32, #tpu.memory_space<vmem_shared>>
      %dma_start3A_72 = arith.constant 0 : i32
      %dma_start3A_73 = tpu.memref_slice %arg9[%add3A_27, %dma_start3A_72] : memref<10240x128xf32, #tpu.memory_space<vmem_shared>> -> memref<64x128xf32, #tpu.memory_space<vmem_shared>>
      %dma_start3A_74 = arith.constant 0 : i32
      %dma_start3A_75 = arith.constant 0 : i32
      %dma_start3A_76 = tpu.memref_slice %arg8[%run_scoped3A_28, %dma_start3A_74, %dma_start3A_75] : memref<4x64x128xf32, #tpu.memory_space<vmem>> -> memref<1x64x128xf32, #tpu.memory_space<vmem>>
      %dma_start3A_77 = tpu.memref_squeeze %dma_start3A_76 : memref<1x64x128xf32, #tpu.memory_space<vmem>> -> memref<64x128xf32, #tpu.memory_space<vmem>>
      tpu.enqueue_dma source(%dma_start3A_77 : memref<64x128xf32, #tpu.memory_space<vmem>>) target(%dma_start3A_73 : memref<64x128xf32, #tpu.memory_space<vmem_shared>>) target_semaphore(%run_scoped3A_66 : memref<!tpu.dma_semaphore, #tpu.memory_space<semaphore_mem>>)
      %dma_wait3A = arith.constant 0 : i32
      %dma_wait3A_78 = arith.constant 0 : i32
      %dma_wait3A_79 = tpu.memref_slice %arg8[%run_scoped3A_28, %dma_wait3A, %dma_wait3A_78] : memref<4x64x128xf32, #tpu.memory_space<vmem>> -> memref<1x64x128xf32, #tpu.memory_space<vmem>>
      %dma_wait3A_80 = tpu.memref_squeeze %dma_wait3A_79 : memref<1x64x128xf32, #tpu.memory_space<vmem>> -> memref<64x128xf32, #tpu.memory_space<vmem>>
      %dma_wait3A_81 = arith.constant 0 : i32
      %dma_wait3A_82 = tpu.memref_slice %arg9[%add3A_27, %dma_wait3A_81] : memref<10240x128xf32, #tpu.memory_space<vmem_shared>> -> memref<64x128xf32, #tpu.memory_space<vmem_shared>>
      %dma_wait3A_83 = arith.constant 0 : i32
      %dma_wait3A_84 = tpu.memref_slice %arg9[%add3A_27, %dma_wait3A_83] : memref<10240x128xf32, #tpu.memory_space<vmem_shared>> -> memref<64x128xf32, #tpu.memory_space<vmem_shared>>
      %dma_wait3A_85 = arith.constant 0 : i32
      %dma_wait3A_86 = arith.constant 0 : i32
      %dma_wait3A_87 = tpu.memref_slice %arg8[%run_scoped3A_28, %dma_wait3A_85, %dma_wait3A_86] : memref<4x64x128xf32, #tpu.memory_space<vmem>> -> memref<1x64x128xf32, #tpu.memory_space<vmem>>
      %dma_wait3A_88 = tpu.memref_squeeze %dma_wait3A_87 : memref<1x64x128xf32, #tpu.memory_space<vmem>> -> memref<64x128xf32, #tpu.memory_space<vmem>>
      tpu.wait_dma2 semaphore(%run_scoped3A_66 : memref<!tpu.dma_semaphore, #tpu.memory_space<semaphore_mem>>) src(%dma_wait3A_88 : memref<64x128xf32, #tpu.memory_space<vmem>>) dst(%dma_wait3A_84 : memref<64x128xf32, #tpu.memory_space<vmem_shared>>)
      tpu.yield
    }) : () -> ()
    %add3A_29 = arith.constant 384 : i32
    %add3A_30 = arith.addi %mul3A_0, %add3A_29 : i32
    %run_scoped3A_31 = arith.constant 0 : i32
    "tpu.region"() ({
      %run_scoped3A_66 = tpu.sem_alloc : memref<!tpu.dma_semaphore, #tpu.memory_space<semaphore_mem>>
      %dma_start3A = arith.constant 0 : i32
      %dma_start3A_67 = arith.constant 0 : i32
      %dma_start3A_68 = tpu.memref_slice %arg8[%run_scoped3A_31, %dma_start3A, %dma_start3A_67] : memref<4x64x128xf32, #tpu.memory_space<vmem>> -> memref<1x64x128xf32, #tpu.memory_space<vmem>>
      %dma_start3A_69 = tpu.memref_squeeze %dma_start3A_68 : memref<1x64x128xf32, #tpu.memory_space<vmem>> -> memref<64x128xf32, #tpu.memory_space<vmem>>
      %dma_start3A_70 = arith.constant 0 : i32
      %dma_start3A_71 = tpu.memref_slice %arg9[%add3A_30, %dma_start3A_70] : memref<10240x128xf32, #tpu.memory_space<vmem_shared>> -> memref<64x128xf32, #tpu.memory_space<vmem_shared>>
      %dma_start3A_72 = arith.constant 0 : i32
      %dma_start3A_73 = tpu.memref_slice %arg9[%add3A_30, %dma_start3A_72] : memref<10240x128xf32, #tpu.memory_space<vmem_shared>> -> memref<64x128xf32, #tpu.memory_space<vmem_shared>>
      %dma_start3A_74 = arith.constant 0 : i32
      %dma_start3A_75 = arith.constant 0 : i32
      %dma_start3A_76 = tpu.memref_slice %arg8[%run_scoped3A_31, %dma_start3A_74, %dma_start3A_75] : memref<4x64x128xf32, #tpu.memory_space<vmem>> -> memref<1x64x128xf32, #tpu.memory_space<vmem>>
      %dma_start3A_77 = tpu.memref_squeeze %dma_start3A_76 : memref<1x64x128xf32, #tpu.memory_space<vmem>> -> memref<64x128xf32, #tpu.memory_space<vmem>>
      tpu.enqueue_dma source(%dma_start3A_77 : memref<64x128xf32, #tpu.memory_space<vmem>>) target(%dma_start3A_73 : memref<64x128xf32, #tpu.memory_space<vmem_shared>>) target_semaphore(%run_scoped3A_66 : memref<!tpu.dma_semaphore, #tpu.memory_space<semaphore_mem>>)
      %dma_wait3A = arith.constant 0 : i32
      %dma_wait3A_78 = arith.constant 0 : i32
      %dma_wait3A_79 = tpu.memref_slice %arg8[%run_scoped3A_31, %dma_wait3A, %dma_wait3A_78] : memref<4x64x128xf32, #tpu.memory_space<vmem>> -> memref<1x64x128xf32, #tpu.memory_space<vmem>>
      %dma_wait3A_80 = tpu.memref_squeeze %dma_wait3A_79 : memref<1x64x128xf32, #tpu.memory_space<vmem>> -> memref<64x128xf32, #tpu.memory_space<vmem>>
      %dma_wait3A_81 = arith.constant 0 : i32
      %dma_wait3A_82 = tpu.memref_slice %arg9[%add3A_30, %dma_wait3A_81] : memref<10240x128xf32, #tpu.memory_space<vmem_shared>> -> memref<64x128xf32, #tpu.memory_space<vmem_shared>>
      %dma_wait3A_83 = arith.constant 0 : i32
      %dma_wait3A_84 = tpu.memref_slice %arg9[%add3A_30, %dma_wait3A_83] : memref<10240x128xf32, #tpu.memory_space<vmem_shared>> -> memref<64x128xf32, #tpu.memory_space<vmem_shared>>
      %dma_wait3A_85 = arith.constant 0 : i32
      %dma_wait3A_86 = arith.constant 0 : i32
      %dma_wait3A_87 = tpu.memref_slice %arg8[%run_scoped3A_31, %dma_wait3A_85, %dma_wait3A_86] : memref<4x64x128xf32, #tpu.memory_space<vmem>> -> memref<1x64x128xf32, #tpu.memory_space<vmem>>
      %dma_wait3A_88 = tpu.memref_squeeze %dma_wait3A_87 : memref<1x64x128xf32, #tpu.memory_space<vmem>> -> memref<64x128xf32, #tpu.memory_space<vmem>>
      tpu.wait_dma2 semaphore(%run_scoped3A_66 : memref<!tpu.dma_semaphore, #tpu.memory_space<semaphore_mem>>) src(%dma_wait3A_88 : memref<64x128xf32, #tpu.memory_space<vmem>>) dst(%dma_wait3A_84 : memref<64x128xf32, #tpu.memory_space<vmem_shared>>)
      tpu.yield
    }) : () -> ()
    %add3A_32 = arith.constant 448 : i32
    %add3A_33 = arith.addi %mul3A_0, %add3A_32 : i32
    %run_scoped3A_34 = arith.constant 0 : i32
    "tpu.region"() ({
      %run_scoped3A_66 = tpu.sem_alloc : memref<!tpu.dma_semaphore, #tpu.memory_space<semaphore_mem>>
      %dma_start3A = arith.constant 0 : i32
      %dma_start3A_67 = arith.constant 0 : i32
      %dma_start3A_68 = tpu.memref_slice %arg8[%run_scoped3A_34, %dma_start3A, %dma_start3A_67] : memref<4x64x128xf32, #tpu.memory_space<vmem>> -> memref<1x64x128xf32, #tpu.memory_space<vmem>>
      %dma_start3A_69 = tpu.memref_squeeze %dma_start3A_68 : memref<1x64x128xf32, #tpu.memory_space<vmem>> -> memref<64x128xf32, #tpu.memory_space<vmem>>
      %dma_start3A_70 = arith.constant 0 : i32
      %dma_start3A_71 = tpu.memref_slice %arg9[%add3A_33, %dma_start3A_70] : memref<10240x128xf32, #tpu.memory_space<vmem_shared>> -> memref<64x128xf32, #tpu.memory_space<vmem_shared>>
      %dma_start3A_72 = arith.constant 0 : i32
      %dma_start3A_73 = tpu.memref_slice %arg9[%add3A_33, %dma_start3A_72] : memref<10240x128xf32, #tpu.memory_space<vmem_shared>> -> memref<64x128xf32, #tpu.memory_space<vmem_shared>>
      %dma_start3A_74 = arith.constant 0 : i32
      %dma_start3A_75 = arith.constant 0 : i32
      %dma_start3A_76 = tpu.memref_slice %arg8[%run_scoped3A_34, %dma_start3A_74, %dma_start3A_75] : memref<4x64x128xf32, #tpu.memory_space<vmem>> -> memref<1x64x128xf32, #tpu.memory_space<vmem>>
      %dma_start3A_77 = tpu.memref_squeeze %dma_start3A_76 : memref<1x64x128xf32, #tpu.memory_space<vmem>> -> memref<64x128xf32, #tpu.memory_space<vmem>>
      tpu.enqueue_dma source(%dma_start3A_77 : memref<64x128xf32, #tpu.memory_space<vmem>>) target(%dma_start3A_73 : memref<64x128xf32, #tpu.memory_space<vmem_shared>>) target_semaphore(%run_scoped3A_66 : memref<!tpu.dma_semaphore, #tpu.memory_space<semaphore_mem>>)
      %dma_wait3A = arith.constant 0 : i32
      %dma_wait3A_78 = arith.constant 0 : i32
      %dma_wait3A_79 = tpu.memref_slice %arg8[%run_scoped3A_34, %dma_wait3A, %dma_wait3A_78] : memref<4x64x128xf32, #tpu.memory_space<vmem>> -> memref<1x64x128xf32, #tpu.memory_space<vmem>>
      %dma_wait3A_80 = tpu.memref_squeeze %dma_wait3A_79 : memref<1x64x128xf32, #tpu.memory_space<vmem>> -> memref<64x128xf32, #tpu.memory_space<vmem>>
      %dma_wait3A_81 = arith.constant 0 : i32
      %dma_wait3A_82 = tpu.memref_slice %arg9[%add3A_33, %dma_wait3A_81] : memref<10240x128xf32, #tpu.memory_space<vmem_shared>> -> memref<64x128xf32, #tpu.memory_space<vmem_shared>>
      %dma_wait3A_83 = arith.constant 0 : i32
      %dma_wait3A_84 = tpu.memref_slice %arg9[%add3A_33, %dma_wait3A_83] : memref<10240x128xf32, #tpu.memory_space<vmem_shared>> -> memref<64x128xf32, #tpu.memory_space<vmem_shared>>
      %dma_wait3A_85 = arith.constant 0 : i32
      %dma_wait3A_86 = arith.constant 0 : i32
      %dma_wait3A_87 = tpu.memref_slice %arg8[%run_scoped3A_34, %dma_wait3A_85, %dma_wait3A_86] : memref<4x64x128xf32, #tpu.memory_space<vmem>> -> memref<1x64x128xf32, #tpu.memory_space<vmem>>
      %dma_wait3A_88 = tpu.memref_squeeze %dma_wait3A_87 : memref<1x64x128xf32, #tpu.memory_space<vmem>> -> memref<64x128xf32, #tpu.memory_space<vmem>>
      tpu.wait_dma2 semaphore(%run_scoped3A_66 : memref<!tpu.dma_semaphore, #tpu.memory_space<semaphore_mem>>) src(%dma_wait3A_88 : memref<64x128xf32, #tpu.memory_space<vmem>>) dst(%dma_wait3A_84 : memref<64x128xf32, #tpu.memory_space<vmem_shared>>)
      tpu.yield
    }) : () -> ()
    %add3A_35 = arith.constant 512 : i32
    %add3A_36 = arith.addi %mul3A_0, %add3A_35 : i32
    %run_scoped3A_37 = arith.constant 0 : i32
    "tpu.region"() ({
      %run_scoped3A_66 = tpu.sem_alloc : memref<!tpu.dma_semaphore, #tpu.memory_space<semaphore_mem>>
      %dma_start3A = arith.constant 0 : i32
      %dma_start3A_67 = arith.constant 0 : i32
      %dma_start3A_68 = tpu.memref_slice %arg8[%run_scoped3A_37, %dma_start3A, %dma_start3A_67] : memref<4x64x128xf32, #tpu.memory_space<vmem>> -> memref<1x64x128xf32, #tpu.memory_space<vmem>>
      %dma_start3A_69 = tpu.memref_squeeze %dma_start3A_68 : memref<1x64x128xf32, #tpu.memory_space<vmem>> -> memref<64x128xf32, #tpu.memory_space<vmem>>
      %dma_start3A_70 = arith.constant 0 : i32
      %dma_start3A_71 = tpu.memref_slice %arg9[%add3A_36, %dma_start3A_70] : memref<10240x128xf32, #tpu.memory_space<vmem_shared>> -> memref<64x128xf32, #tpu.memory_space<vmem_shared>>
      %dma_start3A_72 = arith.constant 0 : i32
      %dma_start3A_73 = tpu.memref_slice %arg9[%add3A_36, %dma_start3A_72] : memref<10240x128xf32, #tpu.memory_space<vmem_shared>> -> memref<64x128xf32, #tpu.memory_space<vmem_shared>>
      %dma_start3A_74 = arith.constant 0 : i32
      %dma_start3A_75 = arith.constant 0 : i32
      %dma_start3A_76 = tpu.memref_slice %arg8[%run_scoped3A_37, %dma_start3A_74, %dma_start3A_75] : memref<4x64x128xf32, #tpu.memory_space<vmem>> -> memref<1x64x128xf32, #tpu.memory_space<vmem>>
      %dma_start3A_77 = tpu.memref_squeeze %dma_start3A_76 : memref<1x64x128xf32, #tpu.memory_space<vmem>> -> memref<64x128xf32, #tpu.memory_space<vmem>>
      tpu.enqueue_dma source(%dma_start3A_77 : memref<64x128xf32, #tpu.memory_space<vmem>>) target(%dma_start3A_73 : memref<64x128xf32, #tpu.memory_space<vmem_shared>>) target_semaphore(%run_scoped3A_66 : memref<!tpu.dma_semaphore, #tpu.memory_space<semaphore_mem>>)
      %dma_wait3A = arith.constant 0 : i32
      %dma_wait3A_78 = arith.constant 0 : i32
      %dma_wait3A_79 = tpu.memref_slice %arg8[%run_scoped3A_37, %dma_wait3A, %dma_wait3A_78] : memref<4x64x128xf32, #tpu.memory_space<vmem>> -> memref<1x64x128xf32, #tpu.memory_space<vmem>>
      %dma_wait3A_80 = tpu.memref_squeeze %dma_wait3A_79 : memref<1x64x128xf32, #tpu.memory_space<vmem>> -> memref<64x128xf32, #tpu.memory_space<vmem>>
      %dma_wait3A_81 = arith.constant 0 : i32
      %dma_wait3A_82 = tpu.memref_slice %arg9[%add3A_36, %dma_wait3A_81] : memref<10240x128xf32, #tpu.memory_space<vmem_shared>> -> memref<64x128xf32, #tpu.memory_space<vmem_shared>>
      %dma_wait3A_83 = arith.constant 0 : i32
      %dma_wait3A_84 = tpu.memref_slice %arg9[%add3A_36, %dma_wait3A_83] : memref<10240x128xf32, #tpu.memory_space<vmem_shared>> -> memref<64x128xf32, #tpu.memory_space<vmem_shared>>
      %dma_wait3A_85 = arith.constant 0 : i32
      %dma_wait3A_86 = arith.constant 0 : i32
      %dma_wait3A_87 = tpu.memref_slice %arg8[%run_scoped3A_37, %dma_wait3A_85, %dma_wait3A_86] : memref<4x64x128xf32, #tpu.memory_space<vmem>> -> memref<1x64x128xf32, #tpu.memory_space<vmem>>
      %dma_wait3A_88 = tpu.memref_squeeze %dma_wait3A_87 : memref<1x64x128xf32, #tpu.memory_space<vmem>> -> memref<64x128xf32, #tpu.memory_space<vmem>>
      tpu.wait_dma2 semaphore(%run_scoped3A_66 : memref<!tpu.dma_semaphore, #tpu.memory_space<semaphore_mem>>) src(%dma_wait3A_88 : memref<64x128xf32, #tpu.memory_space<vmem>>) dst(%dma_wait3A_84 : memref<64x128xf32, #tpu.memory_space<vmem_shared>>)
      tpu.yield
    }) : () -> ()
    %add3A_38 = arith.constant 576 : i32
    %add3A_39 = arith.addi %mul3A_0, %add3A_38 : i32
    %run_scoped3A_40 = arith.constant 0 : i32
    "tpu.region"() ({
      %run_scoped3A_66 = tpu.sem_alloc : memref<!tpu.dma_semaphore, #tpu.memory_space<semaphore_mem>>
      %dma_start3A = arith.constant 0 : i32
      %dma_start3A_67 = arith.constant 0 : i32
      %dma_start3A_68 = tpu.memref_slice %arg8[%run_scoped3A_40, %dma_start3A, %dma_start3A_67] : memref<4x64x128xf32, #tpu.memory_space<vmem>> -> memref<1x64x128xf32, #tpu.memory_space<vmem>>
      %dma_start3A_69 = tpu.memref_squeeze %dma_start3A_68 : memref<1x64x128xf32, #tpu.memory_space<vmem>> -> memref<64x128xf32, #tpu.memory_space<vmem>>
      %dma_start3A_70 = arith.constant 0 : i32
      %dma_start3A_71 = tpu.memref_slice %arg9[%add3A_39, %dma_start3A_70] : memref<10240x128xf32, #tpu.memory_space<vmem_shared>> -> memref<64x128xf32, #tpu.memory_space<vmem_shared>>
      %dma_start3A_72 = arith.constant 0 : i32
      %dma_start3A_73 = tpu.memref_slice %arg9[%add3A_39, %dma_start3A_72] : memref<10240x128xf32, #tpu.memory_space<vmem_shared>> -> memref<64x128xf32, #tpu.memory_space<vmem_shared>>
      %dma_start3A_74 = arith.constant 0 : i32
      %dma_start3A_75 = arith.constant 0 : i32
      %dma_start3A_76 = tpu.memref_slice %arg8[%run_scoped3A_40, %dma_start3A_74, %dma_start3A_75] : memref<4x64x128xf32, #tpu.memory_space<vmem>> -> memref<1x64x128xf32, #tpu.memory_space<vmem>>
      %dma_start3A_77 = tpu.memref_squeeze %dma_start3A_76 : memref<1x64x128xf32, #tpu.memory_space<vmem>> -> memref<64x128xf32, #tpu.memory_space<vmem>>
      tpu.enqueue_dma source(%dma_start3A_77 : memref<64x128xf32, #tpu.memory_space<vmem>>) target(%dma_start3A_73 : memref<64x128xf32, #tpu.memory_space<vmem_shared>>) target_semaphore(%run_scoped3A_66 : memref<!tpu.dma_semaphore, #tpu.memory_space<semaphore_mem>>)
      %dma_wait3A = arith.constant 0 : i32
      %dma_wait3A_78 = arith.constant 0 : i32
      %dma_wait3A_79 = tpu.memref_slice %arg8[%run_scoped3A_40, %dma_wait3A, %dma_wait3A_78] : memref<4x64x128xf32, #tpu.memory_space<vmem>> -> memref<1x64x128xf32, #tpu.memory_space<vmem>>
      %dma_wait3A_80 = tpu.memref_squeeze %dma_wait3A_79 : memref<1x64x128xf32, #tpu.memory_space<vmem>> -> memref<64x128xf32, #tpu.memory_space<vmem>>
      %dma_wait3A_81 = arith.constant 0 : i32
      %dma_wait3A_82 = tpu.memref_slice %arg9[%add3A_39, %dma_wait3A_81] : memref<10240x128xf32, #tpu.memory_space<vmem_shared>> -> memref<64x128xf32, #tpu.memory_space<vmem_shared>>
      %dma_wait3A_83 = arith.constant 0 : i32
      %dma_wait3A_84 = tpu.memref_slice %arg9[%add3A_39, %dma_wait3A_83] : memref<10240x128xf32, #tpu.memory_space<vmem_shared>> -> memref<64x128xf32, #tpu.memory_space<vmem_shared>>
      %dma_wait3A_85 = arith.constant 0 : i32
      %dma_wait3A_86 = arith.constant 0 : i32
      %dma_wait3A_87 = tpu.memref_slice %arg8[%run_scoped3A_40, %dma_wait3A_85, %dma_wait3A_86] : memref<4x64x128xf32, #tpu.memory_space<vmem>> -> memref<1x64x128xf32, #tpu.memory_space<vmem>>
      %dma_wait3A_88 = tpu.memref_squeeze %dma_wait3A_87 : memref<1x64x128xf32, #tpu.memory_space<vmem>> -> memref<64x128xf32, #tpu.memory_space<vmem>>
      tpu.wait_dma2 semaphore(%run_scoped3A_66 : memref<!tpu.dma_semaphore, #tpu.memory_space<semaphore_mem>>) src(%dma_wait3A_88 : memref<64x128xf32, #tpu.memory_space<vmem>>) dst(%dma_wait3A_84 : memref<64x128xf32, #tpu.memory_space<vmem_shared>>)
      tpu.yield
    }) : () -> ()
    %barrier3A = arith.constant 0 : index
    tpu.barrier barrier_id(%barrier3A)
    %mul3A_41 = arith.constant 0 : i32
    %mul3A_42 = arith.muli %arg0, %mul3A_41 : i32
    %add3A_43 = arith.constant 4 : i32
    %add3A_44 = arith.addi %add3A_43, %mul3A_42 : i32
    %sub3A_45 = arith.constant 0 : i32
    %sub3A_46 = arith.subi %add3A_44, %sub3A_45 : i32
    %sub3A_47 = arith.constant 1 : i32
    %sub3A_48 = arith.constant 1 : i32
    %sub3A_49 = arith.subi %sub3A_47, %sub3A_48 : i32
    %add3A_50 = arith.addi %sub3A_46, %sub3A_49 : i32
    %div3A = arith.constant 1 : i32
    %div3A_51 = arith.divsi %add3A_50, %div3A : i32
    %while3A = arith.constant 1 : i32
    %while3A_52 = arith.constant 0 : i32
    %while3A_53 = arith.constant 0 : i32
    %while3A_54 = arith.subi %div3A_51, %while3A_53 : i32
    %while3A_55 = arith.addi %while3A_53, %while3A_54 : i32
    %while3A_56 = arith.constant 1 : i32
    %while3A_57 = arith.divsi %while3A_54, %while3A_56 : i32
    %while3A_58 = arith.muli %while3A_57, %while3A_56 : i32
    %while3A_59 = arith.addi %while3A_53, %while3A_58 : i32
    %while3A_60 = arith.constant 1 : i32
    scf.for %while3A_66 = %while3A_53 to %while3A_59 step %while3A_60  : i32 {
      %mul3A_67 = arith.muli %while3A_66, %while3A : i32
      %add3A_68 = arith.addi %while3A_52, %mul3A_67 : i32
      %add3A_69 = arith.addi %add3A_7, %add3A_68 : i32
      "tpu.region"() ({
        %run_scoped3A_193 = tpu.sem_alloc : memref<!tpu.dma_semaphore, #tpu.memory_space<semaphore_mem>>
        %dma_start3A_194 = arith.constant 0 : i32
        %dma_start3A_195 = arith.constant 0 : i32
        %dma_start3A_196 = tpu.memref_slice %arg3[%add3A_69, %dma_start3A_194, %dma_start3A_195] : memref<128x40x64xi32, #tpu.memory_space<hbm>> -> memref<1x40x64xi32, #tpu.memory_space<hbm>>
        %dma_start3A_197 = tpu.memref_squeeze %dma_start3A_196 : memref<1x40x64xi32, #tpu.memory_space<hbm>> -> memref<40x64xi32, #tpu.memory_space<hbm>>
        %dma_start3A_198 = arith.constant 0 : i32
        %dma_start3A_199 = arith.constant 0 : i32
        %dma_start3A_200 = tpu.memref_slice %arg3[%add3A_69, %dma_start3A_198, %dma_start3A_199] : memref<128x40x64xi32, #tpu.memory_space<hbm>> -> memref<1x40x64xi32, #tpu.memory_space<hbm>>
        %dma_start3A_201 = tpu.memref_squeeze %dma_start3A_200 : memref<1x40x64xi32, #tpu.memory_space<hbm>> -> memref<40x64xi32, #tpu.memory_space<hbm>>
        tpu.enqueue_dma source(%dma_start3A_201 : memref<40x64xi32, #tpu.memory_space<hbm>>) target(%arg6 : memref<40x64xi32, #tpu.memory_space<vmem>>) target_semaphore(%run_scoped3A_193 : memref<!tpu.dma_semaphore, #tpu.memory_space<semaphore_mem>>)
        %dma_wait3A_202 = arith.constant 0 : i32
        %dma_wait3A_203 = arith.constant 0 : i32
        %dma_wait3A_204 = tpu.memref_slice %arg3[%add3A_69, %dma_wait3A_202, %dma_wait3A_203] : memref<128x40x64xi32, #tpu.memory_space<hbm>> -> memref<1x40x64xi32, #tpu.memory_space<hbm>>
        %dma_wait3A_205 = tpu.memref_squeeze %dma_wait3A_204 : memref<1x40x64xi32, #tpu.memory_space<hbm>> -> memref<40x64xi32, #tpu.memory_space<hbm>>
        %dma_wait3A_206 = arith.constant 0 : i32
        %dma_wait3A_207 = arith.constant 0 : i32
        %dma_wait3A_208 = tpu.memref_slice %arg3[%add3A_69, %dma_wait3A_206, %dma_wait3A_207] : memref<128x40x64xi32, #tpu.memory_space<hbm>> -> memref<1x40x64xi32, #tpu.memory_space<hbm>>
        %dma_wait3A_209 = tpu.memref_squeeze %dma_wait3A_208 : memref<1x40x64xi32, #tpu.memory_space<hbm>> -> memref<40x64xi32, #tpu.memory_space<hbm>>
        tpu.wait_dma2 semaphore(%run_scoped3A_193 : memref<!tpu.dma_semaphore, #tpu.memory_space<semaphore_mem>>) src(%dma_wait3A_209 : memref<40x64xi32, #tpu.memory_space<hbm>>) dst(%arg6 : memref<40x64xi32, #tpu.memory_space<vmem>>)
        tpu.yield
      }) : () -> ()
      "tpu.region"() ({
        %run_scoped3A_193 = tpu.sem_alloc : memref<!tpu.dma_semaphore, #tpu.memory_space<semaphore_mem>>
        %dma_start3A_194 = arith.constant 0 : i32
        %dma_start3A_195 = arith.constant 0 : i32
        %dma_start3A_196 = tpu.memref_slice %arg4[%add3A_69, %dma_start3A_194, %dma_start3A_195] : memref<128x40x64xi32, #tpu.memory_space<hbm>> -> memref<1x40x64xi32, #tpu.memory_space<hbm>>
        %dma_start3A_197 = tpu.memref_squeeze %dma_start3A_196 : memref<1x40x64xi32, #tpu.memory_space<hbm>> -> memref<40x64xi32, #tpu.memory_space<hbm>>
        %dma_start3A_198 = arith.constant 0 : i32
        %dma_start3A_199 = arith.constant 0 : i32
        %dma_start3A_200 = tpu.memref_slice %arg4[%add3A_69, %dma_start3A_198, %dma_start3A_199] : memref<128x40x64xi32, #tpu.memory_space<hbm>> -> memref<1x40x64xi32, #tpu.memory_space<hbm>>
        %dma_start3A_201 = tpu.memref_squeeze %dma_start3A_200 : memref<1x40x64xi32, #tpu.memory_space<hbm>> -> memref<40x64xi32, #tpu.memory_space<hbm>>
        tpu.enqueue_dma source(%dma_start3A_201 : memref<40x64xi32, #tpu.memory_space<hbm>>) target(%arg7 : memref<40x64xi32, #tpu.memory_space<vmem>>) target_semaphore(%run_scoped3A_193 : memref<!tpu.dma_semaphore, #tpu.memory_space<semaphore_mem>>)
        %dma_wait3A_202 = arith.constant 0 : i32
        %dma_wait3A_203 = arith.constant 0 : i32
        %dma_wait3A_204 = tpu.memref_slice %arg4[%add3A_69, %dma_wait3A_202, %dma_wait3A_203] : memref<128x40x64xi32, #tpu.memory_space<hbm>> -> memref<1x40x64xi32, #tpu.memory_space<hbm>>
        %dma_wait3A_205 = tpu.memref_squeeze %dma_wait3A_204 : memref<1x40x64xi32, #tpu.memory_space<hbm>> -> memref<40x64xi32, #tpu.memory_space<hbm>>
        %dma_wait3A_206 = arith.constant 0 : i32
        %dma_wait3A_207 = arith.constant 0 : i32
        %dma_wait3A_208 = tpu.memref_slice %arg4[%add3A_69, %dma_wait3A_206, %dma_wait3A_207] : memref<128x40x64xi32, #tpu.memory_space<hbm>> -> memref<1x40x64xi32, #tpu.memory_space<hbm>>
        %dma_wait3A_209 = tpu.memref_squeeze %dma_wait3A_208 : memref<1x40x64xi32, #tpu.memory_space<hbm>> -> memref<40x64xi32, #tpu.memory_space<hbm>>
        tpu.wait_dma2 semaphore(%run_scoped3A_193 : memref<!tpu.dma_semaphore, #tpu.memory_space<semaphore_mem>>) src(%dma_wait3A_209 : memref<40x64xi32, #tpu.memory_space<hbm>>) dst(%arg7 : memref<40x64xi32, #tpu.memory_space<vmem>>)
        tpu.yield
      }) : () -> ()
      %dma_start3A = arith.constant 0 : i32
      %dma_start3A_70 = arith.constant 0 : i32
      %dma_start3A_71 = arith.constant 0 : i32
      %dma_start3A_72 = arith.constant 0 : i32
      %dma_start3A_73 = arith.constant 0 : i32
      %dma_start3A_74 = tpu.memref_slice %arg8[%dma_start3A_70, %dma_start3A_72, %dma_start3A_73] : memref<4x64x128xf32, #tpu.memory_space<vmem>> -> memref<1x64x128xf32, #tpu.memory_space<vmem>>
      %dma_start3A_75 = tpu.memref_squeeze %dma_start3A_74 : memref<1x64x128xf32, #tpu.memory_space<vmem>> -> memref<64x128xf32, #tpu.memory_space<vmem>>
      %dma_start3A_76 = arith.constant 0 : i32
      %dma_start3A_77 = tpu.memref_slice %arg6[%dma_start3A, %dma_start3A_76] : memref<40x64xi32, #tpu.memory_space<vmem>> -> memref<1x64xi32, #tpu.memory_space<vmem>>
      %dma_start3A_78 = tpu.memref_squeeze %dma_start3A_77 : memref<1x64xi32, #tpu.memory_space<vmem>> -> memref<64xi32, #tpu.memory_space<vmem>>
      %dma_start3A_79 = arith.constant 0 : i32
      %dma_start3A_80 = arith.constant 0 : i32
      %dma_start3A_81 = tpu.memref_slice %arg2[%dma_start3A_79, %dma_start3A_80] : memref<10000x128xf32, #tpu.memory_space<hbm>> -> memref<10000x128xf32, #tpu.memory_space<hbm>>
      %dma_start3A_82 = tpu.memref_slice %arg10[%dma_start3A_71] : memref<4x!tpu.dma_semaphore, #tpu.memory_space<semaphore_mem>> -> memref<1x!tpu.dma_semaphore, #tpu.memory_space<semaphore_mem>>
      %dma_start3A_83 = tpu.memref_squeeze %dma_start3A_82 : memref<1x!tpu.dma_semaphore, #tpu.memory_space<semaphore_mem>> -> memref<!tpu.dma_semaphore, #tpu.memory_space<semaphore_mem>>
      tpu.enqueue_indirect_dma source(%dma_start3A_81 : memref<10000x128xf32, #tpu.memory_space<hbm>>) target(%dma_start3A_75 : memref<64x128xf32, #tpu.memory_space<vmem>>) offsets(%dma_start3A_78 : memref<64xi32, #tpu.memory_space<vmem>>) semaphore(%dma_start3A_83 : memref<!tpu.dma_semaphore, #tpu.memory_space<semaphore_mem>>)
      %dma_start3A_84 = arith.constant 1 : i32
      %dma_start3A_85 = arith.constant 1 : i32
      %dma_start3A_86 = arith.constant 1 : i32
      %dma_start3A_87 = arith.constant 0 : i32
      %dma_start3A_88 = arith.constant 0 : i32
      %dma_start3A_89 = tpu.memref_slice %arg8[%dma_start3A_85, %dma_start3A_87, %dma_start3A_88] : memref<4x64x128xf32, #tpu.memory_space<vmem>> -> memref<1x64x128xf32, #tpu.memory_space<vmem>>
      %dma_start3A_90 = tpu.memref_squeeze %dma_start3A_89 : memref<1x64x128xf32, #tpu.memory_space<vmem>> -> memref<64x128xf32, #tpu.memory_space<vmem>>
      %dma_start3A_91 = arith.constant 0 : i32
      %dma_start3A_92 = tpu.memref_slice %arg6[%dma_start3A_84, %dma_start3A_91] : memref<40x64xi32, #tpu.memory_space<vmem>> -> memref<1x64xi32, #tpu.memory_space<vmem>>
      %dma_start3A_93 = tpu.memref_squeeze %dma_start3A_92 : memref<1x64xi32, #tpu.memory_space<vmem>> -> memref<64xi32, #tpu.memory_space<vmem>>
      %dma_start3A_94 = arith.constant 0 : i32
      %dma_start3A_95 = arith.constant 0 : i32
      %dma_start3A_96 = tpu.memref_slice %arg2[%dma_start3A_94, %dma_start3A_95] : memref<10000x128xf32, #tpu.memory_space<hbm>> -> memref<10000x128xf32, #tpu.memory_space<hbm>>
      %dma_start3A_97 = tpu.memref_slice %arg10[%dma_start3A_86] : memref<4x!tpu.dma_semaphore, #tpu.memory_space<semaphore_mem>> -> memref<1x!tpu.dma_semaphore, #tpu.memory_space<semaphore_mem>>
      %dma_start3A_98 = tpu.memref_squeeze %dma_start3A_97 : memref<1x!tpu.dma_semaphore, #tpu.memory_space<semaphore_mem>> -> memref<!tpu.dma_semaphore, #tpu.memory_space<semaphore_mem>>
      tpu.enqueue_indirect_dma source(%dma_start3A_96 : memref<10000x128xf32, #tpu.memory_space<hbm>>) target(%dma_start3A_90 : memref<64x128xf32, #tpu.memory_space<vmem>>) offsets(%dma_start3A_93 : memref<64xi32, #tpu.memory_space<vmem>>) semaphore(%dma_start3A_98 : memref<!tpu.dma_semaphore, #tpu.memory_space<semaphore_mem>>)
      %dma_start3A_99 = arith.constant 2 : i32
      %dma_start3A_100 = arith.constant 2 : i32
      %dma_start3A_101 = arith.constant 2 : i32
      %dma_start3A_102 = arith.constant 0 : i32
      %dma_start3A_103 = arith.constant 0 : i32
      %dma_start3A_104 = tpu.memref_slice %arg8[%dma_start3A_100, %dma_start3A_102, %dma_start3A_103] : memref<4x64x128xf32, #tpu.memory_space<vmem>> -> memref<1x64x128xf32, #tpu.memory_space<vmem>>
      %dma_start3A_105 = tpu.memref_squeeze %dma_start3A_104 : memref<1x64x128xf32, #tpu.memory_space<vmem>> -> memref<64x128xf32, #tpu.memory_space<vmem>>
      %dma_start3A_106 = arith.constant 0 : i32
      %dma_start3A_107 = tpu.memref_slice %arg6[%dma_start3A_99, %dma_start3A_106] : memref<40x64xi32, #tpu.memory_space<vmem>> -> memref<1x64xi32, #tpu.memory_space<vmem>>
      %dma_start3A_108 = tpu.memref_squeeze %dma_start3A_107 : memref<1x64xi32, #tpu.memory_space<vmem>> -> memref<64xi32, #tpu.memory_space<vmem>>
      %dma_start3A_109 = arith.constant 0 : i32
      %dma_start3A_110 = arith.constant 0 : i32
      %dma_start3A_111 = tpu.memref_slice %arg2[%dma_start3A_109, %dma_start3A_110] : memref<10000x128xf32, #tpu.memory_space<hbm>> -> memref<10000x128xf32, #tpu.memory_space<hbm>>
      %dma_start3A_112 = tpu.memref_slice %arg10[%dma_start3A_101] : memref<4x!tpu.dma_semaphore, #tpu.memory_space<semaphore_mem>> -> memref<1x!tpu.dma_semaphore, #tpu.memory_space<semaphore_mem>>
      %dma_start3A_113 = tpu.memref_squeeze %dma_start3A_112 : memref<1x!tpu.dma_semaphore, #tpu.memory_space<semaphore_mem>> -> memref<!tpu.dma_semaphore, #tpu.memory_space<semaphore_mem>>
      tpu.enqueue_indirect_dma source(%dma_start3A_111 : memref<10000x128xf32, #tpu.memory_space<hbm>>) target(%dma_start3A_105 : memref<64x128xf32, #tpu.memory_space<vmem>>) offsets(%dma_start3A_108 : memref<64xi32, #tpu.memory_space<vmem>>) semaphore(%dma_start3A_113 : memref<!tpu.dma_semaphore, #tpu.memory_space<semaphore_mem>>)
      %dma_start3A_114 = arith.constant 3 : i32
      %dma_start3A_115 = arith.constant 3 : i32
      %dma_start3A_116 = arith.constant 3 : i32
      %dma_start3A_117 = arith.constant 0 : i32
      %dma_start3A_118 = arith.constant 0 : i32
      %dma_start3A_119 = tpu.memref_slice %arg8[%dma_start3A_115, %dma_start3A_117, %dma_start3A_118] : memref<4x64x128xf32, #tpu.memory_space<vmem>> -> memref<1x64x128xf32, #tpu.memory_space<vmem>>
      %dma_start3A_120 = tpu.memref_squeeze %dma_start3A_119 : memref<1x64x128xf32, #tpu.memory_space<vmem>> -> memref<64x128xf32, #tpu.memory_space<vmem>>
      %dma_start3A_121 = arith.constant 0 : i32
      %dma_start3A_122 = tpu.memref_slice %arg6[%dma_start3A_114, %dma_start3A_121] : memref<40x64xi32, #tpu.memory_space<vmem>> -> memref<1x64xi32, #tpu.memory_space<vmem>>
      %dma_start3A_123 = tpu.memref_squeeze %dma_start3A_122 : memref<1x64xi32, #tpu.memory_space<vmem>> -> memref<64xi32, #tpu.memory_space<vmem>>
      %dma_start3A_124 = arith.constant 0 : i32
      %dma_start3A_125 = arith.constant 0 : i32
      %dma_start3A_126 = tpu.memref_slice %arg2[%dma_start3A_124, %dma_start3A_125] : memref<10000x128xf32, #tpu.memory_space<hbm>> -> memref<10000x128xf32, #tpu.memory_space<hbm>>
      %dma_start3A_127 = tpu.memref_slice %arg10[%dma_start3A_116] : memref<4x!tpu.dma_semaphore, #tpu.memory_space<semaphore_mem>> -> memref<1x!tpu.dma_semaphore, #tpu.memory_space<semaphore_mem>>
      %dma_start3A_128 = tpu.memref_squeeze %dma_start3A_127 : memref<1x!tpu.dma_semaphore, #tpu.memory_space<semaphore_mem>> -> memref<!tpu.dma_semaphore, #tpu.memory_space<semaphore_mem>>
      tpu.enqueue_indirect_dma source(%dma_start3A_126 : memref<10000x128xf32, #tpu.memory_space<hbm>>) target(%dma_start3A_120 : memref<64x128xf32, #tpu.memory_space<vmem>>) offsets(%dma_start3A_123 : memref<64xi32, #tpu.memory_space<vmem>>) semaphore(%dma_start3A_128 : memref<!tpu.dma_semaphore, #tpu.memory_space<semaphore_mem>>)
      %scan3A_129 = arith.constant 0 : i32
      %scan3A_130 = arith.constant 10 : i32
      %scan3A_131 = arith.addi %scan3A_129, %scan3A_130 : i32
      %scan3A_132 = arith.constant 1 : i32
      scf.for %scan3A_193 = %scan3A_129 to %scan3A_131 step %scan3A_132  : i32 {
        %mul3A_194 = arith.constant 1 : i32
        %mul3A_195 = arith.muli %scan3A_193, %mul3A_194 : i32
        %add3A_196 = arith.constant 0 : i32
        %add3A_197 = arith.addi %add3A_196, %mul3A_195 : i32
        %mul3A_198 = arith.constant 4 : i32
        %mul3A_199 = arith.muli %add3A_197, %mul3A_198 : i32
        %add3A_200 = arith.constant 0 : i32
        %add3A_201 = arith.addi %mul3A_199, %add3A_200 : i32
        %dma_wait3A_202 = arith.constant 0 : i32
        %dma_wait3A_203 = arith.constant 0 : i32
        %dma_wait3A_204 = arith.constant 0 : i32
        %dma_wait3A_205 = arith.constant 0 : i32
        %dma_wait3A_206 = tpu.memref_slice %arg8[%dma_wait3A_202, %dma_wait3A_204, %dma_wait3A_205] : memref<4x64x128xf32, #tpu.memory_space<vmem>> -> memref<1x64x128xf32, #tpu.memory_space<vmem>>
        %dma_wait3A_207 = tpu.memref_squeeze %dma_wait3A_206 : memref<1x64x128xf32, #tpu.memory_space<vmem>> -> memref<64x128xf32, #tpu.memory_space<vmem>>
        %dma_wait3A_208 = arith.constant 0 : i32
        %dma_wait3A_209 = tpu.memref_slice %arg6[%add3A_201, %dma_wait3A_208] : memref<40x64xi32, #tpu.memory_space<vmem>> -> memref<1x64xi32, #tpu.memory_space<vmem>>
        %dma_wait3A_210 = tpu.memref_squeeze %dma_wait3A_209 : memref<1x64xi32, #tpu.memory_space<vmem>> -> memref<64xi32, #tpu.memory_space<vmem>>
        %dma_wait3A_211 = arith.constant 0 : i32
        %dma_wait3A_212 = arith.constant 0 : i32
        %dma_wait3A_213 = tpu.memref_slice %arg2[%dma_wait3A_211, %dma_wait3A_212] : memref<10000x128xf32, #tpu.memory_space<hbm>> -> memref<10000x128xf32, #tpu.memory_space<hbm>>
        %dma_wait3A_214 = tpu.memref_slice %arg10[%dma_wait3A_203] : memref<4x!tpu.dma_semaphore, #tpu.memory_space<semaphore_mem>> -> memref<1x!tpu.dma_semaphore, #tpu.memory_space<semaphore_mem>>
        %dma_wait3A_215 = tpu.memref_squeeze %dma_wait3A_214 : memref<1x!tpu.dma_semaphore, #tpu.memory_space<semaphore_mem>> -> memref<!tpu.dma_semaphore, #tpu.memory_space<semaphore_mem>>
        tpu.wait_indirect_dma semaphore(%dma_wait3A_215 : memref<!tpu.dma_semaphore, #tpu.memory_space<semaphore_mem>>) src(%dma_wait3A_213 : memref<10000x128xf32, #tpu.memory_space<hbm>>) dst(%dma_wait3A_207 : memref<64x128xf32, #tpu.memory_space<vmem>>)
        %dma_start3A_216 = arith.constant 0 : i32
        %dma_start3A_217 = arith.constant 0 : i32
        %dma_start3A_218 = arith.constant 0 : i32
        %dma_start3A_219 = arith.constant 0 : i32
        %dma_start3A_220 = tpu.memref_slice %arg8[%dma_start3A_216, %dma_start3A_218, %dma_start3A_219] : memref<4x64x128xf32, #tpu.memory_space<vmem>> -> memref<1x64x128xf32, #tpu.memory_space<vmem>>
        %dma_start3A_221 = tpu.memref_squeeze %dma_start3A_220 : memref<1x64x128xf32, #tpu.memory_space<vmem>> -> memref<64x128xf32, #tpu.memory_space<vmem>>
        %dma_start3A_222 = arith.constant 0 : i32
        %dma_start3A_223 = tpu.memref_slice %arg7[%add3A_201, %dma_start3A_222] : memref<40x64xi32, #tpu.memory_space<vmem>> -> memref<1x64xi32, #tpu.memory_space<vmem>>
        %dma_start3A_224 = tpu.memref_squeeze %dma_start3A_223 : memref<1x64xi32, #tpu.memory_space<vmem>> -> memref<64xi32, #tpu.memory_space<vmem>>
        %dma_start3A_225 = arith.constant 0 : i32
        %dma_start3A_226 = arith.constant 0 : i32
        %dma_start3A_227 = tpu.memref_slice %arg9[%dma_start3A_225, %dma_start3A_226] : memref<10240x128xf32, #tpu.memory_space<vmem_shared>> -> memref<10240x128xf32, #tpu.memory_space<vmem_shared>>
        %dma_start3A_228 = tpu.memref_slice %arg11[%dma_start3A_217] : memref<4x!tpu.dma_semaphore, #tpu.memory_space<semaphore_mem>> -> memref<1x!tpu.dma_semaphore, #tpu.memory_space<semaphore_mem>>
        %dma_start3A_229 = tpu.memref_squeeze %dma_start3A_228 : memref<1x!tpu.dma_semaphore, #tpu.memory_space<semaphore_mem>> -> memref<!tpu.dma_semaphore, #tpu.memory_space<semaphore_mem>>
        tpu.enqueue_indirect_dma source(%dma_start3A_221 : memref<64x128xf32, #tpu.memory_space<vmem>>) target(%dma_start3A_227 : memref<10240x128xf32, #tpu.memory_space<vmem_shared>>) offsets(%dma_start3A_224 : memref<64xi32, #tpu.memory_space<vmem>>) semaphore(%dma_start3A_229 : memref<!tpu.dma_semaphore, #tpu.memory_space<semaphore_mem>>) {add = true}
        %dma_wait3A_230 = arith.constant 0 : i32
        %dma_wait3A_231 = arith.constant 0 : i32
        %dma_wait3A_232 = arith.constant 0 : i32
        %dma_wait3A_233 = arith.constant 0 : i32
        %dma_wait3A_234 = tpu.memref_slice %arg8[%dma_wait3A_230, %dma_wait3A_232, %dma_wait3A_233] : memref<4x64x128xf32, #tpu.memory_space<vmem>> -> memref<1x64x128xf32, #tpu.memory_space<vmem>>
        %dma_wait3A_235 = tpu.memref_squeeze %dma_wait3A_234 : memref<1x64x128xf32, #tpu.memory_space<vmem>> -> memref<64x128xf32, #tpu.memory_space<vmem>>
        %dma_wait3A_236 = arith.constant 0 : i32
        %dma_wait3A_237 = tpu.memref_slice %arg7[%add3A_201, %dma_wait3A_236] : memref<40x64xi32, #tpu.memory_space<vmem>> -> memref<1x64xi32, #tpu.memory_space<vmem>>
        %dma_wait3A_238 = tpu.memref_squeeze %dma_wait3A_237 : memref<1x64xi32, #tpu.memory_space<vmem>> -> memref<64xi32, #tpu.memory_space<vmem>>
        %dma_wait3A_239 = arith.constant 0 : i32
        %dma_wait3A_240 = arith.constant 0 : i32
        %dma_wait3A_241 = tpu.memref_slice %arg9[%dma_wait3A_239, %dma_wait3A_240] : memref<10240x128xf32, #tpu.memory_space<vmem_shared>> -> memref<10240x128xf32, #tpu.memory_space<vmem_shared>>
        %dma_wait3A_242 = tpu.memref_slice %arg11[%dma_wait3A_231] : memref<4x!tpu.dma_semaphore, #tpu.memory_space<semaphore_mem>> -> memref<1x!tpu.dma_semaphore, #tpu.memory_space<semaphore_mem>>
        %dma_wait3A_243 = tpu.memref_squeeze %dma_wait3A_242 : memref<1x!tpu.dma_semaphore, #tpu.memory_space<semaphore_mem>> -> memref<!tpu.dma_semaphore, #tpu.memory_space<semaphore_mem>>
        tpu.wait_indirect_dma semaphore(%dma_wait3A_243 : memref<!tpu.dma_semaphore, #tpu.memory_space<semaphore_mem>>) src(%dma_wait3A_235 : memref<64x128xf32, #tpu.memory_space<vmem>>) dst(%dma_wait3A_241 : memref<10240x128xf32, #tpu.memory_space<vmem_shared>>)
        %add3A_244 = arith.constant 4 : i32
        %add3A_245 = arith.addi %mul3A_199, %add3A_244 : i32
        %add3A_246 = arith.constant 0 : i32
        %add3A_247 = arith.addi %add3A_245, %add3A_246 : i32
        %min3A = arith.constant 39 : i32
        %min3A_248 = arith.minsi %add3A_247, %min3A : i32
        %dma_start3A_249 = arith.constant 0 : i32
        %dma_start3A_250 = arith.constant 0 : i32
        %dma_start3A_251 = arith.constant 0 : i32
        %dma_start3A_252 = arith.constant 0 : i32
        %dma_start3A_253 = tpu.memref_slice %arg8[%dma_start3A_249, %dma_start3A_251, %dma_start3A_252] : memref<4x64x128xf32, #tpu.memory_space<vmem>> -> memref<1x64x128xf32, #tpu.memory_space<vmem>>
        %dma_start3A_254 = tpu.memref_squeeze %dma_start3A_253 : memref<1x64x128xf32, #tpu.memory_space<vmem>> -> memref<64x128xf32, #tpu.memory_space<vmem>>
        %dma_start3A_255 = arith.constant 0 : i32
        %dma_start3A_256 = tpu.memref_slice %arg6[%min3A_248, %dma_start3A_255] : memref<40x64xi32, #tpu.memory_space<vmem>> -> memref<1x64xi32, #tpu.memory_space<vmem>>
        %dma_start3A_257 = tpu.memref_squeeze %dma_start3A_256 : memref<1x64xi32, #tpu.memory_space<vmem>> -> memref<64xi32, #tpu.memory_space<vmem>>
        %dma_start3A_258 = arith.constant 0 : i32
        %dma_start3A_259 = arith.constant 0 : i32
        %dma_start3A_260 = tpu.memref_slice %arg2[%dma_start3A_258, %dma_start3A_259] : memref<10000x128xf32, #tpu.memory_space<hbm>> -> memref<10000x128xf32, #tpu.memory_space<hbm>>
        %dma_start3A_261 = tpu.memref_slice %arg10[%dma_start3A_250] : memref<4x!tpu.dma_semaphore, #tpu.memory_space<semaphore_mem>> -> memref<1x!tpu.dma_semaphore, #tpu.memory_space<semaphore_mem>>
        %dma_start3A_262 = tpu.memref_squeeze %dma_start3A_261 : memref<1x!tpu.dma_semaphore, #tpu.memory_space<semaphore_mem>> -> memref<!tpu.dma_semaphore, #tpu.memory_space<semaphore_mem>>
        tpu.enqueue_indirect_dma source(%dma_start3A_260 : memref<10000x128xf32, #tpu.memory_space<hbm>>) target(%dma_start3A_254 : memref<64x128xf32, #tpu.memory_space<vmem>>) offsets(%dma_start3A_257 : memref<64xi32, #tpu.memory_space<vmem>>) semaphore(%dma_start3A_262 : memref<!tpu.dma_semaphore, #tpu.memory_space<semaphore_mem>>)
        %add3A_263 = arith.constant 1 : i32
        %add3A_264 = arith.addi %mul3A_199, %add3A_263 : i32
        %dma_wait3A_265 = arith.constant 1 : i32
        %dma_wait3A_266 = arith.constant 1 : i32
        %dma_wait3A_267 = arith.constant 0 : i32
        %dma_wait3A_268 = arith.constant 0 : i32
        %dma_wait3A_269 = tpu.memref_slice %arg8[%dma_wait3A_265, %dma_wait3A_267, %dma_wait3A_268] : memref<4x64x128xf32, #tpu.memory_space<vmem>> -> memref<1x64x128xf32, #tpu.memory_space<vmem>>
        %dma_wait3A_270 = tpu.memref_squeeze %dma_wait3A_269 : memref<1x64x128xf32, #tpu.memory_space<vmem>> -> memref<64x128xf32, #tpu.memory_space<vmem>>
        %dma_wait3A_271 = arith.constant 0 : i32
        %dma_wait3A_272 = tpu.memref_slice %arg6[%add3A_264, %dma_wait3A_271] : memref<40x64xi32, #tpu.memory_space<vmem>> -> memref<1x64xi32, #tpu.memory_space<vmem>>
        %dma_wait3A_273 = tpu.memref_squeeze %dma_wait3A_272 : memref<1x64xi32, #tpu.memory_space<vmem>> -> memref<64xi32, #tpu.memory_space<vmem>>
        %dma_wait3A_274 = arith.constant 0 : i32
        %dma_wait3A_275 = arith.constant 0 : i32
        %dma_wait3A_276 = tpu.memref_slice %arg2[%dma_wait3A_274, %dma_wait3A_275] : memref<10000x128xf32, #tpu.memory_space<hbm>> -> memref<10000x128xf32, #tpu.memory_space<hbm>>
        %dma_wait3A_277 = tpu.memref_slice %arg10[%dma_wait3A_266] : memref<4x!tpu.dma_semaphore, #tpu.memory_space<semaphore_mem>> -> memref<1x!tpu.dma_semaphore, #tpu.memory_space<semaphore_mem>>
        %dma_wait3A_278 = tpu.memref_squeeze %dma_wait3A_277 : memref<1x!tpu.dma_semaphore, #tpu.memory_space<semaphore_mem>> -> memref<!tpu.dma_semaphore, #tpu.memory_space<semaphore_mem>>
        tpu.wait_indirect_dma semaphore(%dma_wait3A_278 : memref<!tpu.dma_semaphore, #tpu.memory_space<semaphore_mem>>) src(%dma_wait3A_276 : memref<10000x128xf32, #tpu.memory_space<hbm>>) dst(%dma_wait3A_270 : memref<64x128xf32, #tpu.memory_space<vmem>>)
        %dma_start3A_279 = arith.constant 1 : i32
        %dma_start3A_280 = arith.constant 1 : i32
        %dma_start3A_281 = arith.constant 0 : i32
        %dma_start3A_282 = arith.constant 0 : i32
        %dma_start3A_283 = tpu.memref_slice %arg8[%dma_start3A_279, %dma_start3A_281, %dma_start3A_282] : memref<4x64x128xf32, #tpu.memory_space<vmem>> -> memref<1x64x128xf32, #tpu.memory_space<vmem>>
        %dma_start3A_284 = tpu.memref_squeeze %dma_start3A_283 : memref<1x64x128xf32, #tpu.memory_space<vmem>> -> memref<64x128xf32, #tpu.memory_space<vmem>>
        %dma_start3A_285 = arith.constant 0 : i32
        %dma_start3A_286 = tpu.memref_slice %arg7[%add3A_264, %dma_start3A_285] : memref<40x64xi32, #tpu.memory_space<vmem>> -> memref<1x64xi32, #tpu.memory_space<vmem>>
        %dma_start3A_287 = tpu.memref_squeeze %dma_start3A_286 : memref<1x64xi32, #tpu.memory_space<vmem>> -> memref<64xi32, #tpu.memory_space<vmem>>
        %dma_start3A_288 = arith.constant 0 : i32
        %dma_start3A_289 = arith.constant 0 : i32
        %dma_start3A_290 = tpu.memref_slice %arg9[%dma_start3A_288, %dma_start3A_289] : memref<10240x128xf32, #tpu.memory_space<vmem_shared>> -> memref<10240x128xf32, #tpu.memory_space<vmem_shared>>
        %dma_start3A_291 = tpu.memref_slice %arg11[%dma_start3A_280] : memref<4x!tpu.dma_semaphore, #tpu.memory_space<semaphore_mem>> -> memref<1x!tpu.dma_semaphore, #tpu.memory_space<semaphore_mem>>
        %dma_start3A_292 = tpu.memref_squeeze %dma_start3A_291 : memref<1x!tpu.dma_semaphore, #tpu.memory_space<semaphore_mem>> -> memref<!tpu.dma_semaphore, #tpu.memory_space<semaphore_mem>>
        tpu.enqueue_indirect_dma source(%dma_start3A_284 : memref<64x128xf32, #tpu.memory_space<vmem>>) target(%dma_start3A_290 : memref<10240x128xf32, #tpu.memory_space<vmem_shared>>) offsets(%dma_start3A_287 : memref<64xi32, #tpu.memory_space<vmem>>) semaphore(%dma_start3A_292 : memref<!tpu.dma_semaphore, #tpu.memory_space<semaphore_mem>>) {add = true}
        %dma_wait3A_293 = arith.constant 1 : i32
        %dma_wait3A_294 = arith.constant 1 : i32
        %dma_wait3A_295 = arith.constant 0 : i32
        %dma_wait3A_296 = arith.constant 0 : i32
        %dma_wait3A_297 = tpu.memref_slice %arg8[%dma_wait3A_293, %dma_wait3A_295, %dma_wait3A_296] : memref<4x64x128xf32, #tpu.memory_space<vmem>> -> memref<1x64x128xf32, #tpu.memory_space<vmem>>
        %dma_wait3A_298 = tpu.memref_squeeze %dma_wait3A_297 : memref<1x64x128xf32, #tpu.memory_space<vmem>> -> memref<64x128xf32, #tpu.memory_space<vmem>>
        %dma_wait3A_299 = arith.constant 0 : i32
        %dma_wait3A_300 = tpu.memref_slice %arg7[%add3A_264, %dma_wait3A_299] : memref<40x64xi32, #tpu.memory_space<vmem>> -> memref<1x64xi32, #tpu.memory_space<vmem>>
        %dma_wait3A_301 = tpu.memref_squeeze %dma_wait3A_300 : memref<1x64xi32, #tpu.memory_space<vmem>> -> memref<64xi32, #tpu.memory_space<vmem>>
        %dma_wait3A_302 = arith.constant 0 : i32
        %dma_wait3A_303 = arith.constant 0 : i32
        %dma_wait3A_304 = tpu.memref_slice %arg9[%dma_wait3A_302, %dma_wait3A_303] : memref<10240x128xf32, #tpu.memory_space<vmem_shared>> -> memref<10240x128xf32, #tpu.memory_space<vmem_shared>>
        %dma_wait3A_305 = tpu.memref_slice %arg11[%dma_wait3A_294] : memref<4x!tpu.dma_semaphore, #tpu.memory_space<semaphore_mem>> -> memref<1x!tpu.dma_semaphore, #tpu.memory_space<semaphore_mem>>
        %dma_wait3A_306 = tpu.memref_squeeze %dma_wait3A_305 : memref<1x!tpu.dma_semaphore, #tpu.memory_space<semaphore_mem>> -> memref<!tpu.dma_semaphore, #tpu.memory_space<semaphore_mem>>
        tpu.wait_indirect_dma semaphore(%dma_wait3A_306 : memref<!tpu.dma_semaphore, #tpu.memory_space<semaphore_mem>>) src(%dma_wait3A_298 : memref<64x128xf32, #tpu.memory_space<vmem>>) dst(%dma_wait3A_304 : memref<10240x128xf32, #tpu.memory_space<vmem_shared>>)
        %add3A_307 = arith.constant 4 : i32
        %add3A_308 = arith.addi %mul3A_199, %add3A_307 : i32
        %add3A_309 = arith.constant 1 : i32
        %add3A_310 = arith.addi %add3A_308, %add3A_309 : i32
        %min3A_311 = arith.constant 39 : i32
        %min3A_312 = arith.minsi %add3A_310, %min3A_311 : i32
        %dma_start3A_313 = arith.constant 1 : i32
        %dma_start3A_314 = arith.constant 1 : i32
        %dma_start3A_315 = arith.constant 0 : i32
        %dma_start3A_316 = arith.constant 0 : i32
        %dma_start3A_317 = tpu.memref_slice %arg8[%dma_start3A_313, %dma_start3A_315, %dma_start3A_316] : memref<4x64x128xf32, #tpu.memory_space<vmem>> -> memref<1x64x128xf32, #tpu.memory_space<vmem>>
        %dma_start3A_318 = tpu.memref_squeeze %dma_start3A_317 : memref<1x64x128xf32, #tpu.memory_space<vmem>> -> memref<64x128xf32, #tpu.memory_space<vmem>>
        %dma_start3A_319 = arith.constant 0 : i32
        %dma_start3A_320 = tpu.memref_slice %arg6[%min3A_312, %dma_start3A_319] : memref<40x64xi32, #tpu.memory_space<vmem>> -> memref<1x64xi32, #tpu.memory_space<vmem>>
        %dma_start3A_321 = tpu.memref_squeeze %dma_start3A_320 : memref<1x64xi32, #tpu.memory_space<vmem>> -> memref<64xi32, #tpu.memory_space<vmem>>
        %dma_start3A_322 = arith.constant 0 : i32
        %dma_start3A_323 = arith.constant 0 : i32
        %dma_start3A_324 = tpu.memref_slice %arg2[%dma_start3A_322, %dma_start3A_323] : memref<10000x128xf32, #tpu.memory_space<hbm>> -> memref<10000x128xf32, #tpu.memory_space<hbm>>
        %dma_start3A_325 = tpu.memref_slice %arg10[%dma_start3A_314] : memref<4x!tpu.dma_semaphore, #tpu.memory_space<semaphore_mem>> -> memref<1x!tpu.dma_semaphore, #tpu.memory_space<semaphore_mem>>
        %dma_start3A_326 = tpu.memref_squeeze %dma_start3A_325 : memref<1x!tpu.dma_semaphore, #tpu.memory_space<semaphore_mem>> -> memref<!tpu.dma_semaphore, #tpu.memory_space<semaphore_mem>>
        tpu.enqueue_indirect_dma source(%dma_start3A_324 : memref<10000x128xf32, #tpu.memory_space<hbm>>) target(%dma_start3A_318 : memref<64x128xf32, #tpu.memory_space<vmem>>) offsets(%dma_start3A_321 : memref<64xi32, #tpu.memory_space<vmem>>) semaphore(%dma_start3A_326 : memref<!tpu.dma_semaphore, #tpu.memory_space<semaphore_mem>>)
        %add3A_327 = arith.constant 2 : i32
        %add3A_328 = arith.addi %mul3A_199, %add3A_327 : i32
        %dma_wait3A_329 = arith.constant 2 : i32
        %dma_wait3A_330 = arith.constant 2 : i32
        %dma_wait3A_331 = arith.constant 0 : i32
        %dma_wait3A_332 = arith.constant 0 : i32
        %dma_wait3A_333 = tpu.memref_slice %arg8[%dma_wait3A_329, %dma_wait3A_331, %dma_wait3A_332] : memref<4x64x128xf32, #tpu.memory_space<vmem>> -> memref<1x64x128xf32, #tpu.memory_space<vmem>>
        %dma_wait3A_334 = tpu.memref_squeeze %dma_wait3A_333 : memref<1x64x128xf32, #tpu.memory_space<vmem>> -> memref<64x128xf32, #tpu.memory_space<vmem>>
        %dma_wait3A_335 = arith.constant 0 : i32
        %dma_wait3A_336 = tpu.memref_slice %arg6[%add3A_328, %dma_wait3A_335] : memref<40x64xi32, #tpu.memory_space<vmem>> -> memref<1x64xi32, #tpu.memory_space<vmem>>
        %dma_wait3A_337 = tpu.memref_squeeze %dma_wait3A_336 : memref<1x64xi32, #tpu.memory_space<vmem>> -> memref<64xi32, #tpu.memory_space<vmem>>
        %dma_wait3A_338 = arith.constant 0 : i32
        %dma_wait3A_339 = arith.constant 0 : i32
        %dma_wait3A_340 = tpu.memref_slice %arg2[%dma_wait3A_338, %dma_wait3A_339] : memref<10000x128xf32, #tpu.memory_space<hbm>> -> memref<10000x128xf32, #tpu.memory_space<hbm>>
        %dma_wait3A_341 = tpu.memref_slice %arg10[%dma_wait3A_330] : memref<4x!tpu.dma_semaphore, #tpu.memory_space<semaphore_mem>> -> memref<1x!tpu.dma_semaphore, #tpu.memory_space<semaphore_mem>>
        %dma_wait3A_342 = tpu.memref_squeeze %dma_wait3A_341 : memref<1x!tpu.dma_semaphore, #tpu.memory_space<semaphore_mem>> -> memref<!tpu.dma_semaphore, #tpu.memory_space<semaphore_mem>>
        tpu.wait_indirect_dma semaphore(%dma_wait3A_342 : memref<!tpu.dma_semaphore, #tpu.memory_space<semaphore_mem>>) src(%dma_wait3A_340 : memref<10000x128xf32, #tpu.memory_space<hbm>>) dst(%dma_wait3A_334 : memref<64x128xf32, #tpu.memory_space<vmem>>)
        %dma_start3A_343 = arith.constant 2 : i32
        %dma_start3A_344 = arith.constant 2 : i32
        %dma_start3A_345 = arith.constant 0 : i32
        %dma_start3A_346 = arith.constant 0 : i32
        %dma_start3A_347 = tpu.memref_slice %arg8[%dma_start3A_343, %dma_start3A_345, %dma_start3A_346] : memref<4x64x128xf32, #tpu.memory_space<vmem>> -> memref<1x64x128xf32, #tpu.memory_space<vmem>>
        %dma_start3A_348 = tpu.memref_squeeze %dma_start3A_347 : memref<1x64x128xf32, #tpu.memory_space<vmem>> -> memref<64x128xf32, #tpu.memory_space<vmem>>
        %dma_start3A_349 = arith.constant 0 : i32
        %dma_start3A_350 = tpu.memref_slice %arg7[%add3A_328, %dma_start3A_349] : memref<40x64xi32, #tpu.memory_space<vmem>> -> memref<1x64xi32, #tpu.memory_space<vmem>>
        %dma_start3A_351 = tpu.memref_squeeze %dma_start3A_350 : memref<1x64xi32, #tpu.memory_space<vmem>> -> memref<64xi32, #tpu.memory_space<vmem>>
        %dma_start3A_352 = arith.constant 0 : i32
        %dma_start3A_353 = arith.constant 0 : i32
        %dma_start3A_354 = tpu.memref_slice %arg9[%dma_start3A_352, %dma_start3A_353] : memref<10240x128xf32, #tpu.memory_space<vmem_shared>> -> memref<10240x128xf32, #tpu.memory_space<vmem_shared>>
        %dma_start3A_355 = tpu.memref_slice %arg11[%dma_start3A_344] : memref<4x!tpu.dma_semaphore, #tpu.memory_space<semaphore_mem>> -> memref<1x!tpu.dma_semaphore, #tpu.memory_space<semaphore_mem>>
        %dma_start3A_356 = tpu.memref_squeeze %dma_start3A_355 : memref<1x!tpu.dma_semaphore, #tpu.memory_space<semaphore_mem>> -> memref<!tpu.dma_semaphore, #tpu.memory_space<semaphore_mem>>
        tpu.enqueue_indirect_dma source(%dma_start3A_348 : memref<64x128xf32, #tpu.memory_space<vmem>>) target(%dma_start3A_354 : memref<10240x128xf32, #tpu.memory_space<vmem_shared>>) offsets(%dma_start3A_351 : memref<64xi32, #tpu.memory_space<vmem>>) semaphore(%dma_start3A_356 : memref<!tpu.dma_semaphore, #tpu.memory_space<semaphore_mem>>) {add = true}
        %dma_wait3A_357 = arith.constant 2 : i32
        %dma_wait3A_358 = arith.constant 2 : i32
        %dma_wait3A_359 = arith.constant 0 : i32
        %dma_wait3A_360 = arith.constant 0 : i32
        %dma_wait3A_361 = tpu.memref_slice %arg8[%dma_wait3A_357, %dma_wait3A_359, %dma_wait3A_360] : memref<4x64x128xf32, #tpu.memory_space<vmem>> -> memref<1x64x128xf32, #tpu.memory_space<vmem>>
        %dma_wait3A_362 = tpu.memref_squeeze %dma_wait3A_361 : memref<1x64x128xf32, #tpu.memory_space<vmem>> -> memref<64x128xf32, #tpu.memory_space<vmem>>
        %dma_wait3A_363 = arith.constant 0 : i32
        %dma_wait3A_364 = tpu.memref_slice %arg7[%add3A_328, %dma_wait3A_363] : memref<40x64xi32, #tpu.memory_space<vmem>> -> memref<1x64xi32, #tpu.memory_space<vmem>>
        %dma_wait3A_365 = tpu.memref_squeeze %dma_wait3A_364 : memref<1x64xi32, #tpu.memory_space<vmem>> -> memref<64xi32, #tpu.memory_space<vmem>>
        %dma_wait3A_366 = arith.constant 0 : i32
        %dma_wait3A_367 = arith.constant 0 : i32
        %dma_wait3A_368 = tpu.memref_slice %arg9[%dma_wait3A_366, %dma_wait3A_367] : memref<10240x128xf32, #tpu.memory_space<vmem_shared>> -> memref<10240x128xf32, #tpu.memory_space<vmem_shared>>
        %dma_wait3A_369 = tpu.memref_slice %arg11[%dma_wait3A_358] : memref<4x!tpu.dma_semaphore, #tpu.memory_space<semaphore_mem>> -> memref<1x!tpu.dma_semaphore, #tpu.memory_space<semaphore_mem>>
        %dma_wait3A_370 = tpu.memref_squeeze %dma_wait3A_369 : memref<1x!tpu.dma_semaphore, #tpu.memory_space<semaphore_mem>> -> memref<!tpu.dma_semaphore, #tpu.memory_space<semaphore_mem>>
        tpu.wait_indirect_dma semaphore(%dma_wait3A_370 : memref<!tpu.dma_semaphore, #tpu.memory_space<semaphore_mem>>) src(%dma_wait3A_362 : memref<64x128xf32, #tpu.memory_space<vmem>>) dst(%dma_wait3A_368 : memref<10240x128xf32, #tpu.memory_space<vmem_shared>>)
        %add3A_371 = arith.constant 4 : i32
        %add3A_372 = arith.addi %mul3A_199, %add3A_371 : i32
        %add3A_373 = arith.constant 2 : i32
        %add3A_374 = arith.addi %add3A_372, %add3A_373 : i32
        %min3A_375 = arith.constant 39 : i32
        %min3A_376 = arith.minsi %add3A_374, %min3A_375 : i32
        %dma_start3A_377 = arith.constant 2 : i32
        %dma_start3A_378 = arith.constant 2 : i32
        %dma_start3A_379 = arith.constant 0 : i32
        %dma_start3A_380 = arith.constant 0 : i32
        %dma_start3A_381 = tpu.memref_slice %arg8[%dma_start3A_377, %dma_start3A_379, %dma_start3A_380] : memref<4x64x128xf32, #tpu.memory_space<vmem>> -> memref<1x64x128xf32, #tpu.memory_space<vmem>>
        %dma_start3A_382 = tpu.memref_squeeze %dma_start3A_381 : memref<1x64x128xf32, #tpu.memory_space<vmem>> -> memref<64x128xf32, #tpu.memory_space<vmem>>
        %dma_start3A_383 = arith.constant 0 : i32
        %dma_start3A_384 = tpu.memref_slice %arg6[%min3A_376, %dma_start3A_383] : memref<40x64xi32, #tpu.memory_space<vmem>> -> memref<1x64xi32, #tpu.memory_space<vmem>>
        %dma_start3A_385 = tpu.memref_squeeze %dma_start3A_384 : memref<1x64xi32, #tpu.memory_space<vmem>> -> memref<64xi32, #tpu.memory_space<vmem>>
        %dma_start3A_386 = arith.constant 0 : i32
        %dma_start3A_387 = arith.constant 0 : i32
        %dma_start3A_388 = tpu.memref_slice %arg2[%dma_start3A_386, %dma_start3A_387] : memref<10000x128xf32, #tpu.memory_space<hbm>> -> memref<10000x128xf32, #tpu.memory_space<hbm>>
        %dma_start3A_389 = tpu.memref_slice %arg10[%dma_start3A_378] : memref<4x!tpu.dma_semaphore, #tpu.memory_space<semaphore_mem>> -> memref<1x!tpu.dma_semaphore, #tpu.memory_space<semaphore_mem>>
        %dma_start3A_390 = tpu.memref_squeeze %dma_start3A_389 : memref<1x!tpu.dma_semaphore, #tpu.memory_space<semaphore_mem>> -> memref<!tpu.dma_semaphore, #tpu.memory_space<semaphore_mem>>
        tpu.enqueue_indirect_dma source(%dma_start3A_388 : memref<10000x128xf32, #tpu.memory_space<hbm>>) target(%dma_start3A_382 : memref<64x128xf32, #tpu.memory_space<vmem>>) offsets(%dma_start3A_385 : memref<64xi32, #tpu.memory_space<vmem>>) semaphore(%dma_start3A_390 : memref<!tpu.dma_semaphore, #tpu.memory_space<semaphore_mem>>)
        %add3A_391 = arith.constant 3 : i32
        %add3A_392 = arith.addi %mul3A_199, %add3A_391 : i32
        %dma_wait3A_393 = arith.constant 3 : i32
        %dma_wait3A_394 = arith.constant 3 : i32
        %dma_wait3A_395 = arith.constant 0 : i32
        %dma_wait3A_396 = arith.constant 0 : i32
        %dma_wait3A_397 = tpu.memref_slice %arg8[%dma_wait3A_393, %dma_wait3A_395, %dma_wait3A_396] : memref<4x64x128xf32, #tpu.memory_space<vmem>> -> memref<1x64x128xf32, #tpu.memory_space<vmem>>
        %dma_wait3A_398 = tpu.memref_squeeze %dma_wait3A_397 : memref<1x64x128xf32, #tpu.memory_space<vmem>> -> memref<64x128xf32, #tpu.memory_space<vmem>>
        %dma_wait3A_399 = arith.constant 0 : i32
        %dma_wait3A_400 = tpu.memref_slice %arg6[%add3A_392, %dma_wait3A_399] : memref<40x64xi32, #tpu.memory_space<vmem>> -> memref<1x64xi32, #tpu.memory_space<vmem>>
        %dma_wait3A_401 = tpu.memref_squeeze %dma_wait3A_400 : memref<1x64xi32, #tpu.memory_space<vmem>> -> memref<64xi32, #tpu.memory_space<vmem>>
        %dma_wait3A_402 = arith.constant 0 : i32
        %dma_wait3A_403 = arith.constant 0 : i32
        %dma_wait3A_404 = tpu.memref_slice %arg2[%dma_wait3A_402, %dma_wait3A_403] : memref<10000x128xf32, #tpu.memory_space<hbm>> -> memref<10000x128xf32, #tpu.memory_space<hbm>>
        %dma_wait3A_405 = tpu.memref_slice %arg10[%dma_wait3A_394] : memref<4x!tpu.dma_semaphore, #tpu.memory_space<semaphore_mem>> -> memref<1x!tpu.dma_semaphore, #tpu.memory_space<semaphore_mem>>
        %dma_wait3A_406 = tpu.memref_squeeze %dma_wait3A_405 : memref<1x!tpu.dma_semaphore, #tpu.memory_space<semaphore_mem>> -> memref<!tpu.dma_semaphore, #tpu.memory_space<semaphore_mem>>
        tpu.wait_indirect_dma semaphore(%dma_wait3A_406 : memref<!tpu.dma_semaphore, #tpu.memory_space<semaphore_mem>>) src(%dma_wait3A_404 : memref<10000x128xf32, #tpu.memory_space<hbm>>) dst(%dma_wait3A_398 : memref<64x128xf32, #tpu.memory_space<vmem>>)
        %dma_start3A_407 = arith.constant 3 : i32
        %dma_start3A_408 = arith.constant 3 : i32
        %dma_start3A_409 = arith.constant 0 : i32
        %dma_start3A_410 = arith.constant 0 : i32
        %dma_start3A_411 = tpu.memref_slice %arg8[%dma_start3A_407, %dma_start3A_409, %dma_start3A_410] : memref<4x64x128xf32, #tpu.memory_space<vmem>> -> memref<1x64x128xf32, #tpu.memory_space<vmem>>
        %dma_start3A_412 = tpu.memref_squeeze %dma_start3A_411 : memref<1x64x128xf32, #tpu.memory_space<vmem>> -> memref<64x128xf32, #tpu.memory_space<vmem>>
        %dma_start3A_413 = arith.constant 0 : i32
        %dma_start3A_414 = tpu.memref_slice %arg7[%add3A_392, %dma_start3A_413] : memref<40x64xi32, #tpu.memory_space<vmem>> -> memref<1x64xi32, #tpu.memory_space<vmem>>
        %dma_start3A_415 = tpu.memref_squeeze %dma_start3A_414 : memref<1x64xi32, #tpu.memory_space<vmem>> -> memref<64xi32, #tpu.memory_space<vmem>>
        %dma_start3A_416 = arith.constant 0 : i32
        %dma_start3A_417 = arith.constant 0 : i32
        %dma_start3A_418 = tpu.memref_slice %arg9[%dma_start3A_416, %dma_start3A_417] : memref<10240x128xf32, #tpu.memory_space<vmem_shared>> -> memref<10240x128xf32, #tpu.memory_space<vmem_shared>>
        %dma_start3A_419 = tpu.memref_slice %arg11[%dma_start3A_408] : memref<4x!tpu.dma_semaphore, #tpu.memory_space<semaphore_mem>> -> memref<1x!tpu.dma_semaphore, #tpu.memory_space<semaphore_mem>>
        %dma_start3A_420 = tpu.memref_squeeze %dma_start3A_419 : memref<1x!tpu.dma_semaphore, #tpu.memory_space<semaphore_mem>> -> memref<!tpu.dma_semaphore, #tpu.memory_space<semaphore_mem>>
        tpu.enqueue_indirect_dma source(%dma_start3A_412 : memref<64x128xf32, #tpu.memory_space<vmem>>) target(%dma_start3A_418 : memref<10240x128xf32, #tpu.memory_space<vmem_shared>>) offsets(%dma_start3A_415 : memref<64xi32, #tpu.memory_space<vmem>>) semaphore(%dma_start3A_420 : memref<!tpu.dma_semaphore, #tpu.memory_space<semaphore_mem>>) {add = true}
        %dma_wait3A_421 = arith.constant 3 : i32
        %dma_wait3A_422 = arith.constant 3 : i32
        %dma_wait3A_423 = arith.constant 0 : i32
        %dma_wait3A_424 = arith.constant 0 : i32
        %dma_wait3A_425 = tpu.memref_slice %arg8[%dma_wait3A_421, %dma_wait3A_423, %dma_wait3A_424] : memref<4x64x128xf32, #tpu.memory_space<vmem>> -> memref<1x64x128xf32, #tpu.memory_space<vmem>>
        %dma_wait3A_426 = tpu.memref_squeeze %dma_wait3A_425 : memref<1x64x128xf32, #tpu.memory_space<vmem>> -> memref<64x128xf32, #tpu.memory_space<vmem>>
        %dma_wait3A_427 = arith.constant 0 : i32
        %dma_wait3A_428 = tpu.memref_slice %arg7[%add3A_392, %dma_wait3A_427] : memref<40x64xi32, #tpu.memory_space<vmem>> -> memref<1x64xi32, #tpu.memory_space<vmem>>
        %dma_wait3A_429 = tpu.memref_squeeze %dma_wait3A_428 : memref<1x64xi32, #tpu.memory_space<vmem>> -> memref<64xi32, #tpu.memory_space<vmem>>
        %dma_wait3A_430 = arith.constant 0 : i32
        %dma_wait3A_431 = arith.constant 0 : i32
        %dma_wait3A_432 = tpu.memref_slice %arg9[%dma_wait3A_430, %dma_wait3A_431] : memref<10240x128xf32, #tpu.memory_space<vmem_shared>> -> memref<10240x128xf32, #tpu.memory_space<vmem_shared>>
        %dma_wait3A_433 = tpu.memref_slice %arg11[%dma_wait3A_422] : memref<4x!tpu.dma_semaphore, #tpu.memory_space<semaphore_mem>> -> memref<1x!tpu.dma_semaphore, #tpu.memory_space<semaphore_mem>>
        %dma_wait3A_434 = tpu.memref_squeeze %dma_wait3A_433 : memref<1x!tpu.dma_semaphore, #tpu.memory_space<semaphore_mem>> -> memref<!tpu.dma_semaphore, #tpu.memory_space<semaphore_mem>>
        tpu.wait_indirect_dma semaphore(%dma_wait3A_434 : memref<!tpu.dma_semaphore, #tpu.memory_space<semaphore_mem>>) src(%dma_wait3A_426 : memref<64x128xf32, #tpu.memory_space<vmem>>) dst(%dma_wait3A_432 : memref<10240x128xf32, #tpu.memory_space<vmem_shared>>)
        %add3A_435 = arith.constant 4 : i32
        %add3A_436 = arith.addi %mul3A_199, %add3A_435 : i32
        %add3A_437 = arith.constant 3 : i32
        %add3A_438 = arith.addi %add3A_436, %add3A_437 : i32
        %min3A_439 = arith.constant 39 : i32
        %min3A_440 = arith.minsi %add3A_438, %min3A_439 : i32
        %dma_start3A_441 = arith.constant 3 : i32
        %dma_start3A_442 = arith.constant 3 : i32
        %dma_start3A_443 = arith.constant 0 : i32
        %dma_start3A_444 = arith.constant 0 : i32
        %dma_start3A_445 = tpu.memref_slice %arg8[%dma_start3A_441, %dma_start3A_443, %dma_start3A_444] : memref<4x64x128xf32, #tpu.memory_space<vmem>> -> memref<1x64x128xf32, #tpu.memory_space<vmem>>
        %dma_start3A_446 = tpu.memref_squeeze %dma_start3A_445 : memref<1x64x128xf32, #tpu.memory_space<vmem>> -> memref<64x128xf32, #tpu.memory_space<vmem>>
        %dma_start3A_447 = arith.constant 0 : i32
        %dma_start3A_448 = tpu.memref_slice %arg6[%min3A_440, %dma_start3A_447] : memref<40x64xi32, #tpu.memory_space<vmem>> -> memref<1x64xi32, #tpu.memory_space<vmem>>
        %dma_start3A_449 = tpu.memref_squeeze %dma_start3A_448 : memref<1x64xi32, #tpu.memory_space<vmem>> -> memref<64xi32, #tpu.memory_space<vmem>>
        %dma_start3A_450 = arith.constant 0 : i32
        %dma_start3A_451 = arith.constant 0 : i32
        %dma_start3A_452 = tpu.memref_slice %arg2[%dma_start3A_450, %dma_start3A_451] : memref<10000x128xf32, #tpu.memory_space<hbm>> -> memref<10000x128xf32, #tpu.memory_space<hbm>>
        %dma_start3A_453 = tpu.memref_slice %arg10[%dma_start3A_442] : memref<4x!tpu.dma_semaphore, #tpu.memory_space<semaphore_mem>> -> memref<1x!tpu.dma_semaphore, #tpu.memory_space<semaphore_mem>>
        %dma_start3A_454 = tpu.memref_squeeze %dma_start3A_453 : memref<1x!tpu.dma_semaphore, #tpu.memory_space<semaphore_mem>> -> memref<!tpu.dma_semaphore, #tpu.memory_space<semaphore_mem>>
        tpu.enqueue_indirect_dma source(%dma_start3A_452 : memref<10000x128xf32, #tpu.memory_space<hbm>>) target(%dma_start3A_446 : memref<64x128xf32, #tpu.memory_space<vmem>>) offsets(%dma_start3A_449 : memref<64xi32, #tpu.memory_space<vmem>>) semaphore(%dma_start3A_454 : memref<!tpu.dma_semaphore, #tpu.memory_space<semaphore_mem>>)
      }
      %scan3A_133 = arith.constant 10 : i32
      %dma_wait3A = arith.constant 39 : i32
      %dma_wait3A_134 = arith.constant 0 : i32
      %dma_wait3A_135 = arith.constant 0 : i32
      %dma_wait3A_136 = arith.constant 0 : i32
      %dma_wait3A_137 = arith.constant 0 : i32
      %dma_wait3A_138 = tpu.memref_slice %arg8[%dma_wait3A_134, %dma_wait3A_136, %dma_wait3A_137] : memref<4x64x128xf32, #tpu.memory_space<vmem>> -> memref<1x64x128xf32, #tpu.memory_space<vmem>>
      %dma_wait3A_139 = tpu.memref_squeeze %dma_wait3A_138 : memref<1x64x128xf32, #tpu.memory_space<vmem>> -> memref<64x128xf32, #tpu.memory_space<vmem>>
      %dma_wait3A_140 = arith.constant 0 : i32
      %dma_wait3A_141 = tpu.memref_slice %arg6[%dma_wait3A, %dma_wait3A_140] : memref<40x64xi32, #tpu.memory_space<vmem>> -> memref<1x64xi32, #tpu.memory_space<vmem>>
      %dma_wait3A_142 = tpu.memref_squeeze %dma_wait3A_141 : memref<1x64xi32, #tpu.memory_space<vmem>> -> memref<64xi32, #tpu.memory_space<vmem>>
      %dma_wait3A_143 = arith.constant 0 : i32
      %dma_wait3A_144 = arith.constant 0 : i32
      %dma_wait3A_145 = tpu.memref_slice %arg2[%dma_wait3A_143, %dma_wait3A_144] : memref<10000x128xf32, #tpu.memory_space<hbm>> -> memref<10000x128xf32, #tpu.memory_space<hbm>>
      %dma_wait3A_146 = tpu.memref_slice %arg10[%dma_wait3A_135] : memref<4x!tpu.dma_semaphore, #tpu.memory_space<semaphore_mem>> -> memref<1x!tpu.dma_semaphore, #tpu.memory_space<semaphore_mem>>
      %dma_wait3A_147 = tpu.memref_squeeze %dma_wait3A_146 : memref<1x!tpu.dma_semaphore, #tpu.memory_space<semaphore_mem>> -> memref<!tpu.dma_semaphore, #tpu.memory_space<semaphore_mem>>
      tpu.wait_indirect_dma semaphore(%dma_wait3A_147 : memref<!tpu.dma_semaphore, #tpu.memory_space<semaphore_mem>>) src(%dma_wait3A_145 : memref<10000x128xf32, #tpu.memory_space<hbm>>) dst(%dma_wait3A_139 : memref<64x128xf32, #tpu.memory_space<vmem>>)
      %dma_wait3A_148 = arith.constant 39 : i32
      %dma_wait3A_149 = arith.constant 1 : i32
      %dma_wait3A_150 = arith.constant 1 : i32
      %dma_wait3A_151 = arith.constant 0 : i32
      %dma_wait3A_152 = arith.constant 0 : i32
      %dma_wait3A_153 = tpu.memref_slice %arg8[%dma_wait3A_149, %dma_wait3A_151, %dma_wait3A_152] : memref<4x64x128xf32, #tpu.memory_space<vmem>> -> memref<1x64x128xf32, #tpu.memory_space<vmem>>
      %dma_wait3A_154 = tpu.memref_squeeze %dma_wait3A_153 : memref<1x64x128xf32, #tpu.memory_space<vmem>> -> memref<64x128xf32, #tpu.memory_space<vmem>>
      %dma_wait3A_155 = arith.constant 0 : i32
      %dma_wait3A_156 = tpu.memref_slice %arg6[%dma_wait3A_148, %dma_wait3A_155] : memref<40x64xi32, #tpu.memory_space<vmem>> -> memref<1x64xi32, #tpu.memory_space<vmem>>
      %dma_wait3A_157 = tpu.memref_squeeze %dma_wait3A_156 : memref<1x64xi32, #tpu.memory_space<vmem>> -> memref<64xi32, #tpu.memory_space<vmem>>
      %dma_wait3A_158 = arith.constant 0 : i32
      %dma_wait3A_159 = arith.constant 0 : i32
      %dma_wait3A_160 = tpu.memref_slice %arg2[%dma_wait3A_158, %dma_wait3A_159] : memref<10000x128xf32, #tpu.memory_space<hbm>> -> memref<10000x128xf32, #tpu.memory_space<hbm>>
      %dma_wait3A_161 = tpu.memref_slice %arg10[%dma_wait3A_150] : memref<4x!tpu.dma_semaphore, #tpu.memory_space<semaphore_mem>> -> memref<1x!tpu.dma_semaphore, #tpu.memory_space<semaphore_mem>>
      %dma_wait3A_162 = tpu.memref_squeeze %dma_wait3A_161 : memref<1x!tpu.dma_semaphore, #tpu.memory_space<semaphore_mem>> -> memref<!tpu.dma_semaphore, #tpu.memory_space<semaphore_mem>>
      tpu.wait_indirect_dma semaphore(%dma_wait3A_162 : memref<!tpu.dma_semaphore, #tpu.memory_space<semaphore_mem>>) src(%dma_wait3A_160 : memref<10000x128xf32, #tpu.memory_space<hbm>>) dst(%dma_wait3A_154 : memref<64x128xf32, #tpu.memory_space<vmem>>)
      %dma_wait3A_163 = arith.constant 39 : i32
      %dma_wait3A_164 = arith.constant 2 : i32
      %dma_wait3A_165 = arith.constant 2 : i32
      %dma_wait3A_166 = arith.constant 0 : i32
      %dma_wait3A_167 = arith.constant 0 : i32
      %dma_wait3A_168 = tpu.memref_slice %arg8[%dma_wait3A_164, %dma_wait3A_166, %dma_wait3A_167] : memref<4x64x128xf32, #tpu.memory_space<vmem>> -> memref<1x64x128xf32, #tpu.memory_space<vmem>>
      %dma_wait3A_169 = tpu.memref_squeeze %dma_wait3A_168 : memref<1x64x128xf32, #tpu.memory_space<vmem>> -> memref<64x128xf32, #tpu.memory_space<vmem>>
      %dma_wait3A_170 = arith.constant 0 : i32
      %dma_wait3A_171 = tpu.memref_slice %arg6[%dma_wait3A_163, %dma_wait3A_170] : memref<40x64xi32, #tpu.memory_space<vmem>> -> memref<1x64xi32, #tpu.memory_space<vmem>>
      %dma_wait3A_172 = tpu.memref_squeeze %dma_wait3A_171 : memref<1x64xi32, #tpu.memory_space<vmem>> -> memref<64xi32, #tpu.memory_space<vmem>>
      %dma_wait3A_173 = arith.constant 0 : i32
      %dma_wait3A_174 = arith.constant 0 : i32
      %dma_wait3A_175 = tpu.memref_slice %arg2[%dma_wait3A_173, %dma_wait3A_174] : memref<10000x128xf32, #tpu.memory_space<hbm>> -> memref<10000x128xf32, #tpu.memory_space<hbm>>
      %dma_wait3A_176 = tpu.memref_slice %arg10[%dma_wait3A_165] : memref<4x!tpu.dma_semaphore, #tpu.memory_space<semaphore_mem>> -> memref<1x!tpu.dma_semaphore, #tpu.memory_space<semaphore_mem>>
      %dma_wait3A_177 = tpu.memref_squeeze %dma_wait3A_176 : memref<1x!tpu.dma_semaphore, #tpu.memory_space<semaphore_mem>> -> memref<!tpu.dma_semaphore, #tpu.memory_space<semaphore_mem>>
      tpu.wait_indirect_dma semaphore(%dma_wait3A_177 : memref<!tpu.dma_semaphore, #tpu.memory_space<semaphore_mem>>) src(%dma_wait3A_175 : memref<10000x128xf32, #tpu.memory_space<hbm>>) dst(%dma_wait3A_169 : memref<64x128xf32, #tpu.memory_space<vmem>>)
      %dma_wait3A_178 = arith.constant 39 : i32
      %dma_wait3A_179 = arith.constant 3 : i32
      %dma_wait3A_180 = arith.constant 3 : i32
      %dma_wait3A_181 = arith.constant 0 : i32
      %dma_wait3A_182 = arith.constant 0 : i32
      %dma_wait3A_183 = tpu.memref_slice %arg8[%dma_wait3A_179, %dma_wait3A_181, %dma_wait3A_182] : memref<4x64x128xf32, #tpu.memory_space<vmem>> -> memref<1x64x128xf32, #tpu.memory_space<vmem>>
      %dma_wait3A_184 = tpu.memref_squeeze %dma_wait3A_183 : memref<1x64x128xf32, #tpu.memory_space<vmem>> -> memref<64x128xf32, #tpu.memory_space<vmem>>
      %dma_wait3A_185 = arith.constant 0 : i32
      %dma_wait3A_186 = tpu.memref_slice %arg6[%dma_wait3A_178, %dma_wait3A_185] : memref<40x64xi32, #tpu.memory_space<vmem>> -> memref<1x64xi32, #tpu.memory_space<vmem>>
      %dma_wait3A_187 = tpu.memref_squeeze %dma_wait3A_186 : memref<1x64xi32, #tpu.memory_space<vmem>> -> memref<64xi32, #tpu.memory_space<vmem>>
      %dma_wait3A_188 = arith.constant 0 : i32
      %dma_wait3A_189 = arith.constant 0 : i32
      %dma_wait3A_190 = tpu.memref_slice %arg2[%dma_wait3A_188, %dma_wait3A_189] : memref<10000x128xf32, #tpu.memory_space<hbm>> -> memref<10000x128xf32, #tpu.memory_space<hbm>>
      %dma_wait3A_191 = tpu.memref_slice %arg10[%dma_wait3A_180] : memref<4x!tpu.dma_semaphore, #tpu.memory_space<semaphore_mem>> -> memref<1x!tpu.dma_semaphore, #tpu.memory_space<semaphore_mem>>
      %dma_wait3A_192 = tpu.memref_squeeze %dma_wait3A_191 : memref<1x!tpu.dma_semaphore, #tpu.memory_space<semaphore_mem>> -> memref<!tpu.dma_semaphore, #tpu.memory_space<semaphore_mem>>
      tpu.wait_indirect_dma semaphore(%dma_wait3A_192 : memref<!tpu.dma_semaphore, #tpu.memory_space<semaphore_mem>>) src(%dma_wait3A_190 : memref<10000x128xf32, #tpu.memory_space<hbm>>) dst(%dma_wait3A_184 : memref<64x128xf32, #tpu.memory_space<vmem>>)
    }
    %while3A_61 = arith.constant 1 : i32
    scf.for %while3A_66 = %while3A_59 to %while3A_55 step %while3A_61  : i32 {
      %mul3A_67 = arith.muli %while3A_66, %while3A : i32
      %add3A_68 = arith.addi %while3A_52, %mul3A_67 : i32
      %add3A_69 = arith.addi %add3A_7, %add3A_68 : i32
      "tpu.region"() ({
        %run_scoped3A_193 = tpu.sem_alloc : memref<!tpu.dma_semaphore, #tpu.memory_space<semaphore_mem>>
        %dma_start3A_194 = arith.constant 0 : i32
        %dma_start3A_195 = arith.constant 0 : i32
        %dma_start3A_196 = tpu.memref_slice %arg3[%add3A_69, %dma_start3A_194, %dma_start3A_195] : memref<128x40x64xi32, #tpu.memory_space<hbm>> -> memref<1x40x64xi32, #tpu.memory_space<hbm>>
        %dma_start3A_197 = tpu.memref_squeeze %dma_start3A_196 : memref<1x40x64xi32, #tpu.memory_space<hbm>> -> memref<40x64xi32, #tpu.memory_space<hbm>>
        %dma_start3A_198 = arith.constant 0 : i32
        %dma_start3A_199 = arith.constant 0 : i32
        %dma_start3A_200 = tpu.memref_slice %arg3[%add3A_69, %dma_start3A_198, %dma_start3A_199] : memref<128x40x64xi32, #tpu.memory_space<hbm>> -> memref<1x40x64xi32, #tpu.memory_space<hbm>>
        %dma_start3A_201 = tpu.memref_squeeze %dma_start3A_200 : memref<1x40x64xi32, #tpu.memory_space<hbm>> -> memref<40x64xi32, #tpu.memory_space<hbm>>
        tpu.enqueue_dma source(%dma_start3A_201 : memref<40x64xi32, #tpu.memory_space<hbm>>) target(%arg6 : memref<40x64xi32, #tpu.memory_space<vmem>>) target_semaphore(%run_scoped3A_193 : memref<!tpu.dma_semaphore, #tpu.memory_space<semaphore_mem>>)
        %dma_wait3A_202 = arith.constant 0 : i32
        %dma_wait3A_203 = arith.constant 0 : i32
        %dma_wait3A_204 = tpu.memref_slice %arg3[%add3A_69, %dma_wait3A_202, %dma_wait3A_203] : memref<128x40x64xi32, #tpu.memory_space<hbm>> -> memref<1x40x64xi32, #tpu.memory_space<hbm>>
        %dma_wait3A_205 = tpu.memref_squeeze %dma_wait3A_204 : memref<1x40x64xi32, #tpu.memory_space<hbm>> -> memref<40x64xi32, #tpu.memory_space<hbm>>
        %dma_wait3A_206 = arith.constant 0 : i32
        %dma_wait3A_207 = arith.constant 0 : i32
        %dma_wait3A_208 = tpu.memref_slice %arg3[%add3A_69, %dma_wait3A_206, %dma_wait3A_207] : memref<128x40x64xi32, #tpu.memory_space<hbm>> -> memref<1x40x64xi32, #tpu.memory_space<hbm>>
        %dma_wait3A_209 = tpu.memref_squeeze %dma_wait3A_208 : memref<1x40x64xi32, #tpu.memory_space<hbm>> -> memref<40x64xi32, #tpu.memory_space<hbm>>
        tpu.wait_dma2 semaphore(%run_scoped3A_193 : memref<!tpu.dma_semaphore, #tpu.memory_space<semaphore_mem>>) src(%dma_wait3A_209 : memref<40x64xi32, #tpu.memory_space<hbm>>) dst(%arg6 : memref<40x64xi32, #tpu.memory_space<vmem>>)
        tpu.yield
      }) : () -> ()
      "tpu.region"() ({
        %run_scoped3A_193 = tpu.sem_alloc : memref<!tpu.dma_semaphore, #tpu.memory_space<semaphore_mem>>
        %dma_start3A_194 = arith.constant 0 : i32
        %dma_start3A_195 = arith.constant 0 : i32
        %dma_start3A_196 = tpu.memref_slice %arg4[%add3A_69, %dma_start3A_194, %dma_start3A_195] : memref<128x40x64xi32, #tpu.memory_space<hbm>> -> memref<1x40x64xi32, #tpu.memory_space<hbm>>
        %dma_start3A_197 = tpu.memref_squeeze %dma_start3A_196 : memref<1x40x64xi32, #tpu.memory_space<hbm>> -> memref<40x64xi32, #tpu.memory_space<hbm>>
        %dma_start3A_198 = arith.constant 0 : i32
        %dma_start3A_199 = arith.constant 0 : i32
        %dma_start3A_200 = tpu.memref_slice %arg4[%add3A_69, %dma_start3A_198, %dma_start3A_199] : memref<128x40x64xi32, #tpu.memory_space<hbm>> -> memref<1x40x64xi32, #tpu.memory_space<hbm>>
        %dma_start3A_201 = tpu.memref_squeeze %dma_start3A_200 : memref<1x40x64xi32, #tpu.memory_space<hbm>> -> memref<40x64xi32, #tpu.memory_space<hbm>>
        tpu.enqueue_dma source(%dma_start3A_201 : memref<40x64xi32, #tpu.memory_space<hbm>>) target(%arg7 : memref<40x64xi32, #tpu.memory_space<vmem>>) target_semaphore(%run_scoped3A_193 : memref<!tpu.dma_semaphore, #tpu.memory_space<semaphore_mem>>)
        %dma_wait3A_202 = arith.constant 0 : i32
        %dma_wait3A_203 = arith.constant 0 : i32
        %dma_wait3A_204 = tpu.memref_slice %arg4[%add3A_69, %dma_wait3A_202, %dma_wait3A_203] : memref<128x40x64xi32, #tpu.memory_space<hbm>> -> memref<1x40x64xi32, #tpu.memory_space<hbm>>
        %dma_wait3A_205 = tpu.memref_squeeze %dma_wait3A_204 : memref<1x40x64xi32, #tpu.memory_space<hbm>> -> memref<40x64xi32, #tpu.memory_space<hbm>>
        %dma_wait3A_206 = arith.constant 0 : i32
        %dma_wait3A_207 = arith.constant 0 : i32
        %dma_wait3A_208 = tpu.memref_slice %arg4[%add3A_69, %dma_wait3A_206, %dma_wait3A_207] : memref<128x40x64xi32, #tpu.memory_space<hbm>> -> memref<1x40x64xi32, #tpu.memory_space<hbm>>
        %dma_wait3A_209 = tpu.memref_squeeze %dma_wait3A_208 : memref<1x40x64xi32, #tpu.memory_space<hbm>> -> memref<40x64xi32, #tpu.memory_space<hbm>>
        tpu.wait_dma2 semaphore(%run_scoped3A_193 : memref<!tpu.dma_semaphore, #tpu.memory_space<semaphore_mem>>) src(%dma_wait3A_209 : memref<40x64xi32, #tpu.memory_space<hbm>>) dst(%arg7 : memref<40x64xi32, #tpu.memory_space<vmem>>)
        tpu.yield
      }) : () -> ()
      %dma_start3A = arith.constant 0 : i32
      %dma_start3A_70 = arith.constant 0 : i32
      %dma_start3A_71 = arith.constant 0 : i32
      %dma_start3A_72 = arith.constant 0 : i32
      %dma_start3A_73 = arith.constant 0 : i32
      %dma_start3A_74 = tpu.memref_slice %arg8[%dma_start3A_70, %dma_start3A_72, %dma_start3A_73] : memref<4x64x128xf32, #tpu.memory_space<vmem>> -> memref<1x64x128xf32, #tpu.memory_space<vmem>>
      %dma_start3A_75 = tpu.memref_squeeze %dma_start3A_74 : memref<1x64x128xf32, #tpu.memory_space<vmem>> -> memref<64x128xf32, #tpu.memory_space<vmem>>
      %dma_start3A_76 = arith.constant 0 : i32
      %dma_start3A_77 = tpu.memref_slice %arg6[%dma_start3A, %dma_start3A_76] : memref<40x64xi32, #tpu.memory_space<vmem>> -> memref<1x64xi32, #tpu.memory_space<vmem>>
      %dma_start3A_78 = tpu.memref_squeeze %dma_start3A_77 : memref<1x64xi32, #tpu.memory_space<vmem>> -> memref<64xi32, #tpu.memory_space<vmem>>
      %dma_start3A_79 = arith.constant 0 : i32
      %dma_start3A_80 = arith.constant 0 : i32
      %dma_start3A_81 = tpu.memref_slice %arg2[%dma_start3A_79, %dma_start3A_80] : memref<10000x128xf32, #tpu.memory_space<hbm>> -> memref<10000x128xf32, #tpu.memory_space<hbm>>
      %dma_start3A_82 = tpu.memref_slice %arg10[%dma_start3A_71] : memref<4x!tpu.dma_semaphore, #tpu.memory_space<semaphore_mem>> -> memref<1x!tpu.dma_semaphore, #tpu.memory_space<semaphore_mem>>
      %dma_start3A_83 = tpu.memref_squeeze %dma_start3A_82 : memref<1x!tpu.dma_semaphore, #tpu.memory_space<semaphore_mem>> -> memref<!tpu.dma_semaphore, #tpu.memory_space<semaphore_mem>>
      tpu.enqueue_indirect_dma source(%dma_start3A_81 : memref<10000x128xf32, #tpu.memory_space<hbm>>) target(%dma_start3A_75 : memref<64x128xf32, #tpu.memory_space<vmem>>) offsets(%dma_start3A_78 : memref<64xi32, #tpu.memory_space<vmem>>) semaphore(%dma_start3A_83 : memref<!tpu.dma_semaphore, #tpu.memory_space<semaphore_mem>>)
      %dma_start3A_84 = arith.constant 1 : i32
      %dma_start3A_85 = arith.constant 1 : i32
      %dma_start3A_86 = arith.constant 1 : i32
      %dma_start3A_87 = arith.constant 0 : i32
      %dma_start3A_88 = arith.constant 0 : i32
      %dma_start3A_89 = tpu.memref_slice %arg8[%dma_start3A_85, %dma_start3A_87, %dma_start3A_88] : memref<4x64x128xf32, #tpu.memory_space<vmem>> -> memref<1x64x128xf32, #tpu.memory_space<vmem>>
      %dma_start3A_90 = tpu.memref_squeeze %dma_start3A_89 : memref<1x64x128xf32, #tpu.memory_space<vmem>> -> memref<64x128xf32, #tpu.memory_space<vmem>>
      %dma_start3A_91 = arith.constant 0 : i32
      %dma_start3A_92 = tpu.memref_slice %arg6[%dma_start3A_84, %dma_start3A_91] : memref<40x64xi32, #tpu.memory_space<vmem>> -> memref<1x64xi32, #tpu.memory_space<vmem>>
      %dma_start3A_93 = tpu.memref_squeeze %dma_start3A_92 : memref<1x64xi32, #tpu.memory_space<vmem>> -> memref<64xi32, #tpu.memory_space<vmem>>
      %dma_start3A_94 = arith.constant 0 : i32
      %dma_start3A_95 = arith.constant 0 : i32
      %dma_start3A_96 = tpu.memref_slice %arg2[%dma_start3A_94, %dma_start3A_95] : memref<10000x128xf32, #tpu.memory_space<hbm>> -> memref<10000x128xf32, #tpu.memory_space<hbm>>
      %dma_start3A_97 = tpu.memref_slice %arg10[%dma_start3A_86] : memref<4x!tpu.dma_semaphore, #tpu.memory_space<semaphore_mem>> -> memref<1x!tpu.dma_semaphore, #tpu.memory_space<semaphore_mem>>
      %dma_start3A_98 = tpu.memref_squeeze %dma_start3A_97 : memref<1x!tpu.dma_semaphore, #tpu.memory_space<semaphore_mem>> -> memref<!tpu.dma_semaphore, #tpu.memory_space<semaphore_mem>>
      tpu.enqueue_indirect_dma source(%dma_start3A_96 : memref<10000x128xf32, #tpu.memory_space<hbm>>) target(%dma_start3A_90 : memref<64x128xf32, #tpu.memory_space<vmem>>) offsets(%dma_start3A_93 : memref<64xi32, #tpu.memory_space<vmem>>) semaphore(%dma_start3A_98 : memref<!tpu.dma_semaphore, #tpu.memory_space<semaphore_mem>>)
      %dma_start3A_99 = arith.constant 2 : i32
      %dma_start3A_100 = arith.constant 2 : i32
      %dma_start3A_101 = arith.constant 2 : i32
      %dma_start3A_102 = arith.constant 0 : i32
      %dma_start3A_103 = arith.constant 0 : i32
      %dma_start3A_104 = tpu.memref_slice %arg8[%dma_start3A_100, %dma_start3A_102, %dma_start3A_103] : memref<4x64x128xf32, #tpu.memory_space<vmem>> -> memref<1x64x128xf32, #tpu.memory_space<vmem>>
      %dma_start3A_105 = tpu.memref_squeeze %dma_start3A_104 : memref<1x64x128xf32, #tpu.memory_space<vmem>> -> memref<64x128xf32, #tpu.memory_space<vmem>>
      %dma_start3A_106 = arith.constant 0 : i32
      %dma_start3A_107 = tpu.memref_slice %arg6[%dma_start3A_99, %dma_start3A_106] : memref<40x64xi32, #tpu.memory_space<vmem>> -> memref<1x64xi32, #tpu.memory_space<vmem>>
      %dma_start3A_108 = tpu.memref_squeeze %dma_start3A_107 : memref<1x64xi32, #tpu.memory_space<vmem>> -> memref<64xi32, #tpu.memory_space<vmem>>
      %dma_start3A_109 = arith.constant 0 : i32
      %dma_start3A_110 = arith.constant 0 : i32
      %dma_start3A_111 = tpu.memref_slice %arg2[%dma_start3A_109, %dma_start3A_110] : memref<10000x128xf32, #tpu.memory_space<hbm>> -> memref<10000x128xf32, #tpu.memory_space<hbm>>
      %dma_start3A_112 = tpu.memref_slice %arg10[%dma_start3A_101] : memref<4x!tpu.dma_semaphore, #tpu.memory_space<semaphore_mem>> -> memref<1x!tpu.dma_semaphore, #tpu.memory_space<semaphore_mem>>
      %dma_start3A_113 = tpu.memref_squeeze %dma_start3A_112 : memref<1x!tpu.dma_semaphore, #tpu.memory_space<semaphore_mem>> -> memref<!tpu.dma_semaphore, #tpu.memory_space<semaphore_mem>>
      tpu.enqueue_indirect_dma source(%dma_start3A_111 : memref<10000x128xf32, #tpu.memory_space<hbm>>) target(%dma_start3A_105 : memref<64x128xf32, #tpu.memory_space<vmem>>) offsets(%dma_start3A_108 : memref<64xi32, #tpu.memory_space<vmem>>) semaphore(%dma_start3A_113 : memref<!tpu.dma_semaphore, #tpu.memory_space<semaphore_mem>>)
      %dma_start3A_114 = arith.constant 3 : i32
      %dma_start3A_115 = arith.constant 3 : i32
      %dma_start3A_116 = arith.constant 3 : i32
      %dma_start3A_117 = arith.constant 0 : i32
      %dma_start3A_118 = arith.constant 0 : i32
      %dma_start3A_119 = tpu.memref_slice %arg8[%dma_start3A_115, %dma_start3A_117, %dma_start3A_118] : memref<4x64x128xf32, #tpu.memory_space<vmem>> -> memref<1x64x128xf32, #tpu.memory_space<vmem>>
      %dma_start3A_120 = tpu.memref_squeeze %dma_start3A_119 : memref<1x64x128xf32, #tpu.memory_space<vmem>> -> memref<64x128xf32, #tpu.memory_space<vmem>>
      %dma_start3A_121 = arith.constant 0 : i32
      %dma_start3A_122 = tpu.memref_slice %arg6[%dma_start3A_114, %dma_start3A_121] : memref<40x64xi32, #tpu.memory_space<vmem>> -> memref<1x64xi32, #tpu.memory_space<vmem>>
      %dma_start3A_123 = tpu.memref_squeeze %dma_start3A_122 : memref<1x64xi32, #tpu.memory_space<vmem>> -> memref<64xi32, #tpu.memory_space<vmem>>
      %dma_start3A_124 = arith.constant 0 : i32
      %dma_start3A_125 = arith.constant 0 : i32
      %dma_start3A_126 = tpu.memref_slice %arg2[%dma_start3A_124, %dma_start3A_125] : memref<10000x128xf32, #tpu.memory_space<hbm>> -> memref<10000x128xf32, #tpu.memory_space<hbm>>
      %dma_start3A_127 = tpu.memref_slice %arg10[%dma_start3A_116] : memref<4x!tpu.dma_semaphore, #tpu.memory_space<semaphore_mem>> -> memref<1x!tpu.dma_semaphore, #tpu.memory_space<semaphore_mem>>
      %dma_start3A_128 = tpu.memref_squeeze %dma_start3A_127 : memref<1x!tpu.dma_semaphore, #tpu.memory_space<semaphore_mem>> -> memref<!tpu.dma_semaphore, #tpu.memory_space<semaphore_mem>>
      tpu.enqueue_indirect_dma source(%dma_start3A_126 : memref<10000x128xf32, #tpu.memory_space<hbm>>) target(%dma_start3A_120 : memref<64x128xf32, #tpu.memory_space<vmem>>) offsets(%dma_start3A_123 : memref<64xi32, #tpu.memory_space<vmem>>) semaphore(%dma_start3A_128 : memref<!tpu.dma_semaphore, #tpu.memory_space<semaphore_mem>>)
      %scan3A_129 = arith.constant 0 : i32
      %scan3A_130 = arith.constant 10 : i32
      %scan3A_131 = arith.addi %scan3A_129, %scan3A_130 : i32
      %scan3A_132 = arith.constant 1 : i32
      scf.for %scan3A_193 = %scan3A_129 to %scan3A_131 step %scan3A_132  : i32 {
        %mul3A_194 = arith.constant 1 : i32
        %mul3A_195 = arith.muli %scan3A_193, %mul3A_194 : i32
        %add3A_196 = arith.constant 0 : i32
        %add3A_197 = arith.addi %add3A_196, %mul3A_195 : i32
        %mul3A_198 = arith.constant 4 : i32
        %mul3A_199 = arith.muli %add3A_197, %mul3A_198 : i32
        %add3A_200 = arith.constant 0 : i32
        %add3A_201 = arith.addi %mul3A_199, %add3A_200 : i32
        %dma_wait3A_202 = arith.constant 0 : i32
        %dma_wait3A_203 = arith.constant 0 : i32
        %dma_wait3A_204 = arith.constant 0 : i32
        %dma_wait3A_205 = arith.constant 0 : i32
        %dma_wait3A_206 = tpu.memref_slice %arg8[%dma_wait3A_202, %dma_wait3A_204, %dma_wait3A_205] : memref<4x64x128xf32, #tpu.memory_space<vmem>> -> memref<1x64x128xf32, #tpu.memory_space<vmem>>
        %dma_wait3A_207 = tpu.memref_squeeze %dma_wait3A_206 : memref<1x64x128xf32, #tpu.memory_space<vmem>> -> memref<64x128xf32, #tpu.memory_space<vmem>>
        %dma_wait3A_208 = arith.constant 0 : i32
        %dma_wait3A_209 = tpu.memref_slice %arg6[%add3A_201, %dma_wait3A_208] : memref<40x64xi32, #tpu.memory_space<vmem>> -> memref<1x64xi32, #tpu.memory_space<vmem>>
        %dma_wait3A_210 = tpu.memref_squeeze %dma_wait3A_209 : memref<1x64xi32, #tpu.memory_space<vmem>> -> memref<64xi32, #tpu.memory_space<vmem>>
        %dma_wait3A_211 = arith.constant 0 : i32
        %dma_wait3A_212 = arith.constant 0 : i32
        %dma_wait3A_213 = tpu.memref_slice %arg2[%dma_wait3A_211, %dma_wait3A_212] : memref<10000x128xf32, #tpu.memory_space<hbm>> -> memref<10000x128xf32, #tpu.memory_space<hbm>>
        %dma_wait3A_214 = tpu.memref_slice %arg10[%dma_wait3A_203] : memref<4x!tpu.dma_semaphore, #tpu.memory_space<semaphore_mem>> -> memref<1x!tpu.dma_semaphore, #tpu.memory_space<semaphore_mem>>
        %dma_wait3A_215 = tpu.memref_squeeze %dma_wait3A_214 : memref<1x!tpu.dma_semaphore, #tpu.memory_space<semaphore_mem>> -> memref<!tpu.dma_semaphore, #tpu.memory_space<semaphore_mem>>
        tpu.wait_indirect_dma semaphore(%dma_wait3A_215 : memref<!tpu.dma_semaphore, #tpu.memory_space<semaphore_mem>>) src(%dma_wait3A_213 : memref<10000x128xf32, #tpu.memory_space<hbm>>) dst(%dma_wait3A_207 : memref<64x128xf32, #tpu.memory_space<vmem>>)
        %dma_start3A_216 = arith.constant 0 : i32
        %dma_start3A_217 = arith.constant 0 : i32
        %dma_start3A_218 = arith.constant 0 : i32
        %dma_start3A_219 = arith.constant 0 : i32
        %dma_start3A_220 = tpu.memref_slice %arg8[%dma_start3A_216, %dma_start3A_218, %dma_start3A_219] : memref<4x64x128xf32, #tpu.memory_space<vmem>> -> memref<1x64x128xf32, #tpu.memory_space<vmem>>
        %dma_start3A_221 = tpu.memref_squeeze %dma_start3A_220 : memref<1x64x128xf32, #tpu.memory_space<vmem>> -> memref<64x128xf32, #tpu.memory_space<vmem>>
        %dma_start3A_222 = arith.constant 0 : i32
        %dma_start3A_223 = tpu.memref_slice %arg7[%add3A_201, %dma_start3A_222] : memref<40x64xi32, #tpu.memory_space<vmem>> -> memref<1x64xi32, #tpu.memory_space<vmem>>
        %dma_start3A_224 = tpu.memref_squeeze %dma_start3A_223 : memref<1x64xi32, #tpu.memory_space<vmem>> -> memref<64xi32, #tpu.memory_space<vmem>>
        %dma_start3A_225 = arith.constant 0 : i32
        %dma_start3A_226 = arith.constant 0 : i32
        %dma_start3A_227 = tpu.memref_slice %arg9[%dma_start3A_225, %dma_start3A_226] : memref<10240x128xf32, #tpu.memory_space<vmem_shared>> -> memref<10240x128xf32, #tpu.memory_space<vmem_shared>>
        %dma_start3A_228 = tpu.memref_slice %arg11[%dma_start3A_217] : memref<4x!tpu.dma_semaphore, #tpu.memory_space<semaphore_mem>> -> memref<1x!tpu.dma_semaphore, #tpu.memory_space<semaphore_mem>>
        %dma_start3A_229 = tpu.memref_squeeze %dma_start3A_228 : memref<1x!tpu.dma_semaphore, #tpu.memory_space<semaphore_mem>> -> memref<!tpu.dma_semaphore, #tpu.memory_space<semaphore_mem>>
        tpu.enqueue_indirect_dma source(%dma_start3A_221 : memref<64x128xf32, #tpu.memory_space<vmem>>) target(%dma_start3A_227 : memref<10240x128xf32, #tpu.memory_space<vmem_shared>>) offsets(%dma_start3A_224 : memref<64xi32, #tpu.memory_space<vmem>>) semaphore(%dma_start3A_229 : memref<!tpu.dma_semaphore, #tpu.memory_space<semaphore_mem>>) {add = true}
        %dma_wait3A_230 = arith.constant 0 : i32
        %dma_wait3A_231 = arith.constant 0 : i32
        %dma_wait3A_232 = arith.constant 0 : i32
        %dma_wait3A_233 = arith.constant 0 : i32
        %dma_wait3A_234 = tpu.memref_slice %arg8[%dma_wait3A_230, %dma_wait3A_232, %dma_wait3A_233] : memref<4x64x128xf32, #tpu.memory_space<vmem>> -> memref<1x64x128xf32, #tpu.memory_space<vmem>>
        %dma_wait3A_235 = tpu.memref_squeeze %dma_wait3A_234 : memref<1x64x128xf32, #tpu.memory_space<vmem>> -> memref<64x128xf32, #tpu.memory_space<vmem>>
        %dma_wait3A_236 = arith.constant 0 : i32
        %dma_wait3A_237 = tpu.memref_slice %arg7[%add3A_201, %dma_wait3A_236] : memref<40x64xi32, #tpu.memory_space<vmem>> -> memref<1x64xi32, #tpu.memory_space<vmem>>
        %dma_wait3A_238 = tpu.memref_squeeze %dma_wait3A_237 : memref<1x64xi32, #tpu.memory_space<vmem>> -> memref<64xi32, #tpu.memory_space<vmem>>
        %dma_wait3A_239 = arith.constant 0 : i32
        %dma_wait3A_240 = arith.constant 0 : i32
        %dma_wait3A_241 = tpu.memref_slice %arg9[%dma_wait3A_239, %dma_wait3A_240] : memref<10240x128xf32, #tpu.memory_space<vmem_shared>> -> memref<10240x128xf32, #tpu.memory_space<vmem_shared>>
        %dma_wait3A_242 = tpu.memref_slice %arg11[%dma_wait3A_231] : memref<4x!tpu.dma_semaphore, #tpu.memory_space<semaphore_mem>> -> memref<1x!tpu.dma_semaphore, #tpu.memory_space<semaphore_mem>>
        %dma_wait3A_243 = tpu.memref_squeeze %dma_wait3A_242 : memref<1x!tpu.dma_semaphore, #tpu.memory_space<semaphore_mem>> -> memref<!tpu.dma_semaphore, #tpu.memory_space<semaphore_mem>>
        tpu.wait_indirect_dma semaphore(%dma_wait3A_243 : memref<!tpu.dma_semaphore, #tpu.memory_space<semaphore_mem>>) src(%dma_wait3A_235 : memref<64x128xf32, #tpu.memory_space<vmem>>) dst(%dma_wait3A_241 : memref<10240x128xf32, #tpu.memory_space<vmem_shared>>)
        %add3A_244 = arith.constant 4 : i32
        %add3A_245 = arith.addi %mul3A_199, %add3A_244 : i32
        %add3A_246 = arith.constant 0 : i32
        %add3A_247 = arith.addi %add3A_245, %add3A_246 : i32
        %min3A = arith.constant 39 : i32
        %min3A_248 = arith.minsi %add3A_247, %min3A : i32
        %dma_start3A_249 = arith.constant 0 : i32
        %dma_start3A_250 = arith.constant 0 : i32
        %dma_start3A_251 = arith.constant 0 : i32
        %dma_start3A_252 = arith.constant 0 : i32
        %dma_start3A_253 = tpu.memref_slice %arg8[%dma_start3A_249, %dma_start3A_251, %dma_start3A_252] : memref<4x64x128xf32, #tpu.memory_space<vmem>> -> memref<1x64x128xf32, #tpu.memory_space<vmem>>
        %dma_start3A_254 = tpu.memref_squeeze %dma_start3A_253 : memref<1x64x128xf32, #tpu.memory_space<vmem>> -> memref<64x128xf32, #tpu.memory_space<vmem>>
        %dma_start3A_255 = arith.constant 0 : i32
        %dma_start3A_256 = tpu.memref_slice %arg6[%min3A_248, %dma_start3A_255] : memref<40x64xi32, #tpu.memory_space<vmem>> -> memref<1x64xi32, #tpu.memory_space<vmem>>
        %dma_start3A_257 = tpu.memref_squeeze %dma_start3A_256 : memref<1x64xi32, #tpu.memory_space<vmem>> -> memref<64xi32, #tpu.memory_space<vmem>>
        %dma_start3A_258 = arith.constant 0 : i32
        %dma_start3A_259 = arith.constant 0 : i32
        %dma_start3A_260 = tpu.memref_slice %arg2[%dma_start3A_258, %dma_start3A_259] : memref<10000x128xf32, #tpu.memory_space<hbm>> -> memref<10000x128xf32, #tpu.memory_space<hbm>>
        %dma_start3A_261 = tpu.memref_slice %arg10[%dma_start3A_250] : memref<4x!tpu.dma_semaphore, #tpu.memory_space<semaphore_mem>> -> memref<1x!tpu.dma_semaphore, #tpu.memory_space<semaphore_mem>>
        %dma_start3A_262 = tpu.memref_squeeze %dma_start3A_261 : memref<1x!tpu.dma_semaphore, #tpu.memory_space<semaphore_mem>> -> memref<!tpu.dma_semaphore, #tpu.memory_space<semaphore_mem>>
        tpu.enqueue_indirect_dma source(%dma_start3A_260 : memref<10000x128xf32, #tpu.memory_space<hbm>>) target(%dma_start3A_254 : memref<64x128xf32, #tpu.memory_space<vmem>>) offsets(%dma_start3A_257 : memref<64xi32, #tpu.memory_space<vmem>>) semaphore(%dma_start3A_262 : memref<!tpu.dma_semaphore, #tpu.memory_space<semaphore_mem>>)
        %add3A_263 = arith.constant 1 : i32
        %add3A_264 = arith.addi %mul3A_199, %add3A_263 : i32
        %dma_wait3A_265 = arith.constant 1 : i32
        %dma_wait3A_266 = arith.constant 1 : i32
        %dma_wait3A_267 = arith.constant 0 : i32
        %dma_wait3A_268 = arith.constant 0 : i32
        %dma_wait3A_269 = tpu.memref_slice %arg8[%dma_wait3A_265, %dma_wait3A_267, %dma_wait3A_268] : memref<4x64x128xf32, #tpu.memory_space<vmem>> -> memref<1x64x128xf32, #tpu.memory_space<vmem>>
        %dma_wait3A_270 = tpu.memref_squeeze %dma_wait3A_269 : memref<1x64x128xf32, #tpu.memory_space<vmem>> -> memref<64x128xf32, #tpu.memory_space<vmem>>
        %dma_wait3A_271 = arith.constant 0 : i32
        %dma_wait3A_272 = tpu.memref_slice %arg6[%add3A_264, %dma_wait3A_271] : memref<40x64xi32, #tpu.memory_space<vmem>> -> memref<1x64xi32, #tpu.memory_space<vmem>>
        %dma_wait3A_273 = tpu.memref_squeeze %dma_wait3A_272 : memref<1x64xi32, #tpu.memory_space<vmem>> -> memref<64xi32, #tpu.memory_space<vmem>>
        %dma_wait3A_274 = arith.constant 0 : i32
        %dma_wait3A_275 = arith.constant 0 : i32
        %dma_wait3A_276 = tpu.memref_slice %arg2[%dma_wait3A_274, %dma_wait3A_275] : memref<10000x128xf32, #tpu.memory_space<hbm>> -> memref<10000x128xf32, #tpu.memory_space<hbm>>
        %dma_wait3A_277 = tpu.memref_slice %arg10[%dma_wait3A_266] : memref<4x!tpu.dma_semaphore, #tpu.memory_space<semaphore_mem>> -> memref<1x!tpu.dma_semaphore, #tpu.memory_space<semaphore_mem>>
        %dma_wait3A_278 = tpu.memref_squeeze %dma_wait3A_277 : memref<1x!tpu.dma_semaphore, #tpu.memory_space<semaphore_mem>> -> memref<!tpu.dma_semaphore, #tpu.memory_space<semaphore_mem>>
        tpu.wait_indirect_dma semaphore(%dma_wait3A_278 : memref<!tpu.dma_semaphore, #tpu.memory_space<semaphore_mem>>) src(%dma_wait3A_276 : memref<10000x128xf32, #tpu.memory_space<hbm>>) dst(%dma_wait3A_270 : memref<64x128xf32, #tpu.memory_space<vmem>>)
        %dma_start3A_279 = arith.constant 1 : i32
        %dma_start3A_280 = arith.constant 1 : i32
        %dma_start3A_281 = arith.constant 0 : i32
        %dma_start3A_282 = arith.constant 0 : i32
        %dma_start3A_283 = tpu.memref_slice %arg8[%dma_start3A_279, %dma_start3A_281, %dma_start3A_282] : memref<4x64x128xf32, #tpu.memory_space<vmem>> -> memref<1x64x128xf32, #tpu.memory_space<vmem>>
        %dma_start3A_284 = tpu.memref_squeeze %dma_start3A_283 : memref<1x64x128xf32, #tpu.memory_space<vmem>> -> memref<64x128xf32, #tpu.memory_space<vmem>>
        %dma_start3A_285 = arith.constant 0 : i32
        %dma_start3A_286 = tpu.memref_slice %arg7[%add3A_264, %dma_start3A_285] : memref<40x64xi32, #tpu.memory_space<vmem>> -> memref<1x64xi32, #tpu.memory_space<vmem>>
        %dma_start3A_287 = tpu.memref_squeeze %dma_start3A_286 : memref<1x64xi32, #tpu.memory_space<vmem>> -> memref<64xi32, #tpu.memory_space<vmem>>
        %dma_start3A_288 = arith.constant 0 : i32
        %dma_start3A_289 = arith.constant 0 : i32
        %dma_start3A_290 = tpu.memref_slice %arg9[%dma_start3A_288, %dma_start3A_289] : memref<10240x128xf32, #tpu.memory_space<vmem_shared>> -> memref<10240x128xf32, #tpu.memory_space<vmem_shared>>
        %dma_start3A_291 = tpu.memref_slice %arg11[%dma_start3A_280] : memref<4x!tpu.dma_semaphore, #tpu.memory_space<semaphore_mem>> -> memref<1x!tpu.dma_semaphore, #tpu.memory_space<semaphore_mem>>
        %dma_start3A_292 = tpu.memref_squeeze %dma_start3A_291 : memref<1x!tpu.dma_semaphore, #tpu.memory_space<semaphore_mem>> -> memref<!tpu.dma_semaphore, #tpu.memory_space<semaphore_mem>>
        tpu.enqueue_indirect_dma source(%dma_start3A_284 : memref<64x128xf32, #tpu.memory_space<vmem>>) target(%dma_start3A_290 : memref<10240x128xf32, #tpu.memory_space<vmem_shared>>) offsets(%dma_start3A_287 : memref<64xi32, #tpu.memory_space<vmem>>) semaphore(%dma_start3A_292 : memref<!tpu.dma_semaphore, #tpu.memory_space<semaphore_mem>>) {add = true}
        %dma_wait3A_293 = arith.constant 1 : i32
        %dma_wait3A_294 = arith.constant 1 : i32
        %dma_wait3A_295 = arith.constant 0 : i32
        %dma_wait3A_296 = arith.constant 0 : i32
        %dma_wait3A_297 = tpu.memref_slice %arg8[%dma_wait3A_293, %dma_wait3A_295, %dma_wait3A_296] : memref<4x64x128xf32, #tpu.memory_space<vmem>> -> memref<1x64x128xf32, #tpu.memory_space<vmem>>
        %dma_wait3A_298 = tpu.memref_squeeze %dma_wait3A_297 : memref<1x64x128xf32, #tpu.memory_space<vmem>> -> memref<64x128xf32, #tpu.memory_space<vmem>>
        %dma_wait3A_299 = arith.constant 0 : i32
        %dma_wait3A_300 = tpu.memref_slice %arg7[%add3A_264, %dma_wait3A_299] : memref<40x64xi32, #tpu.memory_space<vmem>> -> memref<1x64xi32, #tpu.memory_space<vmem>>
        %dma_wait3A_301 = tpu.memref_squeeze %dma_wait3A_300 : memref<1x64xi32, #tpu.memory_space<vmem>> -> memref<64xi32, #tpu.memory_space<vmem>>
        %dma_wait3A_302 = arith.constant 0 : i32
        %dma_wait3A_303 = arith.constant 0 : i32
        %dma_wait3A_304 = tpu.memref_slice %arg9[%dma_wait3A_302, %dma_wait3A_303] : memref<10240x128xf32, #tpu.memory_space<vmem_shared>> -> memref<10240x128xf32, #tpu.memory_space<vmem_shared>>
        %dma_wait3A_305 = tpu.memref_slice %arg11[%dma_wait3A_294] : memref<4x!tpu.dma_semaphore, #tpu.memory_space<semaphore_mem>> -> memref<1x!tpu.dma_semaphore, #tpu.memory_space<semaphore_mem>>
        %dma_wait3A_306 = tpu.memref_squeeze %dma_wait3A_305 : memref<1x!tpu.dma_semaphore, #tpu.memory_space<semaphore_mem>> -> memref<!tpu.dma_semaphore, #tpu.memory_space<semaphore_mem>>
        tpu.wait_indirect_dma semaphore(%dma_wait3A_306 : memref<!tpu.dma_semaphore, #tpu.memory_space<semaphore_mem>>) src(%dma_wait3A_298 : memref<64x128xf32, #tpu.memory_space<vmem>>) dst(%dma_wait3A_304 : memref<10240x128xf32, #tpu.memory_space<vmem_shared>>)
        %add3A_307 = arith.constant 4 : i32
        %add3A_308 = arith.addi %mul3A_199, %add3A_307 : i32
        %add3A_309 = arith.constant 1 : i32
        %add3A_310 = arith.addi %add3A_308, %add3A_309 : i32
        %min3A_311 = arith.constant 39 : i32
        %min3A_312 = arith.minsi %add3A_310, %min3A_311 : i32
        %dma_start3A_313 = arith.constant 1 : i32
        %dma_start3A_314 = arith.constant 1 : i32
        %dma_start3A_315 = arith.constant 0 : i32
        %dma_start3A_316 = arith.constant 0 : i32
        %dma_start3A_317 = tpu.memref_slice %arg8[%dma_start3A_313, %dma_start3A_315, %dma_start3A_316] : memref<4x64x128xf32, #tpu.memory_space<vmem>> -> memref<1x64x128xf32, #tpu.memory_space<vmem>>
        %dma_start3A_318 = tpu.memref_squeeze %dma_start3A_317 : memref<1x64x128xf32, #tpu.memory_space<vmem>> -> memref<64x128xf32, #tpu.memory_space<vmem>>
        %dma_start3A_319 = arith.constant 0 : i32
        %dma_start3A_320 = tpu.memref_slice %arg6[%min3A_312, %dma_start3A_319] : memref<40x64xi32, #tpu.memory_space<vmem>> -> memref<1x64xi32, #tpu.memory_space<vmem>>
        %dma_start3A_321 = tpu.memref_squeeze %dma_start3A_320 : memref<1x64xi32, #tpu.memory_space<vmem>> -> memref<64xi32, #tpu.memory_space<vmem>>
        %dma_start3A_322 = arith.constant 0 : i32
        %dma_start3A_323 = arith.constant 0 : i32
        %dma_start3A_324 = tpu.memref_slice %arg2[%dma_start3A_322, %dma_start3A_323] : memref<10000x128xf32, #tpu.memory_space<hbm>> -> memref<10000x128xf32, #tpu.memory_space<hbm>>
        %dma_start3A_325 = tpu.memref_slice %arg10[%dma_start3A_314] : memref<4x!tpu.dma_semaphore, #tpu.memory_space<semaphore_mem>> -> memref<1x!tpu.dma_semaphore, #tpu.memory_space<semaphore_mem>>
        %dma_start3A_326 = tpu.memref_squeeze %dma_start3A_325 : memref<1x!tpu.dma_semaphore, #tpu.memory_space<semaphore_mem>> -> memref<!tpu.dma_semaphore, #tpu.memory_space<semaphore_mem>>
        tpu.enqueue_indirect_dma source(%dma_start3A_324 : memref<10000x128xf32, #tpu.memory_space<hbm>>) target(%dma_start3A_318 : memref<64x128xf32, #tpu.memory_space<vmem>>) offsets(%dma_start3A_321 : memref<64xi32, #tpu.memory_space<vmem>>) semaphore(%dma_start3A_326 : memref<!tpu.dma_semaphore, #tpu.memory_space<semaphore_mem>>)
        %add3A_327 = arith.constant 2 : i32
        %add3A_328 = arith.addi %mul3A_199, %add3A_327 : i32
        %dma_wait3A_329 = arith.constant 2 : i32
        %dma_wait3A_330 = arith.constant 2 : i32
        %dma_wait3A_331 = arith.constant 0 : i32
        %dma_wait3A_332 = arith.constant 0 : i32
        %dma_wait3A_333 = tpu.memref_slice %arg8[%dma_wait3A_329, %dma_wait3A_331, %dma_wait3A_332] : memref<4x64x128xf32, #tpu.memory_space<vmem>> -> memref<1x64x128xf32, #tpu.memory_space<vmem>>
        %dma_wait3A_334 = tpu.memref_squeeze %dma_wait3A_333 : memref<1x64x128xf32, #tpu.memory_space<vmem>> -> memref<64x128xf32, #tpu.memory_space<vmem>>
        %dma_wait3A_335 = arith.constant 0 : i32
        %dma_wait3A_336 = tpu.memref_slice %arg6[%add3A_328, %dma_wait3A_335] : memref<40x64xi32, #tpu.memory_space<vmem>> -> memref<1x64xi32, #tpu.memory_space<vmem>>
        %dma_wait3A_337 = tpu.memref_squeeze %dma_wait3A_336 : memref<1x64xi32, #tpu.memory_space<vmem>> -> memref<64xi32, #tpu.memory_space<vmem>>
        %dma_wait3A_338 = arith.constant 0 : i32
        %dma_wait3A_339 = arith.constant 0 : i32
        %dma_wait3A_340 = tpu.memref_slice %arg2[%dma_wait3A_338, %dma_wait3A_339] : memref<10000x128xf32, #tpu.memory_space<hbm>> -> memref<10000x128xf32, #tpu.memory_space<hbm>>
        %dma_wait3A_341 = tpu.memref_slice %arg10[%dma_wait3A_330] : memref<4x!tpu.dma_semaphore, #tpu.memory_space<semaphore_mem>> -> memref<1x!tpu.dma_semaphore, #tpu.memory_space<semaphore_mem>>
        %dma_wait3A_342 = tpu.memref_squeeze %dma_wait3A_341 : memref<1x!tpu.dma_semaphore, #tpu.memory_space<semaphore_mem>> -> memref<!tpu.dma_semaphore, #tpu.memory_space<semaphore_mem>>
        tpu.wait_indirect_dma semaphore(%dma_wait3A_342 : memref<!tpu.dma_semaphore, #tpu.memory_space<semaphore_mem>>) src(%dma_wait3A_340 : memref<10000x128xf32, #tpu.memory_space<hbm>>) dst(%dma_wait3A_334 : memref<64x128xf32, #tpu.memory_space<vmem>>)
        %dma_start3A_343 = arith.constant 2 : i32
        %dma_start3A_344 = arith.constant 2 : i32
        %dma_start3A_345 = arith.constant 0 : i32
        %dma_start3A_346 = arith.constant 0 : i32
        %dma_start3A_347 = tpu.memref_slice %arg8[%dma_start3A_343, %dma_start3A_345, %dma_start3A_346] : memref<4x64x128xf32, #tpu.memory_space<vmem>> -> memref<1x64x128xf32, #tpu.memory_space<vmem>>
        %dma_start3A_348 = tpu.memref_squeeze %dma_start3A_347 : memref<1x64x128xf32, #tpu.memory_space<vmem>> -> memref<64x128xf32, #tpu.memory_space<vmem>>
        %dma_start3A_349 = arith.constant 0 : i32
        %dma_start3A_350 = tpu.memref_slice %arg7[%add3A_328, %dma_start3A_349] : memref<40x64xi32, #tpu.memory_space<vmem>> -> memref<1x64xi32, #tpu.memory_space<vmem>>
        %dma_start3A_351 = tpu.memref_squeeze %dma_start3A_350 : memref<1x64xi32, #tpu.memory_space<vmem>> -> memref<64xi32, #tpu.memory_space<vmem>>
        %dma_start3A_352 = arith.constant 0 : i32
        %dma_start3A_353 = arith.constant 0 : i32
        %dma_start3A_354 = tpu.memref_slice %arg9[%dma_start3A_352, %dma_start3A_353] : memref<10240x128xf32, #tpu.memory_space<vmem_shared>> -> memref<10240x128xf32, #tpu.memory_space<vmem_shared>>
        %dma_start3A_355 = tpu.memref_slice %arg11[%dma_start3A_344] : memref<4x!tpu.dma_semaphore, #tpu.memory_space<semaphore_mem>> -> memref<1x!tpu.dma_semaphore, #tpu.memory_space<semaphore_mem>>
        %dma_start3A_356 = tpu.memref_squeeze %dma_start3A_355 : memref<1x!tpu.dma_semaphore, #tpu.memory_space<semaphore_mem>> -> memref<!tpu.dma_semaphore, #tpu.memory_space<semaphore_mem>>
        tpu.enqueue_indirect_dma source(%dma_start3A_348 : memref<64x128xf32, #tpu.memory_space<vmem>>) target(%dma_start3A_354 : memref<10240x128xf32, #tpu.memory_space<vmem_shared>>) offsets(%dma_start3A_351 : memref<64xi32, #tpu.memory_space<vmem>>) semaphore(%dma_start3A_356 : memref<!tpu.dma_semaphore, #tpu.memory_space<semaphore_mem>>) {add = true}
        %dma_wait3A_357 = arith.constant 2 : i32
        %dma_wait3A_358 = arith.constant 2 : i32
        %dma_wait3A_359 = arith.constant 0 : i32
        %dma_wait3A_360 = arith.constant 0 : i32
        %dma_wait3A_361 = tpu.memref_slice %arg8[%dma_wait3A_357, %dma_wait3A_359, %dma_wait3A_360] : memref<4x64x128xf32, #tpu.memory_space<vmem>> -> memref<1x64x128xf32, #tpu.memory_space<vmem>>
        %dma_wait3A_362 = tpu.memref_squeeze %dma_wait3A_361 : memref<1x64x128xf32, #tpu.memory_space<vmem>> -> memref<64x128xf32, #tpu.memory_space<vmem>>
        %dma_wait3A_363 = arith.constant 0 : i32
        %dma_wait3A_364 = tpu.memref_slice %arg7[%add3A_328, %dma_wait3A_363] : memref<40x64xi32, #tpu.memory_space<vmem>> -> memref<1x64xi32, #tpu.memory_space<vmem>>
        %dma_wait3A_365 = tpu.memref_squeeze %dma_wait3A_364 : memref<1x64xi32, #tpu.memory_space<vmem>> -> memref<64xi32, #tpu.memory_space<vmem>>
        %dma_wait3A_366 = arith.constant 0 : i32
        %dma_wait3A_367 = arith.constant 0 : i32
        %dma_wait3A_368 = tpu.memref_slice %arg9[%dma_wait3A_366, %dma_wait3A_367] : memref<10240x128xf32, #tpu.memory_space<vmem_shared>> -> memref<10240x128xf32, #tpu.memory_space<vmem_shared>>
        %dma_wait3A_369 = tpu.memref_slice %arg11[%dma_wait3A_358] : memref<4x!tpu.dma_semaphore, #tpu.memory_space<semaphore_mem>> -> memref<1x!tpu.dma_semaphore, #tpu.memory_space<semaphore_mem>>
        %dma_wait3A_370 = tpu.memref_squeeze %dma_wait3A_369 : memref<1x!tpu.dma_semaphore, #tpu.memory_space<semaphore_mem>> -> memref<!tpu.dma_semaphore, #tpu.memory_space<semaphore_mem>>
        tpu.wait_indirect_dma semaphore(%dma_wait3A_370 : memref<!tpu.dma_semaphore, #tpu.memory_space<semaphore_mem>>) src(%dma_wait3A_362 : memref<64x128xf32, #tpu.memory_space<vmem>>) dst(%dma_wait3A_368 : memref<10240x128xf32, #tpu.memory_space<vmem_shared>>)
        %add3A_371 = arith.constant 4 : i32
        %add3A_372 = arith.addi %mul3A_199, %add3A_371 : i32
        %add3A_373 = arith.constant 2 : i32
        %add3A_374 = arith.addi %add3A_372, %add3A_373 : i32
        %min3A_375 = arith.constant 39 : i32
        %min3A_376 = arith.minsi %add3A_374, %min3A_375 : i32
        %dma_start3A_377 = arith.constant 2 : i32
        %dma_start3A_378 = arith.constant 2 : i32
        %dma_start3A_379 = arith.constant 0 : i32
        %dma_start3A_380 = arith.constant 0 : i32
        %dma_start3A_381 = tpu.memref_slice %arg8[%dma_start3A_377, %dma_start3A_379, %dma_start3A_380] : memref<4x64x128xf32, #tpu.memory_space<vmem>> -> memref<1x64x128xf32, #tpu.memory_space<vmem>>
        %dma_start3A_382 = tpu.memref_squeeze %dma_start3A_381 : memref<1x64x128xf32, #tpu.memory_space<vmem>> -> memref<64x128xf32, #tpu.memory_space<vmem>>
        %dma_start3A_383 = arith.constant 0 : i32
        %dma_start3A_384 = tpu.memref_slice %arg6[%min3A_376, %dma_start3A_383] : memref<40x64xi32, #tpu.memory_space<vmem>> -> memref<1x64xi32, #tpu.memory_space<vmem>>
        %dma_start3A_385 = tpu.memref_squeeze %dma_start3A_384 : memref<1x64xi32, #tpu.memory_space<vmem>> -> memref<64xi32, #tpu.memory_space<vmem>>
        %dma_start3A_386 = arith.constant 0 : i32
        %dma_start3A_387 = arith.constant 0 : i32
        %dma_start3A_388 = tpu.memref_slice %arg2[%dma_start3A_386, %dma_start3A_387] : memref<10000x128xf32, #tpu.memory_space<hbm>> -> memref<10000x128xf32, #tpu.memory_space<hbm>>
        %dma_start3A_389 = tpu.memref_slice %arg10[%dma_start3A_378] : memref<4x!tpu.dma_semaphore, #tpu.memory_space<semaphore_mem>> -> memref<1x!tpu.dma_semaphore, #tpu.memory_space<semaphore_mem>>
        %dma_start3A_390 = tpu.memref_squeeze %dma_start3A_389 : memref<1x!tpu.dma_semaphore, #tpu.memory_space<semaphore_mem>> -> memref<!tpu.dma_semaphore, #tpu.memory_space<semaphore_mem>>
        tpu.enqueue_indirect_dma source(%dma_start3A_388 : memref<10000x128xf32, #tpu.memory_space<hbm>>) target(%dma_start3A_382 : memref<64x128xf32, #tpu.memory_space<vmem>>) offsets(%dma_start3A_385 : memref<64xi32, #tpu.memory_space<vmem>>) semaphore(%dma_start3A_390 : memref<!tpu.dma_semaphore, #tpu.memory_space<semaphore_mem>>)
        %add3A_391 = arith.constant 3 : i32
        %add3A_392 = arith.addi %mul3A_199, %add3A_391 : i32
        %dma_wait3A_393 = arith.constant 3 : i32
        %dma_wait3A_394 = arith.constant 3 : i32
        %dma_wait3A_395 = arith.constant 0 : i32
        %dma_wait3A_396 = arith.constant 0 : i32
        %dma_wait3A_397 = tpu.memref_slice %arg8[%dma_wait3A_393, %dma_wait3A_395, %dma_wait3A_396] : memref<4x64x128xf32, #tpu.memory_space<vmem>> -> memref<1x64x128xf32, #tpu.memory_space<vmem>>
        %dma_wait3A_398 = tpu.memref_squeeze %dma_wait3A_397 : memref<1x64x128xf32, #tpu.memory_space<vmem>> -> memref<64x128xf32, #tpu.memory_space<vmem>>
        %dma_wait3A_399 = arith.constant 0 : i32
        %dma_wait3A_400 = tpu.memref_slice %arg6[%add3A_392, %dma_wait3A_399] : memref<40x64xi32, #tpu.memory_space<vmem>> -> memref<1x64xi32, #tpu.memory_space<vmem>>
        %dma_wait3A_401 = tpu.memref_squeeze %dma_wait3A_400 : memref<1x64xi32, #tpu.memory_space<vmem>> -> memref<64xi32, #tpu.memory_space<vmem>>
        %dma_wait3A_402 = arith.constant 0 : i32
        %dma_wait3A_403 = arith.constant 0 : i32
        %dma_wait3A_404 = tpu.memref_slice %arg2[%dma_wait3A_402, %dma_wait3A_403] : memref<10000x128xf32, #tpu.memory_space<hbm>> -> memref<10000x128xf32, #tpu.memory_space<hbm>>
        %dma_wait3A_405 = tpu.memref_slice %arg10[%dma_wait3A_394] : memref<4x!tpu.dma_semaphore, #tpu.memory_space<semaphore_mem>> -> memref<1x!tpu.dma_semaphore, #tpu.memory_space<semaphore_mem>>
        %dma_wait3A_406 = tpu.memref_squeeze %dma_wait3A_405 : memref<1x!tpu.dma_semaphore, #tpu.memory_space<semaphore_mem>> -> memref<!tpu.dma_semaphore, #tpu.memory_space<semaphore_mem>>
        tpu.wait_indirect_dma semaphore(%dma_wait3A_406 : memref<!tpu.dma_semaphore, #tpu.memory_space<semaphore_mem>>) src(%dma_wait3A_404 : memref<10000x128xf32, #tpu.memory_space<hbm>>) dst(%dma_wait3A_398 : memref<64x128xf32, #tpu.memory_space<vmem>>)
        %dma_start3A_407 = arith.constant 3 : i32
        %dma_start3A_408 = arith.constant 3 : i32
        %dma_start3A_409 = arith.constant 0 : i32
        %dma_start3A_410 = arith.constant 0 : i32
        %dma_start3A_411 = tpu.memref_slice %arg8[%dma_start3A_407, %dma_start3A_409, %dma_start3A_410] : memref<4x64x128xf32, #tpu.memory_space<vmem>> -> memref<1x64x128xf32, #tpu.memory_space<vmem>>
        %dma_start3A_412 = tpu.memref_squeeze %dma_start3A_411 : memref<1x64x128xf32, #tpu.memory_space<vmem>> -> memref<64x128xf32, #tpu.memory_space<vmem>>
        %dma_start3A_413 = arith.constant 0 : i32
        %dma_start3A_414 = tpu.memref_slice %arg7[%add3A_392, %dma_start3A_413] : memref<40x64xi32, #tpu.memory_space<vmem>> -> memref<1x64xi32, #tpu.memory_space<vmem>>
        %dma_start3A_415 = tpu.memref_squeeze %dma_start3A_414 : memref<1x64xi32, #tpu.memory_space<vmem>> -> memref<64xi32, #tpu.memory_space<vmem>>
        %dma_start3A_416 = arith.constant 0 : i32
        %dma_start3A_417 = arith.constant 0 : i32
        %dma_start3A_418 = tpu.memref_slice %arg9[%dma_start3A_416, %dma_start3A_417] : memref<10240x128xf32, #tpu.memory_space<vmem_shared>> -> memref<10240x128xf32, #tpu.memory_space<vmem_shared>>
        %dma_start3A_419 = tpu.memref_slice %arg11[%dma_start3A_408] : memref<4x!tpu.dma_semaphore, #tpu.memory_space<semaphore_mem>> -> memref<1x!tpu.dma_semaphore, #tpu.memory_space<semaphore_mem>>
        %dma_start3A_420 = tpu.memref_squeeze %dma_start3A_419 : memref<1x!tpu.dma_semaphore, #tpu.memory_space<semaphore_mem>> -> memref<!tpu.dma_semaphore, #tpu.memory_space<semaphore_mem>>
        tpu.enqueue_indirect_dma source(%dma_start3A_412 : memref<64x128xf32, #tpu.memory_space<vmem>>) target(%dma_start3A_418 : memref<10240x128xf32, #tpu.memory_space<vmem_shared>>) offsets(%dma_start3A_415 : memref<64xi32, #tpu.memory_space<vmem>>) semaphore(%dma_start3A_420 : memref<!tpu.dma_semaphore, #tpu.memory_space<semaphore_mem>>) {add = true}
        %dma_wait3A_421 = arith.constant 3 : i32
        %dma_wait3A_422 = arith.constant 3 : i32
        %dma_wait3A_423 = arith.constant 0 : i32
        %dma_wait3A_424 = arith.constant 0 : i32
        %dma_wait3A_425 = tpu.memref_slice %arg8[%dma_wait3A_421, %dma_wait3A_423, %dma_wait3A_424] : memref<4x64x128xf32, #tpu.memory_space<vmem>> -> memref<1x64x128xf32, #tpu.memory_space<vmem>>
        %dma_wait3A_426 = tpu.memref_squeeze %dma_wait3A_425 : memref<1x64x128xf32, #tpu.memory_space<vmem>> -> memref<64x128xf32, #tpu.memory_space<vmem>>
        %dma_wait3A_427 = arith.constant 0 : i32
        %dma_wait3A_428 = tpu.memref_slice %arg7[%add3A_392, %dma_wait3A_427] : memref<40x64xi32, #tpu.memory_space<vmem>> -> memref<1x64xi32, #tpu.memory_space<vmem>>
        %dma_wait3A_429 = tpu.memref_squeeze %dma_wait3A_428 : memref<1x64xi32, #tpu.memory_space<vmem>> -> memref<64xi32, #tpu.memory_space<vmem>>
        %dma_wait3A_430 = arith.constant 0 : i32
        %dma_wait3A_431 = arith.constant 0 : i32
        %dma_wait3A_432 = tpu.memref_slice %arg9[%dma_wait3A_430, %dma_wait3A_431] : memref<10240x128xf32, #tpu.memory_space<vmem_shared>> -> memref<10240x128xf32, #tpu.memory_space<vmem_shared>>
        %dma_wait3A_433 = tpu.memref_slice %arg11[%dma_wait3A_422] : memref<4x!tpu.dma_semaphore, #tpu.memory_space<semaphore_mem>> -> memref<1x!tpu.dma_semaphore, #tpu.memory_space<semaphore_mem>>
        %dma_wait3A_434 = tpu.memref_squeeze %dma_wait3A_433 : memref<1x!tpu.dma_semaphore, #tpu.memory_space<semaphore_mem>> -> memref<!tpu.dma_semaphore, #tpu.memory_space<semaphore_mem>>
        tpu.wait_indirect_dma semaphore(%dma_wait3A_434 : memref<!tpu.dma_semaphore, #tpu.memory_space<semaphore_mem>>) src(%dma_wait3A_426 : memref<64x128xf32, #tpu.memory_space<vmem>>) dst(%dma_wait3A_432 : memref<10240x128xf32, #tpu.memory_space<vmem_shared>>)
        %add3A_435 = arith.constant 4 : i32
        %add3A_436 = arith.addi %mul3A_199, %add3A_435 : i32
        %add3A_437 = arith.constant 3 : i32
        %add3A_438 = arith.addi %add3A_436, %add3A_437 : i32
        %min3A_439 = arith.constant 39 : i32
        %min3A_440 = arith.minsi %add3A_438, %min3A_439 : i32
        %dma_start3A_441 = arith.constant 3 : i32
        %dma_start3A_442 = arith.constant 3 : i32
        %dma_start3A_443 = arith.constant 0 : i32
        %dma_start3A_444 = arith.constant 0 : i32
        %dma_start3A_445 = tpu.memref_slice %arg8[%dma_start3A_441, %dma_start3A_443, %dma_start3A_444] : memref<4x64x128xf32, #tpu.memory_space<vmem>> -> memref<1x64x128xf32, #tpu.memory_space<vmem>>
        %dma_start3A_446 = tpu.memref_squeeze %dma_start3A_445 : memref<1x64x128xf32, #tpu.memory_space<vmem>> -> memref<64x128xf32, #tpu.memory_space<vmem>>
        %dma_start3A_447 = arith.constant 0 : i32
        %dma_start3A_448 = tpu.memref_slice %arg6[%min3A_440, %dma_start3A_447] : memref<40x64xi32, #tpu.memory_space<vmem>> -> memref<1x64xi32, #tpu.memory_space<vmem>>
        %dma_start3A_449 = tpu.memref_squeeze %dma_start3A_448 : memref<1x64xi32, #tpu.memory_space<vmem>> -> memref<64xi32, #tpu.memory_space<vmem>>
        %dma_start3A_450 = arith.constant 0 : i32
        %dma_start3A_451 = arith.constant 0 : i32
        %dma_start3A_452 = tpu.memref_slice %arg2[%dma_start3A_450, %dma_start3A_451] : memref<10000x128xf32, #tpu.memory_space<hbm>> -> memref<10000x128xf32, #tpu.memory_space<hbm>>
        %dma_start3A_453 = tpu.memref_slice %arg10[%dma_start3A_442] : memref<4x!tpu.dma_semaphore, #tpu.memory_space<semaphore_mem>> -> memref<1x!tpu.dma_semaphore, #tpu.memory_space<semaphore_mem>>
        %dma_start3A_454 = tpu.memref_squeeze %dma_start3A_453 : memref<1x!tpu.dma_semaphore, #tpu.memory_space<semaphore_mem>> -> memref<!tpu.dma_semaphore, #tpu.memory_space<semaphore_mem>>
        tpu.enqueue_indirect_dma source(%dma_start3A_452 : memref<10000x128xf32, #tpu.memory_space<hbm>>) target(%dma_start3A_446 : memref<64x128xf32, #tpu.memory_space<vmem>>) offsets(%dma_start3A_449 : memref<64xi32, #tpu.memory_space<vmem>>) semaphore(%dma_start3A_454 : memref<!tpu.dma_semaphore, #tpu.memory_space<semaphore_mem>>)
      }
      %scan3A_133 = arith.constant 10 : i32
      %dma_wait3A = arith.constant 39 : i32
      %dma_wait3A_134 = arith.constant 0 : i32
      %dma_wait3A_135 = arith.constant 0 : i32
      %dma_wait3A_136 = arith.constant 0 : i32
      %dma_wait3A_137 = arith.constant 0 : i32
      %dma_wait3A_138 = tpu.memref_slice %arg8[%dma_wait3A_134, %dma_wait3A_136, %dma_wait3A_137] : memref<4x64x128xf32, #tpu.memory_space<vmem>> -> memref<1x64x128xf32, #tpu.memory_space<vmem>>
      %dma_wait3A_139 = tpu.memref_squeeze %dma_wait3A_138 : memref<1x64x128xf32, #tpu.memory_space<vmem>> -> memref<64x128xf32, #tpu.memory_space<vmem>>
      %dma_wait3A_140 = arith.constant 0 : i32
      %dma_wait3A_141 = tpu.memref_slice %arg6[%dma_wait3A, %dma_wait3A_140] : memref<40x64xi32, #tpu.memory_space<vmem>> -> memref<1x64xi32, #tpu.memory_space<vmem>>
      %dma_wait3A_142 = tpu.memref_squeeze %dma_wait3A_141 : memref<1x64xi32, #tpu.memory_space<vmem>> -> memref<64xi32, #tpu.memory_space<vmem>>
      %dma_wait3A_143 = arith.constant 0 : i32
      %dma_wait3A_144 = arith.constant 0 : i32
      %dma_wait3A_145 = tpu.memref_slice %arg2[%dma_wait3A_143, %dma_wait3A_144] : memref<10000x128xf32, #tpu.memory_space<hbm>> -> memref<10000x128xf32, #tpu.memory_space<hbm>>
      %dma_wait3A_146 = tpu.memref_slice %arg10[%dma_wait3A_135] : memref<4x!tpu.dma_semaphore, #tpu.memory_space<semaphore_mem>> -> memref<1x!tpu.dma_semaphore, #tpu.memory_space<semaphore_mem>>
      %dma_wait3A_147 = tpu.memref_squeeze %dma_wait3A_146 : memref<1x!tpu.dma_semaphore, #tpu.memory_space<semaphore_mem>> -> memref<!tpu.dma_semaphore, #tpu.memory_space<semaphore_mem>>
      tpu.wait_indirect_dma semaphore(%dma_wait3A_147 : memref<!tpu.dma_semaphore, #tpu.memory_space<semaphore_mem>>) src(%dma_wait3A_145 : memref<10000x128xf32, #tpu.memory_space<hbm>>) dst(%dma_wait3A_139 : memref<64x128xf32, #tpu.memory_space<vmem>>)
      %dma_wait3A_148 = arith.constant 39 : i32
      %dma_wait3A_149 = arith.constant 1 : i32
      %dma_wait3A_150 = arith.constant 1 : i32
      %dma_wait3A_151 = arith.constant 0 : i32
      %dma_wait3A_152 = arith.constant 0 : i32
      %dma_wait3A_153 = tpu.memref_slice %arg8[%dma_wait3A_149, %dma_wait3A_151, %dma_wait3A_152] : memref<4x64x128xf32, #tpu.memory_space<vmem>> -> memref<1x64x128xf32, #tpu.memory_space<vmem>>
      %dma_wait3A_154 = tpu.memref_squeeze %dma_wait3A_153 : memref<1x64x128xf32, #tpu.memory_space<vmem>> -> memref<64x128xf32, #tpu.memory_space<vmem>>
      %dma_wait3A_155 = arith.constant 0 : i32
      %dma_wait3A_156 = tpu.memref_slice %arg6[%dma_wait3A_148, %dma_wait3A_155] : memref<40x64xi32, #tpu.memory_space<vmem>> -> memref<1x64xi32, #tpu.memory_space<vmem>>
      %dma_wait3A_157 = tpu.memref_squeeze %dma_wait3A_156 : memref<1x64xi32, #tpu.memory_space<vmem>> -> memref<64xi32, #tpu.memory_space<vmem>>
      %dma_wait3A_158 = arith.constant 0 : i32
      %dma_wait3A_159 = arith.constant 0 : i32
      %dma_wait3A_160 = tpu.memref_slice %arg2[%dma_wait3A_158, %dma_wait3A_159] : memref<10000x128xf32, #tpu.memory_space<hbm>> -> memref<10000x128xf32, #tpu.memory_space<hbm>>
      %dma_wait3A_161 = tpu.memref_slice %arg10[%dma_wait3A_150] : memref<4x!tpu.dma_semaphore, #tpu.memory_space<semaphore_mem>> -> memref<1x!tpu.dma_semaphore, #tpu.memory_space<semaphore_mem>>
      %dma_wait3A_162 = tpu.memref_squeeze %dma_wait3A_161 : memref<1x!tpu.dma_semaphore, #tpu.memory_space<semaphore_mem>> -> memref<!tpu.dma_semaphore, #tpu.memory_space<semaphore_mem>>
      tpu.wait_indirect_dma semaphore(%dma_wait3A_162 : memref<!tpu.dma_semaphore, #tpu.memory_space<semaphore_mem>>) src(%dma_wait3A_160 : memref<10000x128xf32, #tpu.memory_space<hbm>>) dst(%dma_wait3A_154 : memref<64x128xf32, #tpu.memory_space<vmem>>)
      %dma_wait3A_163 = arith.constant 39 : i32
      %dma_wait3A_164 = arith.constant 2 : i32
      %dma_wait3A_165 = arith.constant 2 : i32
      %dma_wait3A_166 = arith.constant 0 : i32
      %dma_wait3A_167 = arith.constant 0 : i32
      %dma_wait3A_168 = tpu.memref_slice %arg8[%dma_wait3A_164, %dma_wait3A_166, %dma_wait3A_167] : memref<4x64x128xf32, #tpu.memory_space<vmem>> -> memref<1x64x128xf32, #tpu.memory_space<vmem>>
      %dma_wait3A_169 = tpu.memref_squeeze %dma_wait3A_168 : memref<1x64x128xf32, #tpu.memory_space<vmem>> -> memref<64x128xf32, #tpu.memory_space<vmem>>
      %dma_wait3A_170 = arith.constant 0 : i32
      %dma_wait3A_171 = tpu.memref_slice %arg6[%dma_wait3A_163, %dma_wait3A_170] : memref<40x64xi32, #tpu.memory_space<vmem>> -> memref<1x64xi32, #tpu.memory_space<vmem>>
      %dma_wait3A_172 = tpu.memref_squeeze %dma_wait3A_171 : memref<1x64xi32, #tpu.memory_space<vmem>> -> memref<64xi32, #tpu.memory_space<vmem>>
      %dma_wait3A_173 = arith.constant 0 : i32
      %dma_wait3A_174 = arith.constant 0 : i32
      %dma_wait3A_175 = tpu.memref_slice %arg2[%dma_wait3A_173, %dma_wait3A_174] : memref<10000x128xf32, #tpu.memory_space<hbm>> -> memref<10000x128xf32, #tpu.memory_space<hbm>>
      %dma_wait3A_176 = tpu.memref_slice %arg10[%dma_wait3A_165] : memref<4x!tpu.dma_semaphore, #tpu.memory_space<semaphore_mem>> -> memref<1x!tpu.dma_semaphore, #tpu.memory_space<semaphore_mem>>
      %dma_wait3A_177 = tpu.memref_squeeze %dma_wait3A_176 : memref<1x!tpu.dma_semaphore, #tpu.memory_space<semaphore_mem>> -> memref<!tpu.dma_semaphore, #tpu.memory_space<semaphore_mem>>
      tpu.wait_indirect_dma semaphore(%dma_wait3A_177 : memref<!tpu.dma_semaphore, #tpu.memory_space<semaphore_mem>>) src(%dma_wait3A_175 : memref<10000x128xf32, #tpu.memory_space<hbm>>) dst(%dma_wait3A_169 : memref<64x128xf32, #tpu.memory_space<vmem>>)
      %dma_wait3A_178 = arith.constant 39 : i32
      %dma_wait3A_179 = arith.constant 3 : i32
      %dma_wait3A_180 = arith.constant 3 : i32
      %dma_wait3A_181 = arith.constant 0 : i32
      %dma_wait3A_182 = arith.constant 0 : i32
      %dma_wait3A_183 = tpu.memref_slice %arg8[%dma_wait3A_179, %dma_wait3A_181, %dma_wait3A_182] : memref<4x64x128xf32, #tpu.memory_space<vmem>> -> memref<1x64x128xf32, #tpu.memory_space<vmem>>
      %dma_wait3A_184 = tpu.memref_squeeze %dma_wait3A_183 : memref<1x64x128xf32, #tpu.memory_space<vmem>> -> memref<64x128xf32, #tpu.memory_space<vmem>>
      %dma_wait3A_185 = arith.constant 0 : i32
      %dma_wait3A_186 = tpu.memref_slice %arg6[%dma_wait3A_178, %dma_wait3A_185] : memref<40x64xi32, #tpu.memory_space<vmem>> -> memref<1x64xi32, #tpu.memory_space<vmem>>
      %dma_wait3A_187 = tpu.memref_squeeze %dma_wait3A_186 : memref<1x64xi32, #tpu.memory_space<vmem>> -> memref<64xi32, #tpu.memory_space<vmem>>
      %dma_wait3A_188 = arith.constant 0 : i32
      %dma_wait3A_189 = arith.constant 0 : i32
      %dma_wait3A_190 = tpu.memref_slice %arg2[%dma_wait3A_188, %dma_wait3A_189] : memref<10000x128xf32, #tpu.memory_space<hbm>> -> memref<10000x128xf32, #tpu.memory_space<hbm>>
      %dma_wait3A_191 = tpu.memref_slice %arg10[%dma_wait3A_180] : memref<4x!tpu.dma_semaphore, #tpu.memory_space<semaphore_mem>> -> memref<1x!tpu.dma_semaphore, #tpu.memory_space<semaphore_mem>>
      %dma_wait3A_192 = tpu.memref_squeeze %dma_wait3A_191 : memref<1x!tpu.dma_semaphore, #tpu.memory_space<semaphore_mem>> -> memref<!tpu.dma_semaphore, #tpu.memory_space<semaphore_mem>>
      tpu.wait_indirect_dma semaphore(%dma_wait3A_192 : memref<!tpu.dma_semaphore, #tpu.memory_space<semaphore_mem>>) src(%dma_wait3A_190 : memref<10000x128xf32, #tpu.memory_space<hbm>>) dst(%dma_wait3A_184 : memref<64x128xf32, #tpu.memory_space<vmem>>)
    }
    %barrier3A_62 = arith.constant 0 : index
    tpu.barrier barrier_id(%barrier3A_62)
    %mul3A_63 = arith.constant 10240 : i32
    %mul3A_64 = arith.muli %arg0, %mul3A_63 : i32
    %add3A_65 = arith.addi %mul3A_64, %mul3A_0 : i32
    "tpu.region"() ({
      %run_scoped3A_66 = tpu.sem_alloc : memref<!tpu.dma_semaphore, #tpu.memory_space<semaphore_mem>>
      %dma_start3A = arith.constant 0 : i32
      %dma_start3A_67 = tpu.memref_slice %arg5[%add3A_65, %dma_start3A] : memref<20480x128xf32, #tpu.memory_space<hbm>> -> memref<640x128xf32, #tpu.memory_space<hbm>>
      %dma_start3A_68 = arith.constant 0 : i32
      %dma_start3A_69 = tpu.memref_slice %arg9[%mul3A_0, %dma_start3A_68] : memref<10240x128xf32, #tpu.memory_space<vmem_shared>> -> memref<640x128xf32, #tpu.memory_space<vmem_shared>>
      tpu.enqueue_dma source(%dma_start3A_69 : memref<640x128xf32, #tpu.memory_space<vmem_shared>>) target(%dma_start3A_67 : memref<640x128xf32, #tpu.memory_space<hbm>>) target_semaphore(%run_scoped3A_66 : memref<!tpu.dma_semaphore, #tpu.memory_space<semaphore_mem>>)
      %dma_wait3A = arith.constant 0 : i32
      %dma_wait3A_70 = tpu.memref_slice %arg5[%add3A_65, %dma_wait3A] : memref<20480x128xf32, #tpu.memory_space<hbm>> -> memref<640x128xf32, #tpu.memory_space<hbm>>
      %dma_wait3A_71 = arith.constant 0 : i32
      %dma_wait3A_72 = tpu.memref_slice %arg9[%mul3A_0, %dma_wait3A_71] : memref<10240x128xf32, #tpu.memory_space<vmem_shared>> -> memref<640x128xf32, #tpu.memory_space<vmem_shared>>
      tpu.wait_dma2 semaphore(%run_scoped3A_66 : memref<!tpu.dma_semaphore, #tpu.memory_space<semaphore_mem>>) src(%dma_wait3A_72 : memref<640x128xf32, #tpu.memory_space<vmem_shared>>) dst(%dma_wait3A_70 : memref<640x128xf32, #tpu.memory_space<hbm>>)
      tpu.yield
    }) : () -> ()
    return
  }
}

#map = affine_map<(d0, d1) -> (0, 0)>
#map1 = affine_map<(d0, d1) -> (0, 0, 0)>
module attributes {stable_mosaic.version = 14 : i64} {
  func.func @_segsum_body(%arg0: i32, %arg1: i32, %arg2: memref<10240x128xf32, #tpu.memory_space<hbm>>, %arg3: memref<128x40x64xi32, #tpu.memory_space<hbm>>, %arg4: memref<128x40x64xi32, #tpu.memory_space<hbm>>, %arg5: memref<20480x128xf32, #tpu.memory_space<hbm>>, %arg6: memref<40x64xi32, #tpu.memory_space<vmem>>, %arg7: memref<40x64xi32, #tpu.memory_space<vmem>>, %arg8: memref<4x64x128xf32, #tpu.memory_space<vmem>>, %arg9: memref<10240x128xf32, #tpu.memory_space<vmem_shared>>, %arg10: memref<4x!tpu.dma_semaphore, #tpu.memory_space<semaphore_mem>>, %arg11: memref<4x!tpu.dma_semaphore, #tpu.memory_space<semaphore_mem>>) attributes {dimension_semantics = [#tpu.dimension_semantics<core_parallel>, #tpu.dimension_semantics<subcore_parallel>], iteration_bounds = array<i64: 2, 16>, scalar_prefetch = 0 : i64, scratch_operands = 6 : i64, tpu.core_type = #tpu.core_type<sc_vector_subcore>, window_params = [{transform_indices = #map}, {transform_indices = #map1}, {transform_indices = #map1}, {transform_indices = #map}]} {
    %mul3A = arith.constant 640 : i32
    %mul3A_0 = arith.muli %arg1, %mul3A : i32
    %mul3A_1 = arith.constant 4 : i32
    %mul3A_2 = arith.muli %arg1, %mul3A_1 : i32
    %add3A = arith.constant 64 : i32
    %add3A_3 = arith.addi %add3A, %arg1 : i32
    %mul3A_4 = arith.constant 4 : i32
    %mul3A_5 = arith.muli %arg1, %mul3A_4 : i32
    %sub3A = arith.subi %add3A_3, %mul3A_5 : i32
    %mul3A_6 = arith.muli %arg0, %sub3A : i32
    %add3A_7 = arith.addi %mul3A_2, %mul3A_6 : i32
    %scan3A = arith.constant 0 : i32
    %scan3A_8 = arith.constant 64 : i32
    %scan3A_9 = arith.addi %scan3A, %scan3A_8 : i32
    %scan3A_10 = arith.constant 1 : i32
    scf.for %scan3A_66 = %scan3A to %scan3A_9 step %scan3A_10  : i32 {
      %mul3A_67 = arith.constant 1 : i32
      %mul3A_68 = arith.muli %scan3A_66, %mul3A_67 : i32
      %add3A_69 = arith.constant 0 : i32
      %add3A_70 = arith.addi %add3A_69, %mul3A_68 : i32
      %broadcast_in_dim3A = arith.constant 0.000000e+00 : f32
      %broadcast_in_dim3A_71 = vector.broadcast %broadcast_in_dim3A : f32 to vector<16xf32>
      %swap3A = arith.constant 0 : i32
      %swap3A_72 = arith.index_cast %swap3A : i32 to index
      %swap3A_73 = arith.index_cast %add3A_70 : i32 to index
      %swap3A_74 = arith.constant 0 : index
      %swap3A_75 = tpu.vector_load %arg8[%swap3A_72, %swap3A_73, %swap3A_74] {strides = array<i32>} : memref<4x64x128xf32, #tpu.memory_space<vmem>>, vector<1x1x16xf32>,
      %swap3A_76 = vector.shape_cast %swap3A_75 : vector<1x1x16xf32> to vector<16xf32>
      %swap3A_77 = vector.shape_cast %broadcast_in_dim3A_71 : vector<16xf32> to vector<1x1x16xf32>
      tpu.vector_store %arg8[%swap3A_72, %swap3A_73, %swap3A_74], %swap3A_77 {strides = array<i32>} : memref<4x64x128xf32, #tpu.memory_space<vmem>>, vector<1x1x16xf32>,
      %broadcast_in_dim3A_78 = arith.constant 0.000000e+00 : f32
      %broadcast_in_dim3A_79 = vector.broadcast %broadcast_in_dim3A_78 : f32 to vector<16xf32>
      %swap3A_80 = arith.constant 0 : i32
      %swap3A_81 = arith.index_cast %swap3A_80 : i32 to index
      %swap3A_82 = arith.index_cast %add3A_70 : i32 to index
      %swap3A_83 = arith.constant 16 : index
      %swap3A_84 = tpu.vector_load %arg8[%swap3A_81, %swap3A_82, %swap3A_83] {strides = array<i32>} : memref<4x64x128xf32, #tpu.memory_space<vmem>>, vector<1x1x16xf32>,
      %swap3A_85 = vector.shape_cast %swap3A_84 : vector<1x1x16xf32> to vector<16xf32>
      %swap3A_86 = vector.shape_cast %broadcast_in_dim3A_79 : vector<16xf32> to vector<1x1x16xf32>
      tpu.vector_store %arg8[%swap3A_81, %swap3A_82, %swap3A_83], %swap3A_86 {strides = array<i32>} : memref<4x64x128xf32, #tpu.memory_space<vmem>>, vector<1x1x16xf32>,
      %broadcast_in_dim3A_87 = arith.constant 0.000000e+00 : f32
      %broadcast_in_dim3A_88 = vector.broadcast %broadcast_in_dim3A_87 : f32 to vector<16xf32>
      %swap3A_89 = arith.constant 0 : i32
      %swap3A_90 = arith.index_cast %swap3A_89 : i32 to index
      %swap3A_91 = arith.index_cast %add3A_70 : i32 to index
      %swap3A_92 = arith.constant 32 : index
      %swap3A_93 = tpu.vector_load %arg8[%swap3A_90, %swap3A_91, %swap3A_92] {strides = array<i32>} : memref<4x64x128xf32, #tpu.memory_space<vmem>>, vector<1x1x16xf32>,
      %swap3A_94 = vector.shape_cast %swap3A_93 : vector<1x1x16xf32> to vector<16xf32>
      %swap3A_95 = vector.shape_cast %broadcast_in_dim3A_88 : vector<16xf32> to vector<1x1x16xf32>
      tpu.vector_store %arg8[%swap3A_90, %swap3A_91, %swap3A_92], %swap3A_95 {strides = array<i32>} : memref<4x64x128xf32, #tpu.memory_space<vmem>>, vector<1x1x16xf32>,
      %broadcast_in_dim3A_96 = arith.constant 0.000000e+00 : f32
      %broadcast_in_dim3A_97 = vector.broadcast %broadcast_in_dim3A_96 : f32 to vector<16xf32>
      %swap3A_98 = arith.constant 0 : i32
      %swap3A_99 = arith.index_cast %swap3A_98 : i32 to index
      %swap3A_100 = arith.index_cast %add3A_70 : i32 to index
      %swap3A_101 = arith.constant 48 : index
      %swap3A_102 = tpu.vector_load %arg8[%swap3A_99, %swap3A_100, %swap3A_101] {strides = array<i32>} : memref<4x64x128xf32, #tpu.memory_space<vmem>>, vector<1x1x16xf32>,
      %swap3A_103 = vector.shape_cast %swap3A_102 : vector<1x1x16xf32> to vector<16xf32>
      %swap3A_104 = vector.shape_cast %broadcast_in_dim3A_97 : vector<16xf32> to vector<1x1x16xf32>
      tpu.vector_store %arg8[%swap3A_99, %swap3A_100, %swap3A_101], %swap3A_104 {strides = array<i32>} : memref<4x64x128xf32, #tpu.memory_space<vmem>>, vector<1x1x16xf32>,
      %broadcast_in_dim3A_105 = arith.constant 0.000000e+00 : f32
      %broadcast_in_dim3A_106 = vector.broadcast %broadcast_in_dim3A_105 : f32 to vector<16xf32>
      %swap3A_107 = arith.constant 0 : i32
      %swap3A_108 = arith.index_cast %swap3A_107 : i32 to index
      %swap3A_109 = arith.index_cast %add3A_70 : i32 to index
      %swap3A_110 = arith.constant 64 : index
      %swap3A_111 = tpu.vector_load %arg8[%swap3A_108, %swap3A_109, %swap3A_110] {strides = array<i32>} : memref<4x64x128xf32, #tpu.memory_space<vmem>>, vector<1x1x16xf32>,
      %swap3A_112 = vector.shape_cast %swap3A_111 : vector<1x1x16xf32> to vector<16xf32>
      %swap3A_113 = vector.shape_cast %broadcast_in_dim3A_106 : vector<16xf32> to vector<1x1x16xf32>
      tpu.vector_store %arg8[%swap3A_108, %swap3A_109, %swap3A_110], %swap3A_113 {strides = array<i32>} : memref<4x64x128xf32, #tpu.memory_space<vmem>>, vector<1x1x16xf32>,
      %broadcast_in_dim3A_114 = arith.constant 0.000000e+00 : f32
      %broadcast_in_dim3A_115 = vector.broadcast %broadcast_in_dim3A_114 : f32 to vector<16xf32>
      %swap3A_116 = arith.constant 0 : i32
      %swap3A_117 = arith.index_cast %swap3A_116 : i32 to index
      %swap3A_118 = arith.index_cast %add3A_70 : i32 to index
      %swap3A_119 = arith.constant 80 : index
      %swap3A_120 = tpu.vector_load %arg8[%swap3A_117, %swap3A_118, %swap3A_119] {strides = array<i32>} : memref<4x64x128xf32, #tpu.memory_space<vmem>>, vector<1x1x16xf32>,
      %swap3A_121 = vector.shape_cast %swap3A_120 : vector<1x1x16xf32> to vector<16xf32>
      %swap3A_122 = vector.shape_cast %broadcast_in_dim3A_115 : vector<16xf32> to vector<1x1x16xf32>
      tpu.vector_store %arg8[%swap3A_117, %swap3A_118, %swap3A_119], %swap3A_122 {strides = array<i32>} : memref<4x64x128xf32, #tpu.memory_space<vmem>>, vector<1x1x16xf32>,
      %broadcast_in_dim3A_123 = arith.constant 0.000000e+00 : f32
      %broadcast_in_dim3A_124 = vector.broadcast %broadcast_in_dim3A_123 : f32 to vector<16xf32>
      %swap3A_125 = arith.constant 0 : i32
      %swap3A_126 = arith.index_cast %swap3A_125 : i32 to index
      %swap3A_127 = arith.index_cast %add3A_70 : i32 to index
      %swap3A_128 = arith.constant 96 : index
      %swap3A_129 = tpu.vector_load %arg8[%swap3A_126, %swap3A_127, %swap3A_128] {strides = array<i32>} : memref<4x64x128xf32, #tpu.memory_space<vmem>>, vector<1x1x16xf32>,
      %swap3A_130 = vector.shape_cast %swap3A_129 : vector<1x1x16xf32> to vector<16xf32>
      %swap3A_131 = vector.shape_cast %broadcast_in_dim3A_124 : vector<16xf32> to vector<1x1x16xf32>
      tpu.vector_store %arg8[%swap3A_126, %swap3A_127, %swap3A_128], %swap3A_131 {strides = array<i32>} : memref<4x64x128xf32, #tpu.memory_space<vmem>>, vector<1x1x16xf32>,
      %broadcast_in_dim3A_132 = arith.constant 0.000000e+00 : f32
      %broadcast_in_dim3A_133 = vector.broadcast %broadcast_in_dim3A_132 : f32 to vector<16xf32>
      %swap3A_134 = arith.constant 0 : i32
      %swap3A_135 = arith.index_cast %swap3A_134 : i32 to index
      %swap3A_136 = arith.index_cast %add3A_70 : i32 to index
      %swap3A_137 = arith.constant 112 : index
      %swap3A_138 = tpu.vector_load %arg8[%swap3A_135, %swap3A_136, %swap3A_137] {strides = array<i32>} : memref<4x64x128xf32, #tpu.memory_space<vmem>>, vector<1x1x16xf32>,
      %swap3A_139 = vector.shape_cast %swap3A_138 : vector<1x1x16xf32> to vector<16xf32>
      %swap3A_140 = vector.shape_cast %broadcast_in_dim3A_133 : vector<16xf32> to vector<1x1x16xf32>
      tpu.vector_store %arg8[%swap3A_135, %swap3A_136, %swap3A_137], %swap3A_140 {strides = array<i32>} : memref<4x64x128xf32, #tpu.memory_space<vmem>>, vector<1x1x16xf32>,
    }
    %scan3A_11 = arith.constant 64 : i32
    %add3A_12 = arith.constant 0 : i32
    %add3A_13 = arith.addi %mul3A_0, %add3A_12 : i32
    %run_scoped3A = arith.constant 0 : i32
    "tpu.region"() ({
      %run_scoped3A_66 = tpu.sem_alloc : memref<!tpu.dma_semaphore, #tpu.memory_space<semaphore_mem>>
      %dma_start3A = arith.constant 0 : i32
      %dma_start3A_67 = arith.constant 0 : i32
      %dma_start3A_68 = tpu.memref_slice %arg8[%run_scoped3A, %dma_start3A, %dma_start3A_67] : memref<4x64x128xf32, #tpu.memory_space<vmem>> -> memref<1x64x128xf32, #tpu.memory_space<vmem>>
      %dma_start3A_69 = tpu.memref_squeeze %dma_start3A_68 : memref<1x64x128xf32, #tpu.memory_space<vmem>> -> memref<64x128xf32, #tpu.memory_space<vmem>>
      %dma_start3A_70 = arith.constant 0 : i32
      %dma_start3A_71 = tpu.memref_slice %arg9[%add3A_13, %dma_start3A_70] : memref<10240x128xf32, #tpu.memory_space<vmem_shared>> -> memref<64x128xf32, #tpu.memory_space<vmem_shared>>
      %dma_start3A_72 = arith.constant 0 : i32
      %dma_start3A_73 = tpu.memref_slice %arg9[%add3A_13, %dma_start3A_72] : memref<10240x128xf32, #tpu.memory_space<vmem_shared>> -> memref<64x128xf32, #tpu.memory_space<vmem_shared>>
      %dma_start3A_74 = arith.constant 0 : i32
      %dma_start3A_75 = arith.constant 0 : i32
      %dma_start3A_76 = tpu.memref_slice %arg8[%run_scoped3A, %dma_start3A_74, %dma_start3A_75] : memref<4x64x128xf32, #tpu.memory_space<vmem>> -> memref<1x64x128xf32, #tpu.memory_space<vmem>>
      %dma_start3A_77 = tpu.memref_squeeze %dma_start3A_76 : memref<1x64x128xf32, #tpu.memory_space<vmem>> -> memref<64x128xf32, #tpu.memory_space<vmem>>
      tpu.enqueue_dma source(%dma_start3A_77 : memref<64x128xf32, #tpu.memory_space<vmem>>) target(%dma_start3A_73 : memref<64x128xf32, #tpu.memory_space<vmem_shared>>) target_semaphore(%run_scoped3A_66 : memref<!tpu.dma_semaphore, #tpu.memory_space<semaphore_mem>>)
      %dma_wait3A = arith.constant 0 : i32
      %dma_wait3A_78 = arith.constant 0 : i32
      %dma_wait3A_79 = tpu.memref_slice %arg8[%run_scoped3A, %dma_wait3A, %dma_wait3A_78] : memref<4x64x128xf32, #tpu.memory_space<vmem>> -> memref<1x64x128xf32, #tpu.memory_space<vmem>>
      %dma_wait3A_80 = tpu.memref_squeeze %dma_wait3A_79 : memref<1x64x128xf32, #tpu.memory_space<vmem>> -> memref<64x128xf32, #tpu.memory_space<vmem>>
      %dma_wait3A_81 = arith.constant 0 : i32
      %dma_wait3A_82 = tpu.memref_slice %arg9[%add3A_13, %dma_wait3A_81] : memref<10240x128xf32, #tpu.memory_space<vmem_shared>> -> memref<64x128xf32, #tpu.memory_space<vmem_shared>>
      %dma_wait3A_83 = arith.constant 0 : i32
      %dma_wait3A_84 = tpu.memref_slice %arg9[%add3A_13, %dma_wait3A_83] : memref<10240x128xf32, #tpu.memory_space<vmem_shared>> -> memref<64x128xf32, #tpu.memory_space<vmem_shared>>
      %dma_wait3A_85 = arith.constant 0 : i32
      %dma_wait3A_86 = arith.constant 0 : i32
      %dma_wait3A_87 = tpu.memref_slice %arg8[%run_scoped3A, %dma_wait3A_85, %dma_wait3A_86] : memref<4x64x128xf32, #tpu.memory_space<vmem>> -> memref<1x64x128xf32, #tpu.memory_space<vmem>>
      %dma_wait3A_88 = tpu.memref_squeeze %dma_wait3A_87 : memref<1x64x128xf32, #tpu.memory_space<vmem>> -> memref<64x128xf32, #tpu.memory_space<vmem>>
      tpu.wait_dma2 semaphore(%run_scoped3A_66 : memref<!tpu.dma_semaphore, #tpu.memory_space<semaphore_mem>>) src(%dma_wait3A_88 : memref<64x128xf32, #tpu.memory_space<vmem>>) dst(%dma_wait3A_84 : memref<64x128xf32, #tpu.memory_space<vmem_shared>>)
      tpu.yield
    }) : () -> ()
    %add3A_14 = arith.constant 64 : i32
    %add3A_15 = arith.addi %mul3A_0, %add3A_14 : i32
    %run_scoped3A_16 = arith.constant 0 : i32
    "tpu.region"() ({
      %run_scoped3A_66 = tpu.sem_alloc : memref<!tpu.dma_semaphore, #tpu.memory_space<semaphore_mem>>
      %dma_start3A = arith.constant 0 : i32
      %dma_start3A_67 = arith.constant 0 : i32
      %dma_start3A_68 = tpu.memref_slice %arg8[%run_scoped3A_16, %dma_start3A, %dma_start3A_67] : memref<4x64x128xf32, #tpu.memory_space<vmem>> -> memref<1x64x128xf32, #tpu.memory_space<vmem>>
      %dma_start3A_69 = tpu.memref_squeeze %dma_start3A_68 : memref<1x64x128xf32, #tpu.memory_space<vmem>> -> memref<64x128xf32, #tpu.memory_space<vmem>>
      %dma_start3A_70 = arith.constant 0 : i32
      %dma_start3A_71 = tpu.memref_slice %arg9[%add3A_15, %dma_start3A_70] : memref<10240x128xf32, #tpu.memory_space<vmem_shared>> -> memref<64x128xf32, #tpu.memory_space<vmem_shared>>
      %dma_start3A_72 = arith.constant 0 : i32
      %dma_start3A_73 = tpu.memref_slice %arg9[%add3A_15, %dma_start3A_72] : memref<10240x128xf32, #tpu.memory_space<vmem_shared>> -> memref<64x128xf32, #tpu.memory_space<vmem_shared>>
      %dma_start3A_74 = arith.constant 0 : i32
      %dma_start3A_75 = arith.constant 0 : i32
      %dma_start3A_76 = tpu.memref_slice %arg8[%run_scoped3A_16, %dma_start3A_74, %dma_start3A_75] : memref<4x64x128xf32, #tpu.memory_space<vmem>> -> memref<1x64x128xf32, #tpu.memory_space<vmem>>
      %dma_start3A_77 = tpu.memref_squeeze %dma_start3A_76 : memref<1x64x128xf32, #tpu.memory_space<vmem>> -> memref<64x128xf32, #tpu.memory_space<vmem>>
      tpu.enqueue_dma source(%dma_start3A_77 : memref<64x128xf32, #tpu.memory_space<vmem>>) target(%dma_start3A_73 : memref<64x128xf32, #tpu.memory_space<vmem_shared>>) target_semaphore(%run_scoped3A_66 : memref<!tpu.dma_semaphore, #tpu.memory_space<semaphore_mem>>)
      %dma_wait3A = arith.constant 0 : i32
      %dma_wait3A_78 = arith.constant 0 : i32
      %dma_wait3A_79 = tpu.memref_slice %arg8[%run_scoped3A_16, %dma_wait3A, %dma_wait3A_78] : memref<4x64x128xf32, #tpu.memory_space<vmem>> -> memref<1x64x128xf32, #tpu.memory_space<vmem>>
      %dma_wait3A_80 = tpu.memref_squeeze %dma_wait3A_79 : memref<1x64x128xf32, #tpu.memory_space<vmem>> -> memref<64x128xf32, #tpu.memory_space<vmem>>
      %dma_wait3A_81 = arith.constant 0 : i32
      %dma_wait3A_82 = tpu.memref_slice %arg9[%add3A_15, %dma_wait3A_81] : memref<10240x128xf32, #tpu.memory_space<vmem_shared>> -> memref<64x128xf32, #tpu.memory_space<vmem_shared>>
      %dma_wait3A_83 = arith.constant 0 : i32
      %dma_wait3A_84 = tpu.memref_slice %arg9[%add3A_15, %dma_wait3A_83] : memref<10240x128xf32, #tpu.memory_space<vmem_shared>> -> memref<64x128xf32, #tpu.memory_space<vmem_shared>>
      %dma_wait3A_85 = arith.constant 0 : i32
      %dma_wait3A_86 = arith.constant 0 : i32
      %dma_wait3A_87 = tpu.memref_slice %arg8[%run_scoped3A_16, %dma_wait3A_85, %dma_wait3A_86] : memref<4x64x128xf32, #tpu.memory_space<vmem>> -> memref<1x64x128xf32, #tpu.memory_space<vmem>>
      %dma_wait3A_88 = tpu.memref_squeeze %dma_wait3A_87 : memref<1x64x128xf32, #tpu.memory_space<vmem>> -> memref<64x128xf32, #tpu.memory_space<vmem>>
      tpu.wait_dma2 semaphore(%run_scoped3A_66 : memref<!tpu.dma_semaphore, #tpu.memory_space<semaphore_mem>>) src(%dma_wait3A_88 : memref<64x128xf32, #tpu.memory_space<vmem>>) dst(%dma_wait3A_84 : memref<64x128xf32, #tpu.memory_space<vmem_shared>>)
      tpu.yield
    }) : () -> ()
    %add3A_17 = arith.constant 128 : i32
    %add3A_18 = arith.addi %mul3A_0, %add3A_17 : i32
    %run_scoped3A_19 = arith.constant 0 : i32
    "tpu.region"() ({
      %run_scoped3A_66 = tpu.sem_alloc : memref<!tpu.dma_semaphore, #tpu.memory_space<semaphore_mem>>
      %dma_start3A = arith.constant 0 : i32
      %dma_start3A_67 = arith.constant 0 : i32
      %dma_start3A_68 = tpu.memref_slice %arg8[%run_scoped3A_19, %dma_start3A, %dma_start3A_67] : memref<4x64x128xf32, #tpu.memory_space<vmem>> -> memref<1x64x128xf32, #tpu.memory_space<vmem>>
      %dma_start3A_69 = tpu.memref_squeeze %dma_start3A_68 : memref<1x64x128xf32, #tpu.memory_space<vmem>> -> memref<64x128xf32, #tpu.memory_space<vmem>>
      %dma_start3A_70 = arith.constant 0 : i32
      %dma_start3A_71 = tpu.memref_slice %arg9[%add3A_18, %dma_start3A_70] : memref<10240x128xf32, #tpu.memory_space<vmem_shared>> -> memref<64x128xf32, #tpu.memory_space<vmem_shared>>
      %dma_start3A_72 = arith.constant 0 : i32
      %dma_start3A_73 = tpu.memref_slice %arg9[%add3A_18, %dma_start3A_72] : memref<10240x128xf32, #tpu.memory_space<vmem_shared>> -> memref<64x128xf32, #tpu.memory_space<vmem_shared>>
      %dma_start3A_74 = arith.constant 0 : i32
      %dma_start3A_75 = arith.constant 0 : i32
      %dma_start3A_76 = tpu.memref_slice %arg8[%run_scoped3A_19, %dma_start3A_74, %dma_start3A_75] : memref<4x64x128xf32, #tpu.memory_space<vmem>> -> memref<1x64x128xf32, #tpu.memory_space<vmem>>
      %dma_start3A_77 = tpu.memref_squeeze %dma_start3A_76 : memref<1x64x128xf32, #tpu.memory_space<vmem>> -> memref<64x128xf32, #tpu.memory_space<vmem>>
      tpu.enqueue_dma source(%dma_start3A_77 : memref<64x128xf32, #tpu.memory_space<vmem>>) target(%dma_start3A_73 : memref<64x128xf32, #tpu.memory_space<vmem_shared>>) target_semaphore(%run_scoped3A_66 : memref<!tpu.dma_semaphore, #tpu.memory_space<semaphore_mem>>)
      %dma_wait3A = arith.constant 0 : i32
      %dma_wait3A_78 = arith.constant 0 : i32
      %dma_wait3A_79 = tpu.memref_slice %arg8[%run_scoped3A_19, %dma_wait3A, %dma_wait3A_78] : memref<4x64x128xf32, #tpu.memory_space<vmem>> -> memref<1x64x128xf32, #tpu.memory_space<vmem>>
      %dma_wait3A_80 = tpu.memref_squeeze %dma_wait3A_79 : memref<1x64x128xf32, #tpu.memory_space<vmem>> -> memref<64x128xf32, #tpu.memory_space<vmem>>
      %dma_wait3A_81 = arith.constant 0 : i32
      %dma_wait3A_82 = tpu.memref_slice %arg9[%add3A_18, %dma_wait3A_81] : memref<10240x128xf32, #tpu.memory_space<vmem_shared>> -> memref<64x128xf32, #tpu.memory_space<vmem_shared>>
      %dma_wait3A_83 = arith.constant 0 : i32
      %dma_wait3A_84 = tpu.memref_slice %arg9[%add3A_18, %dma_wait3A_83] : memref<10240x128xf32, #tpu.memory_space<vmem_shared>> -> memref<64x128xf32, #tpu.memory_space<vmem_shared>>
      %dma_wait3A_85 = arith.constant 0 : i32
      %dma_wait3A_86 = arith.constant 0 : i32
      %dma_wait3A_87 = tpu.memref_slice %arg8[%run_scoped3A_19, %dma_wait3A_85, %dma_wait3A_86] : memref<4x64x128xf32, #tpu.memory_space<vmem>> -> memref<1x64x128xf32, #tpu.memory_space<vmem>>
      %dma_wait3A_88 = tpu.memref_squeeze %dma_wait3A_87 : memref<1x64x128xf32, #tpu.memory_space<vmem>> -> memref<64x128xf32, #tpu.memory_space<vmem>>
      tpu.wait_dma2 semaphore(%run_scoped3A_66 : memref<!tpu.dma_semaphore, #tpu.memory_space<semaphore_mem>>) src(%dma_wait3A_88 : memref<64x128xf32, #tpu.memory_space<vmem>>) dst(%dma_wait3A_84 : memref<64x128xf32, #tpu.memory_space<vmem_shared>>)
      tpu.yield
    }) : () -> ()
    %add3A_20 = arith.constant 192 : i32
    %add3A_21 = arith.addi %mul3A_0, %add3A_20 : i32
    %run_scoped3A_22 = arith.constant 0 : i32
    "tpu.region"() ({
      %run_scoped3A_66 = tpu.sem_alloc : memref<!tpu.dma_semaphore, #tpu.memory_space<semaphore_mem>>
      %dma_start3A = arith.constant 0 : i32
      %dma_start3A_67 = arith.constant 0 : i32
      %dma_start3A_68 = tpu.memref_slice %arg8[%run_scoped3A_22, %dma_start3A, %dma_start3A_67] : memref<4x64x128xf32, #tpu.memory_space<vmem>> -> memref<1x64x128xf32, #tpu.memory_space<vmem>>
      %dma_start3A_69 = tpu.memref_squeeze %dma_start3A_68 : memref<1x64x128xf32, #tpu.memory_space<vmem>> -> memref<64x128xf32, #tpu.memory_space<vmem>>
      %dma_start3A_70 = arith.constant 0 : i32
      %dma_start3A_71 = tpu.memref_slice %arg9[%add3A_21, %dma_start3A_70] : memref<10240x128xf32, #tpu.memory_space<vmem_shared>> -> memref<64x128xf32, #tpu.memory_space<vmem_shared>>
      %dma_start3A_72 = arith.constant 0 : i32
      %dma_start3A_73 = tpu.memref_slice %arg9[%add3A_21, %dma_start3A_72] : memref<10240x128xf32, #tpu.memory_space<vmem_shared>> -> memref<64x128xf32, #tpu.memory_space<vmem_shared>>
      %dma_start3A_74 = arith.constant 0 : i32
      %dma_start3A_75 = arith.constant 0 : i32
      %dma_start3A_76 = tpu.memref_slice %arg8[%run_scoped3A_22, %dma_start3A_74, %dma_start3A_75] : memref<4x64x128xf32, #tpu.memory_space<vmem>> -> memref<1x64x128xf32, #tpu.memory_space<vmem>>
      %dma_start3A_77 = tpu.memref_squeeze %dma_start3A_76 : memref<1x64x128xf32, #tpu.memory_space<vmem>> -> memref<64x128xf32, #tpu.memory_space<vmem>>
      tpu.enqueue_dma source(%dma_start3A_77 : memref<64x128xf32, #tpu.memory_space<vmem>>) target(%dma_start3A_73 : memref<64x128xf32, #tpu.memory_space<vmem_shared>>) target_semaphore(%run_scoped3A_66 : memref<!tpu.dma_semaphore, #tpu.memory_space<semaphore_mem>>)
      %dma_wait3A = arith.constant 0 : i32
      %dma_wait3A_78 = arith.constant 0 : i32
      %dma_wait3A_79 = tpu.memref_slice %arg8[%run_scoped3A_22, %dma_wait3A, %dma_wait3A_78] : memref<4x64x128xf32, #tpu.memory_space<vmem>> -> memref<1x64x128xf32, #tpu.memory_space<vmem>>
      %dma_wait3A_80 = tpu.memref_squeeze %dma_wait3A_79 : memref<1x64x128xf32, #tpu.memory_space<vmem>> -> memref<64x128xf32, #tpu.memory_space<vmem>>
      %dma_wait3A_81 = arith.constant 0 : i32
      %dma_wait3A_82 = tpu.memref_slice %arg9[%add3A_21, %dma_wait3A_81] : memref<10240x128xf32, #tpu.memory_space<vmem_shared>> -> memref<64x128xf32, #tpu.memory_space<vmem_shared>>
      %dma_wait3A_83 = arith.constant 0 : i32
      %dma_wait3A_84 = tpu.memref_slice %arg9[%add3A_21, %dma_wait3A_83] : memref<10240x128xf32, #tpu.memory_space<vmem_shared>> -> memref<64x128xf32, #tpu.memory_space<vmem_shared>>
      %dma_wait3A_85 = arith.constant 0 : i32
      %dma_wait3A_86 = arith.constant 0 : i32
      %dma_wait3A_87 = tpu.memref_slice %arg8[%run_scoped3A_22, %dma_wait3A_85, %dma_wait3A_86] : memref<4x64x128xf32, #tpu.memory_space<vmem>> -> memref<1x64x128xf32, #tpu.memory_space<vmem>>
      %dma_wait3A_88 = tpu.memref_squeeze %dma_wait3A_87 : memref<1x64x128xf32, #tpu.memory_space<vmem>> -> memref<64x128xf32, #tpu.memory_space<vmem>>
      tpu.wait_dma2 semaphore(%run_scoped3A_66 : memref<!tpu.dma_semaphore, #tpu.memory_space<semaphore_mem>>) src(%dma_wait3A_88 : memref<64x128xf32, #tpu.memory_space<vmem>>) dst(%dma_wait3A_84 : memref<64x128xf32, #tpu.memory_space<vmem_shared>>)
      tpu.yield
    }) : () -> ()
    %add3A_23 = arith.constant 256 : i32
    %add3A_24 = arith.addi %mul3A_0, %add3A_23 : i32
    %run_scoped3A_25 = arith.constant 0 : i32
    "tpu.region"() ({
      %run_scoped3A_66 = tpu.sem_alloc : memref<!tpu.dma_semaphore, #tpu.memory_space<semaphore_mem>>
      %dma_start3A = arith.constant 0 : i32
      %dma_start3A_67 = arith.constant 0 : i32
      %dma_start3A_68 = tpu.memref_slice %arg8[%run_scoped3A_25, %dma_start3A, %dma_start3A_67] : memref<4x64x128xf32, #tpu.memory_space<vmem>> -> memref<1x64x128xf32, #tpu.memory_space<vmem>>
      %dma_start3A_69 = tpu.memref_squeeze %dma_start3A_68 : memref<1x64x128xf32, #tpu.memory_space<vmem>> -> memref<64x128xf32, #tpu.memory_space<vmem>>
      %dma_start3A_70 = arith.constant 0 : i32
      %dma_start3A_71 = tpu.memref_slice %arg9[%add3A_24, %dma_start3A_70] : memref<10240x128xf32, #tpu.memory_space<vmem_shared>> -> memref<64x128xf32, #tpu.memory_space<vmem_shared>>
      %dma_start3A_72 = arith.constant 0 : i32
      %dma_start3A_73 = tpu.memref_slice %arg9[%add3A_24, %dma_start3A_72] : memref<10240x128xf32, #tpu.memory_space<vmem_shared>> -> memref<64x128xf32, #tpu.memory_space<vmem_shared>>
      %dma_start3A_74 = arith.constant 0 : i32
      %dma_start3A_75 = arith.constant 0 : i32
      %dma_start3A_76 = tpu.memref_slice %arg8[%run_scoped3A_25, %dma_start3A_74, %dma_start3A_75] : memref<4x64x128xf32, #tpu.memory_space<vmem>> -> memref<1x64x128xf32, #tpu.memory_space<vmem>>
      %dma_start3A_77 = tpu.memref_squeeze %dma_start3A_76 : memref<1x64x128xf32, #tpu.memory_space<vmem>> -> memref<64x128xf32, #tpu.memory_space<vmem>>
      tpu.enqueue_dma source(%dma_start3A_77 : memref<64x128xf32, #tpu.memory_space<vmem>>) target(%dma_start3A_73 : memref<64x128xf32, #tpu.memory_space<vmem_shared>>) target_semaphore(%run_scoped3A_66 : memref<!tpu.dma_semaphore, #tpu.memory_space<semaphore_mem>>)
      %dma_wait3A = arith.constant 0 : i32
      %dma_wait3A_78 = arith.constant 0 : i32
      %dma_wait3A_79 = tpu.memref_slice %arg8[%run_scoped3A_25, %dma_wait3A, %dma_wait3A_78] : memref<4x64x128xf32, #tpu.memory_space<vmem>> -> memref<1x64x128xf32, #tpu.memory_space<vmem>>
      %dma_wait3A_80 = tpu.memref_squeeze %dma_wait3A_79 : memref<1x64x128xf32, #tpu.memory_space<vmem>> -> memref<64x128xf32, #tpu.memory_space<vmem>>
      %dma_wait3A_81 = arith.constant 0 : i32
      %dma_wait3A_82 = tpu.memref_slice %arg9[%add3A_24, %dma_wait3A_81] : memref<10240x128xf32, #tpu.memory_space<vmem_shared>> -> memref<64x128xf32, #tpu.memory_space<vmem_shared>>
      %dma_wait3A_83 = arith.constant 0 : i32
      %dma_wait3A_84 = tpu.memref_slice %arg9[%add3A_24, %dma_wait3A_83] : memref<10240x128xf32, #tpu.memory_space<vmem_shared>> -> memref<64x128xf32, #tpu.memory_space<vmem_shared>>
      %dma_wait3A_85 = arith.constant 0 : i32
      %dma_wait3A_86 = arith.constant 0 : i32
      %dma_wait3A_87 = tpu.memref_slice %arg8[%run_scoped3A_25, %dma_wait3A_85, %dma_wait3A_86] : memref<4x64x128xf32, #tpu.memory_space<vmem>> -> memref<1x64x128xf32, #tpu.memory_space<vmem>>
      %dma_wait3A_88 = tpu.memref_squeeze %dma_wait3A_87 : memref<1x64x128xf32, #tpu.memory_space<vmem>> -> memref<64x128xf32, #tpu.memory_space<vmem>>
      tpu.wait_dma2 semaphore(%run_scoped3A_66 : memref<!tpu.dma_semaphore, #tpu.memory_space<semaphore_mem>>) src(%dma_wait3A_88 : memref<64x128xf32, #tpu.memory_space<vmem>>) dst(%dma_wait3A_84 : memref<64x128xf32, #tpu.memory_space<vmem_shared>>)
      tpu.yield
    }) : () -> ()
    %add3A_26 = arith.constant 320 : i32
    %add3A_27 = arith.addi %mul3A_0, %add3A_26 : i32
    %run_scoped3A_28 = arith.constant 0 : i32
    "tpu.region"() ({
      %run_scoped3A_66 = tpu.sem_alloc : memref<!tpu.dma_semaphore, #tpu.memory_space<semaphore_mem>>
      %dma_start3A = arith.constant 0 : i32
      %dma_start3A_67 = arith.constant 0 : i32
      %dma_start3A_68 = tpu.memref_slice %arg8[%run_scoped3A_28, %dma_start3A, %dma_start3A_67] : memref<4x64x128xf32, #tpu.memory_space<vmem>> -> memref<1x64x128xf32, #tpu.memory_space<vmem>>
      %dma_start3A_69 = tpu.memref_squeeze %dma_start3A_68 : memref<1x64x128xf32, #tpu.memory_space<vmem>> -> memref<64x128xf32, #tpu.memory_space<vmem>>
      %dma_start3A_70 = arith.constant 0 : i32
      %dma_start3A_71 = tpu.memref_slice %arg9[%add3A_27, %dma_start3A_70] : memref<10240x128xf32, #tpu.memory_space<vmem_shared>> -> memref<64x128xf32, #tpu.memory_space<vmem_shared>>
      %dma_start3A_72 = arith.constant 0 : i32
      %dma_start3A_73 = tpu.memref_slice %arg9[%add3A_27, %dma_start3A_72] : memref<10240x128xf32, #tpu.memory_space<vmem_shared>> -> memref<64x128xf32, #tpu.memory_space<vmem_shared>>
      %dma_start3A_74 = arith.constant 0 : i32
      %dma_start3A_75 = arith.constant 0 : i32
      %dma_start3A_76 = tpu.memref_slice %arg8[%run_scoped3A_28, %dma_start3A_74, %dma_start3A_75] : memref<4x64x128xf32, #tpu.memory_space<vmem>> -> memref<1x64x128xf32, #tpu.memory_space<vmem>>
      %dma_start3A_77 = tpu.memref_squeeze %dma_start3A_76 : memref<1x64x128xf32, #tpu.memory_space<vmem>> -> memref<64x128xf32, #tpu.memory_space<vmem>>
      tpu.enqueue_dma source(%dma_start3A_77 : memref<64x128xf32, #tpu.memory_space<vmem>>) target(%dma_start3A_73 : memref<64x128xf32, #tpu.memory_space<vmem_shared>>) target_semaphore(%run_scoped3A_66 : memref<!tpu.dma_semaphore, #tpu.memory_space<semaphore_mem>>)
      %dma_wait3A = arith.constant 0 : i32
      %dma_wait3A_78 = arith.constant 0 : i32
      %dma_wait3A_79 = tpu.memref_slice %arg8[%run_scoped3A_28, %dma_wait3A, %dma_wait3A_78] : memref<4x64x128xf32, #tpu.memory_space<vmem>> -> memref<1x64x128xf32, #tpu.memory_space<vmem>>
      %dma_wait3A_80 = tpu.memref_squeeze %dma_wait3A_79 : memref<1x64x128xf32, #tpu.memory_space<vmem>> -> memref<64x128xf32, #tpu.memory_space<vmem>>
      %dma_wait3A_81 = arith.constant 0 : i32
      %dma_wait3A_82 = tpu.memref_slice %arg9[%add3A_27, %dma_wait3A_81] : memref<10240x128xf32, #tpu.memory_space<vmem_shared>> -> memref<64x128xf32, #tpu.memory_space<vmem_shared>>
      %dma_wait3A_83 = arith.constant 0 : i32
      %dma_wait3A_84 = tpu.memref_slice %arg9[%add3A_27, %dma_wait3A_83] : memref<10240x128xf32, #tpu.memory_space<vmem_shared>> -> memref<64x128xf32, #tpu.memory_space<vmem_shared>>
      %dma_wait3A_85 = arith.constant 0 : i32
      %dma_wait3A_86 = arith.constant 0 : i32
      %dma_wait3A_87 = tpu.memref_slice %arg8[%run_scoped3A_28, %dma_wait3A_85, %dma_wait3A_86] : memref<4x64x128xf32, #tpu.memory_space<vmem>> -> memref<1x64x128xf32, #tpu.memory_space<vmem>>
      %dma_wait3A_88 = tpu.memref_squeeze %dma_wait3A_87 : memref<1x64x128xf32, #tpu.memory_space<vmem>> -> memref<64x128xf32, #tpu.memory_space<vmem>>
      tpu.wait_dma2 semaphore(%run_scoped3A_66 : memref<!tpu.dma_semaphore, #tpu.memory_space<semaphore_mem>>) src(%dma_wait3A_88 : memref<64x128xf32, #tpu.memory_space<vmem>>) dst(%dma_wait3A_84 : memref<64x128xf32, #tpu.memory_space<vmem_shared>>)
      tpu.yield
    }) : () -> ()
    %add3A_29 = arith.constant 384 : i32
    %add3A_30 = arith.addi %mul3A_0, %add3A_29 : i32
    %run_scoped3A_31 = arith.constant 0 : i32
    "tpu.region"() ({
      %run_scoped3A_66 = tpu.sem_alloc : memref<!tpu.dma_semaphore, #tpu.memory_space<semaphore_mem>>
      %dma_start3A = arith.constant 0 : i32
      %dma_start3A_67 = arith.constant 0 : i32
      %dma_start3A_68 = tpu.memref_slice %arg8[%run_scoped3A_31, %dma_start3A, %dma_start3A_67] : memref<4x64x128xf32, #tpu.memory_space<vmem>> -> memref<1x64x128xf32, #tpu.memory_space<vmem>>
      %dma_start3A_69 = tpu.memref_squeeze %dma_start3A_68 : memref<1x64x128xf32, #tpu.memory_space<vmem>> -> memref<64x128xf32, #tpu.memory_space<vmem>>
      %dma_start3A_70 = arith.constant 0 : i32
      %dma_start3A_71 = tpu.memref_slice %arg9[%add3A_30, %dma_start3A_70] : memref<10240x128xf32, #tpu.memory_space<vmem_shared>> -> memref<64x128xf32, #tpu.memory_space<vmem_shared>>
      %dma_start3A_72 = arith.constant 0 : i32
      %dma_start3A_73 = tpu.memref_slice %arg9[%add3A_30, %dma_start3A_72] : memref<10240x128xf32, #tpu.memory_space<vmem_shared>> -> memref<64x128xf32, #tpu.memory_space<vmem_shared>>
      %dma_start3A_74 = arith.constant 0 : i32
      %dma_start3A_75 = arith.constant 0 : i32
      %dma_start3A_76 = tpu.memref_slice %arg8[%run_scoped3A_31, %dma_start3A_74, %dma_start3A_75] : memref<4x64x128xf32, #tpu.memory_space<vmem>> -> memref<1x64x128xf32, #tpu.memory_space<vmem>>
      %dma_start3A_77 = tpu.memref_squeeze %dma_start3A_76 : memref<1x64x128xf32, #tpu.memory_space<vmem>> -> memref<64x128xf32, #tpu.memory_space<vmem>>
      tpu.enqueue_dma source(%dma_start3A_77 : memref<64x128xf32, #tpu.memory_space<vmem>>) target(%dma_start3A_73 : memref<64x128xf32, #tpu.memory_space<vmem_shared>>) target_semaphore(%run_scoped3A_66 : memref<!tpu.dma_semaphore, #tpu.memory_space<semaphore_mem>>)
      %dma_wait3A = arith.constant 0 : i32
      %dma_wait3A_78 = arith.constant 0 : i32
      %dma_wait3A_79 = tpu.memref_slice %arg8[%run_scoped3A_31, %dma_wait3A, %dma_wait3A_78] : memref<4x64x128xf32, #tpu.memory_space<vmem>> -> memref<1x64x128xf32, #tpu.memory_space<vmem>>
      %dma_wait3A_80 = tpu.memref_squeeze %dma_wait3A_79 : memref<1x64x128xf32, #tpu.memory_space<vmem>> -> memref<64x128xf32, #tpu.memory_space<vmem>>
      %dma_wait3A_81 = arith.constant 0 : i32
      %dma_wait3A_82 = tpu.memref_slice %arg9[%add3A_30, %dma_wait3A_81] : memref<10240x128xf32, #tpu.memory_space<vmem_shared>> -> memref<64x128xf32, #tpu.memory_space<vmem_shared>>
      %dma_wait3A_83 = arith.constant 0 : i32
      %dma_wait3A_84 = tpu.memref_slice %arg9[%add3A_30, %dma_wait3A_83] : memref<10240x128xf32, #tpu.memory_space<vmem_shared>> -> memref<64x128xf32, #tpu.memory_space<vmem_shared>>
      %dma_wait3A_85 = arith.constant 0 : i32
      %dma_wait3A_86 = arith.constant 0 : i32
      %dma_wait3A_87 = tpu.memref_slice %arg8[%run_scoped3A_31, %dma_wait3A_85, %dma_wait3A_86] : memref<4x64x128xf32, #tpu.memory_space<vmem>> -> memref<1x64x128xf32, #tpu.memory_space<vmem>>
      %dma_wait3A_88 = tpu.memref_squeeze %dma_wait3A_87 : memref<1x64x128xf32, #tpu.memory_space<vmem>> -> memref<64x128xf32, #tpu.memory_space<vmem>>
      tpu.wait_dma2 semaphore(%run_scoped3A_66 : memref<!tpu.dma_semaphore, #tpu.memory_space<semaphore_mem>>) src(%dma_wait3A_88 : memref<64x128xf32, #tpu.memory_space<vmem>>) dst(%dma_wait3A_84 : memref<64x128xf32, #tpu.memory_space<vmem_shared>>)
      tpu.yield
    }) : () -> ()
    %add3A_32 = arith.constant 448 : i32
    %add3A_33 = arith.addi %mul3A_0, %add3A_32 : i32
    %run_scoped3A_34 = arith.constant 0 : i32
    "tpu.region"() ({
      %run_scoped3A_66 = tpu.sem_alloc : memref<!tpu.dma_semaphore, #tpu.memory_space<semaphore_mem>>
      %dma_start3A = arith.constant 0 : i32
      %dma_start3A_67 = arith.constant 0 : i32
      %dma_start3A_68 = tpu.memref_slice %arg8[%run_scoped3A_34, %dma_start3A, %dma_start3A_67] : memref<4x64x128xf32, #tpu.memory_space<vmem>> -> memref<1x64x128xf32, #tpu.memory_space<vmem>>
      %dma_start3A_69 = tpu.memref_squeeze %dma_start3A_68 : memref<1x64x128xf32, #tpu.memory_space<vmem>> -> memref<64x128xf32, #tpu.memory_space<vmem>>
      %dma_start3A_70 = arith.constant 0 : i32
      %dma_start3A_71 = tpu.memref_slice %arg9[%add3A_33, %dma_start3A_70] : memref<10240x128xf32, #tpu.memory_space<vmem_shared>> -> memref<64x128xf32, #tpu.memory_space<vmem_shared>>
      %dma_start3A_72 = arith.constant 0 : i32
      %dma_start3A_73 = tpu.memref_slice %arg9[%add3A_33, %dma_start3A_72] : memref<10240x128xf32, #tpu.memory_space<vmem_shared>> -> memref<64x128xf32, #tpu.memory_space<vmem_shared>>
      %dma_start3A_74 = arith.constant 0 : i32
      %dma_start3A_75 = arith.constant 0 : i32
      %dma_start3A_76 = tpu.memref_slice %arg8[%run_scoped3A_34, %dma_start3A_74, %dma_start3A_75] : memref<4x64x128xf32, #tpu.memory_space<vmem>> -> memref<1x64x128xf32, #tpu.memory_space<vmem>>
      %dma_start3A_77 = tpu.memref_squeeze %dma_start3A_76 : memref<1x64x128xf32, #tpu.memory_space<vmem>> -> memref<64x128xf32, #tpu.memory_space<vmem>>
      tpu.enqueue_dma source(%dma_start3A_77 : memref<64x128xf32, #tpu.memory_space<vmem>>) target(%dma_start3A_73 : memref<64x128xf32, #tpu.memory_space<vmem_shared>>) target_semaphore(%run_scoped3A_66 : memref<!tpu.dma_semaphore, #tpu.memory_space<semaphore_mem>>)
      %dma_wait3A = arith.constant 0 : i32
      %dma_wait3A_78 = arith.constant 0 : i32
      %dma_wait3A_79 = tpu.memref_slice %arg8[%run_scoped3A_34, %dma_wait3A, %dma_wait3A_78] : memref<4x64x128xf32, #tpu.memory_space<vmem>> -> memref<1x64x128xf32, #tpu.memory_space<vmem>>
      %dma_wait3A_80 = tpu.memref_squeeze %dma_wait3A_79 : memref<1x64x128xf32, #tpu.memory_space<vmem>> -> memref<64x128xf32, #tpu.memory_space<vmem>>
      %dma_wait3A_81 = arith.constant 0 : i32
      %dma_wait3A_82 = tpu.memref_slice %arg9[%add3A_33, %dma_wait3A_81] : memref<10240x128xf32, #tpu.memory_space<vmem_shared>> -> memref<64x128xf32, #tpu.memory_space<vmem_shared>>
      %dma_wait3A_83 = arith.constant 0 : i32
      %dma_wait3A_84 = tpu.memref_slice %arg9[%add3A_33, %dma_wait3A_83] : memref<10240x128xf32, #tpu.memory_space<vmem_shared>> -> memref<64x128xf32, #tpu.memory_space<vmem_shared>>
      %dma_wait3A_85 = arith.constant 0 : i32
      %dma_wait3A_86 = arith.constant 0 : i32
      %dma_wait3A_87 = tpu.memref_slice %arg8[%run_scoped3A_34, %dma_wait3A_85, %dma_wait3A_86] : memref<4x64x128xf32, #tpu.memory_space<vmem>> -> memref<1x64x128xf32, #tpu.memory_space<vmem>>
      %dma_wait3A_88 = tpu.memref_squeeze %dma_wait3A_87 : memref<1x64x128xf32, #tpu.memory_space<vmem>> -> memref<64x128xf32, #tpu.memory_space<vmem>>
      tpu.wait_dma2 semaphore(%run_scoped3A_66 : memref<!tpu.dma_semaphore, #tpu.memory_space<semaphore_mem>>) src(%dma_wait3A_88 : memref<64x128xf32, #tpu.memory_space<vmem>>) dst(%dma_wait3A_84 : memref<64x128xf32, #tpu.memory_space<vmem_shared>>)
      tpu.yield
    }) : () -> ()
    %add3A_35 = arith.constant 512 : i32
    %add3A_36 = arith.addi %mul3A_0, %add3A_35 : i32
    %run_scoped3A_37 = arith.constant 0 : i32
    "tpu.region"() ({
      %run_scoped3A_66 = tpu.sem_alloc : memref<!tpu.dma_semaphore, #tpu.memory_space<semaphore_mem>>
      %dma_start3A = arith.constant 0 : i32
      %dma_start3A_67 = arith.constant 0 : i32
      %dma_start3A_68 = tpu.memref_slice %arg8[%run_scoped3A_37, %dma_start3A, %dma_start3A_67] : memref<4x64x128xf32, #tpu.memory_space<vmem>> -> memref<1x64x128xf32, #tpu.memory_space<vmem>>
      %dma_start3A_69 = tpu.memref_squeeze %dma_start3A_68 : memref<1x64x128xf32, #tpu.memory_space<vmem>> -> memref<64x128xf32, #tpu.memory_space<vmem>>
      %dma_start3A_70 = arith.constant 0 : i32
      %dma_start3A_71 = tpu.memref_slice %arg9[%add3A_36, %dma_start3A_70] : memref<10240x128xf32, #tpu.memory_space<vmem_shared>> -> memref<64x128xf32, #tpu.memory_space<vmem_shared>>
      %dma_start3A_72 = arith.constant 0 : i32
      %dma_start3A_73 = tpu.memref_slice %arg9[%add3A_36, %dma_start3A_72] : memref<10240x128xf32, #tpu.memory_space<vmem_shared>> -> memref<64x128xf32, #tpu.memory_space<vmem_shared>>
      %dma_start3A_74 = arith.constant 0 : i32
      %dma_start3A_75 = arith.constant 0 : i32
      %dma_start3A_76 = tpu.memref_slice %arg8[%run_scoped3A_37, %dma_start3A_74, %dma_start3A_75] : memref<4x64x128xf32, #tpu.memory_space<vmem>> -> memref<1x64x128xf32, #tpu.memory_space<vmem>>
      %dma_start3A_77 = tpu.memref_squeeze %dma_start3A_76 : memref<1x64x128xf32, #tpu.memory_space<vmem>> -> memref<64x128xf32, #tpu.memory_space<vmem>>
      tpu.enqueue_dma source(%dma_start3A_77 : memref<64x128xf32, #tpu.memory_space<vmem>>) target(%dma_start3A_73 : memref<64x128xf32, #tpu.memory_space<vmem_shared>>) target_semaphore(%run_scoped3A_66 : memref<!tpu.dma_semaphore, #tpu.memory_space<semaphore_mem>>)
      %dma_wait3A = arith.constant 0 : i32
      %dma_wait3A_78 = arith.constant 0 : i32
      %dma_wait3A_79 = tpu.memref_slice %arg8[%run_scoped3A_37, %dma_wait3A, %dma_wait3A_78] : memref<4x64x128xf32, #tpu.memory_space<vmem>> -> memref<1x64x128xf32, #tpu.memory_space<vmem>>
      %dma_wait3A_80 = tpu.memref_squeeze %dma_wait3A_79 : memref<1x64x128xf32, #tpu.memory_space<vmem>> -> memref<64x128xf32, #tpu.memory_space<vmem>>
      %dma_wait3A_81 = arith.constant 0 : i32
      %dma_wait3A_82 = tpu.memref_slice %arg9[%add3A_36, %dma_wait3A_81] : memref<10240x128xf32, #tpu.memory_space<vmem_shared>> -> memref<64x128xf32, #tpu.memory_space<vmem_shared>>
      %dma_wait3A_83 = arith.constant 0 : i32
      %dma_wait3A_84 = tpu.memref_slice %arg9[%add3A_36, %dma_wait3A_83] : memref<10240x128xf32, #tpu.memory_space<vmem_shared>> -> memref<64x128xf32, #tpu.memory_space<vmem_shared>>
      %dma_wait3A_85 = arith.constant 0 : i32
      %dma_wait3A_86 = arith.constant 0 : i32
      %dma_wait3A_87 = tpu.memref_slice %arg8[%run_scoped3A_37, %dma_wait3A_85, %dma_wait3A_86] : memref<4x64x128xf32, #tpu.memory_space<vmem>> -> memref<1x64x128xf32, #tpu.memory_space<vmem>>
      %dma_wait3A_88 = tpu.memref_squeeze %dma_wait3A_87 : memref<1x64x128xf32, #tpu.memory_space<vmem>> -> memref<64x128xf32, #tpu.memory_space<vmem>>
      tpu.wait_dma2 semaphore(%run_scoped3A_66 : memref<!tpu.dma_semaphore, #tpu.memory_space<semaphore_mem>>) src(%dma_wait3A_88 : memref<64x128xf32, #tpu.memory_space<vmem>>) dst(%dma_wait3A_84 : memref<64x128xf32, #tpu.memory_space<vmem_shared>>)
      tpu.yield
    }) : () -> ()
    %add3A_38 = arith.constant 576 : i32
    %add3A_39 = arith.addi %mul3A_0, %add3A_38 : i32
    %run_scoped3A_40 = arith.constant 0 : i32
    "tpu.region"() ({
      %run_scoped3A_66 = tpu.sem_alloc : memref<!tpu.dma_semaphore, #tpu.memory_space<semaphore_mem>>
      %dma_start3A = arith.constant 0 : i32
      %dma_start3A_67 = arith.constant 0 : i32
      %dma_start3A_68 = tpu.memref_slice %arg8[%run_scoped3A_40, %dma_start3A, %dma_start3A_67] : memref<4x64x128xf32, #tpu.memory_space<vmem>> -> memref<1x64x128xf32, #tpu.memory_space<vmem>>
      %dma_start3A_69 = tpu.memref_squeeze %dma_start3A_68 : memref<1x64x128xf32, #tpu.memory_space<vmem>> -> memref<64x128xf32, #tpu.memory_space<vmem>>
      %dma_start3A_70 = arith.constant 0 : i32
      %dma_start3A_71 = tpu.memref_slice %arg9[%add3A_39, %dma_start3A_70] : memref<10240x128xf32, #tpu.memory_space<vmem_shared>> -> memref<64x128xf32, #tpu.memory_space<vmem_shared>>
      %dma_start3A_72 = arith.constant 0 : i32
      %dma_start3A_73 = tpu.memref_slice %arg9[%add3A_39, %dma_start3A_72] : memref<10240x128xf32, #tpu.memory_space<vmem_shared>> -> memref<64x128xf32, #tpu.memory_space<vmem_shared>>
      %dma_start3A_74 = arith.constant 0 : i32
      %dma_start3A_75 = arith.constant 0 : i32
      %dma_start3A_76 = tpu.memref_slice %arg8[%run_scoped3A_40, %dma_start3A_74, %dma_start3A_75] : memref<4x64x128xf32, #tpu.memory_space<vmem>> -> memref<1x64x128xf32, #tpu.memory_space<vmem>>
      %dma_start3A_77 = tpu.memref_squeeze %dma_start3A_76 : memref<1x64x128xf32, #tpu.memory_space<vmem>> -> memref<64x128xf32, #tpu.memory_space<vmem>>
      tpu.enqueue_dma source(%dma_start3A_77 : memref<64x128xf32, #tpu.memory_space<vmem>>) target(%dma_start3A_73 : memref<64x128xf32, #tpu.memory_space<vmem_shared>>) target_semaphore(%run_scoped3A_66 : memref<!tpu.dma_semaphore, #tpu.memory_space<semaphore_mem>>)
      %dma_wait3A = arith.constant 0 : i32
      %dma_wait3A_78 = arith.constant 0 : i32
      %dma_wait3A_79 = tpu.memref_slice %arg8[%run_scoped3A_40, %dma_wait3A, %dma_wait3A_78] : memref<4x64x128xf32, #tpu.memory_space<vmem>> -> memref<1x64x128xf32, #tpu.memory_space<vmem>>
      %dma_wait3A_80 = tpu.memref_squeeze %dma_wait3A_79 : memref<1x64x128xf32, #tpu.memory_space<vmem>> -> memref<64x128xf32, #tpu.memory_space<vmem>>
      %dma_wait3A_81 = arith.constant 0 : i32
      %dma_wait3A_82 = tpu.memref_slice %arg9[%add3A_39, %dma_wait3A_81] : memref<10240x128xf32, #tpu.memory_space<vmem_shared>> -> memref<64x128xf32, #tpu.memory_space<vmem_shared>>
      %dma_wait3A_83 = arith.constant 0 : i32
      %dma_wait3A_84 = tpu.memref_slice %arg9[%add3A_39, %dma_wait3A_83] : memref<10240x128xf32, #tpu.memory_space<vmem_shared>> -> memref<64x128xf32, #tpu.memory_space<vmem_shared>>
      %dma_wait3A_85 = arith.constant 0 : i32
      %dma_wait3A_86 = arith.constant 0 : i32
      %dma_wait3A_87 = tpu.memref_slice %arg8[%run_scoped3A_40, %dma_wait3A_85, %dma_wait3A_86] : memref<4x64x128xf32, #tpu.memory_space<vmem>> -> memref<1x64x128xf32, #tpu.memory_space<vmem>>
      %dma_wait3A_88 = tpu.memref_squeeze %dma_wait3A_87 : memref<1x64x128xf32, #tpu.memory_space<vmem>> -> memref<64x128xf32, #tpu.memory_space<vmem>>
      tpu.wait_dma2 semaphore(%run_scoped3A_66 : memref<!tpu.dma_semaphore, #tpu.memory_space<semaphore_mem>>) src(%dma_wait3A_88 : memref<64x128xf32, #tpu.memory_space<vmem>>) dst(%dma_wait3A_84 : memref<64x128xf32, #tpu.memory_space<vmem_shared>>)
      tpu.yield
    }) : () -> ()
    %barrier3A = arith.constant 0 : index
    tpu.barrier barrier_id(%barrier3A)
    %mul3A_41 = arith.constant 0 : i32
    %mul3A_42 = arith.muli %arg0, %mul3A_41 : i32
    %add3A_43 = arith.constant 4 : i32
    %add3A_44 = arith.addi %add3A_43, %mul3A_42 : i32
    %sub3A_45 = arith.constant 0 : i32
    %sub3A_46 = arith.subi %add3A_44, %sub3A_45 : i32
    %sub3A_47 = arith.constant 1 : i32
    %sub3A_48 = arith.constant 1 : i32
    %sub3A_49 = arith.subi %sub3A_47, %sub3A_48 : i32
    %add3A_50 = arith.addi %sub3A_46, %sub3A_49 : i32
    %div3A = arith.constant 1 : i32
    %div3A_51 = arith.divsi %add3A_50, %div3A : i32
    %while3A = arith.constant 1 : i32
    %while3A_52 = arith.constant 0 : i32
    %while3A_53 = arith.constant 0 : i32
    %while3A_54 = arith.subi %div3A_51, %while3A_53 : i32
    %while3A_55 = arith.addi %while3A_53, %while3A_54 : i32
    %while3A_56 = arith.constant 1 : i32
    %while3A_57 = arith.divsi %while3A_54, %while3A_56 : i32
    %while3A_58 = arith.muli %while3A_57, %while3A_56 : i32
    %while3A_59 = arith.addi %while3A_53, %while3A_58 : i32
    %while3A_60 = arith.constant 1 : i32
    scf.for %while3A_66 = %while3A_53 to %while3A_59 step %while3A_60  : i32 {
      %mul3A_67 = arith.muli %while3A_66, %while3A : i32
      %add3A_68 = arith.addi %while3A_52, %mul3A_67 : i32
      %add3A_69 = arith.addi %add3A_7, %add3A_68 : i32
      "tpu.region"() ({
        %run_scoped3A_193 = tpu.sem_alloc : memref<!tpu.dma_semaphore, #tpu.memory_space<semaphore_mem>>
        %dma_start3A_194 = arith.constant 0 : i32
        %dma_start3A_195 = arith.constant 0 : i32
        %dma_start3A_196 = tpu.memref_slice %arg3[%add3A_69, %dma_start3A_194, %dma_start3A_195] : memref<128x40x64xi32, #tpu.memory_space<hbm>> -> memref<1x40x64xi32, #tpu.memory_space<hbm>>
        %dma_start3A_197 = tpu.memref_squeeze %dma_start3A_196 : memref<1x40x64xi32, #tpu.memory_space<hbm>> -> memref<40x64xi32, #tpu.memory_space<hbm>>
        %dma_start3A_198 = arith.constant 0 : i32
        %dma_start3A_199 = arith.constant 0 : i32
        %dma_start3A_200 = tpu.memref_slice %arg3[%add3A_69, %dma_start3A_198, %dma_start3A_199] : memref<128x40x64xi32, #tpu.memory_space<hbm>> -> memref<1x40x64xi32, #tpu.memory_space<hbm>>
        %dma_start3A_201 = tpu.memref_squeeze %dma_start3A_200 : memref<1x40x64xi32, #tpu.memory_space<hbm>> -> memref<40x64xi32, #tpu.memory_space<hbm>>
        tpu.enqueue_dma source(%dma_start3A_201 : memref<40x64xi32, #tpu.memory_space<hbm>>) target(%arg6 : memref<40x64xi32, #tpu.memory_space<vmem>>) target_semaphore(%run_scoped3A_193 : memref<!tpu.dma_semaphore, #tpu.memory_space<semaphore_mem>>)
        %dma_wait3A_202 = arith.constant 0 : i32
        %dma_wait3A_203 = arith.constant 0 : i32
        %dma_wait3A_204 = tpu.memref_slice %arg3[%add3A_69, %dma_wait3A_202, %dma_wait3A_203] : memref<128x40x64xi32, #tpu.memory_space<hbm>> -> memref<1x40x64xi32, #tpu.memory_space<hbm>>
        %dma_wait3A_205 = tpu.memref_squeeze %dma_wait3A_204 : memref<1x40x64xi32, #tpu.memory_space<hbm>> -> memref<40x64xi32, #tpu.memory_space<hbm>>
        %dma_wait3A_206 = arith.constant 0 : i32
        %dma_wait3A_207 = arith.constant 0 : i32
        %dma_wait3A_208 = tpu.memref_slice %arg3[%add3A_69, %dma_wait3A_206, %dma_wait3A_207] : memref<128x40x64xi32, #tpu.memory_space<hbm>> -> memref<1x40x64xi32, #tpu.memory_space<hbm>>
        %dma_wait3A_209 = tpu.memref_squeeze %dma_wait3A_208 : memref<1x40x64xi32, #tpu.memory_space<hbm>> -> memref<40x64xi32, #tpu.memory_space<hbm>>
        tpu.wait_dma2 semaphore(%run_scoped3A_193 : memref<!tpu.dma_semaphore, #tpu.memory_space<semaphore_mem>>) src(%dma_wait3A_209 : memref<40x64xi32, #tpu.memory_space<hbm>>) dst(%arg6 : memref<40x64xi32, #tpu.memory_space<vmem>>)
        tpu.yield
      }) : () -> ()
      "tpu.region"() ({
        %run_scoped3A_193 = tpu.sem_alloc : memref<!tpu.dma_semaphore, #tpu.memory_space<semaphore_mem>>
        %dma_start3A_194 = arith.constant 0 : i32
        %dma_start3A_195 = arith.constant 0 : i32
        %dma_start3A_196 = tpu.memref_slice %arg4[%add3A_69, %dma_start3A_194, %dma_start3A_195] : memref<128x40x64xi32, #tpu.memory_space<hbm>> -> memref<1x40x64xi32, #tpu.memory_space<hbm>>
        %dma_start3A_197 = tpu.memref_squeeze %dma_start3A_196 : memref<1x40x64xi32, #tpu.memory_space<hbm>> -> memref<40x64xi32, #tpu.memory_space<hbm>>
        %dma_start3A_198 = arith.constant 0 : i32
        %dma_start3A_199 = arith.constant 0 : i32
        %dma_start3A_200 = tpu.memref_slice %arg4[%add3A_69, %dma_start3A_198, %dma_start3A_199] : memref<128x40x64xi32, #tpu.memory_space<hbm>> -> memref<1x40x64xi32, #tpu.memory_space<hbm>>
        %dma_start3A_201 = tpu.memref_squeeze %dma_start3A_200 : memref<1x40x64xi32, #tpu.memory_space<hbm>> -> memref<40x64xi32, #tpu.memory_space<hbm>>
        tpu.enqueue_dma source(%dma_start3A_201 : memref<40x64xi32, #tpu.memory_space<hbm>>) target(%arg7 : memref<40x64xi32, #tpu.memory_space<vmem>>) target_semaphore(%run_scoped3A_193 : memref<!tpu.dma_semaphore, #tpu.memory_space<semaphore_mem>>)
        %dma_wait3A_202 = arith.constant 0 : i32
        %dma_wait3A_203 = arith.constant 0 : i32
        %dma_wait3A_204 = tpu.memref_slice %arg4[%add3A_69, %dma_wait3A_202, %dma_wait3A_203] : memref<128x40x64xi32, #tpu.memory_space<hbm>> -> memref<1x40x64xi32, #tpu.memory_space<hbm>>
        %dma_wait3A_205 = tpu.memref_squeeze %dma_wait3A_204 : memref<1x40x64xi32, #tpu.memory_space<hbm>> -> memref<40x64xi32, #tpu.memory_space<hbm>>
        %dma_wait3A_206 = arith.constant 0 : i32
        %dma_wait3A_207 = arith.constant 0 : i32
        %dma_wait3A_208 = tpu.memref_slice %arg4[%add3A_69, %dma_wait3A_206, %dma_wait3A_207] : memref<128x40x64xi32, #tpu.memory_space<hbm>> -> memref<1x40x64xi32, #tpu.memory_space<hbm>>
        %dma_wait3A_209 = tpu.memref_squeeze %dma_wait3A_208 : memref<1x40x64xi32, #tpu.memory_space<hbm>> -> memref<40x64xi32, #tpu.memory_space<hbm>>
        tpu.wait_dma2 semaphore(%run_scoped3A_193 : memref<!tpu.dma_semaphore, #tpu.memory_space<semaphore_mem>>) src(%dma_wait3A_209 : memref<40x64xi32, #tpu.memory_space<hbm>>) dst(%arg7 : memref<40x64xi32, #tpu.memory_space<vmem>>)
        tpu.yield
      }) : () -> ()
      %dma_start3A = arith.constant 0 : i32
      %dma_start3A_70 = arith.constant 0 : i32
      %dma_start3A_71 = arith.constant 0 : i32
      %dma_start3A_72 = arith.constant 0 : i32
      %dma_start3A_73 = arith.constant 0 : i32
      %dma_start3A_74 = tpu.memref_slice %arg8[%dma_start3A_70, %dma_start3A_72, %dma_start3A_73] : memref<4x64x128xf32, #tpu.memory_space<vmem>> -> memref<1x64x128xf32, #tpu.memory_space<vmem>>
      %dma_start3A_75 = tpu.memref_squeeze %dma_start3A_74 : memref<1x64x128xf32, #tpu.memory_space<vmem>> -> memref<64x128xf32, #tpu.memory_space<vmem>>
      %dma_start3A_76 = arith.constant 0 : i32
      %dma_start3A_77 = tpu.memref_slice %arg6[%dma_start3A, %dma_start3A_76] : memref<40x64xi32, #tpu.memory_space<vmem>> -> memref<1x64xi32, #tpu.memory_space<vmem>>
      %dma_start3A_78 = tpu.memref_squeeze %dma_start3A_77 : memref<1x64xi32, #tpu.memory_space<vmem>> -> memref<64xi32, #tpu.memory_space<vmem>>
      %dma_start3A_79 = arith.constant 0 : i32
      %dma_start3A_80 = arith.constant 0 : i32
      %dma_start3A_81 = tpu.memref_slice %arg2[%dma_start3A_79, %dma_start3A_80] : memref<10240x128xf32, #tpu.memory_space<hbm>> -> memref<10240x128xf32, #tpu.memory_space<hbm>>
      %dma_start3A_82 = tpu.memref_slice %arg10[%dma_start3A_71] : memref<4x!tpu.dma_semaphore, #tpu.memory_space<semaphore_mem>> -> memref<1x!tpu.dma_semaphore, #tpu.memory_space<semaphore_mem>>
      %dma_start3A_83 = tpu.memref_squeeze %dma_start3A_82 : memref<1x!tpu.dma_semaphore, #tpu.memory_space<semaphore_mem>> -> memref<!tpu.dma_semaphore, #tpu.memory_space<semaphore_mem>>
      tpu.enqueue_indirect_dma source(%dma_start3A_81 : memref<10240x128xf32, #tpu.memory_space<hbm>>) target(%dma_start3A_75 : memref<64x128xf32, #tpu.memory_space<vmem>>) offsets(%dma_start3A_78 : memref<64xi32, #tpu.memory_space<vmem>>) semaphore(%dma_start3A_83 : memref<!tpu.dma_semaphore, #tpu.memory_space<semaphore_mem>>)
      %dma_start3A_84 = arith.constant 1 : i32
      %dma_start3A_85 = arith.constant 1 : i32
      %dma_start3A_86 = arith.constant 1 : i32
      %dma_start3A_87 = arith.constant 0 : i32
      %dma_start3A_88 = arith.constant 0 : i32
      %dma_start3A_89 = tpu.memref_slice %arg8[%dma_start3A_85, %dma_start3A_87, %dma_start3A_88] : memref<4x64x128xf32, #tpu.memory_space<vmem>> -> memref<1x64x128xf32, #tpu.memory_space<vmem>>
      %dma_start3A_90 = tpu.memref_squeeze %dma_start3A_89 : memref<1x64x128xf32, #tpu.memory_space<vmem>> -> memref<64x128xf32, #tpu.memory_space<vmem>>
      %dma_start3A_91 = arith.constant 0 : i32
      %dma_start3A_92 = tpu.memref_slice %arg6[%dma_start3A_84, %dma_start3A_91] : memref<40x64xi32, #tpu.memory_space<vmem>> -> memref<1x64xi32, #tpu.memory_space<vmem>>
      %dma_start3A_93 = tpu.memref_squeeze %dma_start3A_92 : memref<1x64xi32, #tpu.memory_space<vmem>> -> memref<64xi32, #tpu.memory_space<vmem>>
      %dma_start3A_94 = arith.constant 0 : i32
      %dma_start3A_95 = arith.constant 0 : i32
      %dma_start3A_96 = tpu.memref_slice %arg2[%dma_start3A_94, %dma_start3A_95] : memref<10240x128xf32, #tpu.memory_space<hbm>> -> memref<10240x128xf32, #tpu.memory_space<hbm>>
      %dma_start3A_97 = tpu.memref_slice %arg10[%dma_start3A_86] : memref<4x!tpu.dma_semaphore, #tpu.memory_space<semaphore_mem>> -> memref<1x!tpu.dma_semaphore, #tpu.memory_space<semaphore_mem>>
      %dma_start3A_98 = tpu.memref_squeeze %dma_start3A_97 : memref<1x!tpu.dma_semaphore, #tpu.memory_space<semaphore_mem>> -> memref<!tpu.dma_semaphore, #tpu.memory_space<semaphore_mem>>
      tpu.enqueue_indirect_dma source(%dma_start3A_96 : memref<10240x128xf32, #tpu.memory_space<hbm>>) target(%dma_start3A_90 : memref<64x128xf32, #tpu.memory_space<vmem>>) offsets(%dma_start3A_93 : memref<64xi32, #tpu.memory_space<vmem>>) semaphore(%dma_start3A_98 : memref<!tpu.dma_semaphore, #tpu.memory_space<semaphore_mem>>)
      %dma_start3A_99 = arith.constant 2 : i32
      %dma_start3A_100 = arith.constant 2 : i32
      %dma_start3A_101 = arith.constant 2 : i32
      %dma_start3A_102 = arith.constant 0 : i32
      %dma_start3A_103 = arith.constant 0 : i32
      %dma_start3A_104 = tpu.memref_slice %arg8[%dma_start3A_100, %dma_start3A_102, %dma_start3A_103] : memref<4x64x128xf32, #tpu.memory_space<vmem>> -> memref<1x64x128xf32, #tpu.memory_space<vmem>>
      %dma_start3A_105 = tpu.memref_squeeze %dma_start3A_104 : memref<1x64x128xf32, #tpu.memory_space<vmem>> -> memref<64x128xf32, #tpu.memory_space<vmem>>
      %dma_start3A_106 = arith.constant 0 : i32
      %dma_start3A_107 = tpu.memref_slice %arg6[%dma_start3A_99, %dma_start3A_106] : memref<40x64xi32, #tpu.memory_space<vmem>> -> memref<1x64xi32, #tpu.memory_space<vmem>>
      %dma_start3A_108 = tpu.memref_squeeze %dma_start3A_107 : memref<1x64xi32, #tpu.memory_space<vmem>> -> memref<64xi32, #tpu.memory_space<vmem>>
      %dma_start3A_109 = arith.constant 0 : i32
      %dma_start3A_110 = arith.constant 0 : i32
      %dma_start3A_111 = tpu.memref_slice %arg2[%dma_start3A_109, %dma_start3A_110] : memref<10240x128xf32, #tpu.memory_space<hbm>> -> memref<10240x128xf32, #tpu.memory_space<hbm>>
      %dma_start3A_112 = tpu.memref_slice %arg10[%dma_start3A_101] : memref<4x!tpu.dma_semaphore, #tpu.memory_space<semaphore_mem>> -> memref<1x!tpu.dma_semaphore, #tpu.memory_space<semaphore_mem>>
      %dma_start3A_113 = tpu.memref_squeeze %dma_start3A_112 : memref<1x!tpu.dma_semaphore, #tpu.memory_space<semaphore_mem>> -> memref<!tpu.dma_semaphore, #tpu.memory_space<semaphore_mem>>
      tpu.enqueue_indirect_dma source(%dma_start3A_111 : memref<10240x128xf32, #tpu.memory_space<hbm>>) target(%dma_start3A_105 : memref<64x128xf32, #tpu.memory_space<vmem>>) offsets(%dma_start3A_108 : memref<64xi32, #tpu.memory_space<vmem>>) semaphore(%dma_start3A_113 : memref<!tpu.dma_semaphore, #tpu.memory_space<semaphore_mem>>)
      %dma_start3A_114 = arith.constant 3 : i32
      %dma_start3A_115 = arith.constant 3 : i32
      %dma_start3A_116 = arith.constant 3 : i32
      %dma_start3A_117 = arith.constant 0 : i32
      %dma_start3A_118 = arith.constant 0 : i32
      %dma_start3A_119 = tpu.memref_slice %arg8[%dma_start3A_115, %dma_start3A_117, %dma_start3A_118] : memref<4x64x128xf32, #tpu.memory_space<vmem>> -> memref<1x64x128xf32, #tpu.memory_space<vmem>>
      %dma_start3A_120 = tpu.memref_squeeze %dma_start3A_119 : memref<1x64x128xf32, #tpu.memory_space<vmem>> -> memref<64x128xf32, #tpu.memory_space<vmem>>
      %dma_start3A_121 = arith.constant 0 : i32
      %dma_start3A_122 = tpu.memref_slice %arg6[%dma_start3A_114, %dma_start3A_121] : memref<40x64xi32, #tpu.memory_space<vmem>> -> memref<1x64xi32, #tpu.memory_space<vmem>>
      %dma_start3A_123 = tpu.memref_squeeze %dma_start3A_122 : memref<1x64xi32, #tpu.memory_space<vmem>> -> memref<64xi32, #tpu.memory_space<vmem>>
      %dma_start3A_124 = arith.constant 0 : i32
      %dma_start3A_125 = arith.constant 0 : i32
      %dma_start3A_126 = tpu.memref_slice %arg2[%dma_start3A_124, %dma_start3A_125] : memref<10240x128xf32, #tpu.memory_space<hbm>> -> memref<10240x128xf32, #tpu.memory_space<hbm>>
      %dma_start3A_127 = tpu.memref_slice %arg10[%dma_start3A_116] : memref<4x!tpu.dma_semaphore, #tpu.memory_space<semaphore_mem>> -> memref<1x!tpu.dma_semaphore, #tpu.memory_space<semaphore_mem>>
      %dma_start3A_128 = tpu.memref_squeeze %dma_start3A_127 : memref<1x!tpu.dma_semaphore, #tpu.memory_space<semaphore_mem>> -> memref<!tpu.dma_semaphore, #tpu.memory_space<semaphore_mem>>
      tpu.enqueue_indirect_dma source(%dma_start3A_126 : memref<10240x128xf32, #tpu.memory_space<hbm>>) target(%dma_start3A_120 : memref<64x128xf32, #tpu.memory_space<vmem>>) offsets(%dma_start3A_123 : memref<64xi32, #tpu.memory_space<vmem>>) semaphore(%dma_start3A_128 : memref<!tpu.dma_semaphore, #tpu.memory_space<semaphore_mem>>)
      %scan3A_129 = arith.constant 0 : i32
      %scan3A_130 = arith.constant 10 : i32
      %scan3A_131 = arith.addi %scan3A_129, %scan3A_130 : i32
      %scan3A_132 = arith.constant 1 : i32
      scf.for %scan3A_193 = %scan3A_129 to %scan3A_131 step %scan3A_132  : i32 {
        %mul3A_194 = arith.constant 1 : i32
        %mul3A_195 = arith.muli %scan3A_193, %mul3A_194 : i32
        %add3A_196 = arith.constant 0 : i32
        %add3A_197 = arith.addi %add3A_196, %mul3A_195 : i32
        %mul3A_198 = arith.constant 4 : i32
        %mul3A_199 = arith.muli %add3A_197, %mul3A_198 : i32
        %add3A_200 = arith.constant 0 : i32
        %add3A_201 = arith.addi %mul3A_199, %add3A_200 : i32
        %dma_wait3A_202 = arith.constant 0 : i32
        %dma_wait3A_203 = arith.constant 0 : i32
        %dma_wait3A_204 = arith.constant 0 : i32
        %dma_wait3A_205 = arith.constant 0 : i32
        %dma_wait3A_206 = tpu.memref_slice %arg8[%dma_wait3A_202, %dma_wait3A_204, %dma_wait3A_205] : memref<4x64x128xf32, #tpu.memory_space<vmem>> -> memref<1x64x128xf32, #tpu.memory_space<vmem>>
        %dma_wait3A_207 = tpu.memref_squeeze %dma_wait3A_206 : memref<1x64x128xf32, #tpu.memory_space<vmem>> -> memref<64x128xf32, #tpu.memory_space<vmem>>
        %dma_wait3A_208 = arith.constant 0 : i32
        %dma_wait3A_209 = tpu.memref_slice %arg6[%add3A_201, %dma_wait3A_208] : memref<40x64xi32, #tpu.memory_space<vmem>> -> memref<1x64xi32, #tpu.memory_space<vmem>>
        %dma_wait3A_210 = tpu.memref_squeeze %dma_wait3A_209 : memref<1x64xi32, #tpu.memory_space<vmem>> -> memref<64xi32, #tpu.memory_space<vmem>>
        %dma_wait3A_211 = arith.constant 0 : i32
        %dma_wait3A_212 = arith.constant 0 : i32
        %dma_wait3A_213 = tpu.memref_slice %arg2[%dma_wait3A_211, %dma_wait3A_212] : memref<10240x128xf32, #tpu.memory_space<hbm>> -> memref<10240x128xf32, #tpu.memory_space<hbm>>
        %dma_wait3A_214 = tpu.memref_slice %arg10[%dma_wait3A_203] : memref<4x!tpu.dma_semaphore, #tpu.memory_space<semaphore_mem>> -> memref<1x!tpu.dma_semaphore, #tpu.memory_space<semaphore_mem>>
        %dma_wait3A_215 = tpu.memref_squeeze %dma_wait3A_214 : memref<1x!tpu.dma_semaphore, #tpu.memory_space<semaphore_mem>> -> memref<!tpu.dma_semaphore, #tpu.memory_space<semaphore_mem>>
        tpu.wait_indirect_dma semaphore(%dma_wait3A_215 : memref<!tpu.dma_semaphore, #tpu.memory_space<semaphore_mem>>) src(%dma_wait3A_213 : memref<10240x128xf32, #tpu.memory_space<hbm>>) dst(%dma_wait3A_207 : memref<64x128xf32, #tpu.memory_space<vmem>>)
        %dma_start3A_216 = arith.constant 0 : i32
        %dma_start3A_217 = arith.constant 0 : i32
        %dma_start3A_218 = arith.constant 0 : i32
        %dma_start3A_219 = arith.constant 0 : i32
        %dma_start3A_220 = tpu.memref_slice %arg8[%dma_start3A_216, %dma_start3A_218, %dma_start3A_219] : memref<4x64x128xf32, #tpu.memory_space<vmem>> -> memref<1x64x128xf32, #tpu.memory_space<vmem>>
        %dma_start3A_221 = tpu.memref_squeeze %dma_start3A_220 : memref<1x64x128xf32, #tpu.memory_space<vmem>> -> memref<64x128xf32, #tpu.memory_space<vmem>>
        %dma_start3A_222 = arith.constant 0 : i32
        %dma_start3A_223 = tpu.memref_slice %arg7[%add3A_201, %dma_start3A_222] : memref<40x64xi32, #tpu.memory_space<vmem>> -> memref<1x64xi32, #tpu.memory_space<vmem>>
        %dma_start3A_224 = tpu.memref_squeeze %dma_start3A_223 : memref<1x64xi32, #tpu.memory_space<vmem>> -> memref<64xi32, #tpu.memory_space<vmem>>
        %dma_start3A_225 = arith.constant 0 : i32
        %dma_start3A_226 = arith.constant 0 : i32
        %dma_start3A_227 = tpu.memref_slice %arg9[%dma_start3A_225, %dma_start3A_226] : memref<10240x128xf32, #tpu.memory_space<vmem_shared>> -> memref<10240x128xf32, #tpu.memory_space<vmem_shared>>
        %dma_start3A_228 = tpu.memref_slice %arg11[%dma_start3A_217] : memref<4x!tpu.dma_semaphore, #tpu.memory_space<semaphore_mem>> -> memref<1x!tpu.dma_semaphore, #tpu.memory_space<semaphore_mem>>
        %dma_start3A_229 = tpu.memref_squeeze %dma_start3A_228 : memref<1x!tpu.dma_semaphore, #tpu.memory_space<semaphore_mem>> -> memref<!tpu.dma_semaphore, #tpu.memory_space<semaphore_mem>>
        tpu.enqueue_indirect_dma source(%dma_start3A_221 : memref<64x128xf32, #tpu.memory_space<vmem>>) target(%dma_start3A_227 : memref<10240x128xf32, #tpu.memory_space<vmem_shared>>) offsets(%dma_start3A_224 : memref<64xi32, #tpu.memory_space<vmem>>) semaphore(%dma_start3A_229 : memref<!tpu.dma_semaphore, #tpu.memory_space<semaphore_mem>>) {add = true}
        %dma_wait3A_230 = arith.constant 0 : i32
        %dma_wait3A_231 = arith.constant 0 : i32
        %dma_wait3A_232 = arith.constant 0 : i32
        %dma_wait3A_233 = arith.constant 0 : i32
        %dma_wait3A_234 = tpu.memref_slice %arg8[%dma_wait3A_230, %dma_wait3A_232, %dma_wait3A_233] : memref<4x64x128xf32, #tpu.memory_space<vmem>> -> memref<1x64x128xf32, #tpu.memory_space<vmem>>
        %dma_wait3A_235 = tpu.memref_squeeze %dma_wait3A_234 : memref<1x64x128xf32, #tpu.memory_space<vmem>> -> memref<64x128xf32, #tpu.memory_space<vmem>>
        %dma_wait3A_236 = arith.constant 0 : i32
        %dma_wait3A_237 = tpu.memref_slice %arg7[%add3A_201, %dma_wait3A_236] : memref<40x64xi32, #tpu.memory_space<vmem>> -> memref<1x64xi32, #tpu.memory_space<vmem>>
        %dma_wait3A_238 = tpu.memref_squeeze %dma_wait3A_237 : memref<1x64xi32, #tpu.memory_space<vmem>> -> memref<64xi32, #tpu.memory_space<vmem>>
        %dma_wait3A_239 = arith.constant 0 : i32
        %dma_wait3A_240 = arith.constant 0 : i32
        %dma_wait3A_241 = tpu.memref_slice %arg9[%dma_wait3A_239, %dma_wait3A_240] : memref<10240x128xf32, #tpu.memory_space<vmem_shared>> -> memref<10240x128xf32, #tpu.memory_space<vmem_shared>>
        %dma_wait3A_242 = tpu.memref_slice %arg11[%dma_wait3A_231] : memref<4x!tpu.dma_semaphore, #tpu.memory_space<semaphore_mem>> -> memref<1x!tpu.dma_semaphore, #tpu.memory_space<semaphore_mem>>
        %dma_wait3A_243 = tpu.memref_squeeze %dma_wait3A_242 : memref<1x!tpu.dma_semaphore, #tpu.memory_space<semaphore_mem>> -> memref<!tpu.dma_semaphore, #tpu.memory_space<semaphore_mem>>
        tpu.wait_indirect_dma semaphore(%dma_wait3A_243 : memref<!tpu.dma_semaphore, #tpu.memory_space<semaphore_mem>>) src(%dma_wait3A_235 : memref<64x128xf32, #tpu.memory_space<vmem>>) dst(%dma_wait3A_241 : memref<10240x128xf32, #tpu.memory_space<vmem_shared>>)
        %add3A_244 = arith.constant 4 : i32
        %add3A_245 = arith.addi %mul3A_199, %add3A_244 : i32
        %add3A_246 = arith.constant 0 : i32
        %add3A_247 = arith.addi %add3A_245, %add3A_246 : i32
        %min3A = arith.constant 39 : i32
        %min3A_248 = arith.minsi %add3A_247, %min3A : i32
        %dma_start3A_249 = arith.constant 0 : i32
        %dma_start3A_250 = arith.constant 0 : i32
        %dma_start3A_251 = arith.constant 0 : i32
        %dma_start3A_252 = arith.constant 0 : i32
        %dma_start3A_253 = tpu.memref_slice %arg8[%dma_start3A_249, %dma_start3A_251, %dma_start3A_252] : memref<4x64x128xf32, #tpu.memory_space<vmem>> -> memref<1x64x128xf32, #tpu.memory_space<vmem>>
        %dma_start3A_254 = tpu.memref_squeeze %dma_start3A_253 : memref<1x64x128xf32, #tpu.memory_space<vmem>> -> memref<64x128xf32, #tpu.memory_space<vmem>>
        %dma_start3A_255 = arith.constant 0 : i32
        %dma_start3A_256 = tpu.memref_slice %arg6[%min3A_248, %dma_start3A_255] : memref<40x64xi32, #tpu.memory_space<vmem>> -> memref<1x64xi32, #tpu.memory_space<vmem>>
        %dma_start3A_257 = tpu.memref_squeeze %dma_start3A_256 : memref<1x64xi32, #tpu.memory_space<vmem>> -> memref<64xi32, #tpu.memory_space<vmem>>
        %dma_start3A_258 = arith.constant 0 : i32
        %dma_start3A_259 = arith.constant 0 : i32
        %dma_start3A_260 = tpu.memref_slice %arg2[%dma_start3A_258, %dma_start3A_259] : memref<10240x128xf32, #tpu.memory_space<hbm>> -> memref<10240x128xf32, #tpu.memory_space<hbm>>
        %dma_start3A_261 = tpu.memref_slice %arg10[%dma_start3A_250] : memref<4x!tpu.dma_semaphore, #tpu.memory_space<semaphore_mem>> -> memref<1x!tpu.dma_semaphore, #tpu.memory_space<semaphore_mem>>
        %dma_start3A_262 = tpu.memref_squeeze %dma_start3A_261 : memref<1x!tpu.dma_semaphore, #tpu.memory_space<semaphore_mem>> -> memref<!tpu.dma_semaphore, #tpu.memory_space<semaphore_mem>>
        tpu.enqueue_indirect_dma source(%dma_start3A_260 : memref<10240x128xf32, #tpu.memory_space<hbm>>) target(%dma_start3A_254 : memref<64x128xf32, #tpu.memory_space<vmem>>) offsets(%dma_start3A_257 : memref<64xi32, #tpu.memory_space<vmem>>) semaphore(%dma_start3A_262 : memref<!tpu.dma_semaphore, #tpu.memory_space<semaphore_mem>>)
        %add3A_263 = arith.constant 1 : i32
        %add3A_264 = arith.addi %mul3A_199, %add3A_263 : i32
        %dma_wait3A_265 = arith.constant 1 : i32
        %dma_wait3A_266 = arith.constant 1 : i32
        %dma_wait3A_267 = arith.constant 0 : i32
        %dma_wait3A_268 = arith.constant 0 : i32
        %dma_wait3A_269 = tpu.memref_slice %arg8[%dma_wait3A_265, %dma_wait3A_267, %dma_wait3A_268] : memref<4x64x128xf32, #tpu.memory_space<vmem>> -> memref<1x64x128xf32, #tpu.memory_space<vmem>>
        %dma_wait3A_270 = tpu.memref_squeeze %dma_wait3A_269 : memref<1x64x128xf32, #tpu.memory_space<vmem>> -> memref<64x128xf32, #tpu.memory_space<vmem>>
        %dma_wait3A_271 = arith.constant 0 : i32
        %dma_wait3A_272 = tpu.memref_slice %arg6[%add3A_264, %dma_wait3A_271] : memref<40x64xi32, #tpu.memory_space<vmem>> -> memref<1x64xi32, #tpu.memory_space<vmem>>
        %dma_wait3A_273 = tpu.memref_squeeze %dma_wait3A_272 : memref<1x64xi32, #tpu.memory_space<vmem>> -> memref<64xi32, #tpu.memory_space<vmem>>
        %dma_wait3A_274 = arith.constant 0 : i32
        %dma_wait3A_275 = arith.constant 0 : i32
        %dma_wait3A_276 = tpu.memref_slice %arg2[%dma_wait3A_274, %dma_wait3A_275] : memref<10240x128xf32, #tpu.memory_space<hbm>> -> memref<10240x128xf32, #tpu.memory_space<hbm>>
        %dma_wait3A_277 = tpu.memref_slice %arg10[%dma_wait3A_266] : memref<4x!tpu.dma_semaphore, #tpu.memory_space<semaphore_mem>> -> memref<1x!tpu.dma_semaphore, #tpu.memory_space<semaphore_mem>>
        %dma_wait3A_278 = tpu.memref_squeeze %dma_wait3A_277 : memref<1x!tpu.dma_semaphore, #tpu.memory_space<semaphore_mem>> -> memref<!tpu.dma_semaphore, #tpu.memory_space<semaphore_mem>>
        tpu.wait_indirect_dma semaphore(%dma_wait3A_278 : memref<!tpu.dma_semaphore, #tpu.memory_space<semaphore_mem>>) src(%dma_wait3A_276 : memref<10240x128xf32, #tpu.memory_space<hbm>>) dst(%dma_wait3A_270 : memref<64x128xf32, #tpu.memory_space<vmem>>)
        %dma_start3A_279 = arith.constant 1 : i32
        %dma_start3A_280 = arith.constant 1 : i32
        %dma_start3A_281 = arith.constant 0 : i32
        %dma_start3A_282 = arith.constant 0 : i32
        %dma_start3A_283 = tpu.memref_slice %arg8[%dma_start3A_279, %dma_start3A_281, %dma_start3A_282] : memref<4x64x128xf32, #tpu.memory_space<vmem>> -> memref<1x64x128xf32, #tpu.memory_space<vmem>>
        %dma_start3A_284 = tpu.memref_squeeze %dma_start3A_283 : memref<1x64x128xf32, #tpu.memory_space<vmem>> -> memref<64x128xf32, #tpu.memory_space<vmem>>
        %dma_start3A_285 = arith.constant 0 : i32
        %dma_start3A_286 = tpu.memref_slice %arg7[%add3A_264, %dma_start3A_285] : memref<40x64xi32, #tpu.memory_space<vmem>> -> memref<1x64xi32, #tpu.memory_space<vmem>>
        %dma_start3A_287 = tpu.memref_squeeze %dma_start3A_286 : memref<1x64xi32, #tpu.memory_space<vmem>> -> memref<64xi32, #tpu.memory_space<vmem>>
        %dma_start3A_288 = arith.constant 0 : i32
        %dma_start3A_289 = arith.constant 0 : i32
        %dma_start3A_290 = tpu.memref_slice %arg9[%dma_start3A_288, %dma_start3A_289] : memref<10240x128xf32, #tpu.memory_space<vmem_shared>> -> memref<10240x128xf32, #tpu.memory_space<vmem_shared>>
        %dma_start3A_291 = tpu.memref_slice %arg11[%dma_start3A_280] : memref<4x!tpu.dma_semaphore, #tpu.memory_space<semaphore_mem>> -> memref<1x!tpu.dma_semaphore, #tpu.memory_space<semaphore_mem>>
        %dma_start3A_292 = tpu.memref_squeeze %dma_start3A_291 : memref<1x!tpu.dma_semaphore, #tpu.memory_space<semaphore_mem>> -> memref<!tpu.dma_semaphore, #tpu.memory_space<semaphore_mem>>
        tpu.enqueue_indirect_dma source(%dma_start3A_284 : memref<64x128xf32, #tpu.memory_space<vmem>>) target(%dma_start3A_290 : memref<10240x128xf32, #tpu.memory_space<vmem_shared>>) offsets(%dma_start3A_287 : memref<64xi32, #tpu.memory_space<vmem>>) semaphore(%dma_start3A_292 : memref<!tpu.dma_semaphore, #tpu.memory_space<semaphore_mem>>) {add = true}
        %dma_wait3A_293 = arith.constant 1 : i32
        %dma_wait3A_294 = arith.constant 1 : i32
        %dma_wait3A_295 = arith.constant 0 : i32
        %dma_wait3A_296 = arith.constant 0 : i32
        %dma_wait3A_297 = tpu.memref_slice %arg8[%dma_wait3A_293, %dma_wait3A_295, %dma_wait3A_296] : memref<4x64x128xf32, #tpu.memory_space<vmem>> -> memref<1x64x128xf32, #tpu.memory_space<vmem>>
        %dma_wait3A_298 = tpu.memref_squeeze %dma_wait3A_297 : memref<1x64x128xf32, #tpu.memory_space<vmem>> -> memref<64x128xf32, #tpu.memory_space<vmem>>
        %dma_wait3A_299 = arith.constant 0 : i32
        %dma_wait3A_300 = tpu.memref_slice %arg7[%add3A_264, %dma_wait3A_299] : memref<40x64xi32, #tpu.memory_space<vmem>> -> memref<1x64xi32, #tpu.memory_space<vmem>>
        %dma_wait3A_301 = tpu.memref_squeeze %dma_wait3A_300 : memref<1x64xi32, #tpu.memory_space<vmem>> -> memref<64xi32, #tpu.memory_space<vmem>>
        %dma_wait3A_302 = arith.constant 0 : i32
        %dma_wait3A_303 = arith.constant 0 : i32
        %dma_wait3A_304 = tpu.memref_slice %arg9[%dma_wait3A_302, %dma_wait3A_303] : memref<10240x128xf32, #tpu.memory_space<vmem_shared>> -> memref<10240x128xf32, #tpu.memory_space<vmem_shared>>
        %dma_wait3A_305 = tpu.memref_slice %arg11[%dma_wait3A_294] : memref<4x!tpu.dma_semaphore, #tpu.memory_space<semaphore_mem>> -> memref<1x!tpu.dma_semaphore, #tpu.memory_space<semaphore_mem>>
        %dma_wait3A_306 = tpu.memref_squeeze %dma_wait3A_305 : memref<1x!tpu.dma_semaphore, #tpu.memory_space<semaphore_mem>> -> memref<!tpu.dma_semaphore, #tpu.memory_space<semaphore_mem>>
        tpu.wait_indirect_dma semaphore(%dma_wait3A_306 : memref<!tpu.dma_semaphore, #tpu.memory_space<semaphore_mem>>) src(%dma_wait3A_298 : memref<64x128xf32, #tpu.memory_space<vmem>>) dst(%dma_wait3A_304 : memref<10240x128xf32, #tpu.memory_space<vmem_shared>>)
        %add3A_307 = arith.constant 4 : i32
        %add3A_308 = arith.addi %mul3A_199, %add3A_307 : i32
        %add3A_309 = arith.constant 1 : i32
        %add3A_310 = arith.addi %add3A_308, %add3A_309 : i32
        %min3A_311 = arith.constant 39 : i32
        %min3A_312 = arith.minsi %add3A_310, %min3A_311 : i32
        %dma_start3A_313 = arith.constant 1 : i32
        %dma_start3A_314 = arith.constant 1 : i32
        %dma_start3A_315 = arith.constant 0 : i32
        %dma_start3A_316 = arith.constant 0 : i32
        %dma_start3A_317 = tpu.memref_slice %arg8[%dma_start3A_313, %dma_start3A_315, %dma_start3A_316] : memref<4x64x128xf32, #tpu.memory_space<vmem>> -> memref<1x64x128xf32, #tpu.memory_space<vmem>>
        %dma_start3A_318 = tpu.memref_squeeze %dma_start3A_317 : memref<1x64x128xf32, #tpu.memory_space<vmem>> -> memref<64x128xf32, #tpu.memory_space<vmem>>
        %dma_start3A_319 = arith.constant 0 : i32
        %dma_start3A_320 = tpu.memref_slice %arg6[%min3A_312, %dma_start3A_319] : memref<40x64xi32, #tpu.memory_space<vmem>> -> memref<1x64xi32, #tpu.memory_space<vmem>>
        %dma_start3A_321 = tpu.memref_squeeze %dma_start3A_320 : memref<1x64xi32, #tpu.memory_space<vmem>> -> memref<64xi32, #tpu.memory_space<vmem>>
        %dma_start3A_322 = arith.constant 0 : i32
        %dma_start3A_323 = arith.constant 0 : i32
        %dma_start3A_324 = tpu.memref_slice %arg2[%dma_start3A_322, %dma_start3A_323] : memref<10240x128xf32, #tpu.memory_space<hbm>> -> memref<10240x128xf32, #tpu.memory_space<hbm>>
        %dma_start3A_325 = tpu.memref_slice %arg10[%dma_start3A_314] : memref<4x!tpu.dma_semaphore, #tpu.memory_space<semaphore_mem>> -> memref<1x!tpu.dma_semaphore, #tpu.memory_space<semaphore_mem>>
        %dma_start3A_326 = tpu.memref_squeeze %dma_start3A_325 : memref<1x!tpu.dma_semaphore, #tpu.memory_space<semaphore_mem>> -> memref<!tpu.dma_semaphore, #tpu.memory_space<semaphore_mem>>
        tpu.enqueue_indirect_dma source(%dma_start3A_324 : memref<10240x128xf32, #tpu.memory_space<hbm>>) target(%dma_start3A_318 : memref<64x128xf32, #tpu.memory_space<vmem>>) offsets(%dma_start3A_321 : memref<64xi32, #tpu.memory_space<vmem>>) semaphore(%dma_start3A_326 : memref<!tpu.dma_semaphore, #tpu.memory_space<semaphore_mem>>)
        %add3A_327 = arith.constant 2 : i32
        %add3A_328 = arith.addi %mul3A_199, %add3A_327 : i32
        %dma_wait3A_329 = arith.constant 2 : i32
        %dma_wait3A_330 = arith.constant 2 : i32
        %dma_wait3A_331 = arith.constant 0 : i32
        %dma_wait3A_332 = arith.constant 0 : i32
        %dma_wait3A_333 = tpu.memref_slice %arg8[%dma_wait3A_329, %dma_wait3A_331, %dma_wait3A_332] : memref<4x64x128xf32, #tpu.memory_space<vmem>> -> memref<1x64x128xf32, #tpu.memory_space<vmem>>
        %dma_wait3A_334 = tpu.memref_squeeze %dma_wait3A_333 : memref<1x64x128xf32, #tpu.memory_space<vmem>> -> memref<64x128xf32, #tpu.memory_space<vmem>>
        %dma_wait3A_335 = arith.constant 0 : i32
        %dma_wait3A_336 = tpu.memref_slice %arg6[%add3A_328, %dma_wait3A_335] : memref<40x64xi32, #tpu.memory_space<vmem>> -> memref<1x64xi32, #tpu.memory_space<vmem>>
        %dma_wait3A_337 = tpu.memref_squeeze %dma_wait3A_336 : memref<1x64xi32, #tpu.memory_space<vmem>> -> memref<64xi32, #tpu.memory_space<vmem>>
        %dma_wait3A_338 = arith.constant 0 : i32
        %dma_wait3A_339 = arith.constant 0 : i32
        %dma_wait3A_340 = tpu.memref_slice %arg2[%dma_wait3A_338, %dma_wait3A_339] : memref<10240x128xf32, #tpu.memory_space<hbm>> -> memref<10240x128xf32, #tpu.memory_space<hbm>>
        %dma_wait3A_341 = tpu.memref_slice %arg10[%dma_wait3A_330] : memref<4x!tpu.dma_semaphore, #tpu.memory_space<semaphore_mem>> -> memref<1x!tpu.dma_semaphore, #tpu.memory_space<semaphore_mem>>
        %dma_wait3A_342 = tpu.memref_squeeze %dma_wait3A_341 : memref<1x!tpu.dma_semaphore, #tpu.memory_space<semaphore_mem>> -> memref<!tpu.dma_semaphore, #tpu.memory_space<semaphore_mem>>
        tpu.wait_indirect_dma semaphore(%dma_wait3A_342 : memref<!tpu.dma_semaphore, #tpu.memory_space<semaphore_mem>>) src(%dma_wait3A_340 : memref<10240x128xf32, #tpu.memory_space<hbm>>) dst(%dma_wait3A_334 : memref<64x128xf32, #tpu.memory_space<vmem>>)
        %dma_start3A_343 = arith.constant 2 : i32
        %dma_start3A_344 = arith.constant 2 : i32
        %dma_start3A_345 = arith.constant 0 : i32
        %dma_start3A_346 = arith.constant 0 : i32
        %dma_start3A_347 = tpu.memref_slice %arg8[%dma_start3A_343, %dma_start3A_345, %dma_start3A_346] : memref<4x64x128xf32, #tpu.memory_space<vmem>> -> memref<1x64x128xf32, #tpu.memory_space<vmem>>
        %dma_start3A_348 = tpu.memref_squeeze %dma_start3A_347 : memref<1x64x128xf32, #tpu.memory_space<vmem>> -> memref<64x128xf32, #tpu.memory_space<vmem>>
        %dma_start3A_349 = arith.constant 0 : i32
        %dma_start3A_350 = tpu.memref_slice %arg7[%add3A_328, %dma_start3A_349] : memref<40x64xi32, #tpu.memory_space<vmem>> -> memref<1x64xi32, #tpu.memory_space<vmem>>
        %dma_start3A_351 = tpu.memref_squeeze %dma_start3A_350 : memref<1x64xi32, #tpu.memory_space<vmem>> -> memref<64xi32, #tpu.memory_space<vmem>>
        %dma_start3A_352 = arith.constant 0 : i32
        %dma_start3A_353 = arith.constant 0 : i32
        %dma_start3A_354 = tpu.memref_slice %arg9[%dma_start3A_352, %dma_start3A_353] : memref<10240x128xf32, #tpu.memory_space<vmem_shared>> -> memref<10240x128xf32, #tpu.memory_space<vmem_shared>>
        %dma_start3A_355 = tpu.memref_slice %arg11[%dma_start3A_344] : memref<4x!tpu.dma_semaphore, #tpu.memory_space<semaphore_mem>> -> memref<1x!tpu.dma_semaphore, #tpu.memory_space<semaphore_mem>>
        %dma_start3A_356 = tpu.memref_squeeze %dma_start3A_355 : memref<1x!tpu.dma_semaphore, #tpu.memory_space<semaphore_mem>> -> memref<!tpu.dma_semaphore, #tpu.memory_space<semaphore_mem>>
        tpu.enqueue_indirect_dma source(%dma_start3A_348 : memref<64x128xf32, #tpu.memory_space<vmem>>) target(%dma_start3A_354 : memref<10240x128xf32, #tpu.memory_space<vmem_shared>>) offsets(%dma_start3A_351 : memref<64xi32, #tpu.memory_space<vmem>>) semaphore(%dma_start3A_356 : memref<!tpu.dma_semaphore, #tpu.memory_space<semaphore_mem>>) {add = true}
        %dma_wait3A_357 = arith.constant 2 : i32
        %dma_wait3A_358 = arith.constant 2 : i32
        %dma_wait3A_359 = arith.constant 0 : i32
        %dma_wait3A_360 = arith.constant 0 : i32
        %dma_wait3A_361 = tpu.memref_slice %arg8[%dma_wait3A_357, %dma_wait3A_359, %dma_wait3A_360] : memref<4x64x128xf32, #tpu.memory_space<vmem>> -> memref<1x64x128xf32, #tpu.memory_space<vmem>>
        %dma_wait3A_362 = tpu.memref_squeeze %dma_wait3A_361 : memref<1x64x128xf32, #tpu.memory_space<vmem>> -> memref<64x128xf32, #tpu.memory_space<vmem>>
        %dma_wait3A_363 = arith.constant 0 : i32
        %dma_wait3A_364 = tpu.memref_slice %arg7[%add3A_328, %dma_wait3A_363] : memref<40x64xi32, #tpu.memory_space<vmem>> -> memref<1x64xi32, #tpu.memory_space<vmem>>
        %dma_wait3A_365 = tpu.memref_squeeze %dma_wait3A_364 : memref<1x64xi32, #tpu.memory_space<vmem>> -> memref<64xi32, #tpu.memory_space<vmem>>
        %dma_wait3A_366 = arith.constant 0 : i32
        %dma_wait3A_367 = arith.constant 0 : i32
        %dma_wait3A_368 = tpu.memref_slice %arg9[%dma_wait3A_366, %dma_wait3A_367] : memref<10240x128xf32, #tpu.memory_space<vmem_shared>> -> memref<10240x128xf32, #tpu.memory_space<vmem_shared>>
        %dma_wait3A_369 = tpu.memref_slice %arg11[%dma_wait3A_358] : memref<4x!tpu.dma_semaphore, #tpu.memory_space<semaphore_mem>> -> memref<1x!tpu.dma_semaphore, #tpu.memory_space<semaphore_mem>>
        %dma_wait3A_370 = tpu.memref_squeeze %dma_wait3A_369 : memref<1x!tpu.dma_semaphore, #tpu.memory_space<semaphore_mem>> -> memref<!tpu.dma_semaphore, #tpu.memory_space<semaphore_mem>>
        tpu.wait_indirect_dma semaphore(%dma_wait3A_370 : memref<!tpu.dma_semaphore, #tpu.memory_space<semaphore_mem>>) src(%dma_wait3A_362 : memref<64x128xf32, #tpu.memory_space<vmem>>) dst(%dma_wait3A_368 : memref<10240x128xf32, #tpu.memory_space<vmem_shared>>)
        %add3A_371 = arith.constant 4 : i32
        %add3A_372 = arith.addi %mul3A_199, %add3A_371 : i32
        %add3A_373 = arith.constant 2 : i32
        %add3A_374 = arith.addi %add3A_372, %add3A_373 : i32
        %min3A_375 = arith.constant 39 : i32
        %min3A_376 = arith.minsi %add3A_374, %min3A_375 : i32
        %dma_start3A_377 = arith.constant 2 : i32
        %dma_start3A_378 = arith.constant 2 : i32
        %dma_start3A_379 = arith.constant 0 : i32
        %dma_start3A_380 = arith.constant 0 : i32
        %dma_start3A_381 = tpu.memref_slice %arg8[%dma_start3A_377, %dma_start3A_379, %dma_start3A_380] : memref<4x64x128xf32, #tpu.memory_space<vmem>> -> memref<1x64x128xf32, #tpu.memory_space<vmem>>
        %dma_start3A_382 = tpu.memref_squeeze %dma_start3A_381 : memref<1x64x128xf32, #tpu.memory_space<vmem>> -> memref<64x128xf32, #tpu.memory_space<vmem>>
        %dma_start3A_383 = arith.constant 0 : i32
        %dma_start3A_384 = tpu.memref_slice %arg6[%min3A_376, %dma_start3A_383] : memref<40x64xi32, #tpu.memory_space<vmem>> -> memref<1x64xi32, #tpu.memory_space<vmem>>
        %dma_start3A_385 = tpu.memref_squeeze %dma_start3A_384 : memref<1x64xi32, #tpu.memory_space<vmem>> -> memref<64xi32, #tpu.memory_space<vmem>>
        %dma_start3A_386 = arith.constant 0 : i32
        %dma_start3A_387 = arith.constant 0 : i32
        %dma_start3A_388 = tpu.memref_slice %arg2[%dma_start3A_386, %dma_start3A_387] : memref<10240x128xf32, #tpu.memory_space<hbm>> -> memref<10240x128xf32, #tpu.memory_space<hbm>>
        %dma_start3A_389 = tpu.memref_slice %arg10[%dma_start3A_378] : memref<4x!tpu.dma_semaphore, #tpu.memory_space<semaphore_mem>> -> memref<1x!tpu.dma_semaphore, #tpu.memory_space<semaphore_mem>>
        %dma_start3A_390 = tpu.memref_squeeze %dma_start3A_389 : memref<1x!tpu.dma_semaphore, #tpu.memory_space<semaphore_mem>> -> memref<!tpu.dma_semaphore, #tpu.memory_space<semaphore_mem>>
        tpu.enqueue_indirect_dma source(%dma_start3A_388 : memref<10240x128xf32, #tpu.memory_space<hbm>>) target(%dma_start3A_382 : memref<64x128xf32, #tpu.memory_space<vmem>>) offsets(%dma_start3A_385 : memref<64xi32, #tpu.memory_space<vmem>>) semaphore(%dma_start3A_390 : memref<!tpu.dma_semaphore, #tpu.memory_space<semaphore_mem>>)
        %add3A_391 = arith.constant 3 : i32
        %add3A_392 = arith.addi %mul3A_199, %add3A_391 : i32
        %dma_wait3A_393 = arith.constant 3 : i32
        %dma_wait3A_394 = arith.constant 3 : i32
        %dma_wait3A_395 = arith.constant 0 : i32
        %dma_wait3A_396 = arith.constant 0 : i32
        %dma_wait3A_397 = tpu.memref_slice %arg8[%dma_wait3A_393, %dma_wait3A_395, %dma_wait3A_396] : memref<4x64x128xf32, #tpu.memory_space<vmem>> -> memref<1x64x128xf32, #tpu.memory_space<vmem>>
        %dma_wait3A_398 = tpu.memref_squeeze %dma_wait3A_397 : memref<1x64x128xf32, #tpu.memory_space<vmem>> -> memref<64x128xf32, #tpu.memory_space<vmem>>
        %dma_wait3A_399 = arith.constant 0 : i32
        %dma_wait3A_400 = tpu.memref_slice %arg6[%add3A_392, %dma_wait3A_399] : memref<40x64xi32, #tpu.memory_space<vmem>> -> memref<1x64xi32, #tpu.memory_space<vmem>>
        %dma_wait3A_401 = tpu.memref_squeeze %dma_wait3A_400 : memref<1x64xi32, #tpu.memory_space<vmem>> -> memref<64xi32, #tpu.memory_space<vmem>>
        %dma_wait3A_402 = arith.constant 0 : i32
        %dma_wait3A_403 = arith.constant 0 : i32
        %dma_wait3A_404 = tpu.memref_slice %arg2[%dma_wait3A_402, %dma_wait3A_403] : memref<10240x128xf32, #tpu.memory_space<hbm>> -> memref<10240x128xf32, #tpu.memory_space<hbm>>
        %dma_wait3A_405 = tpu.memref_slice %arg10[%dma_wait3A_394] : memref<4x!tpu.dma_semaphore, #tpu.memory_space<semaphore_mem>> -> memref<1x!tpu.dma_semaphore, #tpu.memory_space<semaphore_mem>>
        %dma_wait3A_406 = tpu.memref_squeeze %dma_wait3A_405 : memref<1x!tpu.dma_semaphore, #tpu.memory_space<semaphore_mem>> -> memref<!tpu.dma_semaphore, #tpu.memory_space<semaphore_mem>>
        tpu.wait_indirect_dma semaphore(%dma_wait3A_406 : memref<!tpu.dma_semaphore, #tpu.memory_space<semaphore_mem>>) src(%dma_wait3A_404 : memref<10240x128xf32, #tpu.memory_space<hbm>>) dst(%dma_wait3A_398 : memref<64x128xf32, #tpu.memory_space<vmem>>)
        %dma_start3A_407 = arith.constant 3 : i32
        %dma_start3A_408 = arith.constant 3 : i32
        %dma_start3A_409 = arith.constant 0 : i32
        %dma_start3A_410 = arith.constant 0 : i32
        %dma_start3A_411 = tpu.memref_slice %arg8[%dma_start3A_407, %dma_start3A_409, %dma_start3A_410] : memref<4x64x128xf32, #tpu.memory_space<vmem>> -> memref<1x64x128xf32, #tpu.memory_space<vmem>>
        %dma_start3A_412 = tpu.memref_squeeze %dma_start3A_411 : memref<1x64x128xf32, #tpu.memory_space<vmem>> -> memref<64x128xf32, #tpu.memory_space<vmem>>
        %dma_start3A_413 = arith.constant 0 : i32
        %dma_start3A_414 = tpu.memref_slice %arg7[%add3A_392, %dma_start3A_413] : memref<40x64xi32, #tpu.memory_space<vmem>> -> memref<1x64xi32, #tpu.memory_space<vmem>>
        %dma_start3A_415 = tpu.memref_squeeze %dma_start3A_414 : memref<1x64xi32, #tpu.memory_space<vmem>> -> memref<64xi32, #tpu.memory_space<vmem>>
        %dma_start3A_416 = arith.constant 0 : i32
        %dma_start3A_417 = arith.constant 0 : i32
        %dma_start3A_418 = tpu.memref_slice %arg9[%dma_start3A_416, %dma_start3A_417] : memref<10240x128xf32, #tpu.memory_space<vmem_shared>> -> memref<10240x128xf32, #tpu.memory_space<vmem_shared>>
        %dma_start3A_419 = tpu.memref_slice %arg11[%dma_start3A_408] : memref<4x!tpu.dma_semaphore, #tpu.memory_space<semaphore_mem>> -> memref<1x!tpu.dma_semaphore, #tpu.memory_space<semaphore_mem>>
        %dma_start3A_420 = tpu.memref_squeeze %dma_start3A_419 : memref<1x!tpu.dma_semaphore, #tpu.memory_space<semaphore_mem>> -> memref<!tpu.dma_semaphore, #tpu.memory_space<semaphore_mem>>
        tpu.enqueue_indirect_dma source(%dma_start3A_412 : memref<64x128xf32, #tpu.memory_space<vmem>>) target(%dma_start3A_418 : memref<10240x128xf32, #tpu.memory_space<vmem_shared>>) offsets(%dma_start3A_415 : memref<64xi32, #tpu.memory_space<vmem>>) semaphore(%dma_start3A_420 : memref<!tpu.dma_semaphore, #tpu.memory_space<semaphore_mem>>) {add = true}
        %dma_wait3A_421 = arith.constant 3 : i32
        %dma_wait3A_422 = arith.constant 3 : i32
        %dma_wait3A_423 = arith.constant 0 : i32
        %dma_wait3A_424 = arith.constant 0 : i32
        %dma_wait3A_425 = tpu.memref_slice %arg8[%dma_wait3A_421, %dma_wait3A_423, %dma_wait3A_424] : memref<4x64x128xf32, #tpu.memory_space<vmem>> -> memref<1x64x128xf32, #tpu.memory_space<vmem>>
        %dma_wait3A_426 = tpu.memref_squeeze %dma_wait3A_425 : memref<1x64x128xf32, #tpu.memory_space<vmem>> -> memref<64x128xf32, #tpu.memory_space<vmem>>
        %dma_wait3A_427 = arith.constant 0 : i32
        %dma_wait3A_428 = tpu.memref_slice %arg7[%add3A_392, %dma_wait3A_427] : memref<40x64xi32, #tpu.memory_space<vmem>> -> memref<1x64xi32, #tpu.memory_space<vmem>>
        %dma_wait3A_429 = tpu.memref_squeeze %dma_wait3A_428 : memref<1x64xi32, #tpu.memory_space<vmem>> -> memref<64xi32, #tpu.memory_space<vmem>>
        %dma_wait3A_430 = arith.constant 0 : i32
        %dma_wait3A_431 = arith.constant 0 : i32
        %dma_wait3A_432 = tpu.memref_slice %arg9[%dma_wait3A_430, %dma_wait3A_431] : memref<10240x128xf32, #tpu.memory_space<vmem_shared>> -> memref<10240x128xf32, #tpu.memory_space<vmem_shared>>
        %dma_wait3A_433 = tpu.memref_slice %arg11[%dma_wait3A_422] : memref<4x!tpu.dma_semaphore, #tpu.memory_space<semaphore_mem>> -> memref<1x!tpu.dma_semaphore, #tpu.memory_space<semaphore_mem>>
        %dma_wait3A_434 = tpu.memref_squeeze %dma_wait3A_433 : memref<1x!tpu.dma_semaphore, #tpu.memory_space<semaphore_mem>> -> memref<!tpu.dma_semaphore, #tpu.memory_space<semaphore_mem>>
        tpu.wait_indirect_dma semaphore(%dma_wait3A_434 : memref<!tpu.dma_semaphore, #tpu.memory_space<semaphore_mem>>) src(%dma_wait3A_426 : memref<64x128xf32, #tpu.memory_space<vmem>>) dst(%dma_wait3A_432 : memref<10240x128xf32, #tpu.memory_space<vmem_shared>>)
        %add3A_435 = arith.constant 4 : i32
        %add3A_436 = arith.addi %mul3A_199, %add3A_435 : i32
        %add3A_437 = arith.constant 3 : i32
        %add3A_438 = arith.addi %add3A_436, %add3A_437 : i32
        %min3A_439 = arith.constant 39 : i32
        %min3A_440 = arith.minsi %add3A_438, %min3A_439 : i32
        %dma_start3A_441 = arith.constant 3 : i32
        %dma_start3A_442 = arith.constant 3 : i32
        %dma_start3A_443 = arith.constant 0 : i32
        %dma_start3A_444 = arith.constant 0 : i32
        %dma_start3A_445 = tpu.memref_slice %arg8[%dma_start3A_441, %dma_start3A_443, %dma_start3A_444] : memref<4x64x128xf32, #tpu.memory_space<vmem>> -> memref<1x64x128xf32, #tpu.memory_space<vmem>>
        %dma_start3A_446 = tpu.memref_squeeze %dma_start3A_445 : memref<1x64x128xf32, #tpu.memory_space<vmem>> -> memref<64x128xf32, #tpu.memory_space<vmem>>
        %dma_start3A_447 = arith.constant 0 : i32
        %dma_start3A_448 = tpu.memref_slice %arg6[%min3A_440, %dma_start3A_447] : memref<40x64xi32, #tpu.memory_space<vmem>> -> memref<1x64xi32, #tpu.memory_space<vmem>>
        %dma_start3A_449 = tpu.memref_squeeze %dma_start3A_448 : memref<1x64xi32, #tpu.memory_space<vmem>> -> memref<64xi32, #tpu.memory_space<vmem>>
        %dma_start3A_450 = arith.constant 0 : i32
        %dma_start3A_451 = arith.constant 0 : i32
        %dma_start3A_452 = tpu.memref_slice %arg2[%dma_start3A_450, %dma_start3A_451] : memref<10240x128xf32, #tpu.memory_space<hbm>> -> memref<10240x128xf32, #tpu.memory_space<hbm>>
        %dma_start3A_453 = tpu.memref_slice %arg10[%dma_start3A_442] : memref<4x!tpu.dma_semaphore, #tpu.memory_space<semaphore_mem>> -> memref<1x!tpu.dma_semaphore, #tpu.memory_space<semaphore_mem>>
        %dma_start3A_454 = tpu.memref_squeeze %dma_start3A_453 : memref<1x!tpu.dma_semaphore, #tpu.memory_space<semaphore_mem>> -> memref<!tpu.dma_semaphore, #tpu.memory_space<semaphore_mem>>
        tpu.enqueue_indirect_dma source(%dma_start3A_452 : memref<10240x128xf32, #tpu.memory_space<hbm>>) target(%dma_start3A_446 : memref<64x128xf32, #tpu.memory_space<vmem>>) offsets(%dma_start3A_449 : memref<64xi32, #tpu.memory_space<vmem>>) semaphore(%dma_start3A_454 : memref<!tpu.dma_semaphore, #tpu.memory_space<semaphore_mem>>)
      }
      %scan3A_133 = arith.constant 10 : i32
      %dma_wait3A = arith.constant 39 : i32
      %dma_wait3A_134 = arith.constant 0 : i32
      %dma_wait3A_135 = arith.constant 0 : i32
      %dma_wait3A_136 = arith.constant 0 : i32
      %dma_wait3A_137 = arith.constant 0 : i32
      %dma_wait3A_138 = tpu.memref_slice %arg8[%dma_wait3A_134, %dma_wait3A_136, %dma_wait3A_137] : memref<4x64x128xf32, #tpu.memory_space<vmem>> -> memref<1x64x128xf32, #tpu.memory_space<vmem>>
      %dma_wait3A_139 = tpu.memref_squeeze %dma_wait3A_138 : memref<1x64x128xf32, #tpu.memory_space<vmem>> -> memref<64x128xf32, #tpu.memory_space<vmem>>
      %dma_wait3A_140 = arith.constant 0 : i32
      %dma_wait3A_141 = tpu.memref_slice %arg6[%dma_wait3A, %dma_wait3A_140] : memref<40x64xi32, #tpu.memory_space<vmem>> -> memref<1x64xi32, #tpu.memory_space<vmem>>
      %dma_wait3A_142 = tpu.memref_squeeze %dma_wait3A_141 : memref<1x64xi32, #tpu.memory_space<vmem>> -> memref<64xi32, #tpu.memory_space<vmem>>
      %dma_wait3A_143 = arith.constant 0 : i32
      %dma_wait3A_144 = arith.constant 0 : i32
      %dma_wait3A_145 = tpu.memref_slice %arg2[%dma_wait3A_143, %dma_wait3A_144] : memref<10240x128xf32, #tpu.memory_space<hbm>> -> memref<10240x128xf32, #tpu.memory_space<hbm>>
      %dma_wait3A_146 = tpu.memref_slice %arg10[%dma_wait3A_135] : memref<4x!tpu.dma_semaphore, #tpu.memory_space<semaphore_mem>> -> memref<1x!tpu.dma_semaphore, #tpu.memory_space<semaphore_mem>>
      %dma_wait3A_147 = tpu.memref_squeeze %dma_wait3A_146 : memref<1x!tpu.dma_semaphore, #tpu.memory_space<semaphore_mem>> -> memref<!tpu.dma_semaphore, #tpu.memory_space<semaphore_mem>>
      tpu.wait_indirect_dma semaphore(%dma_wait3A_147 : memref<!tpu.dma_semaphore, #tpu.memory_space<semaphore_mem>>) src(%dma_wait3A_145 : memref<10240x128xf32, #tpu.memory_space<hbm>>) dst(%dma_wait3A_139 : memref<64x128xf32, #tpu.memory_space<vmem>>)
      %dma_wait3A_148 = arith.constant 39 : i32
      %dma_wait3A_149 = arith.constant 1 : i32
      %dma_wait3A_150 = arith.constant 1 : i32
      %dma_wait3A_151 = arith.constant 0 : i32
      %dma_wait3A_152 = arith.constant 0 : i32
      %dma_wait3A_153 = tpu.memref_slice %arg8[%dma_wait3A_149, %dma_wait3A_151, %dma_wait3A_152] : memref<4x64x128xf32, #tpu.memory_space<vmem>> -> memref<1x64x128xf32, #tpu.memory_space<vmem>>
      %dma_wait3A_154 = tpu.memref_squeeze %dma_wait3A_153 : memref<1x64x128xf32, #tpu.memory_space<vmem>> -> memref<64x128xf32, #tpu.memory_space<vmem>>
      %dma_wait3A_155 = arith.constant 0 : i32
      %dma_wait3A_156 = tpu.memref_slice %arg6[%dma_wait3A_148, %dma_wait3A_155] : memref<40x64xi32, #tpu.memory_space<vmem>> -> memref<1x64xi32, #tpu.memory_space<vmem>>
      %dma_wait3A_157 = tpu.memref_squeeze %dma_wait3A_156 : memref<1x64xi32, #tpu.memory_space<vmem>> -> memref<64xi32, #tpu.memory_space<vmem>>
      %dma_wait3A_158 = arith.constant 0 : i32
      %dma_wait3A_159 = arith.constant 0 : i32
      %dma_wait3A_160 = tpu.memref_slice %arg2[%dma_wait3A_158, %dma_wait3A_159] : memref<10240x128xf32, #tpu.memory_space<hbm>> -> memref<10240x128xf32, #tpu.memory_space<hbm>>
      %dma_wait3A_161 = tpu.memref_slice %arg10[%dma_wait3A_150] : memref<4x!tpu.dma_semaphore, #tpu.memory_space<semaphore_mem>> -> memref<1x!tpu.dma_semaphore, #tpu.memory_space<semaphore_mem>>
      %dma_wait3A_162 = tpu.memref_squeeze %dma_wait3A_161 : memref<1x!tpu.dma_semaphore, #tpu.memory_space<semaphore_mem>> -> memref<!tpu.dma_semaphore, #tpu.memory_space<semaphore_mem>>
      tpu.wait_indirect_dma semaphore(%dma_wait3A_162 : memref<!tpu.dma_semaphore, #tpu.memory_space<semaphore_mem>>) src(%dma_wait3A_160 : memref<10240x128xf32, #tpu.memory_space<hbm>>) dst(%dma_wait3A_154 : memref<64x128xf32, #tpu.memory_space<vmem>>)
      %dma_wait3A_163 = arith.constant 39 : i32
      %dma_wait3A_164 = arith.constant 2 : i32
      %dma_wait3A_165 = arith.constant 2 : i32
      %dma_wait3A_166 = arith.constant 0 : i32
      %dma_wait3A_167 = arith.constant 0 : i32
      %dma_wait3A_168 = tpu.memref_slice %arg8[%dma_wait3A_164, %dma_wait3A_166, %dma_wait3A_167] : memref<4x64x128xf32, #tpu.memory_space<vmem>> -> memref<1x64x128xf32, #tpu.memory_space<vmem>>
      %dma_wait3A_169 = tpu.memref_squeeze %dma_wait3A_168 : memref<1x64x128xf32, #tpu.memory_space<vmem>> -> memref<64x128xf32, #tpu.memory_space<vmem>>
      %dma_wait3A_170 = arith.constant 0 : i32
      %dma_wait3A_171 = tpu.memref_slice %arg6[%dma_wait3A_163, %dma_wait3A_170] : memref<40x64xi32, #tpu.memory_space<vmem>> -> memref<1x64xi32, #tpu.memory_space<vmem>>
      %dma_wait3A_172 = tpu.memref_squeeze %dma_wait3A_171 : memref<1x64xi32, #tpu.memory_space<vmem>> -> memref<64xi32, #tpu.memory_space<vmem>>
      %dma_wait3A_173 = arith.constant 0 : i32
      %dma_wait3A_174 = arith.constant 0 : i32
      %dma_wait3A_175 = tpu.memref_slice %arg2[%dma_wait3A_173, %dma_wait3A_174] : memref<10240x128xf32, #tpu.memory_space<hbm>> -> memref<10240x128xf32, #tpu.memory_space<hbm>>
      %dma_wait3A_176 = tpu.memref_slice %arg10[%dma_wait3A_165] : memref<4x!tpu.dma_semaphore, #tpu.memory_space<semaphore_mem>> -> memref<1x!tpu.dma_semaphore, #tpu.memory_space<semaphore_mem>>
      %dma_wait3A_177 = tpu.memref_squeeze %dma_wait3A_176 : memref<1x!tpu.dma_semaphore, #tpu.memory_space<semaphore_mem>> -> memref<!tpu.dma_semaphore, #tpu.memory_space<semaphore_mem>>
      tpu.wait_indirect_dma semaphore(%dma_wait3A_177 : memref<!tpu.dma_semaphore, #tpu.memory_space<semaphore_mem>>) src(%dma_wait3A_175 : memref<10240x128xf32, #tpu.memory_space<hbm>>) dst(%dma_wait3A_169 : memref<64x128xf32, #tpu.memory_space<vmem>>)
      %dma_wait3A_178 = arith.constant 39 : i32
      %dma_wait3A_179 = arith.constant 3 : i32
      %dma_wait3A_180 = arith.constant 3 : i32
      %dma_wait3A_181 = arith.constant 0 : i32
      %dma_wait3A_182 = arith.constant 0 : i32
      %dma_wait3A_183 = tpu.memref_slice %arg8[%dma_wait3A_179, %dma_wait3A_181, %dma_wait3A_182] : memref<4x64x128xf32, #tpu.memory_space<vmem>> -> memref<1x64x128xf32, #tpu.memory_space<vmem>>
      %dma_wait3A_184 = tpu.memref_squeeze %dma_wait3A_183 : memref<1x64x128xf32, #tpu.memory_space<vmem>> -> memref<64x128xf32, #tpu.memory_space<vmem>>
      %dma_wait3A_185 = arith.constant 0 : i32
      %dma_wait3A_186 = tpu.memref_slice %arg6[%dma_wait3A_178, %dma_wait3A_185] : memref<40x64xi32, #tpu.memory_space<vmem>> -> memref<1x64xi32, #tpu.memory_space<vmem>>
      %dma_wait3A_187 = tpu.memref_squeeze %dma_wait3A_186 : memref<1x64xi32, #tpu.memory_space<vmem>> -> memref<64xi32, #tpu.memory_space<vmem>>
      %dma_wait3A_188 = arith.constant 0 : i32
      %dma_wait3A_189 = arith.constant 0 : i32
      %dma_wait3A_190 = tpu.memref_slice %arg2[%dma_wait3A_188, %dma_wait3A_189] : memref<10240x128xf32, #tpu.memory_space<hbm>> -> memref<10240x128xf32, #tpu.memory_space<hbm>>
      %dma_wait3A_191 = tpu.memref_slice %arg10[%dma_wait3A_180] : memref<4x!tpu.dma_semaphore, #tpu.memory_space<semaphore_mem>> -> memref<1x!tpu.dma_semaphore, #tpu.memory_space<semaphore_mem>>
      %dma_wait3A_192 = tpu.memref_squeeze %dma_wait3A_191 : memref<1x!tpu.dma_semaphore, #tpu.memory_space<semaphore_mem>> -> memref<!tpu.dma_semaphore, #tpu.memory_space<semaphore_mem>>
      tpu.wait_indirect_dma semaphore(%dma_wait3A_192 : memref<!tpu.dma_semaphore, #tpu.memory_space<semaphore_mem>>) src(%dma_wait3A_190 : memref<10240x128xf32, #tpu.memory_space<hbm>>) dst(%dma_wait3A_184 : memref<64x128xf32, #tpu.memory_space<vmem>>)
    }
    %while3A_61 = arith.constant 1 : i32
    scf.for %while3A_66 = %while3A_59 to %while3A_55 step %while3A_61  : i32 {
      %mul3A_67 = arith.muli %while3A_66, %while3A : i32
      %add3A_68 = arith.addi %while3A_52, %mul3A_67 : i32
      %add3A_69 = arith.addi %add3A_7, %add3A_68 : i32
      "tpu.region"() ({
        %run_scoped3A_193 = tpu.sem_alloc : memref<!tpu.dma_semaphore, #tpu.memory_space<semaphore_mem>>
        %dma_start3A_194 = arith.constant 0 : i32
        %dma_start3A_195 = arith.constant 0 : i32
        %dma_start3A_196 = tpu.memref_slice %arg3[%add3A_69, %dma_start3A_194, %dma_start3A_195] : memref<128x40x64xi32, #tpu.memory_space<hbm>> -> memref<1x40x64xi32, #tpu.memory_space<hbm>>
        %dma_start3A_197 = tpu.memref_squeeze %dma_start3A_196 : memref<1x40x64xi32, #tpu.memory_space<hbm>> -> memref<40x64xi32, #tpu.memory_space<hbm>>
        %dma_start3A_198 = arith.constant 0 : i32
        %dma_start3A_199 = arith.constant 0 : i32
        %dma_start3A_200 = tpu.memref_slice %arg3[%add3A_69, %dma_start3A_198, %dma_start3A_199] : memref<128x40x64xi32, #tpu.memory_space<hbm>> -> memref<1x40x64xi32, #tpu.memory_space<hbm>>
        %dma_start3A_201 = tpu.memref_squeeze %dma_start3A_200 : memref<1x40x64xi32, #tpu.memory_space<hbm>> -> memref<40x64xi32, #tpu.memory_space<hbm>>
        tpu.enqueue_dma source(%dma_start3A_201 : memref<40x64xi32, #tpu.memory_space<hbm>>) target(%arg6 : memref<40x64xi32, #tpu.memory_space<vmem>>) target_semaphore(%run_scoped3A_193 : memref<!tpu.dma_semaphore, #tpu.memory_space<semaphore_mem>>)
        %dma_wait3A_202 = arith.constant 0 : i32
        %dma_wait3A_203 = arith.constant 0 : i32
        %dma_wait3A_204 = tpu.memref_slice %arg3[%add3A_69, %dma_wait3A_202, %dma_wait3A_203] : memref<128x40x64xi32, #tpu.memory_space<hbm>> -> memref<1x40x64xi32, #tpu.memory_space<hbm>>
        %dma_wait3A_205 = tpu.memref_squeeze %dma_wait3A_204 : memref<1x40x64xi32, #tpu.memory_space<hbm>> -> memref<40x64xi32, #tpu.memory_space<hbm>>
        %dma_wait3A_206 = arith.constant 0 : i32
        %dma_wait3A_207 = arith.constant 0 : i32
        %dma_wait3A_208 = tpu.memref_slice %arg3[%add3A_69, %dma_wait3A_206, %dma_wait3A_207] : memref<128x40x64xi32, #tpu.memory_space<hbm>> -> memref<1x40x64xi32, #tpu.memory_space<hbm>>
        %dma_wait3A_209 = tpu.memref_squeeze %dma_wait3A_208 : memref<1x40x64xi32, #tpu.memory_space<hbm>> -> memref<40x64xi32, #tpu.memory_space<hbm>>
        tpu.wait_dma2 semaphore(%run_scoped3A_193 : memref<!tpu.dma_semaphore, #tpu.memory_space<semaphore_mem>>) src(%dma_wait3A_209 : memref<40x64xi32, #tpu.memory_space<hbm>>) dst(%arg6 : memref<40x64xi32, #tpu.memory_space<vmem>>)
        tpu.yield
      }) : () -> ()
      "tpu.region"() ({
        %run_scoped3A_193 = tpu.sem_alloc : memref<!tpu.dma_semaphore, #tpu.memory_space<semaphore_mem>>
        %dma_start3A_194 = arith.constant 0 : i32
        %dma_start3A_195 = arith.constant 0 : i32
        %dma_start3A_196 = tpu.memref_slice %arg4[%add3A_69, %dma_start3A_194, %dma_start3A_195] : memref<128x40x64xi32, #tpu.memory_space<hbm>> -> memref<1x40x64xi32, #tpu.memory_space<hbm>>
        %dma_start3A_197 = tpu.memref_squeeze %dma_start3A_196 : memref<1x40x64xi32, #tpu.memory_space<hbm>> -> memref<40x64xi32, #tpu.memory_space<hbm>>
        %dma_start3A_198 = arith.constant 0 : i32
        %dma_start3A_199 = arith.constant 0 : i32
        %dma_start3A_200 = tpu.memref_slice %arg4[%add3A_69, %dma_start3A_198, %dma_start3A_199] : memref<128x40x64xi32, #tpu.memory_space<hbm>> -> memref<1x40x64xi32, #tpu.memory_space<hbm>>
        %dma_start3A_201 = tpu.memref_squeeze %dma_start3A_200 : memref<1x40x64xi32, #tpu.memory_space<hbm>> -> memref<40x64xi32, #tpu.memory_space<hbm>>
        tpu.enqueue_dma source(%dma_start3A_201 : memref<40x64xi32, #tpu.memory_space<hbm>>) target(%arg7 : memref<40x64xi32, #tpu.memory_space<vmem>>) target_semaphore(%run_scoped3A_193 : memref<!tpu.dma_semaphore, #tpu.memory_space<semaphore_mem>>)
        %dma_wait3A_202 = arith.constant 0 : i32
        %dma_wait3A_203 = arith.constant 0 : i32
        %dma_wait3A_204 = tpu.memref_slice %arg4[%add3A_69, %dma_wait3A_202, %dma_wait3A_203] : memref<128x40x64xi32, #tpu.memory_space<hbm>> -> memref<1x40x64xi32, #tpu.memory_space<hbm>>
        %dma_wait3A_205 = tpu.memref_squeeze %dma_wait3A_204 : memref<1x40x64xi32, #tpu.memory_space<hbm>> -> memref<40x64xi32, #tpu.memory_space<hbm>>
        %dma_wait3A_206 = arith.constant 0 : i32
        %dma_wait3A_207 = arith.constant 0 : i32
        %dma_wait3A_208 = tpu.memref_slice %arg4[%add3A_69, %dma_wait3A_206, %dma_wait3A_207] : memref<128x40x64xi32, #tpu.memory_space<hbm>> -> memref<1x40x64xi32, #tpu.memory_space<hbm>>
        %dma_wait3A_209 = tpu.memref_squeeze %dma_wait3A_208 : memref<1x40x64xi32, #tpu.memory_space<hbm>> -> memref<40x64xi32, #tpu.memory_space<hbm>>
        tpu.wait_dma2 semaphore(%run_scoped3A_193 : memref<!tpu.dma_semaphore, #tpu.memory_space<semaphore_mem>>) src(%dma_wait3A_209 : memref<40x64xi32, #tpu.memory_space<hbm>>) dst(%arg7 : memref<40x64xi32, #tpu.memory_space<vmem>>)
        tpu.yield
      }) : () -> ()
      %dma_start3A = arith.constant 0 : i32
      %dma_start3A_70 = arith.constant 0 : i32
      %dma_start3A_71 = arith.constant 0 : i32
      %dma_start3A_72 = arith.constant 0 : i32
      %dma_start3A_73 = arith.constant 0 : i32
      %dma_start3A_74 = tpu.memref_slice %arg8[%dma_start3A_70, %dma_start3A_72, %dma_start3A_73] : memref<4x64x128xf32, #tpu.memory_space<vmem>> -> memref<1x64x128xf32, #tpu.memory_space<vmem>>
      %dma_start3A_75 = tpu.memref_squeeze %dma_start3A_74 : memref<1x64x128xf32, #tpu.memory_space<vmem>> -> memref<64x128xf32, #tpu.memory_space<vmem>>
      %dma_start3A_76 = arith.constant 0 : i32
      %dma_start3A_77 = tpu.memref_slice %arg6[%dma_start3A, %dma_start3A_76] : memref<40x64xi32, #tpu.memory_space<vmem>> -> memref<1x64xi32, #tpu.memory_space<vmem>>
      %dma_start3A_78 = tpu.memref_squeeze %dma_start3A_77 : memref<1x64xi32, #tpu.memory_space<vmem>> -> memref<64xi32, #tpu.memory_space<vmem>>
      %dma_start3A_79 = arith.constant 0 : i32
      %dma_start3A_80 = arith.constant 0 : i32
      %dma_start3A_81 = tpu.memref_slice %arg2[%dma_start3A_79, %dma_start3A_80] : memref<10240x128xf32, #tpu.memory_space<hbm>> -> memref<10240x128xf32, #tpu.memory_space<hbm>>
      %dma_start3A_82 = tpu.memref_slice %arg10[%dma_start3A_71] : memref<4x!tpu.dma_semaphore, #tpu.memory_space<semaphore_mem>> -> memref<1x!tpu.dma_semaphore, #tpu.memory_space<semaphore_mem>>
      %dma_start3A_83 = tpu.memref_squeeze %dma_start3A_82 : memref<1x!tpu.dma_semaphore, #tpu.memory_space<semaphore_mem>> -> memref<!tpu.dma_semaphore, #tpu.memory_space<semaphore_mem>>
      tpu.enqueue_indirect_dma source(%dma_start3A_81 : memref<10240x128xf32, #tpu.memory_space<hbm>>) target(%dma_start3A_75 : memref<64x128xf32, #tpu.memory_space<vmem>>) offsets(%dma_start3A_78 : memref<64xi32, #tpu.memory_space<vmem>>) semaphore(%dma_start3A_83 : memref<!tpu.dma_semaphore, #tpu.memory_space<semaphore_mem>>)
      %dma_start3A_84 = arith.constant 1 : i32
      %dma_start3A_85 = arith.constant 1 : i32
      %dma_start3A_86 = arith.constant 1 : i32
      %dma_start3A_87 = arith.constant 0 : i32
      %dma_start3A_88 = arith.constant 0 : i32
      %dma_start3A_89 = tpu.memref_slice %arg8[%dma_start3A_85, %dma_start3A_87, %dma_start3A_88] : memref<4x64x128xf32, #tpu.memory_space<vmem>> -> memref<1x64x128xf32, #tpu.memory_space<vmem>>
      %dma_start3A_90 = tpu.memref_squeeze %dma_start3A_89 : memref<1x64x128xf32, #tpu.memory_space<vmem>> -> memref<64x128xf32, #tpu.memory_space<vmem>>
      %dma_start3A_91 = arith.constant 0 : i32
      %dma_start3A_92 = tpu.memref_slice %arg6[%dma_start3A_84, %dma_start3A_91] : memref<40x64xi32, #tpu.memory_space<vmem>> -> memref<1x64xi32, #tpu.memory_space<vmem>>
      %dma_start3A_93 = tpu.memref_squeeze %dma_start3A_92 : memref<1x64xi32, #tpu.memory_space<vmem>> -> memref<64xi32, #tpu.memory_space<vmem>>
      %dma_start3A_94 = arith.constant 0 : i32
      %dma_start3A_95 = arith.constant 0 : i32
      %dma_start3A_96 = tpu.memref_slice %arg2[%dma_start3A_94, %dma_start3A_95] : memref<10240x128xf32, #tpu.memory_space<hbm>> -> memref<10240x128xf32, #tpu.memory_space<hbm>>
      %dma_start3A_97 = tpu.memref_slice %arg10[%dma_start3A_86] : memref<4x!tpu.dma_semaphore, #tpu.memory_space<semaphore_mem>> -> memref<1x!tpu.dma_semaphore, #tpu.memory_space<semaphore_mem>>
      %dma_start3A_98 = tpu.memref_squeeze %dma_start3A_97 : memref<1x!tpu.dma_semaphore, #tpu.memory_space<semaphore_mem>> -> memref<!tpu.dma_semaphore, #tpu.memory_space<semaphore_mem>>
      tpu.enqueue_indirect_dma source(%dma_start3A_96 : memref<10240x128xf32, #tpu.memory_space<hbm>>) target(%dma_start3A_90 : memref<64x128xf32, #tpu.memory_space<vmem>>) offsets(%dma_start3A_93 : memref<64xi32, #tpu.memory_space<vmem>>) semaphore(%dma_start3A_98 : memref<!tpu.dma_semaphore, #tpu.memory_space<semaphore_mem>>)
      %dma_start3A_99 = arith.constant 2 : i32
      %dma_start3A_100 = arith.constant 2 : i32
      %dma_start3A_101 = arith.constant 2 : i32
      %dma_start3A_102 = arith.constant 0 : i32
      %dma_start3A_103 = arith.constant 0 : i32
      %dma_start3A_104 = tpu.memref_slice %arg8[%dma_start3A_100, %dma_start3A_102, %dma_start3A_103] : memref<4x64x128xf32, #tpu.memory_space<vmem>> -> memref<1x64x128xf32, #tpu.memory_space<vmem>>
      %dma_start3A_105 = tpu.memref_squeeze %dma_start3A_104 : memref<1x64x128xf32, #tpu.memory_space<vmem>> -> memref<64x128xf32, #tpu.memory_space<vmem>>
      %dma_start3A_106 = arith.constant 0 : i32
      %dma_start3A_107 = tpu.memref_slice %arg6[%dma_start3A_99, %dma_start3A_106] : memref<40x64xi32, #tpu.memory_space<vmem>> -> memref<1x64xi32, #tpu.memory_space<vmem>>
      %dma_start3A_108 = tpu.memref_squeeze %dma_start3A_107 : memref<1x64xi32, #tpu.memory_space<vmem>> -> memref<64xi32, #tpu.memory_space<vmem>>
      %dma_start3A_109 = arith.constant 0 : i32
      %dma_start3A_110 = arith.constant 0 : i32
      %dma_start3A_111 = tpu.memref_slice %arg2[%dma_start3A_109, %dma_start3A_110] : memref<10240x128xf32, #tpu.memory_space<hbm>> -> memref<10240x128xf32, #tpu.memory_space<hbm>>
      %dma_start3A_112 = tpu.memref_slice %arg10[%dma_start3A_101] : memref<4x!tpu.dma_semaphore, #tpu.memory_space<semaphore_mem>> -> memref<1x!tpu.dma_semaphore, #tpu.memory_space<semaphore_mem>>
      %dma_start3A_113 = tpu.memref_squeeze %dma_start3A_112 : memref<1x!tpu.dma_semaphore, #tpu.memory_space<semaphore_mem>> -> memref<!tpu.dma_semaphore, #tpu.memory_space<semaphore_mem>>
      tpu.enqueue_indirect_dma source(%dma_start3A_111 : memref<10240x128xf32, #tpu.memory_space<hbm>>) target(%dma_start3A_105 : memref<64x128xf32, #tpu.memory_space<vmem>>) offsets(%dma_start3A_108 : memref<64xi32, #tpu.memory_space<vmem>>) semaphore(%dma_start3A_113 : memref<!tpu.dma_semaphore, #tpu.memory_space<semaphore_mem>>)
      %dma_start3A_114 = arith.constant 3 : i32
      %dma_start3A_115 = arith.constant 3 : i32
      %dma_start3A_116 = arith.constant 3 : i32
      %dma_start3A_117 = arith.constant 0 : i32
      %dma_start3A_118 = arith.constant 0 : i32
      %dma_start3A_119 = tpu.memref_slice %arg8[%dma_start3A_115, %dma_start3A_117, %dma_start3A_118] : memref<4x64x128xf32, #tpu.memory_space<vmem>> -> memref<1x64x128xf32, #tpu.memory_space<vmem>>
      %dma_start3A_120 = tpu.memref_squeeze %dma_start3A_119 : memref<1x64x128xf32, #tpu.memory_space<vmem>> -> memref<64x128xf32, #tpu.memory_space<vmem>>
      %dma_start3A_121 = arith.constant 0 : i32
      %dma_start3A_122 = tpu.memref_slice %arg6[%dma_start3A_114, %dma_start3A_121] : memref<40x64xi32, #tpu.memory_space<vmem>> -> memref<1x64xi32, #tpu.memory_space<vmem>>
      %dma_start3A_123 = tpu.memref_squeeze %dma_start3A_122 : memref<1x64xi32, #tpu.memory_space<vmem>> -> memref<64xi32, #tpu.memory_space<vmem>>
      %dma_start3A_124 = arith.constant 0 : i32
      %dma_start3A_125 = arith.constant 0 : i32
      %dma_start3A_126 = tpu.memref_slice %arg2[%dma_start3A_124, %dma_start3A_125] : memref<10240x128xf32, #tpu.memory_space<hbm>> -> memref<10240x128xf32, #tpu.memory_space<hbm>>
      %dma_start3A_127 = tpu.memref_slice %arg10[%dma_start3A_116] : memref<4x!tpu.dma_semaphore, #tpu.memory_space<semaphore_mem>> -> memref<1x!tpu.dma_semaphore, #tpu.memory_space<semaphore_mem>>
      %dma_start3A_128 = tpu.memref_squeeze %dma_start3A_127 : memref<1x!tpu.dma_semaphore, #tpu.memory_space<semaphore_mem>> -> memref<!tpu.dma_semaphore, #tpu.memory_space<semaphore_mem>>
      tpu.enqueue_indirect_dma source(%dma_start3A_126 : memref<10240x128xf32, #tpu.memory_space<hbm>>) target(%dma_start3A_120 : memref<64x128xf32, #tpu.memory_space<vmem>>) offsets(%dma_start3A_123 : memref<64xi32, #tpu.memory_space<vmem>>) semaphore(%dma_start3A_128 : memref<!tpu.dma_semaphore, #tpu.memory_space<semaphore_mem>>)
      %scan3A_129 = arith.constant 0 : i32
      %scan3A_130 = arith.constant 10 : i32
      %scan3A_131 = arith.addi %scan3A_129, %scan3A_130 : i32
      %scan3A_132 = arith.constant 1 : i32
      scf.for %scan3A_193 = %scan3A_129 to %scan3A_131 step %scan3A_132  : i32 {
        %mul3A_194 = arith.constant 1 : i32
        %mul3A_195 = arith.muli %scan3A_193, %mul3A_194 : i32
        %add3A_196 = arith.constant 0 : i32
        %add3A_197 = arith.addi %add3A_196, %mul3A_195 : i32
        %mul3A_198 = arith.constant 4 : i32
        %mul3A_199 = arith.muli %add3A_197, %mul3A_198 : i32
        %add3A_200 = arith.constant 0 : i32
        %add3A_201 = arith.addi %mul3A_199, %add3A_200 : i32
        %dma_wait3A_202 = arith.constant 0 : i32
        %dma_wait3A_203 = arith.constant 0 : i32
        %dma_wait3A_204 = arith.constant 0 : i32
        %dma_wait3A_205 = arith.constant 0 : i32
        %dma_wait3A_206 = tpu.memref_slice %arg8[%dma_wait3A_202, %dma_wait3A_204, %dma_wait3A_205] : memref<4x64x128xf32, #tpu.memory_space<vmem>> -> memref<1x64x128xf32, #tpu.memory_space<vmem>>
        %dma_wait3A_207 = tpu.memref_squeeze %dma_wait3A_206 : memref<1x64x128xf32, #tpu.memory_space<vmem>> -> memref<64x128xf32, #tpu.memory_space<vmem>>
        %dma_wait3A_208 = arith.constant 0 : i32
        %dma_wait3A_209 = tpu.memref_slice %arg6[%add3A_201, %dma_wait3A_208] : memref<40x64xi32, #tpu.memory_space<vmem>> -> memref<1x64xi32, #tpu.memory_space<vmem>>
        %dma_wait3A_210 = tpu.memref_squeeze %dma_wait3A_209 : memref<1x64xi32, #tpu.memory_space<vmem>> -> memref<64xi32, #tpu.memory_space<vmem>>
        %dma_wait3A_211 = arith.constant 0 : i32
        %dma_wait3A_212 = arith.constant 0 : i32
        %dma_wait3A_213 = tpu.memref_slice %arg2[%dma_wait3A_211, %dma_wait3A_212] : memref<10240x128xf32, #tpu.memory_space<hbm>> -> memref<10240x128xf32, #tpu.memory_space<hbm>>
        %dma_wait3A_214 = tpu.memref_slice %arg10[%dma_wait3A_203] : memref<4x!tpu.dma_semaphore, #tpu.memory_space<semaphore_mem>> -> memref<1x!tpu.dma_semaphore, #tpu.memory_space<semaphore_mem>>
        %dma_wait3A_215 = tpu.memref_squeeze %dma_wait3A_214 : memref<1x!tpu.dma_semaphore, #tpu.memory_space<semaphore_mem>> -> memref<!tpu.dma_semaphore, #tpu.memory_space<semaphore_mem>>
        tpu.wait_indirect_dma semaphore(%dma_wait3A_215 : memref<!tpu.dma_semaphore, #tpu.memory_space<semaphore_mem>>) src(%dma_wait3A_213 : memref<10240x128xf32, #tpu.memory_space<hbm>>) dst(%dma_wait3A_207 : memref<64x128xf32, #tpu.memory_space<vmem>>)
        %dma_start3A_216 = arith.constant 0 : i32
        %dma_start3A_217 = arith.constant 0 : i32
        %dma_start3A_218 = arith.constant 0 : i32
        %dma_start3A_219 = arith.constant 0 : i32
        %dma_start3A_220 = tpu.memref_slice %arg8[%dma_start3A_216, %dma_start3A_218, %dma_start3A_219] : memref<4x64x128xf32, #tpu.memory_space<vmem>> -> memref<1x64x128xf32, #tpu.memory_space<vmem>>
        %dma_start3A_221 = tpu.memref_squeeze %dma_start3A_220 : memref<1x64x128xf32, #tpu.memory_space<vmem>> -> memref<64x128xf32, #tpu.memory_space<vmem>>
        %dma_start3A_222 = arith.constant 0 : i32
        %dma_start3A_223 = tpu.memref_slice %arg7[%add3A_201, %dma_start3A_222] : memref<40x64xi32, #tpu.memory_space<vmem>> -> memref<1x64xi32, #tpu.memory_space<vmem>>
        %dma_start3A_224 = tpu.memref_squeeze %dma_start3A_223 : memref<1x64xi32, #tpu.memory_space<vmem>> -> memref<64xi32, #tpu.memory_space<vmem>>
        %dma_start3A_225 = arith.constant 0 : i32
        %dma_start3A_226 = arith.constant 0 : i32
        %dma_start3A_227 = tpu.memref_slice %arg9[%dma_start3A_225, %dma_start3A_226] : memref<10240x128xf32, #tpu.memory_space<vmem_shared>> -> memref<10240x128xf32, #tpu.memory_space<vmem_shared>>
        %dma_start3A_228 = tpu.memref_slice %arg11[%dma_start3A_217] : memref<4x!tpu.dma_semaphore, #tpu.memory_space<semaphore_mem>> -> memref<1x!tpu.dma_semaphore, #tpu.memory_space<semaphore_mem>>
        %dma_start3A_229 = tpu.memref_squeeze %dma_start3A_228 : memref<1x!tpu.dma_semaphore, #tpu.memory_space<semaphore_mem>> -> memref<!tpu.dma_semaphore, #tpu.memory_space<semaphore_mem>>
        tpu.enqueue_indirect_dma source(%dma_start3A_221 : memref<64x128xf32, #tpu.memory_space<vmem>>) target(%dma_start3A_227 : memref<10240x128xf32, #tpu.memory_space<vmem_shared>>) offsets(%dma_start3A_224 : memref<64xi32, #tpu.memory_space<vmem>>) semaphore(%dma_start3A_229 : memref<!tpu.dma_semaphore, #tpu.memory_space<semaphore_mem>>) {add = true}
        %dma_wait3A_230 = arith.constant 0 : i32
        %dma_wait3A_231 = arith.constant 0 : i32
        %dma_wait3A_232 = arith.constant 0 : i32
        %dma_wait3A_233 = arith.constant 0 : i32
        %dma_wait3A_234 = tpu.memref_slice %arg8[%dma_wait3A_230, %dma_wait3A_232, %dma_wait3A_233] : memref<4x64x128xf32, #tpu.memory_space<vmem>> -> memref<1x64x128xf32, #tpu.memory_space<vmem>>
        %dma_wait3A_235 = tpu.memref_squeeze %dma_wait3A_234 : memref<1x64x128xf32, #tpu.memory_space<vmem>> -> memref<64x128xf32, #tpu.memory_space<vmem>>
        %dma_wait3A_236 = arith.constant 0 : i32
        %dma_wait3A_237 = tpu.memref_slice %arg7[%add3A_201, %dma_wait3A_236] : memref<40x64xi32, #tpu.memory_space<vmem>> -> memref<1x64xi32, #tpu.memory_space<vmem>>
        %dma_wait3A_238 = tpu.memref_squeeze %dma_wait3A_237 : memref<1x64xi32, #tpu.memory_space<vmem>> -> memref<64xi32, #tpu.memory_space<vmem>>
        %dma_wait3A_239 = arith.constant 0 : i32
        %dma_wait3A_240 = arith.constant 0 : i32
        %dma_wait3A_241 = tpu.memref_slice %arg9[%dma_wait3A_239, %dma_wait3A_240] : memref<10240x128xf32, #tpu.memory_space<vmem_shared>> -> memref<10240x128xf32, #tpu.memory_space<vmem_shared>>
        %dma_wait3A_242 = tpu.memref_slice %arg11[%dma_wait3A_231] : memref<4x!tpu.dma_semaphore, #tpu.memory_space<semaphore_mem>> -> memref<1x!tpu.dma_semaphore, #tpu.memory_space<semaphore_mem>>
        %dma_wait3A_243 = tpu.memref_squeeze %dma_wait3A_242 : memref<1x!tpu.dma_semaphore, #tpu.memory_space<semaphore_mem>> -> memref<!tpu.dma_semaphore, #tpu.memory_space<semaphore_mem>>
        tpu.wait_indirect_dma semaphore(%dma_wait3A_243 : memref<!tpu.dma_semaphore, #tpu.memory_space<semaphore_mem>>) src(%dma_wait3A_235 : memref<64x128xf32, #tpu.memory_space<vmem>>) dst(%dma_wait3A_241 : memref<10240x128xf32, #tpu.memory_space<vmem_shared>>)
        %add3A_244 = arith.constant 4 : i32
        %add3A_245 = arith.addi %mul3A_199, %add3A_244 : i32
        %add3A_246 = arith.constant 0 : i32
        %add3A_247 = arith.addi %add3A_245, %add3A_246 : i32
        %min3A = arith.constant 39 : i32
        %min3A_248 = arith.minsi %add3A_247, %min3A : i32
        %dma_start3A_249 = arith.constant 0 : i32
        %dma_start3A_250 = arith.constant 0 : i32
        %dma_start3A_251 = arith.constant 0 : i32
        %dma_start3A_252 = arith.constant 0 : i32
        %dma_start3A_253 = tpu.memref_slice %arg8[%dma_start3A_249, %dma_start3A_251, %dma_start3A_252] : memref<4x64x128xf32, #tpu.memory_space<vmem>> -> memref<1x64x128xf32, #tpu.memory_space<vmem>>
        %dma_start3A_254 = tpu.memref_squeeze %dma_start3A_253 : memref<1x64x128xf32, #tpu.memory_space<vmem>> -> memref<64x128xf32, #tpu.memory_space<vmem>>
        %dma_start3A_255 = arith.constant 0 : i32
        %dma_start3A_256 = tpu.memref_slice %arg6[%min3A_248, %dma_start3A_255] : memref<40x64xi32, #tpu.memory_space<vmem>> -> memref<1x64xi32, #tpu.memory_space<vmem>>
        %dma_start3A_257 = tpu.memref_squeeze %dma_start3A_256 : memref<1x64xi32, #tpu.memory_space<vmem>> -> memref<64xi32, #tpu.memory_space<vmem>>
        %dma_start3A_258 = arith.constant 0 : i32
        %dma_start3A_259 = arith.constant 0 : i32
        %dma_start3A_260 = tpu.memref_slice %arg2[%dma_start3A_258, %dma_start3A_259] : memref<10240x128xf32, #tpu.memory_space<hbm>> -> memref<10240x128xf32, #tpu.memory_space<hbm>>
        %dma_start3A_261 = tpu.memref_slice %arg10[%dma_start3A_250] : memref<4x!tpu.dma_semaphore, #tpu.memory_space<semaphore_mem>> -> memref<1x!tpu.dma_semaphore, #tpu.memory_space<semaphore_mem>>
        %dma_start3A_262 = tpu.memref_squeeze %dma_start3A_261 : memref<1x!tpu.dma_semaphore, #tpu.memory_space<semaphore_mem>> -> memref<!tpu.dma_semaphore, #tpu.memory_space<semaphore_mem>>
        tpu.enqueue_indirect_dma source(%dma_start3A_260 : memref<10240x128xf32, #tpu.memory_space<hbm>>) target(%dma_start3A_254 : memref<64x128xf32, #tpu.memory_space<vmem>>) offsets(%dma_start3A_257 : memref<64xi32, #tpu.memory_space<vmem>>) semaphore(%dma_start3A_262 : memref<!tpu.dma_semaphore, #tpu.memory_space<semaphore_mem>>)
        %add3A_263 = arith.constant 1 : i32
        %add3A_264 = arith.addi %mul3A_199, %add3A_263 : i32
        %dma_wait3A_265 = arith.constant 1 : i32
        %dma_wait3A_266 = arith.constant 1 : i32
        %dma_wait3A_267 = arith.constant 0 : i32
        %dma_wait3A_268 = arith.constant 0 : i32
        %dma_wait3A_269 = tpu.memref_slice %arg8[%dma_wait3A_265, %dma_wait3A_267, %dma_wait3A_268] : memref<4x64x128xf32, #tpu.memory_space<vmem>> -> memref<1x64x128xf32, #tpu.memory_space<vmem>>
        %dma_wait3A_270 = tpu.memref_squeeze %dma_wait3A_269 : memref<1x64x128xf32, #tpu.memory_space<vmem>> -> memref<64x128xf32, #tpu.memory_space<vmem>>
        %dma_wait3A_271 = arith.constant 0 : i32
        %dma_wait3A_272 = tpu.memref_slice %arg6[%add3A_264, %dma_wait3A_271] : memref<40x64xi32, #tpu.memory_space<vmem>> -> memref<1x64xi32, #tpu.memory_space<vmem>>
        %dma_wait3A_273 = tpu.memref_squeeze %dma_wait3A_272 : memref<1x64xi32, #tpu.memory_space<vmem>> -> memref<64xi32, #tpu.memory_space<vmem>>
        %dma_wait3A_274 = arith.constant 0 : i32
        %dma_wait3A_275 = arith.constant 0 : i32
        %dma_wait3A_276 = tpu.memref_slice %arg2[%dma_wait3A_274, %dma_wait3A_275] : memref<10240x128xf32, #tpu.memory_space<hbm>> -> memref<10240x128xf32, #tpu.memory_space<hbm>>
        %dma_wait3A_277 = tpu.memref_slice %arg10[%dma_wait3A_266] : memref<4x!tpu.dma_semaphore, #tpu.memory_space<semaphore_mem>> -> memref<1x!tpu.dma_semaphore, #tpu.memory_space<semaphore_mem>>
        %dma_wait3A_278 = tpu.memref_squeeze %dma_wait3A_277 : memref<1x!tpu.dma_semaphore, #tpu.memory_space<semaphore_mem>> -> memref<!tpu.dma_semaphore, #tpu.memory_space<semaphore_mem>>
        tpu.wait_indirect_dma semaphore(%dma_wait3A_278 : memref<!tpu.dma_semaphore, #tpu.memory_space<semaphore_mem>>) src(%dma_wait3A_276 : memref<10240x128xf32, #tpu.memory_space<hbm>>) dst(%dma_wait3A_270 : memref<64x128xf32, #tpu.memory_space<vmem>>)
        %dma_start3A_279 = arith.constant 1 : i32
        %dma_start3A_280 = arith.constant 1 : i32
        %dma_start3A_281 = arith.constant 0 : i32
        %dma_start3A_282 = arith.constant 0 : i32
        %dma_start3A_283 = tpu.memref_slice %arg8[%dma_start3A_279, %dma_start3A_281, %dma_start3A_282] : memref<4x64x128xf32, #tpu.memory_space<vmem>> -> memref<1x64x128xf32, #tpu.memory_space<vmem>>
        %dma_start3A_284 = tpu.memref_squeeze %dma_start3A_283 : memref<1x64x128xf32, #tpu.memory_space<vmem>> -> memref<64x128xf32, #tpu.memory_space<vmem>>
        %dma_start3A_285 = arith.constant 0 : i32
        %dma_start3A_286 = tpu.memref_slice %arg7[%add3A_264, %dma_start3A_285] : memref<40x64xi32, #tpu.memory_space<vmem>> -> memref<1x64xi32, #tpu.memory_space<vmem>>
        %dma_start3A_287 = tpu.memref_squeeze %dma_start3A_286 : memref<1x64xi32, #tpu.memory_space<vmem>> -> memref<64xi32, #tpu.memory_space<vmem>>
        %dma_start3A_288 = arith.constant 0 : i32
        %dma_start3A_289 = arith.constant 0 : i32
        %dma_start3A_290 = tpu.memref_slice %arg9[%dma_start3A_288, %dma_start3A_289] : memref<10240x128xf32, #tpu.memory_space<vmem_shared>> -> memref<10240x128xf32, #tpu.memory_space<vmem_shared>>
        %dma_start3A_291 = tpu.memref_slice %arg11[%dma_start3A_280] : memref<4x!tpu.dma_semaphore, #tpu.memory_space<semaphore_mem>> -> memref<1x!tpu.dma_semaphore, #tpu.memory_space<semaphore_mem>>
        %dma_start3A_292 = tpu.memref_squeeze %dma_start3A_291 : memref<1x!tpu.dma_semaphore, #tpu.memory_space<semaphore_mem>> -> memref<!tpu.dma_semaphore, #tpu.memory_space<semaphore_mem>>
        tpu.enqueue_indirect_dma source(%dma_start3A_284 : memref<64x128xf32, #tpu.memory_space<vmem>>) target(%dma_start3A_290 : memref<10240x128xf32, #tpu.memory_space<vmem_shared>>) offsets(%dma_start3A_287 : memref<64xi32, #tpu.memory_space<vmem>>) semaphore(%dma_start3A_292 : memref<!tpu.dma_semaphore, #tpu.memory_space<semaphore_mem>>) {add = true}
        %dma_wait3A_293 = arith.constant 1 : i32
        %dma_wait3A_294 = arith.constant 1 : i32
        %dma_wait3A_295 = arith.constant 0 : i32
        %dma_wait3A_296 = arith.constant 0 : i32
        %dma_wait3A_297 = tpu.memref_slice %arg8[%dma_wait3A_293, %dma_wait3A_295, %dma_wait3A_296] : memref<4x64x128xf32, #tpu.memory_space<vmem>> -> memref<1x64x128xf32, #tpu.memory_space<vmem>>
        %dma_wait3A_298 = tpu.memref_squeeze %dma_wait3A_297 : memref<1x64x128xf32, #tpu.memory_space<vmem>> -> memref<64x128xf32, #tpu.memory_space<vmem>>
        %dma_wait3A_299 = arith.constant 0 : i32
        %dma_wait3A_300 = tpu.memref_slice %arg7[%add3A_264, %dma_wait3A_299] : memref<40x64xi32, #tpu.memory_space<vmem>> -> memref<1x64xi32, #tpu.memory_space<vmem>>
        %dma_wait3A_301 = tpu.memref_squeeze %dma_wait3A_300 : memref<1x64xi32, #tpu.memory_space<vmem>> -> memref<64xi32, #tpu.memory_space<vmem>>
        %dma_wait3A_302 = arith.constant 0 : i32
        %dma_wait3A_303 = arith.constant 0 : i32
        %dma_wait3A_304 = tpu.memref_slice %arg9[%dma_wait3A_302, %dma_wait3A_303] : memref<10240x128xf32, #tpu.memory_space<vmem_shared>> -> memref<10240x128xf32, #tpu.memory_space<vmem_shared>>
        %dma_wait3A_305 = tpu.memref_slice %arg11[%dma_wait3A_294] : memref<4x!tpu.dma_semaphore, #tpu.memory_space<semaphore_mem>> -> memref<1x!tpu.dma_semaphore, #tpu.memory_space<semaphore_mem>>
        %dma_wait3A_306 = tpu.memref_squeeze %dma_wait3A_305 : memref<1x!tpu.dma_semaphore, #tpu.memory_space<semaphore_mem>> -> memref<!tpu.dma_semaphore, #tpu.memory_space<semaphore_mem>>
        tpu.wait_indirect_dma semaphore(%dma_wait3A_306 : memref<!tpu.dma_semaphore, #tpu.memory_space<semaphore_mem>>) src(%dma_wait3A_298 : memref<64x128xf32, #tpu.memory_space<vmem>>) dst(%dma_wait3A_304 : memref<10240x128xf32, #tpu.memory_space<vmem_shared>>)
        %add3A_307 = arith.constant 4 : i32
        %add3A_308 = arith.addi %mul3A_199, %add3A_307 : i32
        %add3A_309 = arith.constant 1 : i32
        %add3A_310 = arith.addi %add3A_308, %add3A_309 : i32
        %min3A_311 = arith.constant 39 : i32
        %min3A_312 = arith.minsi %add3A_310, %min3A_311 : i32
        %dma_start3A_313 = arith.constant 1 : i32
        %dma_start3A_314 = arith.constant 1 : i32
        %dma_start3A_315 = arith.constant 0 : i32
        %dma_start3A_316 = arith.constant 0 : i32
        %dma_start3A_317 = tpu.memref_slice %arg8[%dma_start3A_313, %dma_start3A_315, %dma_start3A_316] : memref<4x64x128xf32, #tpu.memory_space<vmem>> -> memref<1x64x128xf32, #tpu.memory_space<vmem>>
        %dma_start3A_318 = tpu.memref_squeeze %dma_start3A_317 : memref<1x64x128xf32, #tpu.memory_space<vmem>> -> memref<64x128xf32, #tpu.memory_space<vmem>>
        %dma_start3A_319 = arith.constant 0 : i32
        %dma_start3A_320 = tpu.memref_slice %arg6[%min3A_312, %dma_start3A_319] : memref<40x64xi32, #tpu.memory_space<vmem>> -> memref<1x64xi32, #tpu.memory_space<vmem>>
        %dma_start3A_321 = tpu.memref_squeeze %dma_start3A_320 : memref<1x64xi32, #tpu.memory_space<vmem>> -> memref<64xi32, #tpu.memory_space<vmem>>
        %dma_start3A_322 = arith.constant 0 : i32
        %dma_start3A_323 = arith.constant 0 : i32
        %dma_start3A_324 = tpu.memref_slice %arg2[%dma_start3A_322, %dma_start3A_323] : memref<10240x128xf32, #tpu.memory_space<hbm>> -> memref<10240x128xf32, #tpu.memory_space<hbm>>
        %dma_start3A_325 = tpu.memref_slice %arg10[%dma_start3A_314] : memref<4x!tpu.dma_semaphore, #tpu.memory_space<semaphore_mem>> -> memref<1x!tpu.dma_semaphore, #tpu.memory_space<semaphore_mem>>
        %dma_start3A_326 = tpu.memref_squeeze %dma_start3A_325 : memref<1x!tpu.dma_semaphore, #tpu.memory_space<semaphore_mem>> -> memref<!tpu.dma_semaphore, #tpu.memory_space<semaphore_mem>>
        tpu.enqueue_indirect_dma source(%dma_start3A_324 : memref<10240x128xf32, #tpu.memory_space<hbm>>) target(%dma_start3A_318 : memref<64x128xf32, #tpu.memory_space<vmem>>) offsets(%dma_start3A_321 : memref<64xi32, #tpu.memory_space<vmem>>) semaphore(%dma_start3A_326 : memref<!tpu.dma_semaphore, #tpu.memory_space<semaphore_mem>>)
        %add3A_327 = arith.constant 2 : i32
        %add3A_328 = arith.addi %mul3A_199, %add3A_327 : i32
        %dma_wait3A_329 = arith.constant 2 : i32
        %dma_wait3A_330 = arith.constant 2 : i32
        %dma_wait3A_331 = arith.constant 0 : i32
        %dma_wait3A_332 = arith.constant 0 : i32
        %dma_wait3A_333 = tpu.memref_slice %arg8[%dma_wait3A_329, %dma_wait3A_331, %dma_wait3A_332] : memref<4x64x128xf32, #tpu.memory_space<vmem>> -> memref<1x64x128xf32, #tpu.memory_space<vmem>>
        %dma_wait3A_334 = tpu.memref_squeeze %dma_wait3A_333 : memref<1x64x128xf32, #tpu.memory_space<vmem>> -> memref<64x128xf32, #tpu.memory_space<vmem>>
        %dma_wait3A_335 = arith.constant 0 : i32
        %dma_wait3A_336 = tpu.memref_slice %arg6[%add3A_328, %dma_wait3A_335] : memref<40x64xi32, #tpu.memory_space<vmem>> -> memref<1x64xi32, #tpu.memory_space<vmem>>
        %dma_wait3A_337 = tpu.memref_squeeze %dma_wait3A_336 : memref<1x64xi32, #tpu.memory_space<vmem>> -> memref<64xi32, #tpu.memory_space<vmem>>
        %dma_wait3A_338 = arith.constant 0 : i32
        %dma_wait3A_339 = arith.constant 0 : i32
        %dma_wait3A_340 = tpu.memref_slice %arg2[%dma_wait3A_338, %dma_wait3A_339] : memref<10240x128xf32, #tpu.memory_space<hbm>> -> memref<10240x128xf32, #tpu.memory_space<hbm>>
        %dma_wait3A_341 = tpu.memref_slice %arg10[%dma_wait3A_330] : memref<4x!tpu.dma_semaphore, #tpu.memory_space<semaphore_mem>> -> memref<1x!tpu.dma_semaphore, #tpu.memory_space<semaphore_mem>>
        %dma_wait3A_342 = tpu.memref_squeeze %dma_wait3A_341 : memref<1x!tpu.dma_semaphore, #tpu.memory_space<semaphore_mem>> -> memref<!tpu.dma_semaphore, #tpu.memory_space<semaphore_mem>>
        tpu.wait_indirect_dma semaphore(%dma_wait3A_342 : memref<!tpu.dma_semaphore, #tpu.memory_space<semaphore_mem>>) src(%dma_wait3A_340 : memref<10240x128xf32, #tpu.memory_space<hbm>>) dst(%dma_wait3A_334 : memref<64x128xf32, #tpu.memory_space<vmem>>)
        %dma_start3A_343 = arith.constant 2 : i32
        %dma_start3A_344 = arith.constant 2 : i32
        %dma_start3A_345 = arith.constant 0 : i32
        %dma_start3A_346 = arith.constant 0 : i32
        %dma_start3A_347 = tpu.memref_slice %arg8[%dma_start3A_343, %dma_start3A_345, %dma_start3A_346] : memref<4x64x128xf32, #tpu.memory_space<vmem>> -> memref<1x64x128xf32, #tpu.memory_space<vmem>>
        %dma_start3A_348 = tpu.memref_squeeze %dma_start3A_347 : memref<1x64x128xf32, #tpu.memory_space<vmem>> -> memref<64x128xf32, #tpu.memory_space<vmem>>
        %dma_start3A_349 = arith.constant 0 : i32
        %dma_start3A_350 = tpu.memref_slice %arg7[%add3A_328, %dma_start3A_349] : memref<40x64xi32, #tpu.memory_space<vmem>> -> memref<1x64xi32, #tpu.memory_space<vmem>>
        %dma_start3A_351 = tpu.memref_squeeze %dma_start3A_350 : memref<1x64xi32, #tpu.memory_space<vmem>> -> memref<64xi32, #tpu.memory_space<vmem>>
        %dma_start3A_352 = arith.constant 0 : i32
        %dma_start3A_353 = arith.constant 0 : i32
        %dma_start3A_354 = tpu.memref_slice %arg9[%dma_start3A_352, %dma_start3A_353] : memref<10240x128xf32, #tpu.memory_space<vmem_shared>> -> memref<10240x128xf32, #tpu.memory_space<vmem_shared>>
        %dma_start3A_355 = tpu.memref_slice %arg11[%dma_start3A_344] : memref<4x!tpu.dma_semaphore, #tpu.memory_space<semaphore_mem>> -> memref<1x!tpu.dma_semaphore, #tpu.memory_space<semaphore_mem>>
        %dma_start3A_356 = tpu.memref_squeeze %dma_start3A_355 : memref<1x!tpu.dma_semaphore, #tpu.memory_space<semaphore_mem>> -> memref<!tpu.dma_semaphore, #tpu.memory_space<semaphore_mem>>
        tpu.enqueue_indirect_dma source(%dma_start3A_348 : memref<64x128xf32, #tpu.memory_space<vmem>>) target(%dma_start3A_354 : memref<10240x128xf32, #tpu.memory_space<vmem_shared>>) offsets(%dma_start3A_351 : memref<64xi32, #tpu.memory_space<vmem>>) semaphore(%dma_start3A_356 : memref<!tpu.dma_semaphore, #tpu.memory_space<semaphore_mem>>) {add = true}
        %dma_wait3A_357 = arith.constant 2 : i32
        %dma_wait3A_358 = arith.constant 2 : i32
        %dma_wait3A_359 = arith.constant 0 : i32
        %dma_wait3A_360 = arith.constant 0 : i32
        %dma_wait3A_361 = tpu.memref_slice %arg8[%dma_wait3A_357, %dma_wait3A_359, %dma_wait3A_360] : memref<4x64x128xf32, #tpu.memory_space<vmem>> -> memref<1x64x128xf32, #tpu.memory_space<vmem>>
        %dma_wait3A_362 = tpu.memref_squeeze %dma_wait3A_361 : memref<1x64x128xf32, #tpu.memory_space<vmem>> -> memref<64x128xf32, #tpu.memory_space<vmem>>
        %dma_wait3A_363 = arith.constant 0 : i32
        %dma_wait3A_364 = tpu.memref_slice %arg7[%add3A_328, %dma_wait3A_363] : memref<40x64xi32, #tpu.memory_space<vmem>> -> memref<1x64xi32, #tpu.memory_space<vmem>>
        %dma_wait3A_365 = tpu.memref_squeeze %dma_wait3A_364 : memref<1x64xi32, #tpu.memory_space<vmem>> -> memref<64xi32, #tpu.memory_space<vmem>>
        %dma_wait3A_366 = arith.constant 0 : i32
        %dma_wait3A_367 = arith.constant 0 : i32
        %dma_wait3A_368 = tpu.memref_slice %arg9[%dma_wait3A_366, %dma_wait3A_367] : memref<10240x128xf32, #tpu.memory_space<vmem_shared>> -> memref<10240x128xf32, #tpu.memory_space<vmem_shared>>
        %dma_wait3A_369 = tpu.memref_slice %arg11[%dma_wait3A_358] : memref<4x!tpu.dma_semaphore, #tpu.memory_space<semaphore_mem>> -> memref<1x!tpu.dma_semaphore, #tpu.memory_space<semaphore_mem>>
        %dma_wait3A_370 = tpu.memref_squeeze %dma_wait3A_369 : memref<1x!tpu.dma_semaphore, #tpu.memory_space<semaphore_mem>> -> memref<!tpu.dma_semaphore, #tpu.memory_space<semaphore_mem>>
        tpu.wait_indirect_dma semaphore(%dma_wait3A_370 : memref<!tpu.dma_semaphore, #tpu.memory_space<semaphore_mem>>) src(%dma_wait3A_362 : memref<64x128xf32, #tpu.memory_space<vmem>>) dst(%dma_wait3A_368 : memref<10240x128xf32, #tpu.memory_space<vmem_shared>>)
        %add3A_371 = arith.constant 4 : i32
        %add3A_372 = arith.addi %mul3A_199, %add3A_371 : i32
        %add3A_373 = arith.constant 2 : i32
        %add3A_374 = arith.addi %add3A_372, %add3A_373 : i32
        %min3A_375 = arith.constant 39 : i32
        %min3A_376 = arith.minsi %add3A_374, %min3A_375 : i32
        %dma_start3A_377 = arith.constant 2 : i32
        %dma_start3A_378 = arith.constant 2 : i32
        %dma_start3A_379 = arith.constant 0 : i32
        %dma_start3A_380 = arith.constant 0 : i32
        %dma_start3A_381 = tpu.memref_slice %arg8[%dma_start3A_377, %dma_start3A_379, %dma_start3A_380] : memref<4x64x128xf32, #tpu.memory_space<vmem>> -> memref<1x64x128xf32, #tpu.memory_space<vmem>>
        %dma_start3A_382 = tpu.memref_squeeze %dma_start3A_381 : memref<1x64x128xf32, #tpu.memory_space<vmem>> -> memref<64x128xf32, #tpu.memory_space<vmem>>
        %dma_start3A_383 = arith.constant 0 : i32
        %dma_start3A_384 = tpu.memref_slice %arg6[%min3A_376, %dma_start3A_383] : memref<40x64xi32, #tpu.memory_space<vmem>> -> memref<1x64xi32, #tpu.memory_space<vmem>>
        %dma_start3A_385 = tpu.memref_squeeze %dma_start3A_384 : memref<1x64xi32, #tpu.memory_space<vmem>> -> memref<64xi32, #tpu.memory_space<vmem>>
        %dma_start3A_386 = arith.constant 0 : i32
        %dma_start3A_387 = arith.constant 0 : i32
        %dma_start3A_388 = tpu.memref_slice %arg2[%dma_start3A_386, %dma_start3A_387] : memref<10240x128xf32, #tpu.memory_space<hbm>> -> memref<10240x128xf32, #tpu.memory_space<hbm>>
        %dma_start3A_389 = tpu.memref_slice %arg10[%dma_start3A_378] : memref<4x!tpu.dma_semaphore, #tpu.memory_space<semaphore_mem>> -> memref<1x!tpu.dma_semaphore, #tpu.memory_space<semaphore_mem>>
        %dma_start3A_390 = tpu.memref_squeeze %dma_start3A_389 : memref<1x!tpu.dma_semaphore, #tpu.memory_space<semaphore_mem>> -> memref<!tpu.dma_semaphore, #tpu.memory_space<semaphore_mem>>
        tpu.enqueue_indirect_dma source(%dma_start3A_388 : memref<10240x128xf32, #tpu.memory_space<hbm>>) target(%dma_start3A_382 : memref<64x128xf32, #tpu.memory_space<vmem>>) offsets(%dma_start3A_385 : memref<64xi32, #tpu.memory_space<vmem>>) semaphore(%dma_start3A_390 : memref<!tpu.dma_semaphore, #tpu.memory_space<semaphore_mem>>)
        %add3A_391 = arith.constant 3 : i32
        %add3A_392 = arith.addi %mul3A_199, %add3A_391 : i32
        %dma_wait3A_393 = arith.constant 3 : i32
        %dma_wait3A_394 = arith.constant 3 : i32
        %dma_wait3A_395 = arith.constant 0 : i32
        %dma_wait3A_396 = arith.constant 0 : i32
        %dma_wait3A_397 = tpu.memref_slice %arg8[%dma_wait3A_393, %dma_wait3A_395, %dma_wait3A_396] : memref<4x64x128xf32, #tpu.memory_space<vmem>> -> memref<1x64x128xf32, #tpu.memory_space<vmem>>
        %dma_wait3A_398 = tpu.memref_squeeze %dma_wait3A_397 : memref<1x64x128xf32, #tpu.memory_space<vmem>> -> memref<64x128xf32, #tpu.memory_space<vmem>>
        %dma_wait3A_399 = arith.constant 0 : i32
        %dma_wait3A_400 = tpu.memref_slice %arg6[%add3A_392, %dma_wait3A_399] : memref<40x64xi32, #tpu.memory_space<vmem>> -> memref<1x64xi32, #tpu.memory_space<vmem>>
        %dma_wait3A_401 = tpu.memref_squeeze %dma_wait3A_400 : memref<1x64xi32, #tpu.memory_space<vmem>> -> memref<64xi32, #tpu.memory_space<vmem>>
        %dma_wait3A_402 = arith.constant 0 : i32
        %dma_wait3A_403 = arith.constant 0 : i32
        %dma_wait3A_404 = tpu.memref_slice %arg2[%dma_wait3A_402, %dma_wait3A_403] : memref<10240x128xf32, #tpu.memory_space<hbm>> -> memref<10240x128xf32, #tpu.memory_space<hbm>>
        %dma_wait3A_405 = tpu.memref_slice %arg10[%dma_wait3A_394] : memref<4x!tpu.dma_semaphore, #tpu.memory_space<semaphore_mem>> -> memref<1x!tpu.dma_semaphore, #tpu.memory_space<semaphore_mem>>
        %dma_wait3A_406 = tpu.memref_squeeze %dma_wait3A_405 : memref<1x!tpu.dma_semaphore, #tpu.memory_space<semaphore_mem>> -> memref<!tpu.dma_semaphore, #tpu.memory_space<semaphore_mem>>
        tpu.wait_indirect_dma semaphore(%dma_wait3A_406 : memref<!tpu.dma_semaphore, #tpu.memory_space<semaphore_mem>>) src(%dma_wait3A_404 : memref<10240x128xf32, #tpu.memory_space<hbm>>) dst(%dma_wait3A_398 : memref<64x128xf32, #tpu.memory_space<vmem>>)
        %dma_start3A_407 = arith.constant 3 : i32
        %dma_start3A_408 = arith.constant 3 : i32
        %dma_start3A_409 = arith.constant 0 : i32
        %dma_start3A_410 = arith.constant 0 : i32
        %dma_start3A_411 = tpu.memref_slice %arg8[%dma_start3A_407, %dma_start3A_409, %dma_start3A_410] : memref<4x64x128xf32, #tpu.memory_space<vmem>> -> memref<1x64x128xf32, #tpu.memory_space<vmem>>
        %dma_start3A_412 = tpu.memref_squeeze %dma_start3A_411 : memref<1x64x128xf32, #tpu.memory_space<vmem>> -> memref<64x128xf32, #tpu.memory_space<vmem>>
        %dma_start3A_413 = arith.constant 0 : i32
        %dma_start3A_414 = tpu.memref_slice %arg7[%add3A_392, %dma_start3A_413] : memref<40x64xi32, #tpu.memory_space<vmem>> -> memref<1x64xi32, #tpu.memory_space<vmem>>
        %dma_start3A_415 = tpu.memref_squeeze %dma_start3A_414 : memref<1x64xi32, #tpu.memory_space<vmem>> -> memref<64xi32, #tpu.memory_space<vmem>>
        %dma_start3A_416 = arith.constant 0 : i32
        %dma_start3A_417 = arith.constant 0 : i32
        %dma_start3A_418 = tpu.memref_slice %arg9[%dma_start3A_416, %dma_start3A_417] : memref<10240x128xf32, #tpu.memory_space<vmem_shared>> -> memref<10240x128xf32, #tpu.memory_space<vmem_shared>>
        %dma_start3A_419 = tpu.memref_slice %arg11[%dma_start3A_408] : memref<4x!tpu.dma_semaphore, #tpu.memory_space<semaphore_mem>> -> memref<1x!tpu.dma_semaphore, #tpu.memory_space<semaphore_mem>>
        %dma_start3A_420 = tpu.memref_squeeze %dma_start3A_419 : memref<1x!tpu.dma_semaphore, #tpu.memory_space<semaphore_mem>> -> memref<!tpu.dma_semaphore, #tpu.memory_space<semaphore_mem>>
        tpu.enqueue_indirect_dma source(%dma_start3A_412 : memref<64x128xf32, #tpu.memory_space<vmem>>) target(%dma_start3A_418 : memref<10240x128xf32, #tpu.memory_space<vmem_shared>>) offsets(%dma_start3A_415 : memref<64xi32, #tpu.memory_space<vmem>>) semaphore(%dma_start3A_420 : memref<!tpu.dma_semaphore, #tpu.memory_space<semaphore_mem>>) {add = true}
        %dma_wait3A_421 = arith.constant 3 : i32
        %dma_wait3A_422 = arith.constant 3 : i32
        %dma_wait3A_423 = arith.constant 0 : i32
        %dma_wait3A_424 = arith.constant 0 : i32
        %dma_wait3A_425 = tpu.memref_slice %arg8[%dma_wait3A_421, %dma_wait3A_423, %dma_wait3A_424] : memref<4x64x128xf32, #tpu.memory_space<vmem>> -> memref<1x64x128xf32, #tpu.memory_space<vmem>>
        %dma_wait3A_426 = tpu.memref_squeeze %dma_wait3A_425 : memref<1x64x128xf32, #tpu.memory_space<vmem>> -> memref<64x128xf32, #tpu.memory_space<vmem>>
        %dma_wait3A_427 = arith.constant 0 : i32
        %dma_wait3A_428 = tpu.memref_slice %arg7[%add3A_392, %dma_wait3A_427] : memref<40x64xi32, #tpu.memory_space<vmem>> -> memref<1x64xi32, #tpu.memory_space<vmem>>
        %dma_wait3A_429 = tpu.memref_squeeze %dma_wait3A_428 : memref<1x64xi32, #tpu.memory_space<vmem>> -> memref<64xi32, #tpu.memory_space<vmem>>
        %dma_wait3A_430 = arith.constant 0 : i32
        %dma_wait3A_431 = arith.constant 0 : i32
        %dma_wait3A_432 = tpu.memref_slice %arg9[%dma_wait3A_430, %dma_wait3A_431] : memref<10240x128xf32, #tpu.memory_space<vmem_shared>> -> memref<10240x128xf32, #tpu.memory_space<vmem_shared>>
        %dma_wait3A_433 = tpu.memref_slice %arg11[%dma_wait3A_422] : memref<4x!tpu.dma_semaphore, #tpu.memory_space<semaphore_mem>> -> memref<1x!tpu.dma_semaphore, #tpu.memory_space<semaphore_mem>>
        %dma_wait3A_434 = tpu.memref_squeeze %dma_wait3A_433 : memref<1x!tpu.dma_semaphore, #tpu.memory_space<semaphore_mem>> -> memref<!tpu.dma_semaphore, #tpu.memory_space<semaphore_mem>>
        tpu.wait_indirect_dma semaphore(%dma_wait3A_434 : memref<!tpu.dma_semaphore, #tpu.memory_space<semaphore_mem>>) src(%dma_wait3A_426 : memref<64x128xf32, #tpu.memory_space<vmem>>) dst(%dma_wait3A_432 : memref<10240x128xf32, #tpu.memory_space<vmem_shared>>)
        %add3A_435 = arith.constant 4 : i32
        %add3A_436 = arith.addi %mul3A_199, %add3A_435 : i32
        %add3A_437 = arith.constant 3 : i32
        %add3A_438 = arith.addi %add3A_436, %add3A_437 : i32
        %min3A_439 = arith.constant 39 : i32
        %min3A_440 = arith.minsi %add3A_438, %min3A_439 : i32
        %dma_start3A_441 = arith.constant 3 : i32
        %dma_start3A_442 = arith.constant 3 : i32
        %dma_start3A_443 = arith.constant 0 : i32
        %dma_start3A_444 = arith.constant 0 : i32
        %dma_start3A_445 = tpu.memref_slice %arg8[%dma_start3A_441, %dma_start3A_443, %dma_start3A_444] : memref<4x64x128xf32, #tpu.memory_space<vmem>> -> memref<1x64x128xf32, #tpu.memory_space<vmem>>
        %dma_start3A_446 = tpu.memref_squeeze %dma_start3A_445 : memref<1x64x128xf32, #tpu.memory_space<vmem>> -> memref<64x128xf32, #tpu.memory_space<vmem>>
        %dma_start3A_447 = arith.constant 0 : i32
        %dma_start3A_448 = tpu.memref_slice %arg6[%min3A_440, %dma_start3A_447] : memref<40x64xi32, #tpu.memory_space<vmem>> -> memref<1x64xi32, #tpu.memory_space<vmem>>
        %dma_start3A_449 = tpu.memref_squeeze %dma_start3A_448 : memref<1x64xi32, #tpu.memory_space<vmem>> -> memref<64xi32, #tpu.memory_space<vmem>>
        %dma_start3A_450 = arith.constant 0 : i32
        %dma_start3A_451 = arith.constant 0 : i32
        %dma_start3A_452 = tpu.memref_slice %arg2[%dma_start3A_450, %dma_start3A_451] : memref<10240x128xf32, #tpu.memory_space<hbm>> -> memref<10240x128xf32, #tpu.memory_space<hbm>>
        %dma_start3A_453 = tpu.memref_slice %arg10[%dma_start3A_442] : memref<4x!tpu.dma_semaphore, #tpu.memory_space<semaphore_mem>> -> memref<1x!tpu.dma_semaphore, #tpu.memory_space<semaphore_mem>>
        %dma_start3A_454 = tpu.memref_squeeze %dma_start3A_453 : memref<1x!tpu.dma_semaphore, #tpu.memory_space<semaphore_mem>> -> memref<!tpu.dma_semaphore, #tpu.memory_space<semaphore_mem>>
        tpu.enqueue_indirect_dma source(%dma_start3A_452 : memref<10240x128xf32, #tpu.memory_space<hbm>>) target(%dma_start3A_446 : memref<64x128xf32, #tpu.memory_space<vmem>>) offsets(%dma_start3A_449 : memref<64xi32, #tpu.memory_space<vmem>>) semaphore(%dma_start3A_454 : memref<!tpu.dma_semaphore, #tpu.memory_space<semaphore_mem>>)
      }
      %scan3A_133 = arith.constant 10 : i32
      %dma_wait3A = arith.constant 39 : i32
      %dma_wait3A_134 = arith.constant 0 : i32
      %dma_wait3A_135 = arith.constant 0 : i32
      %dma_wait3A_136 = arith.constant 0 : i32
      %dma_wait3A_137 = arith.constant 0 : i32
      %dma_wait3A_138 = tpu.memref_slice %arg8[%dma_wait3A_134, %dma_wait3A_136, %dma_wait3A_137] : memref<4x64x128xf32, #tpu.memory_space<vmem>> -> memref<1x64x128xf32, #tpu.memory_space<vmem>>
      %dma_wait3A_139 = tpu.memref_squeeze %dma_wait3A_138 : memref<1x64x128xf32, #tpu.memory_space<vmem>> -> memref<64x128xf32, #tpu.memory_space<vmem>>
      %dma_wait3A_140 = arith.constant 0 : i32
      %dma_wait3A_141 = tpu.memref_slice %arg6[%dma_wait3A, %dma_wait3A_140] : memref<40x64xi32, #tpu.memory_space<vmem>> -> memref<1x64xi32, #tpu.memory_space<vmem>>
      %dma_wait3A_142 = tpu.memref_squeeze %dma_wait3A_141 : memref<1x64xi32, #tpu.memory_space<vmem>> -> memref<64xi32, #tpu.memory_space<vmem>>
      %dma_wait3A_143 = arith.constant 0 : i32
      %dma_wait3A_144 = arith.constant 0 : i32
      %dma_wait3A_145 = tpu.memref_slice %arg2[%dma_wait3A_143, %dma_wait3A_144] : memref<10240x128xf32, #tpu.memory_space<hbm>> -> memref<10240x128xf32, #tpu.memory_space<hbm>>
      %dma_wait3A_146 = tpu.memref_slice %arg10[%dma_wait3A_135] : memref<4x!tpu.dma_semaphore, #tpu.memory_space<semaphore_mem>> -> memref<1x!tpu.dma_semaphore, #tpu.memory_space<semaphore_mem>>
      %dma_wait3A_147 = tpu.memref_squeeze %dma_wait3A_146 : memref<1x!tpu.dma_semaphore, #tpu.memory_space<semaphore_mem>> -> memref<!tpu.dma_semaphore, #tpu.memory_space<semaphore_mem>>
      tpu.wait_indirect_dma semaphore(%dma_wait3A_147 : memref<!tpu.dma_semaphore, #tpu.memory_space<semaphore_mem>>) src(%dma_wait3A_145 : memref<10240x128xf32, #tpu.memory_space<hbm>>) dst(%dma_wait3A_139 : memref<64x128xf32, #tpu.memory_space<vmem>>)
      %dma_wait3A_148 = arith.constant 39 : i32
      %dma_wait3A_149 = arith.constant 1 : i32
      %dma_wait3A_150 = arith.constant 1 : i32
      %dma_wait3A_151 = arith.constant 0 : i32
      %dma_wait3A_152 = arith.constant 0 : i32
      %dma_wait3A_153 = tpu.memref_slice %arg8[%dma_wait3A_149, %dma_wait3A_151, %dma_wait3A_152] : memref<4x64x128xf32, #tpu.memory_space<vmem>> -> memref<1x64x128xf32, #tpu.memory_space<vmem>>
      %dma_wait3A_154 = tpu.memref_squeeze %dma_wait3A_153 : memref<1x64x128xf32, #tpu.memory_space<vmem>> -> memref<64x128xf32, #tpu.memory_space<vmem>>
      %dma_wait3A_155 = arith.constant 0 : i32
      %dma_wait3A_156 = tpu.memref_slice %arg6[%dma_wait3A_148, %dma_wait3A_155] : memref<40x64xi32, #tpu.memory_space<vmem>> -> memref<1x64xi32, #tpu.memory_space<vmem>>
      %dma_wait3A_157 = tpu.memref_squeeze %dma_wait3A_156 : memref<1x64xi32, #tpu.memory_space<vmem>> -> memref<64xi32, #tpu.memory_space<vmem>>
      %dma_wait3A_158 = arith.constant 0 : i32
      %dma_wait3A_159 = arith.constant 0 : i32
      %dma_wait3A_160 = tpu.memref_slice %arg2[%dma_wait3A_158, %dma_wait3A_159] : memref<10240x128xf32, #tpu.memory_space<hbm>> -> memref<10240x128xf32, #tpu.memory_space<hbm>>
      %dma_wait3A_161 = tpu.memref_slice %arg10[%dma_wait3A_150] : memref<4x!tpu.dma_semaphore, #tpu.memory_space<semaphore_mem>> -> memref<1x!tpu.dma_semaphore, #tpu.memory_space<semaphore_mem>>
      %dma_wait3A_162 = tpu.memref_squeeze %dma_wait3A_161 : memref<1x!tpu.dma_semaphore, #tpu.memory_space<semaphore_mem>> -> memref<!tpu.dma_semaphore, #tpu.memory_space<semaphore_mem>>
      tpu.wait_indirect_dma semaphore(%dma_wait3A_162 : memref<!tpu.dma_semaphore, #tpu.memory_space<semaphore_mem>>) src(%dma_wait3A_160 : memref<10240x128xf32, #tpu.memory_space<hbm>>) dst(%dma_wait3A_154 : memref<64x128xf32, #tpu.memory_space<vmem>>)
      %dma_wait3A_163 = arith.constant 39 : i32
      %dma_wait3A_164 = arith.constant 2 : i32
      %dma_wait3A_165 = arith.constant 2 : i32
      %dma_wait3A_166 = arith.constant 0 : i32
      %dma_wait3A_167 = arith.constant 0 : i32
      %dma_wait3A_168 = tpu.memref_slice %arg8[%dma_wait3A_164, %dma_wait3A_166, %dma_wait3A_167] : memref<4x64x128xf32, #tpu.memory_space<vmem>> -> memref<1x64x128xf32, #tpu.memory_space<vmem>>
      %dma_wait3A_169 = tpu.memref_squeeze %dma_wait3A_168 : memref<1x64x128xf32, #tpu.memory_space<vmem>> -> memref<64x128xf32, #tpu.memory_space<vmem>>
      %dma_wait3A_170 = arith.constant 0 : i32
      %dma_wait3A_171 = tpu.memref_slice %arg6[%dma_wait3A_163, %dma_wait3A_170] : memref<40x64xi32, #tpu.memory_space<vmem>> -> memref<1x64xi32, #tpu.memory_space<vmem>>
      %dma_wait3A_172 = tpu.memref_squeeze %dma_wait3A_171 : memref<1x64xi32, #tpu.memory_space<vmem>> -> memref<64xi32, #tpu.memory_space<vmem>>
      %dma_wait3A_173 = arith.constant 0 : i32
      %dma_wait3A_174 = arith.constant 0 : i32
      %dma_wait3A_175 = tpu.memref_slice %arg2[%dma_wait3A_173, %dma_wait3A_174] : memref<10240x128xf32, #tpu.memory_space<hbm>> -> memref<10240x128xf32, #tpu.memory_space<hbm>>
      %dma_wait3A_176 = tpu.memref_slice %arg10[%dma_wait3A_165] : memref<4x!tpu.dma_semaphore, #tpu.memory_space<semaphore_mem>> -> memref<1x!tpu.dma_semaphore, #tpu.memory_space<semaphore_mem>>
      %dma_wait3A_177 = tpu.memref_squeeze %dma_wait3A_176 : memref<1x!tpu.dma_semaphore, #tpu.memory_space<semaphore_mem>> -> memref<!tpu.dma_semaphore, #tpu.memory_space<semaphore_mem>>
      tpu.wait_indirect_dma semaphore(%dma_wait3A_177 : memref<!tpu.dma_semaphore, #tpu.memory_space<semaphore_mem>>) src(%dma_wait3A_175 : memref<10240x128xf32, #tpu.memory_space<hbm>>) dst(%dma_wait3A_169 : memref<64x128xf32, #tpu.memory_space<vmem>>)
      %dma_wait3A_178 = arith.constant 39 : i32
      %dma_wait3A_179 = arith.constant 3 : i32
      %dma_wait3A_180 = arith.constant 3 : i32
      %dma_wait3A_181 = arith.constant 0 : i32
      %dma_wait3A_182 = arith.constant 0 : i32
      %dma_wait3A_183 = tpu.memref_slice %arg8[%dma_wait3A_179, %dma_wait3A_181, %dma_wait3A_182] : memref<4x64x128xf32, #tpu.memory_space<vmem>> -> memref<1x64x128xf32, #tpu.memory_space<vmem>>
      %dma_wait3A_184 = tpu.memref_squeeze %dma_wait3A_183 : memref<1x64x128xf32, #tpu.memory_space<vmem>> -> memref<64x128xf32, #tpu.memory_space<vmem>>
      %dma_wait3A_185 = arith.constant 0 : i32
      %dma_wait3A_186 = tpu.memref_slice %arg6[%dma_wait3A_178, %dma_wait3A_185] : memref<40x64xi32, #tpu.memory_space<vmem>> -> memref<1x64xi32, #tpu.memory_space<vmem>>
      %dma_wait3A_187 = tpu.memref_squeeze %dma_wait3A_186 : memref<1x64xi32, #tpu.memory_space<vmem>> -> memref<64xi32, #tpu.memory_space<vmem>>
      %dma_wait3A_188 = arith.constant 0 : i32
      %dma_wait3A_189 = arith.constant 0 : i32
      %dma_wait3A_190 = tpu.memref_slice %arg2[%dma_wait3A_188, %dma_wait3A_189] : memref<10240x128xf32, #tpu.memory_space<hbm>> -> memref<10240x128xf32, #tpu.memory_space<hbm>>
      %dma_wait3A_191 = tpu.memref_slice %arg10[%dma_wait3A_180] : memref<4x!tpu.dma_semaphore, #tpu.memory_space<semaphore_mem>> -> memref<1x!tpu.dma_semaphore, #tpu.memory_space<semaphore_mem>>
      %dma_wait3A_192 = tpu.memref_squeeze %dma_wait3A_191 : memref<1x!tpu.dma_semaphore, #tpu.memory_space<semaphore_mem>> -> memref<!tpu.dma_semaphore, #tpu.memory_space<semaphore_mem>>
      tpu.wait_indirect_dma semaphore(%dma_wait3A_192 : memref<!tpu.dma_semaphore, #tpu.memory_space<semaphore_mem>>) src(%dma_wait3A_190 : memref<10240x128xf32, #tpu.memory_space<hbm>>) dst(%dma_wait3A_184 : memref<64x128xf32, #tpu.memory_space<vmem>>)
    }
    %barrier3A_62 = arith.constant 0 : index
    tpu.barrier barrier_id(%barrier3A_62)
    %mul3A_63 = arith.constant 10240 : i32
    %mul3A_64 = arith.muli %arg0, %mul3A_63 : i32
    %add3A_65 = arith.addi %mul3A_64, %mul3A_0 : i32
    "tpu.region"() ({
      %run_scoped3A_66 = tpu.sem_alloc : memref<!tpu.dma_semaphore, #tpu.memory_space<semaphore_mem>>
      %dma_start3A = arith.constant 0 : i32
      %dma_start3A_67 = tpu.memref_slice %arg5[%add3A_65, %dma_start3A] : memref<20480x128xf32, #tpu.memory_space<hbm>> -> memref<640x128xf32, #tpu.memory_space<hbm>>
      %dma_start3A_68 = arith.constant 0 : i32
      %dma_start3A_69 = tpu.memref_slice %arg9[%mul3A_0, %dma_start3A_68] : memref<10240x128xf32, #tpu.memory_space<vmem_shared>> -> memref<640x128xf32, #tpu.memory_space<vmem_shared>>
      tpu.enqueue_dma source(%dma_start3A_69 : memref<640x128xf32, #tpu.memory_space<vmem_shared>>) target(%dma_start3A_67 : memref<640x128xf32, #tpu.memory_space<hbm>>) target_semaphore(%run_scoped3A_66 : memref<!tpu.dma_semaphore, #tpu.memory_space<semaphore_mem>>)
      %dma_wait3A = arith.constant 0 : i32
      %dma_wait3A_70 = tpu.memref_slice %arg5[%add3A_65, %dma_wait3A] : memref<20480x128xf32, #tpu.memory_space<hbm>> -> memref<640x128xf32, #tpu.memory_space<hbm>>
      %dma_wait3A_71 = arith.constant 0 : i32
      %dma_wait3A_72 = tpu.memref_slice %arg9[%mul3A_0, %dma_wait3A_71] : memref<10240x128xf32, #tpu.memory_space<vmem_shared>> -> memref<640x128xf32, #tpu.memory_space<vmem_shared>>
      tpu.wait_dma2 semaphore(%run_scoped3A_66 : memref<!tpu.dma_semaphore, #tpu.memory_space<semaphore_mem>>) src(%dma_wait3A_72 : memref<640x128xf32, #tpu.memory_space<vmem_shared>>) dst(%dma_wait3A_70 : memref<640x128xf32, #tpu.memory_space<hbm>>)
      tpu.yield
    }) : () -> ()
    return
  }
}

module attributes {stable_mosaic.version = 14 : i64} {
  func.func @_tc_gcn_run(%arg0: i32, %arg1: memref<1024x128xf32, #tpu.memory_space<vmem>>, %arg2: memref<1024x128xf32, #tpu.memory_space<vmem>>, %arg3: memref<1x128xf32, #tpu.memory_space<vmem>>, %arg4: memref<128x128xf32, #tpu.memory_space<vmem>>, %arg5: memref<1024x128xf32, #tpu.memory_space<vmem>>) attributes {dimension_semantics = [#tpu.dimension_semantics<arbitrary>], iteration_bounds = array<i64: 10>, scalar_prefetch = 0 : i64, scratch_operands = 0 : i64, tpu.core_type = #tpu.core_type<tc>, window_params = [{transform_indices = @transform_0, window_bounds = array<i64: 1024, 128>}, {transform_indices = @transform_1, window_bounds = array<i64: 1024, 128>}, {pipeline_mode = #tpu.pipeline_mode<synchronous>, transform_indices = @transform_2, window_bounds = array<i64: 1, 128>}, {pipeline_mode = #tpu.pipeline_mode<synchronous>, transform_indices = @transform_3, window_bounds = array<i64: 128, 128>}, {transform_indices = @transform_4, window_bounds = array<i64: 1024, 128>}]} {
    %get3A = arith.constant 0 : index
    %get3A_0 = arith.constant 0 : index
    %get3A_1 = vector.load %arg1[%get3A, %get3A_0] : memref<1024x128xf32, #tpu.memory_space<vmem>>, vector<1024x128xf32>
    %get3A_2 = arith.constant 0 : index
    %get3A_3 = arith.constant 0 : index
    %get3A_4 = vector.load %arg2[%get3A_2, %get3A_3] : memref<1024x128xf32, #tpu.memory_space<vmem>>, vector<1024x128xf32>
    %add3A = arith.addf %get3A_1, %get3A_4 : vector<1024x128xf32>
    %get3A_5 = arith.constant 0 : index
    %get3A_6 = arith.constant 0 : index
    %get3A_7 = vector.load %arg4[%get3A_5, %get3A_6] : memref<128x128xf32, #tpu.memory_space<vmem>>, vector<128x128xf32>
    %dot_general3A = arith.constant dense<0.000000e+00> : vector<1024x128xf32>
    %dot_general3A_8 = tpu.matmul %add3A, %get3A_7, %dot_general3A {dimension_numbers = #tpu.dot_dimension_numbers<[1], [0], [0], [1], [0, 0, 1, 1], [], []>, transpose_lhs_hint = false} : vector<1024x128xf32>, vector<128x128xf32>, vector<1024x128xf32> -> vector<1024x128xf32>
    %get3A_9 = arith.constant 0 : index
    %get3A_10 = arith.constant 0 : index
    %get3A_11 = vector.load %arg3[%get3A_9, %get3A_10] : memref<1x128xf32, #tpu.memory_space<vmem>>, vector<1x128xf32>
    %add3A_12 = vector.broadcast %get3A_11 : vector<1x128xf32> to vector<1024x128xf32>
    %add3A_13 = arith.addf %dot_general3A_8, %add3A_12 : vector<1024x128xf32>
    %max3A = arith.constant 0.000000e+00 : f32
    %max3A_14 = vector.broadcast %max3A : f32 to vector<1024x128xf32>
    %max3A_15 = arith.maximumf %add3A_13, %max3A_14 : vector<1024x128xf32>
    %swap3A = arith.constant 0 : index
    %swap3A_16 = arith.constant 0 : index
    %swap3A_17 = vector.load %arg5[%swap3A, %swap3A_16] : memref<1024x128xf32, #tpu.memory_space<vmem>>, vector<1024x128xf32>
    tpu.vector_store %arg5[%swap3A, %swap3A_16], %max3A_15 {strides = array<i32>} : memref<1024x128xf32, #tpu.memory_space<vmem>>, vector<1024x128xf32>,
    return
  }
  func.func @transform_0(%arg0: i32) -> (i32, i32) {
    %c0_i32 = arith.constant 0 : i32
    %c0_i32_0 = arith.constant 0 : i32
    return %arg0, %c0_i32 : i32, i32
  }
  func.func @transform_1(%arg0: i32) -> (i32, i32) {
    %add3A = arith.constant 10 : i32
    %add3A_0 = arith.addi %arg0, %add3A : i32
    %c0_i32 = arith.constant 0 : i32
    %c0_i32_1 = arith.constant 0 : i32
    return %add3A_0, %c0_i32 : i32, i32
  }
  func.func @transform_2(%arg0: i32) -> (i32, i32) {
    %c0_i32 = arith.constant 0 : i32
    %c0_i32_0 = arith.constant 0 : i32
    %c0_i32_1 = arith.constant 0 : i32
    return %c0_i32, %c0_i32_0 : i32, i32
  }
  func.func @transform_3(%arg0: i32) -> (i32, i32) {
    %c0_i32 = arith.constant 0 : i32
    %c0_i32_0 = arith.constant 0 : i32
    %c0_i32_1 = arith.constant 0 : i32
    return %c0_i32, %c0_i32_0 : i32, i32
  }
  func.func @transform_4(%arg0: i32) -> (i32, i32) {
    %c0_i32 = arith.constant 0 : i32
    %c0_i32_0 = arith.constant 0 : i32
    return %arg0, %c0_i32 : i32, i32
  }
}

module attributes {stable_mosaic.version = 14 : i64} {
  func.func @_tc_gcn_run(%arg0: i32, %arg1: memref<1024x128xf32, #tpu.memory_space<vmem>>, %arg2: memref<1024x128xf32, #tpu.memory_space<vmem>>, %arg3: memref<1x128xf32, #tpu.memory_space<vmem>>, %arg4: memref<128x128xf32, #tpu.memory_space<vmem>>, %arg5: memref<1024x128xf32, #tpu.memory_space<vmem>>) attributes {dimension_semantics = [#tpu.dimension_semantics<arbitrary>], iteration_bounds = array<i64: 10>, scalar_prefetch = 0 : i64, scratch_operands = 0 : i64, tpu.core_type = #tpu.core_type<tc>, window_params = [{transform_indices = @transform_0, window_bounds = array<i64: 1024, 128>}, {transform_indices = @transform_1, window_bounds = array<i64: 1024, 128>}, {pipeline_mode = #tpu.pipeline_mode<synchronous>, transform_indices = @transform_2, window_bounds = array<i64: 1, 128>}, {pipeline_mode = #tpu.pipeline_mode<synchronous>, transform_indices = @transform_3, window_bounds = array<i64: 128, 128>}, {transform_indices = @transform_4, window_bounds = array<i64: 1024, 128>}]} {
    %get3A = arith.constant 0 : index
    %get3A_0 = arith.constant 0 : index
    %get3A_1 = vector.load %arg1[%get3A, %get3A_0] : memref<1024x128xf32, #tpu.memory_space<vmem>>, vector<1024x128xf32>
    %get3A_2 = arith.constant 0 : index
    %get3A_3 = arith.constant 0 : index
    %get3A_4 = vector.load %arg2[%get3A_2, %get3A_3] : memref<1024x128xf32, #tpu.memory_space<vmem>>, vector<1024x128xf32>
    %add3A = arith.addf %get3A_1, %get3A_4 : vector<1024x128xf32>
    %get3A_5 = arith.constant 0 : index
    %get3A_6 = arith.constant 0 : index
    %get3A_7 = vector.load %arg4[%get3A_5, %get3A_6] : memref<128x128xf32, #tpu.memory_space<vmem>>, vector<128x128xf32>
    %dot_general3A = arith.constant dense<0.000000e+00> : vector<1024x128xf32>
    %dot_general3A_8 = tpu.matmul %add3A, %get3A_7, %dot_general3A {dimension_numbers = #tpu.dot_dimension_numbers<[1], [0], [0], [1], [0, 0, 1, 1], [], []>, transpose_lhs_hint = false} : vector<1024x128xf32>, vector<128x128xf32>, vector<1024x128xf32> -> vector<1024x128xf32>
    %get3A_9 = arith.constant 0 : index
    %get3A_10 = arith.constant 0 : index
    %get3A_11 = vector.load %arg3[%get3A_9, %get3A_10] : memref<1x128xf32, #tpu.memory_space<vmem>>, vector<1x128xf32>
    %add3A_12 = vector.broadcast %get3A_11 : vector<1x128xf32> to vector<1024x128xf32>
    %add3A_13 = arith.addf %dot_general3A_8, %add3A_12 : vector<1024x128xf32>
    %swap3A = arith.constant 0 : index
    %swap3A_14 = arith.constant 0 : index
    %swap3A_15 = vector.load %arg5[%swap3A, %swap3A_14] : memref<1024x128xf32, #tpu.memory_space<vmem>>, vector<1024x128xf32>
    tpu.vector_store %arg5[%swap3A, %swap3A_14], %add3A_13 {strides = array<i32>} : memref<1024x128xf32, #tpu.memory_space<vmem>>, vector<1024x128xf32>,
    return
  }
  func.func @transform_0(%arg0: i32) -> (i32, i32) {
    %c0_i32 = arith.constant 0 : i32
    %c0_i32_0 = arith.constant 0 : i32
    return %arg0, %c0_i32 : i32, i32
  }
  func.func @transform_1(%arg0: i32) -> (i32, i32) {
    %add3A = arith.constant 10 : i32
    %add3A_0 = arith.addi %arg0, %add3A : i32
    %c0_i32 = arith.constant 0 : i32
    %c0_i32_1 = arith.constant 0 : i32
    return %add3A_0, %c0_i32 : i32, i32
  }
  func.func @transform_2(%arg0: i32) -> (i32, i32) {
    %c0_i32 = arith.constant 0 : i32
    %c0_i32_0 = arith.constant 0 : i32
    %c0_i32_1 = arith.constant 0 : i32
    return %c0_i32, %c0_i32_0 : i32, i32
  }
  func.func @transform_3(%arg0: i32) -> (i32, i32) {
    %c0_i32 = arith.constant 0 : i32
    %c0_i32_0 = arith.constant 0 : i32
    %c0_i32_1 = arith.constant 0 : i32
    return %c0_i32, %c0_i32_0 : i32, i32
  }
  func.func @transform_4(%arg0: i32) -> (i32, i32) {
    %c0_i32 = arith.constant 0 : i32
    %c0_i32_0 = arith.constant 0 : i32
    return %arg0, %c0_i32 : i32, i32
  }
}

module attributes {stable_mosaic.version = 14 : i64} {
  func.func @_tc_head_body(%arg0: i32, %arg1: memref<5120x128xf32, #tpu.memory_space<vmem>>, %arg2: memref<512x32xf32, #tpu.memory_space<vmem>>, %arg3: memref<10x128x256xf32, #tpu.memory_space<vmem>>, %arg4: memref<32x256xf32, #tpu.memory_space<vmem>>, %arg5: memref<1x256xf32, #tpu.memory_space<vmem>>, %arg6: memref<256x1xf32, #tpu.memory_space<vmem>>, %arg7: memref<1x1xf32, #tpu.memory_space<vmem>>, %arg8: memref<512x1xf32, #tpu.memory_space<vmem>>) attributes {dimension_semantics = [#tpu.dimension_semantics<arbitrary>], iteration_bounds = array<i64: 8>, scalar_prefetch = 0 : i64, scratch_operands = 0 : i64, tpu.core_type = #tpu.core_type<tc>, window_params = [{transform_indices = @transform_0, window_bounds = array<i64: 5120, 128>}, {transform_indices = @transform_1, window_bounds = array<i64: 512, 32>}, {pipeline_mode = #tpu.pipeline_mode<synchronous>, transform_indices = @transform_2, window_bounds = array<i64: 10, 128, 256>}, {pipeline_mode = #tpu.pipeline_mode<synchronous>, transform_indices = @transform_3, window_bounds = array<i64: 32, 256>}, {pipeline_mode = #tpu.pipeline_mode<synchronous>, transform_indices = @transform_4, window_bounds = array<i64: 1, 256>}, {pipeline_mode = #tpu.pipeline_mode<synchronous>, transform_indices = @transform_5, window_bounds = array<i64: 256, 1>}, {pipeline_mode = #tpu.pipeline_mode<synchronous>, transform_indices = @transform_6, window_bounds = array<i64: 1, 1>}, {transform_indices = @transform_7, window_bounds = array<i64: 512, 1>}]} {
    %get3A = arith.constant 0 : index
    %get3A_0 = arith.constant 0 : index
    %get3A_1 = vector.load %arg1[%get3A, %get3A_0] : memref<5120x128xf32, #tpu.memory_space<vmem>>, vector<5120x128xf32>
    %reshape3A = vector.shape_cast %get3A_1 : vector<5120x128xf32> to vector<512x10x128xf32>
    %get3A_2 = arith.constant 0 : index
    %get3A_3 = arith.constant 0 : index
    %get3A_4 = vector.load %arg2[%get3A_2, %get3A_3] : memref<512x32xf32, #tpu.memory_space<vmem>>, vector<512x32xf32>
    %get3A_5 = arith.constant 0 : index
    %get3A_6 = arith.constant 0 : index
    %get3A_7 = vector.load %arg4[%get3A_5, %get3A_6] : memref<32x256xf32, #tpu.memory_space<vmem>>, vector<32x256xf32>
    %dot_general3A = arith.constant dense<0.000000e+00> : vector<512x256xf32>
    %dot_general3A_8 = tpu.matmul %get3A_4, %get3A_7, %dot_general3A {dimension_numbers = #tpu.dot_dimension_numbers<[1], [0], [0], [1], [0, 0, 1, 1], [], []>, transpose_lhs_hint = false} : vector<512x32xf32>, vector<32x256xf32>, vector<512x256xf32> -> vector<512x256xf32>
    %slice3A = vector.extract_strided_slice %reshape3A {offsets = [0, 0, 0], sizes = [512, 1, 128], strides = [1, 1, 1]} : vector<512x10x128xf32> to vector<512x1x128xf32>
    %squeeze3A = vector.shape_cast %slice3A : vector<512x1x128xf32> to vector<512x128xf32>
    %get3A_9 = arith.constant 0 : index
    %get3A_10 = arith.constant 0 : index
    %get3A_11 = arith.constant 0 : index
    %get3A_12 = vector.load %arg3[%get3A_9, %get3A_10, %get3A_11] : memref<10x128x256xf32, #tpu.memory_space<vmem>>, vector<1x128x256xf32>
    %get3A_13 = vector.shape_cast %get3A_12 : vector<1x128x256xf32> to vector<128x256xf32>
    %dot_general3A_14 = arith.constant dense<0.000000e+00> : vector<512x256xf32>
    %dot_general3A_15 = tpu.matmul %squeeze3A, %get3A_13, %dot_general3A_14 {dimension_numbers = #tpu.dot_dimension_numbers<[1], [0], [0], [1], [0, 0, 1, 1], [], []>, transpose_lhs_hint = false} : vector<512x128xf32>, vector<128x256xf32>, vector<512x256xf32> -> vector<512x256xf32>
    %add3A = arith.addf %dot_general3A_8, %dot_general3A_15 : vector<512x256xf32>
    %slice3A_16 = vector.extract_strided_slice %reshape3A {offsets = [0, 1, 0], sizes = [512, 1, 128], strides = [1, 1, 1]} : vector<512x10x128xf32> to vector<512x1x128xf32>
    %squeeze3A_17 = vector.shape_cast %slice3A_16 : vector<512x1x128xf32> to vector<512x128xf32>
    %get3A_18 = arith.constant 1 : index
    %get3A_19 = arith.constant 0 : index
    %get3A_20 = arith.constant 0 : index
    %get3A_21 = vector.load %arg3[%get3A_18, %get3A_19, %get3A_20] : memref<10x128x256xf32, #tpu.memory_space<vmem>>, vector<1x128x256xf32>
    %get3A_22 = vector.shape_cast %get3A_21 : vector<1x128x256xf32> to vector<128x256xf32>
    %dot_general3A_23 = arith.constant dense<0.000000e+00> : vector<512x256xf32>
    %dot_general3A_24 = tpu.matmul %squeeze3A_17, %get3A_22, %dot_general3A_23 {dimension_numbers = #tpu.dot_dimension_numbers<[1], [0], [0], [1], [0, 0, 1, 1], [], []>, transpose_lhs_hint = false} : vector<512x128xf32>, vector<128x256xf32>, vector<512x256xf32> -> vector<512x256xf32>
    %add3A_25 = arith.addf %add3A, %dot_general3A_24 : vector<512x256xf32>
    %slice3A_26 = vector.extract_strided_slice %reshape3A {offsets = [0, 2, 0], sizes = [512, 1, 128], strides = [1, 1, 1]} : vector<512x10x128xf32> to vector<512x1x128xf32>
    %squeeze3A_27 = vector.shape_cast %slice3A_26 : vector<512x1x128xf32> to vector<512x128xf32>
    %get3A_28 = arith.constant 2 : index
    %get3A_29 = arith.constant 0 : index
    %get3A_30 = arith.constant 0 : index
    %get3A_31 = vector.load %arg3[%get3A_28, %get3A_29, %get3A_30] : memref<10x128x256xf32, #tpu.memory_space<vmem>>, vector<1x128x256xf32>
    %get3A_32 = vector.shape_cast %get3A_31 : vector<1x128x256xf32> to vector<128x256xf32>
    %dot_general3A_33 = arith.constant dense<0.000000e+00> : vector<512x256xf32>
    %dot_general3A_34 = tpu.matmul %squeeze3A_27, %get3A_32, %dot_general3A_33 {dimension_numbers = #tpu.dot_dimension_numbers<[1], [0], [0], [1], [0, 0, 1, 1], [], []>, transpose_lhs_hint = false} : vector<512x128xf32>, vector<128x256xf32>, vector<512x256xf32> -> vector<512x256xf32>
    %add3A_35 = arith.addf %add3A_25, %dot_general3A_34 : vector<512x256xf32>
    %slice3A_36 = vector.extract_strided_slice %reshape3A {offsets = [0, 3, 0], sizes = [512, 1, 128], strides = [1, 1, 1]} : vector<512x10x128xf32> to vector<512x1x128xf32>
    %squeeze3A_37 = vector.shape_cast %slice3A_36 : vector<512x1x128xf32> to vector<512x128xf32>
    %get3A_38 = arith.constant 3 : index
    %get3A_39 = arith.constant 0 : index
    %get3A_40 = arith.constant 0 : index
    %get3A_41 = vector.load %arg3[%get3A_38, %get3A_39, %get3A_40] : memref<10x128x256xf32, #tpu.memory_space<vmem>>, vector<1x128x256xf32>
    %get3A_42 = vector.shape_cast %get3A_41 : vector<1x128x256xf32> to vector<128x256xf32>
    %dot_general3A_43 = arith.constant dense<0.000000e+00> : vector<512x256xf32>
    %dot_general3A_44 = tpu.matmul %squeeze3A_37, %get3A_42, %dot_general3A_43 {dimension_numbers = #tpu.dot_dimension_numbers<[1], [0], [0], [1], [0, 0, 1, 1], [], []>, transpose_lhs_hint = false} : vector<512x128xf32>, vector<128x256xf32>, vector<512x256xf32> -> vector<512x256xf32>
    %add3A_45 = arith.addf %add3A_35, %dot_general3A_44 : vector<512x256xf32>
    %slice3A_46 = vector.extract_strided_slice %reshape3A {offsets = [0, 4, 0], sizes = [512, 1, 128], strides = [1, 1, 1]} : vector<512x10x128xf32> to vector<512x1x128xf32>
    %squeeze3A_47 = vector.shape_cast %slice3A_46 : vector<512x1x128xf32> to vector<512x128xf32>
    %get3A_48 = arith.constant 4 : index
    %get3A_49 = arith.constant 0 : index
    %get3A_50 = arith.constant 0 : index
    %get3A_51 = vector.load %arg3[%get3A_48, %get3A_49, %get3A_50] : memref<10x128x256xf32, #tpu.memory_space<vmem>>, vector<1x128x256xf32>
    %get3A_52 = vector.shape_cast %get3A_51 : vector<1x128x256xf32> to vector<128x256xf32>
    %dot_general3A_53 = arith.constant dense<0.000000e+00> : vector<512x256xf32>
    %dot_general3A_54 = tpu.matmul %squeeze3A_47, %get3A_52, %dot_general3A_53 {dimension_numbers = #tpu.dot_dimension_numbers<[1], [0], [0], [1], [0, 0, 1, 1], [], []>, transpose_lhs_hint = false} : vector<512x128xf32>, vector<128x256xf32>, vector<512x256xf32> -> vector<512x256xf32>
    %add3A_55 = arith.addf %add3A_45, %dot_general3A_54 : vector<512x256xf32>
    %slice3A_56 = vector.extract_strided_slice %reshape3A {offsets = [0, 5, 0], sizes = [512, 1, 128], strides = [1, 1, 1]} : vector<512x10x128xf32> to vector<512x1x128xf32>
    %squeeze3A_57 = vector.shape_cast %slice3A_56 : vector<512x1x128xf32> to vector<512x128xf32>
    %get3A_58 = arith.constant 5 : index
    %get3A_59 = arith.constant 0 : index
    %get3A_60 = arith.constant 0 : index
    %get3A_61 = vector.load %arg3[%get3A_58, %get3A_59, %get3A_60] : memref<10x128x256xf32, #tpu.memory_space<vmem>>, vector<1x128x256xf32>
    %get3A_62 = vector.shape_cast %get3A_61 : vector<1x128x256xf32> to vector<128x256xf32>
    %dot_general3A_63 = arith.constant dense<0.000000e+00> : vector<512x256xf32>
    %dot_general3A_64 = tpu.matmul %squeeze3A_57, %get3A_62, %dot_general3A_63 {dimension_numbers = #tpu.dot_dimension_numbers<[1], [0], [0], [1], [0, 0, 1, 1], [], []>, transpose_lhs_hint = false} : vector<512x128xf32>, vector<128x256xf32>, vector<512x256xf32> -> vector<512x256xf32>
    %add3A_65 = arith.addf %add3A_55, %dot_general3A_64 : vector<512x256xf32>
    %slice3A_66 = vector.extract_strided_slice %reshape3A {offsets = [0, 6, 0], sizes = [512, 1, 128], strides = [1, 1, 1]} : vector<512x10x128xf32> to vector<512x1x128xf32>
    %squeeze3A_67 = vector.shape_cast %slice3A_66 : vector<512x1x128xf32> to vector<512x128xf32>
    %get3A_68 = arith.constant 6 : index
    %get3A_69 = arith.constant 0 : index
    %get3A_70 = arith.constant 0 : index
    %get3A_71 = vector.load %arg3[%get3A_68, %get3A_69, %get3A_70] : memref<10x128x256xf32, #tpu.memory_space<vmem>>, vector<1x128x256xf32>
    %get3A_72 = vector.shape_cast %get3A_71 : vector<1x128x256xf32> to vector<128x256xf32>
    %dot_general3A_73 = arith.constant dense<0.000000e+00> : vector<512x256xf32>
    %dot_general3A_74 = tpu.matmul %squeeze3A_67, %get3A_72, %dot_general3A_73 {dimension_numbers = #tpu.dot_dimension_numbers<[1], [0], [0], [1], [0, 0, 1, 1], [], []>, transpose_lhs_hint = false} : vector<512x128xf32>, vector<128x256xf32>, vector<512x256xf32> -> vector<512x256xf32>
    %add3A_75 = arith.addf %add3A_65, %dot_general3A_74 : vector<512x256xf32>
    %slice3A_76 = vector.extract_strided_slice %reshape3A {offsets = [0, 7, 0], sizes = [512, 1, 128], strides = [1, 1, 1]} : vector<512x10x128xf32> to vector<512x1x128xf32>
    %squeeze3A_77 = vector.shape_cast %slice3A_76 : vector<512x1x128xf32> to vector<512x128xf32>
    %get3A_78 = arith.constant 7 : index
    %get3A_79 = arith.constant 0 : index
    %get3A_80 = arith.constant 0 : index
    %get3A_81 = vector.load %arg3[%get3A_78, %get3A_79, %get3A_80] : memref<10x128x256xf32, #tpu.memory_space<vmem>>, vector<1x128x256xf32>
    %get3A_82 = vector.shape_cast %get3A_81 : vector<1x128x256xf32> to vector<128x256xf32>
    %dot_general3A_83 = arith.constant dense<0.000000e+00> : vector<512x256xf32>
    %dot_general3A_84 = tpu.matmul %squeeze3A_77, %get3A_82, %dot_general3A_83 {dimension_numbers = #tpu.dot_dimension_numbers<[1], [0], [0], [1], [0, 0, 1, 1], [], []>, transpose_lhs_hint = false} : vector<512x128xf32>, vector<128x256xf32>, vector<512x256xf32> -> vector<512x256xf32>
    %add3A_85 = arith.addf %add3A_75, %dot_general3A_84 : vector<512x256xf32>
    %slice3A_86 = vector.extract_strided_slice %reshape3A {offsets = [0, 8, 0], sizes = [512, 1, 128], strides = [1, 1, 1]} : vector<512x10x128xf32> to vector<512x1x128xf32>
    %squeeze3A_87 = vector.shape_cast %slice3A_86 : vector<512x1x128xf32> to vector<512x128xf32>
    %get3A_88 = arith.constant 8 : index
    %get3A_89 = arith.constant 0 : index
    %get3A_90 = arith.constant 0 : index
    %get3A_91 = vector.load %arg3[%get3A_88, %get3A_89, %get3A_90] : memref<10x128x256xf32, #tpu.memory_space<vmem>>, vector<1x128x256xf32>
    %get3A_92 = vector.shape_cast %get3A_91 : vector<1x128x256xf32> to vector<128x256xf32>
    %dot_general3A_93 = arith.constant dense<0.000000e+00> : vector<512x256xf32>
    %dot_general3A_94 = tpu.matmul %squeeze3A_87, %get3A_92, %dot_general3A_93 {dimension_numbers = #tpu.dot_dimension_numbers<[1], [0], [0], [1], [0, 0, 1, 1], [], []>, transpose_lhs_hint = false} : vector<512x128xf32>, vector<128x256xf32>, vector<512x256xf32> -> vector<512x256xf32>
    %add3A_95 = arith.addf %add3A_85, %dot_general3A_94 : vector<512x256xf32>
    %slice3A_96 = vector.extract_strided_slice %reshape3A {offsets = [0, 9, 0], sizes = [512, 1, 128], strides = [1, 1, 1]} : vector<512x10x128xf32> to vector<512x1x128xf32>
    %squeeze3A_97 = vector.shape_cast %slice3A_96 : vector<512x1x128xf32> to vector<512x128xf32>
    %get3A_98 = arith.constant 9 : index
    %get3A_99 = arith.constant 0 : index
    %get3A_100 = arith.constant 0 : index
    %get3A_101 = vector.load %arg3[%get3A_98, %get3A_99, %get3A_100] : memref<10x128x256xf32, #tpu.memory_space<vmem>>, vector<1x128x256xf32>
    %get3A_102 = vector.shape_cast %get3A_101 : vector<1x128x256xf32> to vector<128x256xf32>
    %dot_general3A_103 = arith.constant dense<0.000000e+00> : vector<512x256xf32>
    %dot_general3A_104 = tpu.matmul %squeeze3A_97, %get3A_102, %dot_general3A_103 {dimension_numbers = #tpu.dot_dimension_numbers<[1], [0], [0], [1], [0, 0, 1, 1], [], []>, transpose_lhs_hint = false} : vector<512x128xf32>, vector<128x256xf32>, vector<512x256xf32> -> vector<512x256xf32>
    %add3A_105 = arith.addf %add3A_95, %dot_general3A_104 : vector<512x256xf32>
    %get3A_106 = arith.constant 0 : index
    %get3A_107 = arith.constant 0 : index
    %get3A_108 = vector.load %arg5[%get3A_106, %get3A_107] : memref<1x256xf32, #tpu.memory_space<vmem>>, vector<1x256xf32>
    %add3A_109 = vector.broadcast %get3A_108 : vector<1x256xf32> to vector<512x256xf32>
    %add3A_110 = arith.addf %add3A_105, %add3A_109 : vector<512x256xf32>
    %max3A = arith.constant 0.000000e+00 : f32
    %max3A_111 = vector.broadcast %max3A : f32 to vector<512x256xf32>
    %max3A_112 = arith.maximumf %add3A_110, %max3A_111 : vector<512x256xf32>
    %get3A_113 = arith.constant 0 : index
    %get3A_114 = arith.constant 0 : index
    %get3A_115 = vector.load %arg6[%get3A_113, %get3A_114] : memref<256x1xf32, #tpu.memory_space<vmem>>, vector<256x1xf32>
    %dot_general3A_116 = arith.constant dense<0.000000e+00> : vector<512x1xf32>
    %dot_general3A_117 = tpu.matmul %max3A_112, %get3A_115, %dot_general3A_116 {dimension_numbers = #tpu.dot_dimension_numbers<[1], [0], [0], [1], [0, 0, 1, 1], [], []>, transpose_lhs_hint = false} : vector<512x256xf32>, vector<256x1xf32>, vector<512x1xf32> -> vector<512x1xf32>
    %get3A_118 = arith.constant 0 : index
    %get3A_119 = arith.constant 0 : index
    %get3A_120 = vector.load %arg7[%get3A_118, %get3A_119] : memref<1x1xf32, #tpu.memory_space<vmem>>, vector<1x1xf32>
    %add3A_121 = vector.broadcast %get3A_120 : vector<1x1xf32> to vector<512x1xf32>
    %add3A_122 = arith.addf %dot_general3A_117, %add3A_121 : vector<512x1xf32>
    %swap3A = arith.constant 0 : index
    %swap3A_123 = arith.constant 0 : index
    %swap3A_124 = vector.load %arg8[%swap3A, %swap3A_123] : memref<512x1xf32, #tpu.memory_space<vmem>>, vector<512x1xf32>
    tpu.vector_store %arg8[%swap3A, %swap3A_123], %add3A_122 {strides = array<i32>} : memref<512x1xf32, #tpu.memory_space<vmem>>, vector<512x1xf32>,
    return
  }
  func.func @transform_0(%arg0: i32) -> (i32, i32) {
    %c0_i32 = arith.constant 0 : i32
    %c0_i32_0 = arith.constant 0 : i32
    return %arg0, %c0_i32 : i32, i32
  }
  func.func @transform_1(%arg0: i32) -> (i32, i32) {
    %c0_i32 = arith.constant 0 : i32
    %c0_i32_0 = arith.constant 0 : i32
    return %arg0, %c0_i32 : i32, i32
  }
  func.func @transform_2(%arg0: i32) -> (i32, i32, i32) {
    %c0_i32 = arith.constant 0 : i32
    %c0_i32_0 = arith.constant 0 : i32
    %c0_i32_1 = arith.constant 0 : i32
    %c0_i32_2 = arith.constant 0 : i32
    return %c0_i32, %c0_i32_0, %c0_i32_1 : i32, i32, i32
  }
  func.func @transform_3(%arg0: i32) -> (i32, i32) {
    %c0_i32 = arith.constant 0 : i32
    %c0_i32_0 = arith.constant 0 : i32
    %c0_i32_1 = arith.constant 0 : i32
    return %c0_i32, %c0_i32_0 : i32, i32
  }
  func.func @transform_4(%arg0: i32) -> (i32, i32) {
    %c0_i32 = arith.constant 0 : i32
    %c0_i32_0 = arith.constant 0 : i32
    %c0_i32_1 = arith.constant 0 : i32
    return %c0_i32, %c0_i32_0 : i32, i32
  }
  func.func @transform_5(%arg0: i32) -> (i32, i32) {
    %c0_i32 = arith.constant 0 : i32
    %c0_i32_0 = arith.constant 0 : i32
    %c0_i32_1 = arith.constant 0 : i32
    return %c0_i32, %c0_i32_0 : i32, i32
  }
  func.func @transform_6(%arg0: i32) -> (i32, i32) {
    %c0_i32 = arith.constant 0 : i32
    %c0_i32_0 = arith.constant 0 : i32
    %c0_i32_1 = arith.constant 0 : i32
    return %c0_i32, %c0_i32_0 : i32, i32
  }
  func.func @transform_7(%arg0: i32) -> (i32, i32) {
    %c0_i32 = arith.constant 0 : i32
    %c0_i32_0 = arith.constant 0 : i32
    return %arg0, %c0_i32 : i32, i32
  }
}

</mosaic_0001>

<sc_bundles>
// kernel: kernel.11.cloned.1.call-start
scs
__scs_entry_jumppad:
0x0: {  	(pc) =	sbr.rel $0x88, $3  }
0x1: {  	(tag) =	ssettag $0x0;
	lr =	simm.s32 $0x1  }
0x2: {  	[smem:$0x3F95] =	sst lr;
	_ =	strace $0xD0000000  }
0x3: {  	_ = 	snop  }
0x4: {  	_ = 	snop  }
0x5: {  	_ = 	snop  }
0x6: {  	_ = 	snop  }
0x7: {  	_ = 	snop  }
__scs_overlays_trampoline_lowered:
0x8: {  	[smem:$0x3FA4] =	sst s0  }
0x9: {  	[smem:$0x3FA5] =	sst s1  }
0xa: {  	[smem:$0x3FA6] =	sst s2  }
0xb: {  	[smem:$0x3FA7] =	sst s3  }
0xc: {  	[smem:$0x3FA8] =	sst s4  }
0xd: {  	[smem:$0x3FA9] =	sst s5  }
0xe: {  	[smem:$0x3FAA] =	sst s6  }
0xf: {  	[smem:$0x3FAB] =	sst s7  }
0x10: {  	[smem:$0x3FAC] =	sst s8  }
0x11: {  	[smem:$0x3FAD] =	sst s9;
	s0 =	simm.s32 @!p0 $0x0  }
0x12: {  	s1 =	sld [smem:$0x3F93];
	s0 =	simm.s32 @p0 $0x1  }
0x13: {  	[smem:$0x3FAE] =	sst s0;
	s0 =	simm.s32 @!p1 $0x0  }
0x14: {  	s2 =	sld [smem:$0x3F92];
	s0 =	simm.s32 @p1 $0x1  }
0x15: {  	[smem:$0x3FAF] =	sst s0;
	s0 =	simm.s32 @!p2 $0x0  }
0x16: {  	s3 =	sld [smem:$0x3FDB];
	s0 =	simm.s32 @p2 $0x1  }
0x17: {  	s4 =	simm.s32 $0x1BF5;
	[smem:$0x3FB1] =	sst s0  }
0x18: {  	s0 =	sld [smem:$0x3F94];
	_ =	swait.ge [sflag:s4], $0x0  }
0x19: {  	s7 =	sld [smem:$0x3F95]  }
0x1a: {  	s8 =	sadd.s32 $0xFFFFE003, lr  }
0x1b: {  	s9 =	sadd.s32 $0xFFFFFEF7, lr;
	s5 =	simm.s32 $0xFFFFFFFF;
	p2 =	slt.u32 s8, $0xFFFFF086  }
0x1c: {  	p1 =	slt.u32 s9, $0xF7A;
	s5 =	simm.s32 @!p2 $0x0  }
0x1d: {  	s5 =	simm.s32 @p1 $0x1;
	p0 =	seq.s32 s7, s2  }
0x1e: {  	s7 =	smul.u32 @!p0 $0xF7A, s2;
	p2 =	seq.s32 @!p0 s5, $0x0  }
0x1f: {  	s9 =	smul.u32 $0xF7A, s1;
	s8 =	simm.s32 @!p0 $0x1BF5;
	p2 =	por !p2, p0  }
0x20: {  	[sflag:s8] =	ssyncset.s32 @!p0 $0xFFFFF086;
	s6 =	sadd.s32 @!p0 s3, s7;
	s7 =	simm.s32 @!p0 $0x108  }
0x21: {  	s3 =	sadd.s32 s3, s9;
	s6 =	sadd.s32 @!p0 $0x88, s6;
	s7 =	simm.s32 @p2 $0x1082  }
0x22: {  	[simem:s7], [sflag:s8] =	dma.local @!p0 [hbm:s6], $0xF7A  }
0x23: {  	s9 =	sor.u32 $0xD0000000, s2;
	s6 =	simm.s32 $0x108;
	_ =	swait.ge @!p0 [sflag:s8], $0x0  }
0x24: {  	s3 =	sadd.s32 $0x88, s3;
	s6 =	simm.s32 @!p1 $0x1082;
	[sflag:s4] =	ssyncset.s32 $0xFFFFF086  }
0x25: {  	[simem:s6], [sflag:s4] =	dma.local [hbm:s3], $0xF7A  }
0x26: {  	[smem:$0x3F95] =	sst s1;
	(tag) =	ssettag s2;
	_ =	strace s9  }
0x27: {  	s1 =	sld [smem:$0x3FA5]  }
0x28: {  	s2 =	sld [smem:$0x3FA6]  }
0x29: {  	s4 =	sld [smem:$0x3FA8]  }
0x2a: {  	p0 =	seq.s32 s5, $0x0;
	s5 =	sld [smem:$0x3FA9]  }
0x2b: {  	s6 =	sld [smem:$0x3FAA]  }
0x2c: {  	s7 =	sld [smem:$0x3FAB]  }
0x2d: {  	s3 =	simm.s32 $0x108;
	s8 =	sld [smem:$0x3FAC]  }
0x2e: {  	s3 =	simm.s32 @!p0 $0x1082;
	s9 =	sld [smem:$0x3FAD]  }
0x2f: {  	lr =	sadd.s32 s0, s3;
	s0 =	sld [smem:$0x3FA4]  }
0x30: {  	s3 =	sld [smem:$0x3FA7]  }
0x31: {  	[smem:$0x3FB0] =	sst s10  }
0x32: {  	s10 =	sld [smem:$0x3FAE];
	_ =	sdelay $0x3  }
0x33: {  	p0 =	seq.s32 s10, $0x1;
	s10 =	sld [smem:$0x3FB0];
	_ =	sdelay $0x3  }
0x34: {  	[smem:$0x3FB0] =	sst s10  }
0x35: {  	s10 =	sld [smem:$0x3FAF];
	_ =	sdelay $0x3  }
0x36: {  	p1 =	seq.s32 s10, $0x1;
	s10 =	sld [smem:$0x3FB0];
	_ =	sdelay $0x3  }
0x37: {  	[smem:$0x3FB0] =	sst s10  }
0x38: {  	s10 =	sld [smem:$0x3FB1]  }
0x39: {  	_ = 	snop;
	(pc) =	sbr.ind lr, $3  }
0x3a: {  	_ = 	snop  }
0x3b: {  	_ = 	snop  }
0x3c: {  	p2 =	seq.s32 s10, $0x1;
	s10 =	sld [smem:$0x3FB0]  }
0x3d: {  	_ =	shalt  }
0x3e: {  	_ =	shalt  }
0x3f: {  	_ =	shalt  }
0x40: {  	_ =	shalt  }
0x41: {  	_ =	shalt  }
0x42: {  	_ =	shalt  }
0x43: {  	_ =	shalt  }
0x44: {  	_ =	shalt  }
0x45: {  	_ =	shalt  }
0x46: {  	_ =	shalt  }
0x47: {  	_ =	shalt  }
0x48: {  	_ =	shalt  }
0x49: {  	_ =	shalt  }
0x4a: {  	_ =	shalt  }
0x4b: {  	_ =	shalt  }
0x4c: {  	_ =	shalt  }
0x4d: {  	_ =	shalt  }
0x4e: {  	_ =	shalt  }
0x4f: {  	_ =	shalt  }
0x50: {  	_ =	shalt  }
0x51: {  	_ =	shalt  }
0x52: {  	_ =	shalt  }
0x53: {  	_ =	shalt  }
0x54: {  	_ =	shalt  }
0x55: {  	_ =	shalt  }
0x56: {  	_ =	shalt  }
0x57: {  	_ =	shalt  }
0x58: {  	_ =	shalt  }
0x59: {  	_ =	shalt  }
0x5a: {  	_ =	shalt  }
0x5b: {  	_ =	shalt  }
0x5c: {  	_ =	shalt  }
0x5d: {  	_ =	shalt  }
0x5e: {  	_ =	shalt  }
0x5f: {  	_ =	shalt  }
0x60: {  	_ =	shalt  }
0x61: {  	_ =	shalt  }
0x62: {  	_ =	shalt  }
0x63: {  	_ =	shalt  }
0x64: {  	_ =	shalt  }
0x65: {  	_ =	shalt  }
0x66: {  	_ =	shalt  }
0x67: {  	_ =	shalt  }
0x68: {  	_ =	shalt  }
0x69: {  	_ =	shalt  }
0x6a: {  	_ =	shalt  }
0x6b: {  	_ =	shalt  }
0x6c: {  	_ =	shalt  }
0x6d: {  	_ =	shalt  }
0x6e: {  	_ =	shalt  }
0x6f: {  	_ =	shalt  }
0x70: {  	_ =	shalt  }
0x71: {  	_ =	shalt  }
0x72: {  	_ =	shalt  }
0x73: {  	_ =	shalt  }
0x74: {  	_ =	shalt  }
0x75: {  	_ =	shalt  }
0x76: {  	_ =	shalt  }
0x77: {  	_ =	shalt  }
0x78: {  	_ =	shalt  }
0x79: {  	_ =	shalt  }
0x7a: {  	_ =	shalt  }
0x7b: {  	_ =	shalt  }
0x7c: {  	_ =	shalt  }
0x7d: {  	_ =	shalt  }
0x7e: {  	_ =	shalt  }
0x7f: {  	_ =	shalt  }
0x80: {  	_ =	shalt  }
0x81: {  	_ =	shalt  }
0x82: {  	_ =	shalt  }
0x83: {  	_ =	shalt  }
0x84: {  	_ =	shalt  }
0x85: {  	_ =	shalt  }
0x86: {  	_ =	shalt  }
0x87: {  	_ =	shalt  }
.Lfunc_end0:
.L_simem_size_0:
called_computation.1_lowered:
.L_overlay_start_0:
0x88: {  	s2 =	sld [smem:$0x3FD9]  }
0x89: {  	s3 =	sld [smem:$0x3FFE];
	_ =	sdelay $0x1  }
0x8a: {  	s1 =	srdreg.scid  }
0x8b: {  	s0 =	sand.u32 $0x1, s1  }
0x8c: {  	s16 =	sshll.u32 s0, $0xA;
	s2 =	sadd.s32 s3, s2  }
0x8d: {  	s2 =	sadd.s32 s2, s16  }
0x8e: {  	[smem:$0x3FBC] =	sst s2  }
0x8f: {  	_ = 	snop  }
0x90: {  	(tm) =	ssettm $0x1  }
0x91: {  	s17 =	sld [smem:$0x3FFB];
	_ =	sdelay $0x3  }
0x92: {  	_ =	strace s17  }
0x93: {  	s2 =	sld [smem:$0x3FFC];
	_ =	sdelay $0x3  }
0x94: {  	_ =	strace s2  }
0x95: {  	s2 =	sld [smem:$0x3FFD];
	_ =	sdelay $0x3  }
0x96: {  	_ =	strace s2  }
0x97: {  	_ =	strace $0x8FFFFFFF  }
0x98: {  	s18 =	sld [smem:$0x3FDB];
	_ =	sdelay $0x1  }
0x99: {  	s19 =	simm.s32 $_scs_section_size  }
0x9a: {  	s4 =	simm.s32 $_size__tile_overlayer_lowered;
	s5 =	simm.s32 $_tile_overlayer_lowered  }
0x9b: {  	s22 =	simm.s32 $0x1BFF;
	s21 =	sshll.u32 s5, $0x1;
	s2 =	sadd.s32 s19, s18  }
0x9c: {  	s6 =	simm.s32 $0x0;
	s20 =	sshll.u32 s4, $0x1;
	s4 =	sadd.s32 s21, s2  }
0x9d: {  	[timem:s6], [sflag:s22] =	dma.local [hbm:s4], s20  }
0x9e: {  	_ =	swait.ge [sflag:s22], s20  }
0x9f: {  	s3 =	ssub.s32 $0x0, s20;
	[sflag:s22] =	ssyncset.done $0x0  }
0xa0: {  	[sflag:s22] =	ssyncadd.s32 s3;
	_ =	sdelay $0x1  }
0xa1: {  	s23 =	simm.s32 $0x1B8B  }
0xa2: {  	_ =	swait.ge [sflag:s23], $0x1  }
0xa3: {  	[sflag:s23] =	ssyncset.done $0x0  }
0xa4: {  	s25 =	simm.s32 $0x1B8E;
	s24 =	sld [smem:$0x3FFE];
	[sflag:s23] =	ssyncadd.s32 $0xFFFFFFFF  }
0xa5: {  	s26 =	simm.s32 $execute0_lowered;
	[smem:$0x3FD2] =	sst s25  }
0xa6: {  	s4 =	sshll.u32 s26, $0x1;
	_ =	strace $0x80000049;
	[dreg:$0x1] =	wrdreg $0xFFFFFFFF  }
0xa7: {  	s28 =	simm.s32 $_size_execute0_lowered;
	s2 =	sadd.s32 s2, s4;
	[dreg:$0x0] =	wrdreg $0x0  }
0xa8: {  	s4 =	sshll.u32 s28, $0x1;
	[dreg:$0x2] =	wrdreg s2  }
0xa9: {  	[dreg:$0x3] =	wrdreg s4  }
0xaa: {  	[dreg:$0x4] =	wrdreg $0xC0  }
0xab: {  	_ =	task [dreg:s6], $0x5FFFF  }
0xac: {  	[dreg:$0x1] =	wrdreg $0xFFFFFFFF  }
0xad: {  	[dreg:$0x0] =	wrdreg $0x60  }
0xae: {  	[dreg:$0x2] =	wrdreg s24  }
0xaf: {  	[dreg:$0x3] =	wrdreg $0xA8000  }
0xb0: {  	[dreg:$0x4] =	wrdreg $0x9  }
0xb1: {  	_ =	task.clear_ibuf [dreg:s6], $0x5FFFF;
	_ =	strace $0x90000049  }
0xb2: {  	s29 =	simm.s32 $0x9;
	_ =	strace $0x8000004B  }
0xb3: {  	_ =	swait.ge [sflag:s29], $0x1  }
0xb4: {  	[sflag:s29] =	ssyncadd.s32 $0xFFFFFFFF  }
0xb5: {  	_ =	strace $0x9000004B  }
0xb6: {  	_ =	sfence  }
0xb7: {  	s30 =	sld [smem:$0x0];
	_ =	sdelay $0x2  }
0xb8: {  	s31 =	sshll.u32 s1, $0xD;
	s1 =	sshrl.u32 s1, $0x2  }
0xb9: {  	s3 =	sand.u32 $0x4000, s31;
	s1 =	sadd.s32 s1, s30  }
0xba: {  	s0 =	sor.u32 s3, s0;
	s1 =	sshll.u32 s1, $0x11  }
0xbb: {  	s0 =	sor.u32 s1, s0  }
0xbc: {  	s0 =	sadd.s32 $0x8F2B, s0  }
0xbd: {  	[sflag:s0] =	ssyncadd.remote.s32 $0x1  }
0xbe: {  	_ =	sfence.sel $0xFFFF  }
0xbf: {  	[dreg:$0x0] =	wrdreg $0xFFFFFFFF;
	(pc) =	sbr.abs _section_cstart, $3  }
0xc0: {  	[dreg:$0x1] =	wrdreg $0xFFFFFFFF  }
0xc1: {  	_ =	task.clear_ibuf [dreg:s6], $0x2FFFF;
	_ =	strace $0x9FFFFFFF  }
0xc2: {  	(tm) =	ssettm $0x7FFFFFFF  }
0xc3: {  	_ =	shalt  }
tec
execute0_lowered:
.L_overlay_start_1:
0x0: {  	(tag) =	ssettag $0x1  }
0x1: {  	s0 =	rddreg [dreg:$0x0]  }
0x2: {  	s1 =	rddreg [dreg:$0x1];
	s14 =	simm.s32 $0x0;
	s2 =	srdreg.scid  }
0x3: {  	s10 =	stileid.u32;
	s28 =	simm.s32 $0x6800;
	s30 =	simm.s32 $0x8800  }
0x4: {  	s31 =	simm.s32 $0x1;
	s29 =	simm.s32 $0x2780;
	[smem:$0x7FF] =	sst s14  }
0x5: {  	s4 =	sadd.s32 $0x29E00, s0;
	s2 =	sand.u32 $0x1, s2;
	s3 =	smul.u32 $0x2800, s10  }
0x6: {  	s5 =	sadd.s32 $0x15E00, s0;
	s6 =	sadd.s32 $0x1E00, s0;
	s8 =	sshll.u32 s10, $0x2  }
0x7: {  	s9 =	sor.u32 $0x40, s10;
	s10 =	smul.u32 $0x50000, s10;
	_ =	strace $0x8000004A  }
0x8: {  	s7 =	smul.u32 $0x28000, s2;
	s12 =	ssub.s32 $0x2, s2;
	s9 =	ssub.s32 s9, s8  }
0x9: {  	s11 =	sshrl.u32 s12, $0x1;
	s2 =	smul.u32 s2, s9;
	s13 =	sshrl.u32 s10, $0x2  }
0xa: {  	s9 =	simm.s32 $0x6;
	s10 =	simm.s32 $0x3;
	s16 =	sadd.s32 s13, s1  }
0xb: {  	s3 =	sadd.s32 s3, s7;
	s17 =	sadd.s32 $0x2000, s16;
	[dreg:$0x4] =	wrdreg s16  }
0xc: {  	s15 =	ssub.s32 s12, s11;
	s18 =	sadd.s32 $0x4000, s16;
	[dreg:$0x5] =	wrdreg s17  }
0xd: {  	s11 =	simm.s32 $0x7;
	s19 =	sadd.s32 $0x6000, s16;
	[dreg:$0x6] =	wrdreg s18  }
0xe: {  	s12 =	simm.s32 $0x4;
	s20 =	sadd.s32 $0x8000, s16;
	[dreg:$0x7] =	wrdreg s19  }
0xf: {  	s13 =	simm.s32 $0x8;
	s21 =	sadd.s32 $0xA000, s16;
	[dreg:$0x8] =	wrdreg s20  }
0x10: {  	s7 =	simm.s32 $0x2580;
	s22 =	sadd.s32 $0xC000, s16;
	[dreg:$0x9] =	wrdreg s21  }
0x11: {  	s0 =	sadd.s32 s3, s0;
	s23 =	sadd.s32 $0xE000, s16;
	[dreg:$0xa] =	wrdreg s22  }
0x12: {  	s8 =	sadd.s32 s8, s2;
	s24 =	sadd.s32 $0x10000, s16;
	[dreg:$0xb] =	wrdreg s23  }
0x13: {  	s25 =	sadd.s32 $0x12000, s16;
	s26 =	smax.u32 s15, $0x1;
	[dreg:$0xc] =	wrdreg s24  }
0x14: {  	s2 =	simm.s32 $0x2;
	s3 =	simm.s32 $0x1380;
	[dreg:$0xd] =	wrdreg s25  }
0x15: {  	s0 =	sadd.s32 $0x51E00, s0;
	[dreg:$0xf] =	wrdreg s26;
	s20 =	simm.s32 $0x2800  }
0x16: {  	s21 =	simm.s32 $0x9;
	s23 =	simm.s32 $0x40;
	s25 =	simm.s32 $0x4800  }
0x17: {  	s19 =	simm.s32 $0x1300;
	s22 =	simm.s32 $0x2600;
	s24 =	simm.s32 $0x2680  }
0x18: {  	v0 =	vimm.f32 $0.0e+00;
	s26 =	simm.s32 $0x2700;
	[dreg:$0xe] =	wrdreg s0;
	s0 =	simm.s32 $0x5  }
.LBB2_1:
0x19: {  	[dreg:$0x3] =	wrdreg s14;
	s14 =	simm.s32 $0x0;
	s15 =	simm.s32 $0x200  }
.LBB2_2:
0x1a: {  	p0 =	sne.s32 s15, $0x7E00;
	[tilespmem:s14+$0x2870] =	vst v0  }
0x1b: {  	[tilespmem:s14+$0x2800] =	vst v0  }
0x1c: {  	[tilespmem:s14+$0x2810] =	vst v0  }
.Ltmp0:
0x1d: {  	[tilespmem:s14+$0x2820] =	vst v0;
	(pc) =	sbr.rel @p0 .LBB2_2-.Ltmp0, $4  }
0x1e: {  	[tilespmem:s14+$0x2830] =	vst v0  }
0x1f: {  	[tilespmem:s14+$0x2840] =	vst v0  }
0x20: {  	[tilespmem:s14+$0x2850] =	vst v0  }
0x21: {  	[tilespmem:s14+$0x2860] =	vst v0;
	s14 =	sshra.s32 s15, $0x2;
	s15 =	sadd.s32 $0x200, s15  }
0x22: {  	[tilespmem:s14+$0x2870] =	vst v0  }
0x23: {  	[tilespmem:s14+$0x2800] =	vst v0  }
0x24: {  	[tilespmem:s14+$0x2810] =	vst v0  }
0x25: {  	[tilespmem:s14+$0x2820] =	vst v0  }
0x26: {  	[tilespmem:s14+$0x2830] =	vst v0  }
0x27: {  	[tilespmem:s14+$0x2840] =	vst v0  }
0x28: {  	[tilespmem:s14+$0x2850] =	vst v0  }
0x29: {  	[tilespmem:s14+$0x2860] =	vst v0  }
0x2a: {  	[spmem:s16] =	stream.linear.scatter [tilespmem:s20], [sflag:$0x9], $0x2000, $0x38;
	[tilespmem:$0x1E800] =	vst v63  }
0x2b: {  	_ =	swait.ge [sflag:s21], $0x2000  }
0x2c: {  	[sflag:s21] =	ssyncset.done $0x0  }
0x2d: {  	s18 =	rddreg [dreg:$0x5];
	[sflag:s21] =	ssyncadd.s32 $0xFFFFE000  }
0x2e: {  	[spmem:s18] =	stream.linear.scatter [tilespmem:s20], [sflag:$0x9], $0x2000, $0x38;
	[tilespmem:$0x1E800] =	vst v63  }
0x2f: {  	_ =	swait.ge [sflag:s21], $0x2000  }
0x30: {  	[sflag:s21] =	ssyncset.done $0x0  }
0x31: {  	s15 =	rddreg [dreg:$0x6];
	[sflag:s21] =	ssyncadd.s32 $0xFFFFE000  }
0x32: {  	[spmem:s15] =	stream.linear.scatter [tilespmem:s20], [sflag:$0x9], $0x2000, $0x38;
	[tilespmem:$0x1E800] =	vst v63  }
0x33: {  	_ =	swait.ge [sflag:s21], $0x2000  }
0x34: {  	[sflag:s21] =	ssyncset.done $0x0  }
0x35: {  	s16 =	rddreg [dreg:$0x7];
	[sflag:s21] =	ssyncadd.s32 $0xFFFFE000  }
0x36: {  	[spmem:s16] =	stream.linear.scatter [tilespmem:s20], [sflag:$0x9], $0x2000, $0x38;
	[tilespmem:$0x1E800] =	vst v63  }
0x37: {  	_ =	swait.ge [sflag:s21], $0x2000  }
0x38: {  	[sflag:s21] =	ssyncset.done $0x0  }
0x39: {  	s17 =	rddreg [dreg:$0x8];
	[sflag:s21] =	ssyncadd.s32 $0xFFFFE000  }
0x3a: {  	[spmem:s17] =	stream.linear.scatter [tilespmem:s20], [sflag:$0x9], $0x2000, $0x38;
	[tilespmem:$0x1E800] =	vst v63  }
0x3b: {  	_ =	swait.ge [sflag:s21], $0x2000  }
0x3c: {  	[sflag:s21] =	ssyncset.done $0x0  }
0x3d: {  	s18 =	rddreg [dreg:$0x9];
	[sflag:s21] =	ssyncadd.s32 $0xFFFFE000  }
0x3e: {  	[spmem:s18] =	stream.linear.scatter [tilespmem:s20], [sflag:$0x9], $0x2000, $0x38;
	[tilespmem:$0x1E800] =	vst v63  }
0x3f: {  	_ =	swait.ge [sflag:s21], $0x2000  }
0x40: {  	[sflag:s21] =	ssyncset.done $0x0  }
0x41: {  	s15 =	rddreg [dreg:$0xa];
	[sflag:s21] =	ssyncadd.s32 $0xFFFFE000  }
0x42: {  	[spmem:s15] =	stream.linear.scatter [tilespmem:s20], [sflag:$0x9], $0x2000, $0x38;
	[tilespmem:$0x1E800] =	vst v63  }
0x43: {  	_ =	swait.ge [sflag:s21], $0x2000  }
0x44: {  	[sflag:s21] =	ssyncset.done $0x0  }
0x45: {  	s16 =	rddreg [dreg:$0xb];
	[sflag:s21] =	ssyncadd.s32 $0xFFFFE000  }
0x46: {  	[spmem:s16] =	stream.linear.scatter [tilespmem:s20], [sflag:$0x9], $0x2000, $0x38;
	[tilespmem:$0x1E800] =	vst v63  }
0x47: {  	_ =	swait.ge [sflag:s21], $0x2000  }
0x48: {  	[sflag:s21] =	ssyncset.done $0x0  }
0x49: {  	s17 =	rddreg [dreg:$0xc];
	[sflag:s21] =	ssyncadd.s32 $0xFFFFE000  }
0x4a: {  	[spmem:s17] =	stream.linear.scatter [tilespmem:s20], [sflag:$0x9], $0x2000, $0x38;
	[tilespmem:$0x1E800] =	vst v63  }
0x4b: {  	_ =	swait.ge [sflag:s21], $0x2000  }
0x4c: {  	[sflag:s21] =	ssyncset.done $0x0  }
0x4d: {  	s18 =	rddreg [dreg:$0xd];
	[sflag:s21] =	ssyncadd.s32 $0xFFFFE000  }
0x4e: {  	[spmem:s18] =	stream.linear.scatter [tilespmem:s20], [sflag:$0x9], $0x2000, $0x38;
	[tilespmem:$0x1E800] =	vst v63  }
0x4f: {  	_ =	swait.ge [sflag:s21], $0x2000  }
0x50: {  	[sflag:s21] =	ssyncset.done $0x0  }
0x51: {  	[sflag:s21] =	ssyncadd.s32 $0xFFFFE000  }
0x52: {  	s14 =	simm.s32 $0x0;
	s15 =	simm.s32 $0x0;
	[bflag:$0x0] =	sbarrier.arrive $0xFFFF  }
.LBB2_4:
0x53: {  	s16 =	sadd.s32 s15, s8  }
0x54: {  	s16 =	smul.u32 $0x280, s16;
	_ =	sdelay $0x1  }
0x55: {  	s17 =	sadd.s32 s5, s16  }
0x56: {  	[tilespmem:s14], [sflag:$0x9] =	stream.linear.gather [hbm4b:s17+s14], $0x1400, $0x38;
	[tilespmem:$0x1E800] =	vst v63  }
0x57: {  	_ =	swait.ge [sflag:s21], $0x1400  }
0x58: {  	[sflag:s21] =	ssyncset.done $0x0  }
0x59: {  	s18 =	simm.s32 $0x1400;
	s16 =	sadd.s32 s6, s16;
	[sflag:s21] =	ssyncadd.s32 $0xFFFFEC00  }
0x5a: {  	[tilespmem:s18], [sflag:$0x9] =	stream.linear.gather [hbm4b:s16+s14], $0x1400, $0x38;
	[tilespmem:$0x1E800] =	vst v63  }
0x5b: {  	_ =	swait.ge [sflag:s21], $0x1400  }
0x5c: {  	[sflag:s21] =	ssyncset.done $0x0  }
0x5d: {  	[sflag:s21] =	ssyncadd.s32 $0xFFFFEC00  }
0x5e: {  	[tilespmem:s20], [sflag:$0x1] =	stream.indirect.gather [hbm4b:s4+s23], $0x80, s14, s23, $0xb8;
	[tilespmem:$0x1E800] =	vst v63  }
0x5f: {  	s17 =	simm.s32 $0x80  }
0x60: {  	[tilespmem:s25], [sflag:$0x2] =	stream.indirect.gather [hbm4b:s4+s23], $0x80, s17, s23, $0xb8;
	[tilespmem:$0x1E800] =	vst v63  }
0x61: {  	s18 =	simm.s32 $0x100  }
0x62: {  	[tilespmem:s28], [sflag:$0x3] =	stream.indirect.gather [hbm4b:s4+s23], $0x80, s18, s23, $0xb8;
	[tilespmem:$0x1E800] =	vst v63  }
0x63: {  	s17 =	simm.s32 $0x180  }
0x64: {  	[tilespmem:s30], [sflag:$0x4] =	stream.indirect.gather [hbm4b:s4+s23], $0x80, s17, s23, $0xb8;
	[tilespmem:$0x1E800] =	vst v63  }
0x65: {  	_ =	swait.ge [sflag:s31], $0x2000  }
0x66: {  	[sflag:s31] =	ssyncset.done $0x0  }
0x67: {  	s18 =	simm.s32 $0x1400;
	[sflag:s31] =	ssyncadd.s32 $0xFFFFE000  }
0x68: {  	[spmem:s1] =	stream.indirect.scatter.add.f32 [tilespmem:s20], [sflag:$0x5], $0x80, s18, s23, $0xb8;
	[tilespmem:$0x1E800] =	vst v63  }
0x69: {  	_ =	swait.ge [sflag:s0], $0x2000  }
0x6a: {  	[sflag:s0] =	ssyncset.done $0x0  }
0x6b: {  	s17 =	simm.s32 $0x200;
	[sflag:s0] =	ssyncadd.s32 $0xFFFFE000  }
0x6c: {  	[tilespmem:s20], [sflag:$0x1] =	stream.indirect.gather [hbm4b:s4+s23], $0x80, s17, s23, $0xb8;
	[tilespmem:$0x1E800] =	vst v63  }
0x6d: {  	_ =	swait.ge [sflag:s2], $0x2000  }
0x6e: {  	[sflag:s2] =	ssyncset.done $0x0  }
0x6f: {  	s18 =	simm.s32 $0x1480;
	[sflag:s2] =	ssyncadd.s32 $0xFFFFE000  }
0x70: {  	[spmem:s1] =	stream.indirect.scatter.add.f32 [tilespmem:s25], [sflag:$0x6], $0x80, s18, s23, $0xb8;
	[tilespmem:$0x1E800] =	vst v63  }
0x71: {  	_ =	swait.ge [sflag:s9], $0x2000  }
0x72: {  	[sflag:s9] =	ssyncset.done $0x0  }
0x73: {  	s17 =	simm.s32 $0x280;
	[sflag:s9] =	ssyncadd.s32 $0xFFFFE000  }
0x74: {  	[tilespmem:s25], [sflag:$0x2] =	stream.indirect.gather [hbm4b:s4+s23], $0x80, s17, s23, $0xb8;
	[tilespmem:$0x1E800] =	vst v63  }
0x75: {  	_ =	swait.ge [sflag:s10], $0x2000  }
0x76: {  	[sflag:s10] =	ssyncset.done $0x0  }
0x77: {  	s18 =	simm.s32 $0x1500;
	[sflag:s10] =	ssyncadd.s32 $0xFFFFE000  }
0x78: {  	[spmem:s1] =	stream.indirect.scatter.add.f32 [tilespmem:s28], [sflag:$0x7], $0x80, s18, s23, $0xb8;
	[tilespmem:$0x1E800] =	vst v63  }
0x79: {  	_ =	swait.ge [sflag:s11], $0x2000  }
0x7a: {  	[sflag:s11] =	ssyncset.done $0x0  }
0x7b: {  	s17 =	simm.s32 $0x300;
	[sflag:s11] =	ssyncadd.s32 $0xFFFFE000  }
0x7c: {  	[tilespmem:s28], [sflag:$0x3] =	stream.indirect.gather [hbm4b:s4+s23], $0x80, s17, s23, $0xb8;
	[tilespmem:$0x1E800] =	vst v63  }
0x7d: {  	_ =	swait.ge [sflag:s12], $0x2000  }
0x7e: {  	[sflag:s12] =	ssyncset.done $0x0  }
0x7f: {  	s18 =	simm.s32 $0x1580;
	[sflag:s12] =	ssyncadd.s32 $0xFFFFE000  }
0x80: {  	[spmem:s1] =	stream.indirect.scatter.add.f32 [tilespmem:s30], [sflag:$0x8], $0x80, s18, s23, $0xb8;
	[tilespmem:$0x1E800] =	vst v63  }
0x81: {  	_ =	swait.ge [sflag:s13], $0x2000  }
0x82: {  	[sflag:s13] =	ssyncset.done $0x0  }
0x83: {  	s16 =	simm.s32 $0x800;
	s17 =	simm.s32 $0x380;
	[sflag:s13] =	ssyncadd.s32 $0xFFFFE000  }
.LBB2_5:
0x84: {  	[tilespmem:s30], [sflag:$0x4] =	stream.indirect.gather [hbm4b:s4+s23], $0x80, s17, s23, $0xb8;
	[tilespmem:$0x1E800] =	vst v63  }
0x85: {  	s17 =	smov.u32 s16  }
0x86: {  	p0 =	sne.s32 s16, $0x3800;
	s16 =	sadd.s32 $0x800, s16;
	_ =	swait.ge [sflag:s31], $0x2000  }
0x87: {  	s17 =	sshra.s32 s17, $0x2;
	[sflag:s31] =	ssyncset.done $0x0  }
0x88: {  	s18 =	sadd.s32 $0x1400, s17;
	[sflag:s31] =	ssyncadd.s32 $0xFFFFE000  }
0x89: {  	[spmem:s1] =	stream.indirect.scatter.add.f32 [tilespmem:s20], [sflag:$0x5], $0x80, s18, s23, $0xb8;
	[tilespmem:$0x1E800] =	vst v63  }
0x8a: {  	_ =	swait.ge [sflag:s0], $0x2000  }
0x8b: {  	[sflag:s0] =	ssyncset.done $0x0  }
0x8c: {  	s18 =	sadd.s32 $0x200, s17;
	[sflag:s0] =	ssyncadd.s32 $0xFFFFE000  }
0x8d: {  	[tilespmem:s20], [sflag:$0x1] =	stream.indirect.gather [hbm4b:s4+s23], $0x80, s18, s23, $0xb8;
	[tilespmem:$0x1E800] =	vst v63  }
0x8e: {  	_ =	swait.ge [sflag:s2], $0x2000  }
0x8f: {  	[sflag:s2] =	ssyncset.done $0x0  }
0x90: {  	s18 =	sadd.s32 $0x1480, s17;
	[sflag:s2] =	ssyncadd.s32 $0xFFFFE000  }
0x91: {  	[spmem:s1] =	stream.indirect.scatter.add.f32 [tilespmem:s25], [sflag:$0x6], $0x80, s18, s23, $0xb8;
	[tilespmem:$0x1E800] =	vst v63  }
0x92: {  	_ =	swait.ge [sflag:s9], $0x2000  }
0x93: {  	[sflag:s9] =	ssyncset.done $0x0  }
0x94: {  	s18 =	sadd.s32 $0x280, s17;
	[sflag:s9] =	ssyncadd.s32 $0xFFFFE000  }
0x95: {  	[tilespmem:s25], [sflag:$0x2] =	stream.indirect.gather [hbm4b:s4+s23], $0x80, s18, s23, $0xb8;
	[tilespmem:$0x1E800] =	vst v63  }
0x96: {  	_ =	swait.ge [sflag:s10], $0x2000  }
0x97: {  	[sflag:s10] =	ssyncset.done $0x0  }
0x98: {  	s18 =	sadd.s32 $0x1500, s17;
	[sflag:s10] =	ssyncadd.s32 $0xFFFFE000  }
0x99: {  	[spmem:s1] =	stream.indirect.scatter.add.f32 [tilespmem:s28], [sflag:$0x7], $0x80, s18, s23, $0xb8;
	[tilespmem:$0x1E800] =	vst v63  }
0x9a: {  	_ =	swait.ge [sflag:s11], $0x2000  }
0x9b: {  	[sflag:s11] =	ssyncset.done $0x0  }
0x9c: {  	s18 =	sadd.s32 $0x300, s17;
	[sflag:s11] =	ssyncadd.s32 $0xFFFFE000  }
0x9d: {  	[tilespmem:s28], [sflag:$0x3] =	stream.indirect.gather [hbm4b:s4+s23], $0x80, s18, s23, $0xb8;
	[tilespmem:$0x1E800] =	vst v63  }
0x9e: {  	_ =	swait.ge [sflag:s12], $0x2000  }
0x9f: {  	[sflag:s12] =	ssyncset.done $0x0  }
.Ltmp1:
0xa0: {  	s18 =	sadd.s32 $0x1580, s17;
	[sflag:s12] =	ssyncadd.s32 $0xFFFFE000;
	(pc) =	sbr.rel @p0 .LBB2_5-.Ltmp1, $4  }
0xa1: {  	[spmem:s1] =	stream.indirect.scatter.add.f32 [tilespmem:s30], [sflag:$0x8], $0x80, s18, s23, $0xb8;
	[tilespmem:$0x1E800] =	vst v63  }
0xa2: {  	_ =	swait.ge [sflag:s13], $0x2000  }
0xa3: {  	[sflag:s13] =	ssyncset.done $0x0  }
0xa4: {  	s17 =	sadd.s32 $0x380, s17;
	[sflag:s13] =	ssyncadd.s32 $0xFFFFE000  }
0xa5: {  	[tilespmem:s30], [sflag:$0x4] =	stream.indirect.gather [hbm4b:s4+s23], $0x80, s17, s23, $0xb8;
	[tilespmem:$0x1E800] =	vst v63  }
0xa6: {  	_ =	swait.ge [sflag:s31], $0x2000  }
0xa7: {  	[sflag:s31] =	ssyncset.done $0x0  }
0xa8: {  	s16 =	simm.s32 $0x2400;
	[sflag:s31] =	ssyncadd.s32 $0xFFFFE000  }
0xa9: {  	[spmem:s1] =	stream.indirect.scatter.add.f32 [tilespmem:s20], [sflag:$0x5], $0x80, s16, s23, $0xb8;
	[tilespmem:$0x1E800] =	vst v63  }
0xaa: {  	_ =	swait.ge [sflag:s0], $0x2000  }
0xab: {  	[sflag:s0] =	ssyncset.done $0x0  }
0xac: {  	s17 =	simm.s32 $0x1200;
	[sflag:s0] =	ssyncadd.s32 $0xFFFFE000  }
0xad: {  	[tilespmem:s20], [sflag:$0x1] =	stream.indirect.gather [hbm4b:s4+s23], $0x80, s17, s23, $0xb8;
	[tilespmem:$0x1E800] =	vst v63  }
0xae: {  	_ =	swait.ge [sflag:s2], $0x2000  }
0xaf: {  	[sflag:s2] =	ssyncset.done $0x0  }
0xb0: {  	s18 =	simm.s32 $0x2480;
	[sflag:s2] =	ssyncadd.s32 $0xFFFFE000  }
0xb1: {  	[spmem:s1] =	stream.indirect.scatter.add.f32 [tilespmem:s25], [sflag:$0x6], $0x80, s18, s23, $0xb8;
	[tilespmem:$0x1E800] =	vst v63  }
0xb2: {  	_ =	swait.ge [sflag:s9], $0x2000  }
0xb3: {  	[sflag:s9] =	ssyncset.done $0x0  }
0xb4: {  	s17 =	simm.s32 $0x1280;
	[sflag:s9] =	ssyncadd.s32 $0xFFFFE000  }
0xb5: {  	[tilespmem:s25], [sflag:$0x2] =	stream.indirect.gather [hbm4b:s4+s23], $0x80, s17, s23, $0xb8;
	[tilespmem:$0x1E800] =	vst v63  }
0xb6: {  	_ =	swait.ge [sflag:s10], $0x2000  }
0xb7: {  	[sflag:s10] =	ssyncset.done $0x0  }
0xb8: {  	s18 =	simm.s32 $0x2500;
	[sflag:s10] =	ssyncadd.s32 $0xFFFFE000  }
0xb9: {  	[spmem:s1] =	stream.indirect.scatter.add.f32 [tilespmem:s28], [sflag:$0x7], $0x80, s18, s23, $0xb8;
	[tilespmem:$0x1E800] =	vst v63  }
0xba: {  	_ =	swait.ge [sflag:s11], $0x2000  }
0xbb: {  	[sflag:s11] =	ssyncset.done $0x0  }
0xbc: {  	[sflag:s11] =	ssyncadd.s32 $0xFFFFE000  }
0xbd: {  	[tilespmem:s28], [sflag:$0x3] =	stream.indirect.gather [hbm4b:s4+s23], $0x80, s19, s23, $0xb8;
	[tilespmem:$0x1E800] =	vst v63  }
0xbe: {  	_ =	swait.ge [sflag:s12], $0x2000  }
0xbf: {  	[sflag:s12] =	ssyncset.done $0x0  }
0xc0: {  	[sflag:s12] =	ssyncadd.s32 $0xFFFFE000  }
0xc1: {  	[spmem:s1] =	stream.indirect.scatter.add.f32 [tilespmem:s30], [sflag:$0x8], $0x80, s7, s23, $0xb8;
	[tilespmem:$0x1E800] =	vst v63  }
0xc2: {  	_ =	swait.ge [sflag:s13], $0x2000  }
0xc3: {  	[sflag:s13] =	ssyncset.done $0x0  }
0xc4: {  	[sflag:s13] =	ssyncadd.s32 $0xFFFFE000  }
0xc5: {  	[tilespmem:s30], [sflag:$0x4] =	stream.indirect.gather [hbm4b:s4+s23], $0x80, s3, s23, $0xb8;
	[tilespmem:$0x1E800] =	vst v63  }
0xc6: {  	_ =	swait.ge [sflag:s31], $0x2000  }
0xc7: {  	[sflag:s31] =	ssyncset.done $0x0  }
0xc8: {  	[sflag:s31] =	ssyncadd.s32 $0xFFFFE000  }
0xc9: {  	[spmem:s1] =	stream.indirect.scatter.add.f32 [tilespmem:s20], [sflag:$0x5], $0x80, s22, s23, $0xb8;
	[tilespmem:$0x1E800] =	vst v63  }
0xca: {  	_ =	swait.ge [sflag:s0], $0x2000  }
0xcb: {  	[sflag:s0] =	ssyncset.done $0x0  }
0xcc: {  	[sflag:s0] =	ssyncadd.s32 $0xFFFFE000  }
0xcd: {  	[tilespmem:s20], [sflag:$0x1] =	stream.indirect.gather [hbm4b:s4+s23], $0x80, s3, s23, $0xb8;
	[tilespmem:$0x1E800] =	vst v63  }
0xce: {  	_ =	swait.ge [sflag:s2], $0x2000  }
0xcf: {  	[sflag:s2] =	ssyncset.done $0x0  }
0xd0: {  	[sflag:s2] =	ssyncadd.s32 $0xFFFFE000  }
0xd1: {  	[spmem:s1] =	stream.indirect.scatter.add.f32 [tilespmem:s25], [sflag:$0x6], $0x80, s24, s23, $0xb8;
	[tilespmem:$0x1E800] =	vst v63  }
0xd2: {  	_ =	swait.ge [sflag:s9], $0x2000  }
0xd3: {  	[sflag:s9] =	ssyncset.done $0x0  }
0xd4: {  	[sflag:s9] =	ssyncadd.s32 $0xFFFFE000  }
0xd5: {  	[tilespmem:s25], [sflag:$0x2] =	stream.indirect.gather [hbm4b:s4+s23], $0x80, s3, s23, $0xb8;
	[tilespmem:$0x1E800] =	vst v63  }
0xd6: {  	_ =	swait.ge [sflag:s10], $0x2000  }
0xd7: {  	[sflag:s10] =	ssyncset.done $0x0  }
0xd8: {  	[sflag:s10] =	ssyncadd.s32 $0xFFFFE000  }
0xd9: {  	[spmem:s1] =	stream.indirect.scatter.add.f32 [tilespmem:s28], [sflag:$0x7], $0x80, s26, s23, $0xb8;
	[tilespmem:$0x1E800] =	vst v63  }
0xda: {  	_ =	swait.ge [sflag:s11], $0x2000  }
0xdb: {  	[sflag:s11] =	ssyncset.done $0x0  }
0xdc: {  	[sflag:s11] =	ssyncadd.s32 $0xFFFFE000  }
0xdd: {  	[tilespmem:s28], [sflag:$0x3] =	stream.indirect.gather [hbm4b:s4+s23], $0x80, s3, s23, $0xb8;
	[tilespmem:$0x1E800] =	vst v63  }
0xde: {  	_ =	swait.ge [sflag:s12], $0x2000  }
0xdf: {  	[sflag:s12] =	ssyncset.done $0x0  }
0xe0: {  	[sflag:s12] =	ssyncadd.s32 $0xFFFFE000  }
0xe1: {  	[spmem:s1] =	stream.indirect.scatter.add.f32 [tilespmem:s30], [sflag:$0x8], $0x80, s29, s23, $0xb8;
	[tilespmem:$0x1E800] =	vst v63  }
0xe2: {  	_ =	swait.ge [sflag:s13], $0x2000  }
0xe3: {  	[sflag:s13] =	ssyncset.done $0x0  }
0xe4: {  	[sflag:s13] =	ssyncadd.s32 $0xFFFFE000  }
0xe5: {  	[tilespmem:s30], [sflag:$0x4] =	stream.indirect.gather [hbm4b:s4+s23], $0x80, s3, s23, $0xb8;
	[tilespmem:$0x1E800] =	vst v63  }
0xe6: {  	_ =	swait.ge [sflag:s31], $0x2000  }
0xe7: {  	[sflag:s31] =	ssyncset.done $0x0  }
0xe8: {  	[sflag:s31] =	ssyncadd.s32 $0xFFFFE000  }
0xe9: {  	_ =	swait.ge [sflag:s2], $0x2000  }
0xea: {  	[sflag:s2] =	ssyncset.done $0x0  }
0xeb: {  	s15 =	sadd.s32 $0x1, s15;
	[sflag:s2] =	ssyncadd.s32 $0xFFFFE000  }
0xec: {  	p0 =	sne.s32 s15, $0x4;
	_ =	swait.ge [sflag:s10], $0x2000  }
.Ltmp2:
0xed: {  	[sflag:s10] =	ssyncset.done $0x0;
	(pc) =	sbr.rel @p0 .LBB2_4-.Ltmp2, $4  }
0xee: {  	[sflag:s10] =	ssyncadd.s32 $0xFFFFE000  }
0xef: {  	_ =	swait.ge [sflag:s12], $0x2000  }
0xf0: {  	[sflag:s12] =	ssyncset.done $0x0  }
0xf1: {  	[sflag:s12] =	ssyncadd.s32 $0xFFFFE000  }
0xf2: {  	s14 =	stileid.u32;
	[bflag:$0x0] =	sbarrier.arrive $0xFFFF  }
0xf3: {  	s14 =	sshll.u32 s14, $0x6;
	s16 =	rddreg [dreg:$0x4]  }
0xf4: {  	s17 =	rddreg [dreg:$0xe];
	s14 =	sor.u32 $0x1C09, s14;
	s15 =	sshrl.u32 s16, $0x3  }
0xf5: {  	[hbm:s17], [sflag:s14] =	dma.local [spmem:s15], $0x2800  }
0xf6: {  	_ =	swait.ge [sflag:s21], $0x2800  }
0xf7: {  	s17 =	rddreg [dreg:$0x3]  }
0xf8: {  	s18 =	rddreg [dreg:$0xf];
	s14 =	sadd.s32 $0x1, s17  }
0xf9: {  	p0 =	sne.s32 s14, s18  }
.Ltmp3:
0xfa: {  	_ = 	snop;
	(pc) =	sbr.rel @p0 .LBB2_1-.Ltmp3, $3  }
0xfb: {  	_ =	sdelay $0x1  }
0xfc: {  	[sflag:s21] =	ssyncset.done $0x0  }
0xfd: {  	[sflag:s21] =	ssyncadd.s32 $0xFFFFD800  }
0xfe: {  	_ =	sfence.sel $0x180000  }
0xff: {  	[bflag:$0x0] =	sbarrier.arrive $0xFFFF  }
0x100: {  	_ =	strace $0x9000004A  }
0x101: {  	s0 =	stileid.u32;
	[bflag:$0x2] =	sbarrier.arrive $0xFFFF  }
0x102: {  	p0 =	sne.s32 s0, $0x0;
	s0 =	rddreg [dreg:$0x2]  }
0x103: {  	s0 =	sadd.s32 @!p0 $0x100000, s0  }
0x104: {  	[sflag:s0] =	ssyncadd.tile.s32 @!p0 $0x1;
	_ =	shalt  }
.Lfunc_end2:
_tile_overlayer_lowered:
.L_overlay_start_2:
0x105: {  	(tag) =	ssettag $0x2  }
0x106: {  	s0 =	rddreg [dreg:$0x0];
	s2 =	stileid.u32  }
0x107: {  	s1 =	rddreg [dreg:$0x1];
	p0 =	sne.s32 s2, $0x0  }
0x108: {  	s3 =	rddreg [dreg:$0x2];
	[bflag:$0x3] =	sbarrier.arrive $0xFFFF;
	s2 =	simm.s32 @!p0 $0x1C09  }
0x109: {  	[timem:s3], [sflag:s2] =	dma.local @!p0 [hbm:s0], s1  }
0x10a: {  	s0 =	simm.s32 @!p0 $0x9  }
0x10b: {  	_ =	swait.ge @!p0 [sflag:s0], s1  }
0x10c: {  	s1 =	ssub.s32 @!p0 $0x0, s1;
	[sflag:s0] =	ssyncset.done @!p0 $0x0  }
0x10d: {  	[sflag:s0] =	ssyncadd.s32 @!p0 s1  }
0x10e: {  	[bflag:$0x3] =	sbarrier.arrive $0xFFFF  }
0x10f: {  	_ =	shalt  }

// kernel: kernel.14.cloned.1.call-start
scs
__scs_entry_jumppad:
0x0: {  	(pc) =	sbr.rel $0x88, $3  }
0x1: {  	(tag) =	ssettag $0x0;
	lr =	simm.s32 $0x1  }
0x2: {  	[smem:$0x3F95] =	sst lr;
	_ =	strace $0xD0000000  }
0x3: {  	_ = 	snop  }
0x4: {  	_ = 	snop  }
0x5: {  	_ = 	snop  }
0x6: {  	_ = 	snop  }
0x7: {  	_ = 	snop  }
__scs_overlays_trampoline_lowered:
0x8: {  	[smem:$0x3FA4] =	sst s0  }
0x9: {  	[smem:$0x3FA5] =	sst s1  }
0xa: {  	[smem:$0x3FA6] =	sst s2  }
0xb: {  	[smem:$0x3FA7] =	sst s3  }
0xc: {  	[smem:$0x3FA8] =	sst s4  }
0xd: {  	[smem:$0x3FA9] =	sst s5  }
0xe: {  	[smem:$0x3FAA] =	sst s6  }
0xf: {  	[smem:$0x3FAB] =	sst s7  }
0x10: {  	[smem:$0x3FAC] =	sst s8  }
0x11: {  	[smem:$0x3FAD] =	sst s9;
	s0 =	simm.s32 @!p0 $0x0  }
0x12: {  	s1 =	sld [smem:$0x3F93];
	s0 =	simm.s32 @p0 $0x1  }
0x13: {  	[smem:$0x3FAE] =	sst s0;
	s0 =	simm.s32 @!p1 $0x0  }
0x14: {  	s2 =	sld [smem:$0x3F92];
	s0 =	simm.s32 @p1 $0x1  }
0x15: {  	[smem:$0x3FAF] =	sst s0;
	s0 =	simm.s32 @!p2 $0x0  }
0x16: {  	s3 =	sld [smem:$0x3FDB];
	s0 =	simm.s32 @p2 $0x1  }
0x17: {  	s4 =	simm.s32 $0x1BF5;
	[smem:$0x3FB1] =	sst s0  }
0x18: {  	s0 =	sld [smem:$0x3F94];
	_ =	swait.ge [sflag:s4], $0x0  }
0x19: {  	s7 =	sld [smem:$0x3F95]  }
0x1a: {  	s8 =	sadd.s32 $0xFFFFE003, lr  }
0x1b: {  	s9 =	sadd.s32 $0xFFFFFEF7, lr;
	s5 =	simm.s32 $0xFFFFFFFF;
	p2 =	slt.u32 s8, $0xFFFFF086  }
0x1c: {  	p1 =	slt.u32 s9, $0xF7A;
	s5 =	simm.s32 @!p2 $0x0  }
0x1d: {  	s5 =	simm.s32 @p1 $0x1;
	p0 =	seq.s32 s7, s2  }
0x1e: {  	s7 =	smul.u32 @!p0 $0xF7A, s2;
	p2 =	seq.s32 @!p0 s5, $0x0  }
0x1f: {  	s9 =	smul.u32 $0xF7A, s1;
	s8 =	simm.s32 @!p0 $0x1BF5;
	p2 =	por !p2, p0  }
0x20: {  	[sflag:s8] =	ssyncset.s32 @!p0 $0xFFFFF086;
	s6 =	sadd.s32 @!p0 s3, s7;
	s7 =	simm.s32 @!p0 $0x108  }
0x21: {  	s3 =	sadd.s32 s3, s9;
	s6 =	sadd.s32 @!p0 $0x88, s6;
	s7 =	simm.s32 @p2 $0x1082  }
0x22: {  	[simem:s7], [sflag:s8] =	dma.local @!p0 [hbm:s6], $0xF7A  }
0x23: {  	s9 =	sor.u32 $0xD0000000, s2;
	s6 =	simm.s32 $0x108;
	_ =	swait.ge @!p0 [sflag:s8], $0x0  }
0x24: {  	s3 =	sadd.s32 $0x88, s3;
	s6 =	simm.s32 @!p1 $0x1082;
	[sflag:s4] =	ssyncset.s32 $0xFFFFF086  }
0x25: {  	[simem:s6], [sflag:s4] =	dma.local [hbm:s3], $0xF7A  }
0x26: {  	[smem:$0x3F95] =	sst s1;
	(tag) =	ssettag s2;
	_ =	strace s9  }
0x27: {  	s1 =	sld [smem:$0x3FA5]  }
0x28: {  	s2 =	sld [smem:$0x3FA6]  }
0x29: {  	s4 =	sld [smem:$0x3FA8]  }
0x2a: {  	p0 =	seq.s32 s5, $0x0;
	s5 =	sld [smem:$0x3FA9]  }
0x2b: {  	s6 =	sld [smem:$0x3FAA]  }
0x2c: {  	s7 =	sld [smem:$0x3FAB]  }
0x2d: {  	s3 =	simm.s32 $0x108;
	s8 =	sld [smem:$0x3FAC]  }
0x2e: {  	s3 =	simm.s32 @!p0 $0x1082;
	s9 =	sld [smem:$0x3FAD]  }
0x2f: {  	lr =	sadd.s32 s0, s3;
	s0 =	sld [smem:$0x3FA4]  }
0x30: {  	s3 =	sld [smem:$0x3FA7]  }
0x31: {  	[smem:$0x3FB0] =	sst s10  }
0x32: {  	s10 =	sld [smem:$0x3FAE];
	_ =	sdelay $0x3  }
0x33: {  	p0 =	seq.s32 s10, $0x1;
	s10 =	sld [smem:$0x3FB0];
	_ =	sdelay $0x3  }
0x34: {  	[smem:$0x3FB0] =	sst s10  }
0x35: {  	s10 =	sld [smem:$0x3FAF];
	_ =	sdelay $0x3  }
0x36: {  	p1 =	seq.s32 s10, $0x1;
	s10 =	sld [smem:$0x3FB0];
	_ =	sdelay $0x3  }
0x37: {  	[smem:$0x3FB0] =	sst s10  }
0x38: {  	s10 =	sld [smem:$0x3FB1]  }
0x39: {  	_ = 	snop;
	(pc) =	sbr.ind lr, $3  }
0x3a: {  	_ = 	snop  }
0x3b: {  	_ = 	snop  }
0x3c: {  	p2 =	seq.s32 s10, $0x1;
	s10 =	sld [smem:$0x3FB0]  }
0x3d: {  	_ =	shalt  }
0x3e: {  	_ =	shalt  }
0x3f: {  	_ =	shalt  }
0x40: {  	_ =	shalt  }
0x41: {  	_ =	shalt  }
0x42: {  	_ =	shalt  }
0x43: {  	_ =	shalt  }
0x44: {  	_ =	shalt  }
0x45: {  	_ =	shalt  }
0x46: {  	_ =	shalt  }
0x47: {  	_ =	shalt  }
0x48: {  	_ =	shalt  }
0x49: {  	_ =	shalt  }
0x4a: {  	_ =	shalt  }
0x4b: {  	_ =	shalt  }
0x4c: {  	_ =	shalt  }
0x4d: {  	_ =	shalt  }
0x4e: {  	_ =	shalt  }
0x4f: {  	_ =	shalt  }
0x50: {  	_ =	shalt  }
0x51: {  	_ =	shalt  }
0x52: {  	_ =	shalt  }
0x53: {  	_ =	shalt  }
0x54: {  	_ =	shalt  }
0x55: {  	_ =	shalt  }
0x56: {  	_ =	shalt  }
0x57: {  	_ =	shalt  }
0x58: {  	_ =	shalt  }
0x59: {  	_ =	shalt  }
0x5a: {  	_ =	shalt  }
0x5b: {  	_ =	shalt  }
0x5c: {  	_ =	shalt  }
0x5d: {  	_ =	shalt  }
0x5e: {  	_ =	shalt  }
0x5f: {  	_ =	shalt  }
0x60: {  	_ =	shalt  }
0x61: {  	_ =	shalt  }
0x62: {  	_ =	shalt  }
0x63: {  	_ =	shalt  }
0x64: {  	_ =	shalt  }
0x65: {  	_ =	shalt  }
0x66: {  	_ =	shalt  }
0x67: {  	_ =	shalt  }
0x68: {  	_ =	shalt  }
0x69: {  	_ =	shalt  }
0x6a: {  	_ =	shalt  }
0x6b: {  	_ =	shalt  }
0x6c: {  	_ =	shalt  }
0x6d: {  	_ =	shalt  }
0x6e: {  	_ =	shalt  }
0x6f: {  	_ =	shalt  }
0x70: {  	_ =	shalt  }
0x71: {  	_ =	shalt  }
0x72: {  	_ =	shalt  }
0x73: {  	_ =	shalt  }
0x74: {  	_ =	shalt  }
0x75: {  	_ =	shalt  }
0x76: {  	_ =	shalt  }
0x77: {  	_ =	shalt  }
0x78: {  	_ =	shalt  }
0x79: {  	_ =	shalt  }
0x7a: {  	_ =	shalt  }
0x7b: {  	_ =	shalt  }
0x7c: {  	_ =	shalt  }
0x7d: {  	_ =	shalt  }
0x7e: {  	_ =	shalt  }
0x7f: {  	_ =	shalt  }
0x80: {  	_ =	shalt  }
0x81: {  	_ =	shalt  }
0x82: {  	_ =	shalt  }
0x83: {  	_ =	shalt  }
0x84: {  	_ =	shalt  }
0x85: {  	_ =	shalt  }
0x86: {  	_ =	shalt  }
0x87: {  	_ =	shalt  }
.Lfunc_end0:
.L_simem_size_0:
called_computation.2_lowered:
.L_overlay_start_0:
0x88: {  	s2 =	sld [smem:$0x3FD9]  }
0x89: {  	s3 =	sld [smem:$0x3FFE];
	_ =	sdelay $0x1  }
0x8a: {  	s1 =	srdreg.scid  }
0x8b: {  	s0 =	sand.u32 $0x1, s1  }
0x8c: {  	s16 =	sshll.u32 s0, $0xA;
	s2 =	sadd.s32 s3, s2  }
0x8d: {  	s2 =	sadd.s32 s2, s16  }
0x8e: {  	[smem:$0x3FBC] =	sst s2  }
0x8f: {  	_ = 	snop  }
0x90: {  	(tm) =	ssettm $0x1  }
0x91: {  	s17 =	sld [smem:$0x3FFB];
	_ =	sdelay $0x3  }
0x92: {  	_ =	strace s17  }
0x93: {  	s2 =	sld [smem:$0x3FFC];
	_ =	sdelay $0x3  }
0x94: {  	_ =	strace s2  }
0x95: {  	s2 =	sld [smem:$0x3FFD];
	_ =	sdelay $0x3  }
0x96: {  	_ =	strace s2  }
0x97: {  	_ =	strace $0x8FFFFFFF  }
0x98: {  	s18 =	sld [smem:$0x3FDB];
	_ =	sdelay $0x1  }
0x99: {  	s19 =	simm.s32 $_scs_section_size  }
0x9a: {  	s4 =	simm.s32 $_size__tile_overlayer_lowered;
	s5 =	simm.s32 $_tile_overlayer_lowered  }
0x9b: {  	s22 =	simm.s32 $0x1BFF;
	s21 =	sshll.u32 s5, $0x1;
	s2 =	sadd.s32 s19, s18  }
0x9c: {  	s6 =	simm.s32 $0x0;
	s20 =	sshll.u32 s4, $0x1;
	s4 =	sadd.s32 s21, s2  }
0x9d: {  	[timem:s6], [sflag:s22] =	dma.local [hbm:s4], s20  }
0x9e: {  	_ =	swait.ge [sflag:s22], s20  }
0x9f: {  	s3 =	ssub.s32 $0x0, s20;
	[sflag:s22] =	ssyncset.done $0x0  }
0xa0: {  	[sflag:s22] =	ssyncadd.s32 s3;
	_ =	sdelay $0x1  }
0xa1: {  	s23 =	simm.s32 $0x1B8B  }
0xa2: {  	_ =	swait.ge [sflag:s23], $0x1  }
0xa3: {  	[sflag:s23] =	ssyncset.done $0x0  }
0xa4: {  	s25 =	simm.s32 $0x1B8E;
	s24 =	sld [smem:$0x3FFE];
	[sflag:s23] =	ssyncadd.s32 $0xFFFFFFFF  }
0xa5: {  	s26 =	simm.s32 $execute0_lowered;
	[smem:$0x3FD2] =	sst s25  }
0xa6: {  	s4 =	sshll.u32 s26, $0x1;
	_ =	strace $0x8000004C;
	[dreg:$0x1] =	wrdreg $0xFFFFFFFF  }
0xa7: {  	s28 =	simm.s32 $_size_execute0_lowered;
	s2 =	sadd.s32 s2, s4;
	[dreg:$0x0] =	wrdreg $0x0  }
0xa8: {  	s4 =	sshll.u32 s28, $0x1;
	[dreg:$0x2] =	wrdreg s2  }
0xa9: {  	[dreg:$0x3] =	wrdreg s4  }
0xaa: {  	[dreg:$0x4] =	wrdreg $0xC0  }
0xab: {  	_ =	task [dreg:s6], $0x5FFFF  }
0xac: {  	[dreg:$0x1] =	wrdreg $0xFFFFFFFF  }
0xad: {  	[dreg:$0x0] =	wrdreg $0x60  }
0xae: {  	[dreg:$0x2] =	wrdreg s24  }
0xaf: {  	[dreg:$0x3] =	wrdreg $0x9  }
0xb0: {  	_ =	task.clear_ibuf [dreg:s6], $0x4FFFF;
	_ =	strace $0x9000004C  }
0xb1: {  	s29 =	simm.s32 $0x9;
	_ =	strace $0x8000004E  }
0xb2: {  	_ =	swait.ge [sflag:s29], $0x1  }
0xb3: {  	[sflag:s29] =	ssyncadd.s32 $0xFFFFFFFF  }
0xb4: {  	_ =	strace $0x9000004E  }
0xb5: {  	_ =	sfence  }
0xb6: {  	s30 =	sld [smem:$0x0];
	_ =	sdelay $0x2  }
0xb7: {  	s31 =	sshll.u32 s1, $0xD;
	s1 =	sshrl.u32 s1, $0x2  }
0xb8: {  	s3 =	sand.u32 $0x4000, s31;
	s1 =	sadd.s32 s1, s30  }
0xb9: {  	s0 =	sor.u32 s3, s0;
	s1 =	sshll.u32 s1, $0x11  }
0xba: {  	s0 =	sor.u32 s1, s0  }
0xbb: {  	s0 =	sadd.s32 $0x8F2B, s0  }
0xbc: {  	[sflag:s0] =	ssyncadd.remote.s32 $0x1  }
0xbd: {  	_ =	sfence.sel $0xFFFF  }
0xbe: {  	[dreg:$0x0] =	wrdreg $0xFFFFFFFF;
	(pc) =	sbr.abs _section_cstart, $3  }
0xbf: {  	[dreg:$0x1] =	wrdreg $0xFFFFFFFF  }
0xc0: {  	_ =	task.clear_ibuf [dreg:s6], $0x2FFFF;
	_ =	strace $0x9FFFFFFF  }
0xc1: {  	(tm) =	ssettm $0x7FFFFFFF  }
tec
execute0_lowered:
.L_overlay_start_1:
0x0: {  	(tag) =	ssettag $0x1  }
0x1: {  	s0 =	srdreg.scid  }
0x2: {  	s0 =	sand.u32 $0x1, s0  }
0x3: {  	s1 =	stileid.u32;
	s2 =	sshll.u32 s0, $0x4  }
0x4: {  	s8 =	sor.u32 s1, s2  }
0x5: {  	s4 =	rddreg [dreg:$0x0];
	s3 =	sshll.u32 s8, $0x8;
	s5 =	smul.u32 $0x5000, s8  }
0x6: {  	s13 =	sadd.s32 $0xA3E00, s4;
	s2 =	simm.s32 $0x0;
	s3 =	sadd.s32 s3, s4  }
0x7: {  	[smem:$0x7FF] =	sst s2;
	s3 =	sadd.s32 $0xA1E00, s3;
	s29 =	sadd.s32 s13, s5  }
0x8: {  	_ =	strace $0x8000004D;
	[dreg:$0x2] =	wrdreg s3;
	s23 =	sadd.s32 $0x800, s29  }
0x9: {  	[dreg:$0x3] =	wrdreg s23  }
0xa: {  	s24 =	sadd.s32 $0x1000, s29;
	s25 =	rddreg [dreg:$0x2]  }
0xb: {  	s26 =	sadd.s32 $0x1800, s29;
	[dreg:$0x4] =	wrdreg s24  }
0xc: {  	s3 =	simm.s32 $0x9;
	[dreg:$0x5] =	wrdreg s26  }
0xd: {  	[tilespmem:s2], [sflag:$0x9] =	stream.linear.gather [hbm4b:s25+s2], $0x500, $0x38;
	[tilespmem:$0x10800] =	vst v63  }
0xe: {  	_ =	swait.ge [sflag:s3], $0x500  }
0xf: {  	s6 =	simm.s32 $0x800;
	[sflag:s3] =	ssyncset.done $0x0  }
0x10: {  	s4 =	sadd.s32 $0x1E00, s4;
	s5 =	simm.s32 $0x80;
	[sflag:s3] =	ssyncadd.s32 $0xFFFFFB00  }
0x11: {  	[tilespmem:s6], [sflag:$0x1] =	stream.indirect.gather [hbm4b:s4+s5], $0x80, s2, s5, $0xb8;
	[tilespmem:$0x10800] =	vst v63  }
0x12: {  	s7 =	simm.s32 $0x4800  }
0x13: {  	[tilespmem:s7], [sflag:$0x2] =	stream.indirect.gather [hbm4b:s4+s5], $0x80, s5, s5, $0xb8;
	[tilespmem:$0x10800] =	vst v63  }
0x14: {  	s9 =	simm.s32 $0x8800;
	s14 =	smul.u32 $0x28000, s8;
	s8 =	simm.s32 $0x100  }
0x15: {  	[tilespmem:s9], [sflag:$0x3] =	stream.indirect.gather [hbm4b:s4+s5], $0x80, s8, s5, $0xb8;
	[tilespmem:$0x10800] =	vst v63  }
0x16: {  	s10 =	simm.s32 $0x180;
	s11 =	simm.s32 $0xC800;
	s12 =	simm.s32 $0x1  }
0x17: {  	[tilespmem:s11], [sflag:$0x4] =	stream.indirect.gather [hbm4b:s4+s5], $0x80, s10, s5, $0xb8;
	[tilespmem:$0x10800] =	vst v63  }
0x18: {  	_ =	swait.ge [sflag:s12], $0x4000  }
0x19: {  	s14 =	sshrl.u32 s14, $0x3;
	[sflag:s12] =	ssyncset.done $0x0  }
0x1a: {  	s13 =	sadd.s32 s13, s14;
	s14 =	simm.s32 $0x2;
	[sflag:s12] =	ssyncadd.s32 $0xFFFFC000  }
0x1b: {  	[hbm4b:s13+s2] =	stream.linear.scatter [tilespmem:s6], [sflag:$0x5], $0x4000, $0x38;
	[tilespmem:$0x10800] =	vst v63  }
0x1c: {  	_ =	swait.ge [sflag:s14], $0x4000  }
0x1d: {  	[sflag:s14] =	ssyncset.done $0x0  }
0x1e: {  	s15 =	simm.s32 $0x3;
	s16 =	rddreg [dreg:$0x3];
	[sflag:s14] =	ssyncadd.s32 $0xFFFFC000  }
0x1f: {  	[hbm4b:s16+s2] =	stream.linear.scatter [tilespmem:s7], [sflag:$0x6], $0x4000, $0x38;
	[tilespmem:$0x10800] =	vst v63  }
0x20: {  	_ =	swait.ge [sflag:s15], $0x4000  }
0x21: {  	[sflag:s15] =	ssyncset.done $0x0  }
0x22: {  	s16 =	simm.s32 $0x4;
	s17 =	rddreg [dreg:$0x4];
	[sflag:s15] =	ssyncadd.s32 $0xFFFFC000  }
0x23: {  	[hbm4b:s17+s2] =	stream.linear.scatter [tilespmem:s9], [sflag:$0x7], $0x4000, $0x38;
	[tilespmem:$0x10800] =	vst v63  }
0x24: {  	_ =	swait.ge [sflag:s16], $0x4000  }
0x25: {  	[sflag:s16] =	ssyncset.done $0x0  }
0x26: {  	s17 =	simm.s32 $0x5;
	s18 =	rddreg [dreg:$0x5];
	[sflag:s16] =	ssyncadd.s32 $0xFFFFC000  }
0x27: {  	[hbm4b:s18+s2] =	stream.linear.scatter [tilespmem:s11], [sflag:$0x8], $0x4000, $0x38;
	[tilespmem:$0x10800] =	vst v63  }
0x28: {  	_ =	swait.ge [sflag:s17], $0x4000  }
0x29: {  	[sflag:s17] =	ssyncset.done $0x0  }
0x2a: {  	s19 =	simm.s32 $0x6;
	s18 =	simm.s32 $0x200;
	[sflag:s17] =	ssyncadd.s32 $0xFFFFC000  }
0x2b: {  	[tilespmem:s6], [sflag:$0x1] =	stream.indirect.gather [hbm4b:s4+s5], $0x80, s18, s5, $0xb8;
	[tilespmem:$0x10800] =	vst v63  }
0x2c: {  	_ =	swait.ge [sflag:s19], $0x4000  }
0x2d: {  	[sflag:s19] =	ssyncset.done $0x0  }
0x2e: {  	s20 =	simm.s32 $0x280;
	s21 =	simm.s32 $0x7;
	[sflag:s19] =	ssyncadd.s32 $0xFFFFC000  }
0x2f: {  	[tilespmem:s7], [sflag:$0x2] =	stream.indirect.gather [hbm4b:s4+s5], $0x80, s20, s5, $0xb8;
	[tilespmem:$0x10800] =	vst v63  }
0x30: {  	_ =	swait.ge [sflag:s21], $0x4000  }
0x31: {  	[sflag:s21] =	ssyncset.done $0x0  }
0x32: {  	s22 =	simm.s32 $0x300;
	s23 =	simm.s32 $0x8;
	[sflag:s21] =	ssyncadd.s32 $0xFFFFC000  }
0x33: {  	[tilespmem:s9], [sflag:$0x3] =	stream.indirect.gather [hbm4b:s4+s5], $0x80, s22, s5, $0xb8;
	[tilespmem:$0x10800] =	vst v63  }
0x34: {  	_ =	swait.ge [sflag:s23], $0x4000  }
0x35: {  	[sflag:s23] =	ssyncset.done $0x0  }
0x36: {  	s24 =	simm.s32 $0x380;
	[sflag:s23] =	ssyncadd.s32 $0xFFFFC000  }
0x37: {  	[tilespmem:s11], [sflag:$0x4] =	stream.indirect.gather [hbm4b:s4+s5], $0x80, s24, s5, $0xb8;
	[tilespmem:$0x10800] =	vst v63  }
0x38: {  	_ =	swait.ge [sflag:s12], $0x4000  }
0x39: {  	[sflag:s12] =	ssyncset.done $0x0  }
0x3a: {  	s25 =	sadd.s32 $0x2000, s13;
	[sflag:s12] =	ssyncadd.s32 $0xFFFFC000  }
0x3b: {  	[hbm4b:s25+s2] =	stream.linear.scatter [tilespmem:s6], [sflag:$0x5], $0x4000, $0x38;
	[tilespmem:$0x10800] =	vst v63  }
0x3c: {  	_ =	swait.ge [sflag:s14], $0x4000  }
0x3d: {  	[sflag:s14] =	ssyncset.done $0x0  }
0x3e: {  	s26 =	sadd.s32 $0x2800, s29;
	[sflag:s14] =	ssyncadd.s32 $0xFFFFC000  }
0x3f: {  	[hbm4b:s26+s2] =	stream.linear.scatter [tilespmem:s7], [sflag:$0x6], $0x4000, $0x38;
	[tilespmem:$0x10800] =	vst v63  }
0x40: {  	_ =	swait.ge [sflag:s15], $0x4000  }
0x41: {  	[sflag:s15] =	ssyncset.done $0x0  }
0x42: {  	s28 =	sadd.s32 $0x3000, s29;
	[sflag:s15] =	ssyncadd.s32 $0xFFFFC000  }
0x43: {  	[hbm4b:s28+s2] =	stream.linear.scatter [tilespmem:s9], [sflag:$0x7], $0x4000, $0x38;
	[tilespmem:$0x10800] =	vst v63  }
0x44: {  	_ =	swait.ge [sflag:s16], $0x4000  }
0x45: {  	[sflag:s16] =	ssyncset.done $0x0  }
0x46: {  	s29 =	sadd.s32 $0x3800, s29;
	[sflag:s16] =	ssyncadd.s32 $0xFFFFC000  }
0x47: {  	[hbm4b:s29+s2] =	stream.linear.scatter [tilespmem:s11], [sflag:$0x8], $0x4000, $0x38;
	[tilespmem:$0x10800] =	vst v63  }
0x48: {  	_ =	swait.ge [sflag:s17], $0x4000  }
0x49: {  	[sflag:s17] =	ssyncset.done $0x0  }
0x4a: {  	s30 =	simm.s32 $0x400;
	[sflag:s17] =	ssyncadd.s32 $0xFFFFC000  }
0x4b: {  	[tilespmem:s6], [sflag:$0x1] =	stream.indirect.gather [hbm4b:s4+s5], $0x80, s30, s5, $0xb8;
	[tilespmem:$0x10800] =	vst v63  }
0x4c: {  	_ =	swait.ge [sflag:s19], $0x4000  }
0x4d: {  	[sflag:s19] =	ssyncset.done $0x0  }
0x4e: {  	s31 =	simm.s32 $0x480;
	[sflag:s19] =	ssyncadd.s32 $0xFFFFC000  }
0x4f: {  	[tilespmem:s7], [sflag:$0x2] =	stream.indirect.gather [hbm4b:s4+s5], $0x80, s31, s5, $0xb8;
	[tilespmem:$0x10800] =	vst v63  }
0x50: {  	_ =	swait.ge [sflag:s21], $0x4000  }
0x51: {  	[sflag:s21] =	ssyncset.done $0x0  }
0x52: {  	[sflag:s21] =	ssyncadd.s32 $0xFFFFC000  }
0x53: {  	[tilespmem:s9], [sflag:$0x3] =	stream.indirect.gather [hbm4b:s4+s5], $0x80, s31, s5, $0xb8;
	[tilespmem:$0x10800] =	vst v63  }
0x54: {  	_ =	swait.ge [sflag:s23], $0x4000  }
0x55: {  	[sflag:s23] =	ssyncset.done $0x0  }
0x56: {  	[sflag:s23] =	ssyncadd.s32 $0xFFFFC000  }
0x57: {  	[tilespmem:s11], [sflag:$0x4] =	stream.indirect.gather [hbm4b:s4+s5], $0x80, s31, s5, $0xb8;
	[tilespmem:$0x10800] =	vst v63  }
0x58: {  	s0 =	ssub.s32 $0x2, s0;
	_ =	swait.ge [sflag:s12], $0x4000  }
0x59: {  	s1 =	sshrl.u32 s0, $0x1;
	[sflag:s12] =	ssyncset.done $0x0  }
0x5a: {  	s0 =	ssub.s32 s0, s1;
	[sflag:s12] =	ssyncadd.s32 $0xFFFFC000  }
0x5b: {  	s0 =	smax.u32 s0, $0x1;
	_ =	swait.ge [sflag:s14], $0x4000  }
0x5c: {  	p0 =	sne.s32 s0, $0x1;
	[sflag:s14] =	ssyncset.done $0x0  }
.Ltmp0:
0x5d: {  	[sflag:s14] =	ssyncadd.s32 $0xFFFFC000;
	(pc) =	sbr.rel @!p0 .LBB2_2-.Ltmp0, $4  }
0x5e: {  	_ =	swait.ge [sflag:s15], $0x4000  }
0x5f: {  	[sflag:s15] =	ssyncset.done $0x0  }
0x60: {  	[sflag:s15] =	ssyncadd.s32 $0xFFFFC000  }
0x61: {  	s0 =	sadd.s32 $0xFFFFFFFF, s0;
	_ =	swait.ge [sflag:s16], $0x4000  }
.LBB2_1:
0x62: {  	[sflag:s16] =	ssyncset.done $0x0  }
0x63: {  	s1 =	rddreg [dreg:$0x2];
	[sflag:s16] =	ssyncadd.s32 $0xFFFFC000  }
0x64: {  	[tilespmem:s2], [sflag:$0x9] =	stream.linear.gather [hbm4b:s1+s2], $0x500, $0x38;
	[tilespmem:$0x10800] =	vst v63  }
0x65: {  	_ =	swait.ge [sflag:s3], $0x500  }
0x66: {  	[sflag:s3] =	ssyncset.done $0x0  }
0x67: {  	[sflag:s3] =	ssyncadd.s32 $0xFFFFFB00  }
0x68: {  	[tilespmem:s6], [sflag:$0x1] =	stream.indirect.gather [hbm4b:s4+s5], $0x80, s2, s5, $0xb8;
	[tilespmem:$0x10800] =	vst v63  }
0x69: {  	_ = 	snop  }
0x6a: {  	[tilespmem:s7], [sflag:$0x2] =	stream.indirect.gather [hbm4b:s4+s5], $0x80, s5, s5, $0xb8;
	[tilespmem:$0x10800] =	vst v63  }
0x6b: {  	_ = 	snop  }
0x6c: {  	[tilespmem:s9], [sflag:$0x3] =	stream.indirect.gather [hbm4b:s4+s5], $0x80, s8, s5, $0xb8;
	[tilespmem:$0x10800] =	vst v63  }
0x6d: {  	_ = 	snop  }
0x6e: {  	[tilespmem:s11], [sflag:$0x4] =	stream.indirect.gather [hbm4b:s4+s5], $0x80, s10, s5, $0xb8;
	[tilespmem:$0x10800] =	vst v63  }
0x6f: {  	_ =	swait.ge [sflag:s12], $0x4000  }
0x70: {  	[sflag:s12] =	ssyncset.done $0x0  }
0x71: {  	[sflag:s12] =	ssyncadd.s32 $0xFFFFC000  }
0x72: {  	[hbm4b:s13+s2] =	stream.linear.scatter [tilespmem:s6], [sflag:$0x5], $0x4000, $0x38;
	[tilespmem:$0x10800] =	vst v63  }
0x73: {  	_ =	swait.ge [sflag:s14], $0x4000  }
0x74: {  	[sflag:s14] =	ssyncset.done $0x0  }
0x75: {  	s1 =	rddreg [dreg:$0x3];
	[sflag:s14] =	ssyncadd.s32 $0xFFFFC000  }
0x76: {  	[hbm4b:s1+s2] =	stream.linear.scatter [tilespmem:s7], [sflag:$0x6], $0x4000, $0x38;
	[tilespmem:$0x10800] =	vst v63  }
0x77: {  	_ =	swait.ge [sflag:s15], $0x4000  }
0x78: {  	[sflag:s15] =	ssyncset.done $0x0  }
0x79: {  	s1 =	rddreg [dreg:$0x4];
	[sflag:s15] =	ssyncadd.s32 $0xFFFFC000  }
0x7a: {  	[hbm4b:s1+s2] =	stream.linear.scatter [tilespmem:s9], [sflag:$0x7], $0x4000, $0x38;
	[tilespmem:$0x10800] =	vst v63  }
0x7b: {  	_ =	swait.ge [sflag:s16], $0x4000  }
0x7c: {  	[sflag:s16] =	ssyncset.done $0x0  }
0x7d: {  	s1 =	rddreg [dreg:$0x5];
	[sflag:s16] =	ssyncadd.s32 $0xFFFFC000  }
0x7e: {  	[hbm4b:s1+s2] =	stream.linear.scatter [tilespmem:s11], [sflag:$0x8], $0x4000, $0x38;
	[tilespmem:$0x10800] =	vst v63  }
0x7f: {  	_ =	swait.ge [sflag:s17], $0x4000  }
0x80: {  	[sflag:s17] =	ssyncset.done $0x0  }
0x81: {  	[sflag:s17] =	ssyncadd.s32 $0xFFFFC000  }
0x82: {  	[tilespmem:s6], [sflag:$0x1] =	stream.indirect.gather [hbm4b:s4+s5], $0x80, s18, s5, $0xb8;
	[tilespmem:$0x10800] =	vst v63  }
0x83: {  	_ =	swait.ge [sflag:s19], $0x4000  }
0x84: {  	[sflag:s19] =	ssyncset.done $0x0  }
0x85: {  	[sflag:s19] =	ssyncadd.s32 $0xFFFFC000  }
0x86: {  	[tilespmem:s7], [sflag:$0x2] =	stream.indirect.gather [hbm4b:s4+s5], $0x80, s20, s5, $0xb8;
	[tilespmem:$0x10800] =	vst v63  }
0x87: {  	_ =	swait.ge [sflag:s21], $0x4000  }
0x88: {  	[sflag:s21] =	ssyncset.done $0x0  }
0x89: {  	[sflag:s21] =	ssyncadd.s32 $0xFFFFC000  }
0x8a: {  	[tilespmem:s9], [sflag:$0x3] =	stream.indirect.gather [hbm4b:s4+s5], $0x80, s22, s5, $0xb8;
	[tilespmem:$0x10800] =	vst v63  }
0x8b: {  	_ =	swait.ge [sflag:s23], $0x4000  }
0x8c: {  	[sflag:s23] =	ssyncset.done $0x0  }
0x8d: {  	[sflag:s23] =	ssyncadd.s32 $0xFFFFC000  }
0x8e: {  	[tilespmem:s11], [sflag:$0x4] =	stream.indirect.gather [hbm4b:s4+s5], $0x80, s24, s5, $0xb8;
	[tilespmem:$0x10800] =	vst v63  }
0x8f: {  	_ =	swait.ge [sflag:s12], $0x4000  }
0x90: {  	[sflag:s12] =	ssyncset.done $0x0  }
0x91: {  	[sflag:s12] =	ssyncadd.s32 $0xFFFFC000  }
0x92: {  	[hbm4b:s25+s2] =	stream.linear.scatter [tilespmem:s6], [sflag:$0x5], $0x4000, $0x38;
	[tilespmem:$0x10800] =	vst v63  }
0x93: {  	_ =	swait.ge [sflag:s14], $0x4000  }
0x94: {  	[sflag:s14] =	ssyncset.done $0x0  }
0x95: {  	[sflag:s14] =	ssyncadd.s32 $0xFFFFC000  }
0x96: {  	[hbm4b:s26+s2] =	stream.linear.scatter [tilespmem:s7], [sflag:$0x6], $0x4000, $0x38;
	[tilespmem:$0x10800] =	vst v63  }
0x97: {  	_ =	swait.ge [sflag:s15], $0x4000  }
0x98: {  	[sflag:s15] =	ssyncset.done $0x0  }
0x99: {  	[sflag:s15] =	ssyncadd.s32 $0xFFFFC000  }
0x9a: {  	[hbm4b:s28+s2] =	stream.linear.scatter [tilespmem:s9], [sflag:$0x7], $0x4000, $0x38;
	[tilespmem:$0x10800] =	vst v63  }
0x9b: {  	_ =	swait.ge [sflag:s16], $0x4000  }
0x9c: {  	[sflag:s16] =	ssyncset.done $0x0  }
0x9d: {  	[sflag:s16] =	ssyncadd.s32 $0xFFFFC000  }
0x9e: {  	[hbm4b:s29+s2] =	stream.linear.scatter [tilespmem:s11], [sflag:$0x8], $0x4000, $0x38;
	[tilespmem:$0x10800] =	vst v63  }
0x9f: {  	_ =	swait.ge [sflag:s17], $0x4000  }
0xa0: {  	[sflag:s17] =	ssyncset.done $0x0  }
0xa1: {  	[sflag:s17] =	ssyncadd.s32 $0xFFFFC000  }
0xa2: {  	[tilespmem:s6], [sflag:$0x1] =	stream.indirect.gather [hbm4b:s4+s5], $0x80, s30, s5, $0xb8;
	[tilespmem:$0x10800] =	vst v63  }
0xa3: {  	_ =	swait.ge [sflag:s19], $0x4000  }
0xa4: {  	[sflag:s19] =	ssyncset.done $0x0  }
0xa5: {  	[sflag:s19] =	ssyncadd.s32 $0xFFFFC000  }
0xa6: {  	[tilespmem:s7], [sflag:$0x2] =	stream.indirect.gather [hbm4b:s4+s5], $0x80, s31, s5, $0xb8;
	[tilespmem:$0x10800] =	vst v63  }
0xa7: {  	_ =	swait.ge [sflag:s21], $0x4000  }
0xa8: {  	[sflag:s21] =	ssyncset.done $0x0  }
0xa9: {  	[sflag:s21] =	ssyncadd.s32 $0xFFFFC000  }
0xaa: {  	[tilespmem:s9], [sflag:$0x3] =	stream.indirect.gather [hbm4b:s4+s5], $0x80, s31, s5, $0xb8;
	[tilespmem:$0x10800] =	vst v63  }
0xab: {  	_ =	swait.ge [sflag:s23], $0x4000  }
0xac: {  	[sflag:s23] =	ssyncset.done $0x0  }
0xad: {  	[sflag:s23] =	ssyncadd.s32 $0xFFFFC000  }
0xae: {  	[tilespmem:s11], [sflag:$0x4] =	stream.indirect.gather [hbm4b:s4+s5], $0x80, s31, s5, $0xb8;
	[tilespmem:$0x10800] =	vst v63  }
0xaf: {  	_ =	swait.ge [sflag:s12], $0x4000  }
0xb0: {  	[sflag:s12] =	ssyncset.done $0x0  }
0xb1: {  	[sflag:s12] =	ssyncadd.s32 $0xFFFFC000  }
0xb2: {  	_ =	swait.ge [sflag:s14], $0x4000  }
0xb3: {  	p0 =	sne.s32 s0, $0x1;
	[sflag:s14] =	ssyncset.done $0x0  }
.Ltmp1:
0xb4: {  	[sflag:s14] =	ssyncadd.s32 $0xFFFFC000;
	(pc) =	sbr.rel @p0 .LBB2_1-.Ltmp1, $4  }
0xb5: {  	_ =	swait.ge [sflag:s15], $0x4000  }
0xb6: {  	[sflag:s15] =	ssyncset.done $0x0  }
0xb7: {  	[sflag:s15] =	ssyncadd.s32 $0xFFFFC000  }
0xb8: {  	s0 =	sadd.s32 $0xFFFFFFFF, s0;
	_ =	swait.ge [sflag:s16], $0x4000  }
.LBB2_2:
0xb9: {  	[sflag:s16] =	ssyncset.done $0x0  }
0xba: {  	[sflag:s16] =	ssyncadd.s32 $0xFFFFC000  }
0xbb: {  	_ =	sfence.sel $0x180000  }
0xbc: {  	[bflag:$0x0] =	sbarrier.arrive $0xFFFF  }
0xbd: {  	_ =	strace $0x9000004D  }
0xbe: {  	s0 =	stileid.u32;
	[bflag:$0x2] =	sbarrier.arrive $0xFFFF  }
0xbf: {  	p0 =	sne.s32 s0, $0x0;
	s0 =	rddreg [dreg:$0x1]  }
0xc0: {  	s0 =	sadd.s32 @!p0 $0x100000, s0  }
0xc1: {  	[sflag:s0] =	ssyncadd.tile.s32 @!p0 $0x1;
	_ =	shalt  }
.Lfunc_end2:
_tile_overlayer_lowered:
.L_overlay_start_2:
0xc2: {  	(tag) =	ssettag $0x2  }
0xc3: {  	s0 =	rddreg [dreg:$0x0];
	s2 =	stileid.u32  }
0xc4: {  	s1 =	rddreg [dreg:$0x1];
	p0 =	sne.s32 s2, $0x0  }
0xc5: {  	s3 =	rddreg [dreg:$0x2];
	[bflag:$0x3] =	sbarrier.arrive $0xFFFF;
	s2 =	simm.s32 @!p0 $0x1C09  }
0xc6: {  	[timem:s3], [sflag:s2] =	dma.local @!p0 [hbm:s0], s1  }
0xc7: {  	s0 =	simm.s32 @!p0 $0x9  }
0xc8: {  	_ =	swait.ge @!p0 [sflag:s0], s1  }
0xc9: {  	s1 =	ssub.s32 @!p0 $0x0, s1;
	[sflag:s0] =	ssyncset.done @!p0 $0x0  }
0xca: {  	[sflag:s0] =	ssyncadd.s32 @!p0 s1  }
0xcb: {  	[bflag:$0x3] =	sbarrier.arrive $0xFFFF  }
0xcc: {  	_ =	shalt  }

// kernel: kernel.8.cloned.1.call-start
scs
__scs_entry_jumppad:
0x0: {  	(pc) =	sbr.rel $0x88, $3  }
0x1: {  	(tag) =	ssettag $0x0;
	lr =	simm.s32 $0x1  }
0x2: {  	[smem:$0x3F95] =	sst lr;
	_ =	strace $0xD0000000  }
0x3: {  	_ = 	snop  }
0x4: {  	_ = 	snop  }
0x5: {  	_ = 	snop  }
0x6: {  	_ = 	snop  }
0x7: {  	_ = 	snop  }
__scs_overlays_trampoline_lowered:
0x8: {  	[smem:$0x3FA4] =	sst s0  }
0x9: {  	[smem:$0x3FA5] =	sst s1  }
0xa: {  	[smem:$0x3FA6] =	sst s2  }
0xb: {  	[smem:$0x3FA7] =	sst s3  }
0xc: {  	[smem:$0x3FA8] =	sst s4  }
0xd: {  	[smem:$0x3FA9] =	sst s5  }
0xe: {  	[smem:$0x3FAA] =	sst s6  }
0xf: {  	[smem:$0x3FAB] =	sst s7  }
0x10: {  	[smem:$0x3FAC] =	sst s8  }
0x11: {  	[smem:$0x3FAD] =	sst s9;
	s0 =	simm.s32 @!p0 $0x0  }
0x12: {  	s1 =	sld [smem:$0x3F93];
	s0 =	simm.s32 @p0 $0x1  }
0x13: {  	[smem:$0x3FAE] =	sst s0;
	s0 =	simm.s32 @!p1 $0x0  }
0x14: {  	s2 =	sld [smem:$0x3F92];
	s0 =	simm.s32 @p1 $0x1  }
0x15: {  	[smem:$0x3FAF] =	sst s0;
	s0 =	simm.s32 @!p2 $0x0  }
0x16: {  	s3 =	sld [smem:$0x3FDB];
	s0 =	simm.s32 @p2 $0x1  }
0x17: {  	s4 =	simm.s32 $0x1BF5;
	[smem:$0x3FB1] =	sst s0  }
0x18: {  	s0 =	sld [smem:$0x3F94];
	_ =	swait.ge [sflag:s4], $0x0  }
0x19: {  	s7 =	sld [smem:$0x3F95]  }
0x1a: {  	s8 =	sadd.s32 $0xFFFFE003, lr  }
0x1b: {  	s9 =	sadd.s32 $0xFFFFFEF7, lr;
	s5 =	simm.s32 $0xFFFFFFFF;
	p2 =	slt.u32 s8, $0xFFFFF086  }
0x1c: {  	p1 =	slt.u32 s9, $0xF7A;
	s5 =	simm.s32 @!p2 $0x0  }
0x1d: {  	s5 =	simm.s32 @p1 $0x1;
	p0 =	seq.s32 s7, s2  }
0x1e: {  	s7 =	smul.u32 @!p0 $0xF7A, s2;
	p2 =	seq.s32 @!p0 s5, $0x0  }
0x1f: {  	s9 =	smul.u32 $0xF7A, s1;
	s8 =	simm.s32 @!p0 $0x1BF5;
	p2 =	por !p2, p0  }
0x20: {  	[sflag:s8] =	ssyncset.s32 @!p0 $0xFFFFF086;
	s6 =	sadd.s32 @!p0 s3, s7;
	s7 =	simm.s32 @!p0 $0x108  }
0x21: {  	s3 =	sadd.s32 s3, s9;
	s6 =	sadd.s32 @!p0 $0x88, s6;
	s7 =	simm.s32 @p2 $0x1082  }
0x22: {  	[simem:s7], [sflag:s8] =	dma.local @!p0 [hbm:s6], $0xF7A  }
0x23: {  	s9 =	sor.u32 $0xD0000000, s2;
	s6 =	simm.s32 $0x108;
	_ =	swait.ge @!p0 [sflag:s8], $0x0  }
0x24: {  	s3 =	sadd.s32 $0x88, s3;
	s6 =	simm.s32 @!p1 $0x1082;
	[sflag:s4] =	ssyncset.s32 $0xFFFFF086  }
0x25: {  	[simem:s6], [sflag:s4] =	dma.local [hbm:s3], $0xF7A  }
0x26: {  	[smem:$0x3F95] =	sst s1;
	(tag) =	ssettag s2;
	_ =	strace s9  }
0x27: {  	s1 =	sld [smem:$0x3FA5]  }
0x28: {  	s2 =	sld [smem:$0x3FA6]  }
0x29: {  	s4 =	sld [smem:$0x3FA8]  }
0x2a: {  	p0 =	seq.s32 s5, $0x0;
	s5 =	sld [smem:$0x3FA9]  }
0x2b: {  	s6 =	sld [smem:$0x3FAA]  }
0x2c: {  	s7 =	sld [smem:$0x3FAB]  }
0x2d: {  	s3 =	simm.s32 $0x108;
	s8 =	sld [smem:$0x3FAC]  }
0x2e: {  	s3 =	simm.s32 @!p0 $0x1082;
	s9 =	sld [smem:$0x3FAD]  }
0x2f: {  	lr =	sadd.s32 s0, s3;
	s0 =	sld [smem:$0x3FA4]  }
0x30: {  	s3 =	sld [smem:$0x3FA7]  }
0x31: {  	[smem:$0x3FB0] =	sst s10  }
0x32: {  	s10 =	sld [smem:$0x3FAE];
	_ =	sdelay $0x3  }
0x33: {  	p0 =	seq.s32 s10, $0x1;
	s10 =	sld [smem:$0x3FB0];
	_ =	sdelay $0x3  }
0x34: {  	[smem:$0x3FB0] =	sst s10  }
0x35: {  	s10 =	sld [smem:$0x3FAF];
	_ =	sdelay $0x3  }
0x36: {  	p1 =	seq.s32 s10, $0x1;
	s10 =	sld [smem:$0x3FB0];
	_ =	sdelay $0x3  }
0x37: {  	[smem:$0x3FB0] =	sst s10  }
0x38: {  	s10 =	sld [smem:$0x3FB1]  }
0x39: {  	_ = 	snop;
	(pc) =	sbr.ind lr, $3  }
0x3a: {  	_ = 	snop  }
0x3b: {  	_ = 	snop  }
0x3c: {  	p2 =	seq.s32 s10, $0x1;
	s10 =	sld [smem:$0x3FB0]  }
0x3d: {  	_ =	shalt  }
0x3e: {  	_ =	shalt  }
0x3f: {  	_ =	shalt  }
0x40: {  	_ =	shalt  }
0x41: {  	_ =	shalt  }
0x42: {  	_ =	shalt  }
0x43: {  	_ =	shalt  }
0x44: {  	_ =	shalt  }
0x45: {  	_ =	shalt  }
0x46: {  	_ =	shalt  }
0x47: {  	_ =	shalt  }
0x48: {  	_ =	shalt  }
0x49: {  	_ =	shalt  }
0x4a: {  	_ =	shalt  }
0x4b: {  	_ =	shalt  }
0x4c: {  	_ =	shalt  }
0x4d: {  	_ =	shalt  }
0x4e: {  	_ =	shalt  }
0x4f: {  	_ =	shalt  }
0x50: {  	_ =	shalt  }
0x51: {  	_ =	shalt  }
0x52: {  	_ =	shalt  }
0x53: {  	_ =	shalt  }
0x54: {  	_ =	shalt  }
0x55: {  	_ =	shalt  }
0x56: {  	_ =	shalt  }
0x57: {  	_ =	shalt  }
0x58: {  	_ =	shalt  }
0x59: {  	_ =	shalt  }
0x5a: {  	_ =	shalt  }
0x5b: {  	_ =	shalt  }
0x5c: {  	_ =	shalt  }
0x5d: {  	_ =	shalt  }
0x5e: {  	_ =	shalt  }
0x5f: {  	_ =	shalt  }
0x60: {  	_ =	shalt  }
0x61: {  	_ =	shalt  }
0x62: {  	_ =	shalt  }
0x63: {  	_ =	shalt  }
0x64: {  	_ =	shalt  }
0x65: {  	_ =	shalt  }
0x66: {  	_ =	shalt  }
0x67: {  	_ =	shalt  }
0x68: {  	_ =	shalt  }
0x69: {  	_ =	shalt  }
0x6a: {  	_ =	shalt  }
0x6b: {  	_ =	shalt  }
0x6c: {  	_ =	shalt  }
0x6d: {  	_ =	shalt  }
0x6e: {  	_ =	shalt  }
0x6f: {  	_ =	shalt  }
0x70: {  	_ =	shalt  }
0x71: {  	_ =	shalt  }
0x72: {  	_ =	shalt  }
0x73: {  	_ =	shalt  }
0x74: {  	_ =	shalt  }
0x75: {  	_ =	shalt  }
0x76: {  	_ =	shalt  }
0x77: {  	_ =	shalt  }
0x78: {  	_ =	shalt  }
0x79: {  	_ =	shalt  }
0x7a: {  	_ =	shalt  }
0x7b: {  	_ =	shalt  }
0x7c: {  	_ =	shalt  }
0x7d: {  	_ =	shalt  }
0x7e: {  	_ =	shalt  }
0x7f: {  	_ =	shalt  }
0x80: {  	_ =	shalt  }
0x81: {  	_ =	shalt  }
0x82: {  	_ =	shalt  }
0x83: {  	_ =	shalt  }
0x84: {  	_ =	shalt  }
0x85: {  	_ =	shalt  }
0x86: {  	_ =	shalt  }
0x87: {  	_ =	shalt  }
.Lfunc_end0:
.L_simem_size_0:
called_computation_lowered:
.L_overlay_start_0:
0x88: {  	s2 =	sld [smem:$0x3FD9]  }
0x89: {  	s3 =	sld [smem:$0x3FFE];
	_ =	sdelay $0x1  }
0x8a: {  	s1 =	srdreg.scid  }
0x8b: {  	s0 =	sand.u32 $0x1, s1  }
0x8c: {  	s17 =	sshll.u32 s0, $0xA;
	s2 =	sadd.s32 s3, s2  }
0x8d: {  	s2 =	sadd.s32 s2, s17  }
0x8e: {  	[smem:$0x3FBC] =	sst s2  }
0x8f: {  	_ = 	snop  }
0x90: {  	s2 =	sld [smem:$0x3FC9];
	(tm) =	ssettm $0x1  }
0x91: {  	s18 =	sld [smem:$0x3FFB];
	_ =	sdelay $0x3  }
0x92: {  	_ =	strace s18  }
0x93: {  	s3 =	sld [smem:$0x3FFC];
	_ =	sdelay $0x3  }
0x94: {  	_ =	strace s3  }
0x95: {  	s3 =	sld [smem:$0x3FFD];
	_ =	sdelay $0x3  }
0x96: {  	_ =	strace s3  }
0x97: {  	_ =	strace $0x8FFFFFFF  }
0x98: {  	s19 =	sld [smem:$0x3FDB];
	_ =	sdelay $0x1  }
0x99: {  	s4 =	simm.s32 $_scs_section_size  }
0x9a: {  	s5 =	simm.s32 $_size__tile_overlayer_lowered;
	s6 =	simm.s32 $_tile_overlayer_lowered  }
0x9b: {  	s22 =	simm.s32 $0x1BFF;
	s21 =	sshll.u32 s6, $0x1;
	s3 =	sadd.s32 s4, s19  }
0x9c: {  	s7 =	simm.s32 $0x0;
	s20 =	sshll.u32 s5, $0x1;
	s5 =	sadd.s32 s21, s3  }
0x9d: {  	[timem:s7], [sflag:s22] =	dma.local [hbm:s5], s20  }
0x9e: {  	_ =	swait.ge [sflag:s22], s20  }
0x9f: {  	s4 =	ssub.s32 $0x0, s20;
	[sflag:s22] =	ssyncset.done $0x0  }
0xa0: {  	[sflag:s22] =	ssyncadd.s32 s4;
	_ =	sdelay $0x1  }
0xa1: {  	s23 =	simm.s32 $0x1B8B  }
0xa2: {  	_ =	swait.ge [sflag:s23], $0x1  }
0xa3: {  	[sflag:s23] =	ssyncset.done $0x0  }
0xa4: {  	s25 =	simm.s32 $0x1B8E;
	s24 =	sld [smem:$0x3FFE];
	[sflag:s23] =	ssyncadd.s32 $0xFFFFFFFF  }
0xa5: {  	s26 =	simm.s32 $execute0_lowered;
	[smem:$0x3FD2] =	sst s25  }
0xa6: {  	s5 =	sshll.u32 s26, $0x1;
	_ =	strace $0x80000046;
	[dreg:$0x1] =	wrdreg $0xFFFFFFFF  }
0xa7: {  	s28 =	simm.s32 $_size_execute0_lowered;
	s3 =	sadd.s32 s3, s5;
	[dreg:$0x0] =	wrdreg $0x0  }
0xa8: {  	s5 =	sshll.u32 s28, $0x1;
	[dreg:$0x2] =	wrdreg s3  }
0xa9: {  	[dreg:$0x3] =	wrdreg s5  }
0xaa: {  	[dreg:$0x4] =	wrdreg $0xC0  }
0xab: {  	_ =	task [dreg:s7], $0x5FFFF  }
0xac: {  	[dreg:$0x1] =	wrdreg $0xFFFFFFFF  }
0xad: {  	[dreg:$0x0] =	wrdreg $0x60  }
0xae: {  	[dreg:$0x2] =	wrdreg s2  }
0xaf: {  	[dreg:$0x3] =	wrdreg s24  }
0xb0: {  	[dreg:$0x4] =	wrdreg $0xA8000  }
0xb1: {  	[dreg:$0x5] =	wrdreg $0x9  }
0xb2: {  	_ =	task.clear_ibuf [dreg:s7], $0x6FFFF;
	_ =	strace $0x90000046  }
0xb3: {  	s29 =	simm.s32 $0x9;
	_ =	strace $0x80000048  }
0xb4: {  	_ =	swait.ge [sflag:s29], $0x1  }
0xb5: {  	[sflag:s29] =	ssyncadd.s32 $0xFFFFFFFF  }
0xb6: {  	_ =	strace $0x90000048  }
0xb7: {  	_ =	sfence  }
0xb8: {  	s30 =	sld [smem:$0x0];
	_ =	sdelay $0x2  }
0xb9: {  	s31 =	sshll.u32 s1, $0xD;
	s1 =	sshrl.u32 s1, $0x2  }
0xba: {  	s3 =	sand.u32 $0x4000, s31;
	s1 =	sadd.s32 s1, s30  }
0xbb: {  	s0 =	sor.u32 s3, s0;
	s1 =	sshll.u32 s1, $0x11  }
0xbc: {  	s0 =	sor.u32 s1, s0  }
0xbd: {  	s0 =	sadd.s32 $0x8F2B, s0  }
0xbe: {  	[sflag:s0] =	ssyncadd.remote.s32 $0x1  }
0xbf: {  	_ =	sfence.sel $0xFFFF  }
0xc0: {  	[dreg:$0x0] =	wrdreg $0xFFFFFFFF;
	(pc) =	sbr.abs _section_cstart, $3  }
0xc1: {  	[dreg:$0x1] =	wrdreg $0xFFFFFFFF  }
0xc2: {  	_ =	task.clear_ibuf [dreg:s7], $0x2FFFF;
	_ =	strace $0x9FFFFFFF  }
0xc3: {  	(tm) =	ssettm $0x7FFFFFFF  }
tec
execute0_lowered:
.L_overlay_start_1:
0x0: {  	(tag) =	ssettag $0x1  }
0x1: {  	s1 =	rddreg [dreg:$0x0]  }
0x2: {  	s0 =	rddreg [dreg:$0x1]  }
0x3: {  	s2 =	rddreg [dreg:$0x2];
	s14 =	simm.s32 $0x0  }
0x4: {  	s3 =	srdreg.scid;
	s10 =	stileid.u32;
	s28 =	simm.s32 $0x6800  }
0x5: {  	s30 =	simm.s32 $0x8800;
	s31 =	simm.s32 $0x1;
	s29 =	simm.s32 $0x2780  }
0x6: {  	[smem:$0x7FF] =	sst s14;
	s3 =	sand.u32 $0x1, s3;
	s4 =	smul.u32 $0x2800, s10  }
0x7: {  	s5 =	sadd.s32 $0x15E00, s0;
	s6 =	sadd.s32 $0x1E00, s0;
	s8 =	sshll.u32 s10, $0x2  }
0x8: {  	s9 =	sor.u32 $0x40, s10;
	s10 =	smul.u32 $0x50000, s10;
	_ =	strace $0x80000047  }
0x9: {  	s7 =	smul.u32 $0x28000, s3;
	s12 =	ssub.s32 $0x2, s3;
	s9 =	ssub.s32 s9, s8  }
0xa: {  	s11 =	sshrl.u32 s12, $0x1;
	s3 =	smul.u32 s3, s9;
	s13 =	sshrl.u32 s10, $0x2  }
0xb: {  	s9 =	simm.s32 $0x6;
	s10 =	simm.s32 $0x3;
	s16 =	sadd.s32 s13, s2  }
0xc: {  	s4 =	sadd.s32 s4, s7;
	s17 =	sadd.s32 $0x2000, s16;
	[dreg:$0x5] =	wrdreg s16  }
0xd: {  	s15 =	ssub.s32 s12, s11;
	s18 =	sadd.s32 $0x4000, s16;
	[dreg:$0x6] =	wrdreg s17  }
0xe: {  	s11 =	simm.s32 $0x7;
	s19 =	sadd.s32 $0x6000, s16;
	[dreg:$0x7] =	wrdreg s18  }
0xf: {  	s12 =	simm.s32 $0x4;
	s20 =	sadd.s32 $0x8000, s16;
	[dreg:$0x8] =	wrdreg s19  }
0x10: {  	s13 =	simm.s32 $0x8;
	s21 =	sadd.s32 $0xA000, s16;
	[dreg:$0x9] =	wrdreg s20  }
0x11: {  	s7 =	simm.s32 $0x2580;
	s22 =	sadd.s32 $0xC000, s16;
	[dreg:$0xa] =	wrdreg s21  }
0x12: {  	s0 =	sadd.s32 s4, s0;
	s23 =	sadd.s32 $0xE000, s16;
	[dreg:$0xb] =	wrdreg s22  }
0x13: {  	s8 =	sadd.s32 s8, s3;
	s24 =	sadd.s32 $0x10000, s16;
	[dreg:$0xc] =	wrdreg s23  }
0x14: {  	s25 =	sadd.s32 $0x12000, s16;
	s26 =	smax.u32 s15, $0x1;
	[dreg:$0xd] =	wrdreg s24  }
0x15: {  	s3 =	simm.s32 $0x2;
	s4 =	simm.s32 $0x1380;
	[dreg:$0xe] =	wrdreg s25  }
0x16: {  	s0 =	sadd.s32 $0x29E00, s0;
	[dreg:$0x10] =	wrdreg s26;
	s20 =	simm.s32 $0x2800  }
0x17: {  	s21 =	simm.s32 $0x9;
	s23 =	simm.s32 $0x40;
	s25 =	simm.s32 $0x4800  }
0x18: {  	s19 =	simm.s32 $0x1300;
	s22 =	simm.s32 $0x2600;
	s24 =	simm.s32 $0x2680  }
0x19: {  	v0 =	vimm.f32 $0.0e+00;
	s26 =	simm.s32 $0x2700;
	[dreg:$0xf] =	wrdreg s0;
	s0 =	simm.s32 $0x5  }
.LBB2_1:
0x1a: {  	[dreg:$0x4] =	wrdreg s14;
	s14 =	simm.s32 $0x0;
	s15 =	simm.s32 $0x200  }
.LBB2_2:
0x1b: {  	p0 =	sne.s32 s15, $0x7E00;
	[tilespmem:s14+$0x2870] =	vst v0  }
0x1c: {  	[tilespmem:s14+$0x2800] =	vst v0  }
0x1d: {  	[tilespmem:s14+$0x2810] =	vst v0  }
.Ltmp0:
0x1e: {  	[tilespmem:s14+$0x2820] =	vst v0;
	(pc) =	sbr.rel @p0 .LBB2_2-.Ltmp0, $4  }
0x1f: {  	[tilespmem:s14+$0x2830] =	vst v0  }
0x20: {  	[tilespmem:s14+$0x2840] =	vst v0  }
0x21: {  	[tilespmem:s14+$0x2850] =	vst v0  }
0x22: {  	[tilespmem:s14+$0x2860] =	vst v0;
	s14 =	sshra.s32 s15, $0x2;
	s15 =	sadd.s32 $0x200, s15  }
0x23: {  	[tilespmem:s14+$0x2870] =	vst v0  }
0x24: {  	[tilespmem:s14+$0x2800] =	vst v0  }
0x25: {  	[tilespmem:s14+$0x2810] =	vst v0  }
0x26: {  	[tilespmem:s14+$0x2820] =	vst v0  }
0x27: {  	[tilespmem:s14+$0x2830] =	vst v0  }
0x28: {  	[tilespmem:s14+$0x2840] =	vst v0  }
0x29: {  	[tilespmem:s14+$0x2850] =	vst v0  }
0x2a: {  	[tilespmem:s14+$0x2860] =	vst v0  }
0x2b: {  	[spmem:s16] =	stream.linear.scatter [tilespmem:s20], [sflag:$0x9], $0x2000, $0x38;
	[tilespmem:$0x1E800] =	vst v63  }
0x2c: {  	_ =	swait.ge [sflag:s21], $0x2000  }
0x2d: {  	[sflag:s21] =	ssyncset.done $0x0  }
0x2e: {  	s18 =	rddreg [dreg:$0x6];
	[sflag:s21] =	ssyncadd.s32 $0xFFFFE000  }
0x2f: {  	[spmem:s18] =	stream.linear.scatter [tilespmem:s20], [sflag:$0x9], $0x2000, $0x38;
	[tilespmem:$0x1E800] =	vst v63  }
0x30: {  	_ =	swait.ge [sflag:s21], $0x2000  }
0x31: {  	[sflag:s21] =	ssyncset.done $0x0  }
0x32: {  	s15 =	rddreg [dreg:$0x7];
	[sflag:s21] =	ssyncadd.s32 $0xFFFFE000  }
0x33: {  	[spmem:s15] =	stream.linear.scatter [tilespmem:s20], [sflag:$0x9], $0x2000, $0x38;
	[tilespmem:$0x1E800] =	vst v63  }
0x34: {  	_ =	swait.ge [sflag:s21], $0x2000  }
0x35: {  	[sflag:s21] =	ssyncset.done $0x0  }
0x36: {  	s16 =	rddreg [dreg:$0x8];
	[sflag:s21] =	ssyncadd.s32 $0xFFFFE000  }
0x37: {  	[spmem:s16] =	stream.linear.scatter [tilespmem:s20], [sflag:$0x9], $0x2000, $0x38;
	[tilespmem:$0x1E800] =	vst v63  }
0x38: {  	_ =	swait.ge [sflag:s21], $0x2000  }
0x39: {  	[sflag:s21] =	ssyncset.done $0x0  }
0x3a: {  	s17 =	rddreg [dreg:$0x9];
	[sflag:s21] =	ssyncadd.s32 $0xFFFFE000  }
0x3b: {  	[spmem:s17] =	stream.linear.scatter [tilespmem:s20], [sflag:$0x9], $0x2000, $0x38;
	[tilespmem:$0x1E800] =	vst v63  }
0x3c: {  	_ =	swait.ge [sflag:s21], $0x2000  }
0x3d: {  	[sflag:s21] =	ssyncset.done $0x0  }
0x3e: {  	s18 =	rddreg [dreg:$0xa];
	[sflag:s21] =	ssyncadd.s32 $0xFFFFE000  }
0x3f: {  	[spmem:s18] =	stream.linear.scatter [tilespmem:s20], [sflag:$0x9], $0x2000, $0x38;
	[tilespmem:$0x1E800] =	vst v63  }
0x40: {  	_ =	swait.ge [sflag:s21], $0x2000  }
0x41: {  	[sflag:s21] =	ssyncset.done $0x0  }
0x42: {  	s15 =	rddreg [dreg:$0xb];
	[sflag:s21] =	ssyncadd.s32 $0xFFFFE000  }
0x43: {  	[spmem:s15] =	stream.linear.scatter [tilespmem:s20], [sflag:$0x9], $0x2000, $0x38;
	[tilespmem:$0x1E800] =	vst v63  }
0x44: {  	_ =	swait.ge [sflag:s21], $0x2000  }
0x45: {  	[sflag:s21] =	ssyncset.done $0x0  }
0x46: {  	s16 =	rddreg [dreg:$0xc];
	[sflag:s21] =	ssyncadd.s32 $0xFFFFE000  }
0x47: {  	[spmem:s16] =	stream.linear.scatter [tilespmem:s20], [sflag:$0x9], $0x2000, $0x38;
	[tilespmem:$0x1E800] =	vst v63  }
0x48: {  	_ =	swait.ge [sflag:s21], $0x2000  }
0x49: {  	[sflag:s21] =	ssyncset.done $0x0  }
0x4a: {  	s17 =	rddreg [dreg:$0xd];
	[sflag:s21] =	ssyncadd.s32 $0xFFFFE000  }
0x4b: {  	[spmem:s17] =	stream.linear.scatter [tilespmem:s20], [sflag:$0x9], $0x2000, $0x38;
	[tilespmem:$0x1E800] =	vst v63  }
0x4c: {  	_ =	swait.ge [sflag:s21], $0x2000  }
0x4d: {  	[sflag:s21] =	ssyncset.done $0x0  }
0x4e: {  	s18 =	rddreg [dreg:$0xe];
	[sflag:s21] =	ssyncadd.s32 $0xFFFFE000  }
0x4f: {  	[spmem:s18] =	stream.linear.scatter [tilespmem:s20], [sflag:$0x9], $0x2000, $0x38;
	[tilespmem:$0x1E800] =	vst v63  }
0x50: {  	_ =	swait.ge [sflag:s21], $0x2000  }
0x51: {  	[sflag:s21] =	ssyncset.done $0x0  }
0x52: {  	[sflag:s21] =	ssyncadd.s32 $0xFFFFE000  }
0x53: {  	s14 =	simm.s32 $0x0;
	s15 =	simm.s32 $0x0;
	[bflag:$0x0] =	sbarrier.arrive $0xFFFF  }
.LBB2_4:
0x54: {  	s16 =	sadd.s32 s15, s8  }
0x55: {  	s16 =	smul.u32 $0x280, s16;
	_ =	sdelay $0x1  }
0x56: {  	s17 =	sadd.s32 s5, s16  }
0x57: {  	[tilespmem:s14], [sflag:$0x9] =	stream.linear.gather [hbm4b:s17+s14], $0x1400, $0x38;
	[tilespmem:$0x1E800] =	vst v63  }
0x58: {  	_ =	swait.ge [sflag:s21], $0x1400  }
0x59: {  	[sflag:s21] =	ssyncset.done $0x0  }
0x5a: {  	s18 =	simm.s32 $0x1400;
	s16 =	sadd.s32 s6, s16;
	[sflag:s21] =	ssyncadd.s32 $0xFFFFEC00  }
0x5b: {  	[tilespmem:s18], [sflag:$0x9] =	stream.linear.gather [hbm4b:s16+s14], $0x1400, $0x38;
	[tilespmem:$0x1E800] =	vst v63  }
0x5c: {  	_ =	swait.ge [sflag:s21], $0x1400  }
0x5d: {  	[sflag:s21] =	ssyncset.done $0x0  }
0x5e: {  	[sflag:s21] =	ssyncadd.s32 $0xFFFFEC00  }
0x5f: {  	[tilespmem:s20], [sflag:$0x1] =	stream.indirect.gather [hbm4b:s1+s23], $0x80, s14, s23, $0xb8;
	[tilespmem:$0x1E800] =	vst v63  }
0x60: {  	s17 =	simm.s32 $0x80  }
0x61: {  	[tilespmem:s25], [sflag:$0x2] =	stream.indirect.gather [hbm4b:s1+s23], $0x80, s17, s23, $0xb8;
	[tilespmem:$0x1E800] =	vst v63  }
0x62: {  	s18 =	simm.s32 $0x100  }
0x63: {  	[tilespmem:s28], [sflag:$0x3] =	stream.indirect.gather [hbm4b:s1+s23], $0x80, s18, s23, $0xb8;
	[tilespmem:$0x1E800] =	vst v63  }
0x64: {  	s17 =	simm.s32 $0x180  }
0x65: {  	[tilespmem:s30], [sflag:$0x4] =	stream.indirect.gather [hbm4b:s1+s23], $0x80, s17, s23, $0xb8;
	[tilespmem:$0x1E800] =	vst v63  }
0x66: {  	_ =	swait.ge [sflag:s31], $0x2000  }
0x67: {  	[sflag:s31] =	ssyncset.done $0x0  }
0x68: {  	s18 =	simm.s32 $0x1400;
	[sflag:s31] =	ssyncadd.s32 $0xFFFFE000  }
0x69: {  	[spmem:s2] =	stream.indirect.scatter.add.f32 [tilespmem:s20], [sflag:$0x5], $0x80, s18, s23, $0xb8;
	[tilespmem:$0x1E800] =	vst v63  }
0x6a: {  	_ =	swait.ge [sflag:s0], $0x2000  }
0x6b: {  	[sflag:s0] =	ssyncset.done $0x0  }
0x6c: {  	s17 =	simm.s32 $0x200;
	[sflag:s0] =	ssyncadd.s32 $0xFFFFE000  }
0x6d: {  	[tilespmem:s20], [sflag:$0x1] =	stream.indirect.gather [hbm4b:s1+s23], $0x80, s17, s23, $0xb8;
	[tilespmem:$0x1E800] =	vst v63  }
0x6e: {  	_ =	swait.ge [sflag:s3], $0x2000  }
0x6f: {  	[sflag:s3] =	ssyncset.done $0x0  }
0x70: {  	s18 =	simm.s32 $0x1480;
	[sflag:s3] =	ssyncadd.s32 $0xFFFFE000  }
0x71: {  	[spmem:s2] =	stream.indirect.scatter.add.f32 [tilespmem:s25], [sflag:$0x6], $0x80, s18, s23, $0xb8;
	[tilespmem:$0x1E800] =	vst v63  }
0x72: {  	_ =	swait.ge [sflag:s9], $0x2000  }
0x73: {  	[sflag:s9] =	ssyncset.done $0x0  }
0x74: {  	s17 =	simm.s32 $0x280;
	[sflag:s9] =	ssyncadd.s32 $0xFFFFE000  }
0x75: {  	[tilespmem:s25], [sflag:$0x2] =	stream.indirect.gather [hbm4b:s1+s23], $0x80, s17, s23, $0xb8;
	[tilespmem:$0x1E800] =	vst v63  }
0x76: {  	_ =	swait.ge [sflag:s10], $0x2000  }
0x77: {  	[sflag:s10] =	ssyncset.done $0x0  }
0x78: {  	s18 =	simm.s32 $0x1500;
	[sflag:s10] =	ssyncadd.s32 $0xFFFFE000  }
0x79: {  	[spmem:s2] =	stream.indirect.scatter.add.f32 [tilespmem:s28], [sflag:$0x7], $0x80, s18, s23, $0xb8;
	[tilespmem:$0x1E800] =	vst v63  }
0x7a: {  	_ =	swait.ge [sflag:s11], $0x2000  }
0x7b: {  	[sflag:s11] =	ssyncset.done $0x0  }
0x7c: {  	s17 =	simm.s32 $0x300;
	[sflag:s11] =	ssyncadd.s32 $0xFFFFE000  }
0x7d: {  	[tilespmem:s28], [sflag:$0x3] =	stream.indirect.gather [hbm4b:s1+s23], $0x80, s17, s23, $0xb8;
	[tilespmem:$0x1E800] =	vst v63  }
0x7e: {  	_ =	swait.ge [sflag:s12], $0x2000  }
0x7f: {  	[sflag:s12] =	ssyncset.done $0x0  }
0x80: {  	s18 =	simm.s32 $0x1580;
	[sflag:s12] =	ssyncadd.s32 $0xFFFFE000  }
0x81: {  	[spmem:s2] =	stream.indirect.scatter.add.f32 [tilespmem:s30], [sflag:$0x8], $0x80, s18, s23, $0xb8;
	[tilespmem:$0x1E800] =	vst v63  }
0x82: {  	_ =	swait.ge [sflag:s13], $0x2000  }
0x83: {  	[sflag:s13] =	ssyncset.done $0x0  }
0x84: {  	s16 =	simm.s32 $0x800;
	s17 =	simm.s32 $0x380;
	[sflag:s13] =	ssyncadd.s32 $0xFFFFE000  }
.LBB2_5:
0x85: {  	[tilespmem:s30], [sflag:$0x4] =	stream.indirect.gather [hbm4b:s1+s23], $0x80, s17, s23, $0xb8;
	[tilespmem:$0x1E800] =	vst v63  }
0x86: {  	s17 =	smov.u32 s16  }
0x87: {  	p0 =	sne.s32 s16, $0x3800;
	s16 =	sadd.s32 $0x800, s16;
	_ =	swait.ge [sflag:s31], $0x2000  }
0x88: {  	s17 =	sshra.s32 s17, $0x2;
	[sflag:s31] =	ssyncset.done $0x0  }
0x89: {  	s18 =	sadd.s32 $0x1400, s17;
	[sflag:s31] =	ssyncadd.s32 $0xFFFFE000  }
0x8a: {  	[spmem:s2] =	stream.indirect.scatter.add.f32 [tilespmem:s20], [sflag:$0x5], $0x80, s18, s23, $0xb8;
	[tilespmem:$0x1E800] =	vst v63  }
0x8b: {  	_ =	swait.ge [sflag:s0], $0x2000  }
0x8c: {  	[sflag:s0] =	ssyncset.done $0x0  }
0x8d: {  	s18 =	sadd.s32 $0x200, s17;
	[sflag:s0] =	ssyncadd.s32 $0xFFFFE000  }
0x8e: {  	[tilespmem:s20], [sflag:$0x1] =	stream.indirect.gather [hbm4b:s1+s23], $0x80, s18, s23, $0xb8;
	[tilespmem:$0x1E800] =	vst v63  }
0x8f: {  	_ =	swait.ge [sflag:s3], $0x2000  }
0x90: {  	[sflag:s3] =	ssyncset.done $0x0  }
0x91: {  	s18 =	sadd.s32 $0x1480, s17;
	[sflag:s3] =	ssyncadd.s32 $0xFFFFE000  }
0x92: {  	[spmem:s2] =	stream.indirect.scatter.add.f32 [tilespmem:s25], [sflag:$0x6], $0x80, s18, s23, $0xb8;
	[tilespmem:$0x1E800] =	vst v63  }
0x93: {  	_ =	swait.ge [sflag:s9], $0x2000  }
0x94: {  	[sflag:s9] =	ssyncset.done $0x0  }
0x95: {  	s18 =	sadd.s32 $0x280, s17;
	[sflag:s9] =	ssyncadd.s32 $0xFFFFE000  }
0x96: {  	[tilespmem:s25], [sflag:$0x2] =	stream.indirect.gather [hbm4b:s1+s23], $0x80, s18, s23, $0xb8;
	[tilespmem:$0x1E800] =	vst v63  }
0x97: {  	_ =	swait.ge [sflag:s10], $0x2000  }
0x98: {  	[sflag:s10] =	ssyncset.done $0x0  }
0x99: {  	s18 =	sadd.s32 $0x1500, s17;
	[sflag:s10] =	ssyncadd.s32 $0xFFFFE000  }
0x9a: {  	[spmem:s2] =	stream.indirect.scatter.add.f32 [tilespmem:s28], [sflag:$0x7], $0x80, s18, s23, $0xb8;
	[tilespmem:$0x1E800] =	vst v63  }
0x9b: {  	_ =	swait.ge [sflag:s11], $0x2000  }
0x9c: {  	[sflag:s11] =	ssyncset.done $0x0  }
0x9d: {  	s18 =	sadd.s32 $0x300, s17;
	[sflag:s11] =	ssyncadd.s32 $0xFFFFE000  }
0x9e: {  	[tilespmem:s28], [sflag:$0x3] =	stream.indirect.gather [hbm4b:s1+s23], $0x80, s18, s23, $0xb8;
	[tilespmem:$0x1E800] =	vst v63  }
0x9f: {  	_ =	swait.ge [sflag:s12], $0x2000  }
0xa0: {  	[sflag:s12] =	ssyncset.done $0x0  }
.Ltmp1:
0xa1: {  	s18 =	sadd.s32 $0x1580, s17;
	[sflag:s12] =	ssyncadd.s32 $0xFFFFE000;
	(pc) =	sbr.rel @p0 .LBB2_5-.Ltmp1, $4  }
0xa2: {  	[spmem:s2] =	stream.indirect.scatter.add.f32 [tilespmem:s30], [sflag:$0x8], $0x80, s18, s23, $0xb8;
	[tilespmem:$0x1E800] =	vst v63  }
0xa3: {  	_ =	swait.ge [sflag:s13], $0x2000  }
0xa4: {  	[sflag:s13] =	ssyncset.done $0x0  }
0xa5: {  	s17 =	sadd.s32 $0x380, s17;
	[sflag:s13] =	ssyncadd.s32 $0xFFFFE000  }
0xa6: {  	[tilespmem:s30], [sflag:$0x4] =	stream.indirect.gather [hbm4b:s1+s23], $0x80, s17, s23, $0xb8;
	[tilespmem:$0x1E800] =	vst v63  }
0xa7: {  	_ =	swait.ge [sflag:s31], $0x2000  }
0xa8: {  	[sflag:s31] =	ssyncset.done $0x0  }
0xa9: {  	s16 =	simm.s32 $0x2400;
	[sflag:s31] =	ssyncadd.s32 $0xFFFFE000  }
0xaa: {  	[spmem:s2] =	stream.indirect.scatter.add.f32 [tilespmem:s20], [sflag:$0x5], $0x80, s16, s23, $0xb8;
	[tilespmem:$0x1E800] =	vst v63  }
0xab: {  	_ =	swait.ge [sflag:s0], $0x2000  }
0xac: {  	[sflag:s0] =	ssyncset.done $0x0  }
0xad: {  	s17 =	simm.s32 $0x1200;
	[sflag:s0] =	ssyncadd.s32 $0xFFFFE000  }
0xae: {  	[tilespmem:s20], [sflag:$0x1] =	stream.indirect.gather [hbm4b:s1+s23], $0x80, s17, s23, $0xb8;
	[tilespmem:$0x1E800] =	vst v63  }
0xaf: {  	_ =	swait.ge [sflag:s3], $0x2000  }
0xb0: {  	[sflag:s3] =	ssyncset.done $0x0  }
0xb1: {  	s18 =	simm.s32 $0x2480;
	[sflag:s3] =	ssyncadd.s32 $0xFFFFE000  }
0xb2: {  	[spmem:s2] =	stream.indirect.scatter.add.f32 [tilespmem:s25], [sflag:$0x6], $0x80, s18, s23, $0xb8;
	[tilespmem:$0x1E800] =	vst v63  }
0xb3: {  	_ =	swait.ge [sflag:s9], $0x2000  }
0xb4: {  	[sflag:s9] =	ssyncset.done $0x0  }
0xb5: {  	s17 =	simm.s32 $0x1280;
	[sflag:s9] =	ssyncadd.s32 $0xFFFFE000  }
0xb6: {  	[tilespmem:s25], [sflag:$0x2] =	stream.indirect.gather [hbm4b:s1+s23], $0x80, s17, s23, $0xb8;
	[tilespmem:$0x1E800] =	vst v63  }
0xb7: {  	_ =	swait.ge [sflag:s10], $0x2000  }
0xb8: {  	[sflag:s10] =	ssyncset.done $0x0  }
0xb9: {  	s18 =	simm.s32 $0x2500;
	[sflag:s10] =	ssyncadd.s32 $0xFFFFE000  }
0xba: {  	[spmem:s2] =	stream.indirect.scatter.add.f32 [tilespmem:s28], [sflag:$0x7], $0x80, s18, s23, $0xb8;
	[tilespmem:$0x1E800] =	vst v63  }
0xbb: {  	_ =	swait.ge [sflag:s11], $0x2000  }
0xbc: {  	[sflag:s11] =	ssyncset.done $0x0  }
0xbd: {  	[sflag:s11] =	ssyncadd.s32 $0xFFFFE000  }
0xbe: {  	[tilespmem:s28], [sflag:$0x3] =	stream.indirect.gather [hbm4b:s1+s23], $0x80, s19, s23, $0xb8;
	[tilespmem:$0x1E800] =	vst v63  }
0xbf: {  	_ =	swait.ge [sflag:s12], $0x2000  }
0xc0: {  	[sflag:s12] =	ssyncset.done $0x0  }
0xc1: {  	[sflag:s12] =	ssyncadd.s32 $0xFFFFE000  }
0xc2: {  	[spmem:s2] =	stream.indirect.scatter.add.f32 [tilespmem:s30], [sflag:$0x8], $0x80, s7, s23, $0xb8;
	[tilespmem:$0x1E800] =	vst v63  }
0xc3: {  	_ =	swait.ge [sflag:s13], $0x2000  }
0xc4: {  	[sflag:s13] =	ssyncset.done $0x0  }
0xc5: {  	[sflag:s13] =	ssyncadd.s32 $0xFFFFE000  }
0xc6: {  	[tilespmem:s30], [sflag:$0x4] =	stream.indirect.gather [hbm4b:s1+s23], $0x80, s4, s23, $0xb8;
	[tilespmem:$0x1E800] =	vst v63  }
0xc7: {  	_ =	swait.ge [sflag:s31], $0x2000  }
0xc8: {  	[sflag:s31] =	ssyncset.done $0x0  }
0xc9: {  	[sflag:s31] =	ssyncadd.s32 $0xFFFFE000  }
0xca: {  	[spmem:s2] =	stream.indirect.scatter.add.f32 [tilespmem:s20], [sflag:$0x5], $0x80, s22, s23, $0xb8;
	[tilespmem:$0x1E800] =	vst v63  }
0xcb: {  	_ =	swait.ge [sflag:s0], $0x2000  }
0xcc: {  	[sflag:s0] =	ssyncset.done $0x0  }
0xcd: {  	[sflag:s0] =	ssyncadd.s32 $0xFFFFE000  }
0xce: {  	[tilespmem:s20], [sflag:$0x1] =	stream.indirect.gather [hbm4b:s1+s23], $0x80, s4, s23, $0xb8;
	[tilespmem:$0x1E800] =	vst v63  }
0xcf: {  	_ =	swait.ge [sflag:s3], $0x2000  }
0xd0: {  	[sflag:s3] =	ssyncset.done $0x0  }
0xd1: {  	[sflag:s3] =	ssyncadd.s32 $0xFFFFE000  }
0xd2: {  	[spmem:s2] =	stream.indirect.scatter.add.f32 [tilespmem:s25], [sflag:$0x6], $0x80, s24, s23, $0xb8;
	[tilespmem:$0x1E800] =	vst v63  }
0xd3: {  	_ =	swait.ge [sflag:s9], $0x2000  }
0xd4: {  	[sflag:s9] =	ssyncset.done $0x0  }
0xd5: {  	[sflag:s9] =	ssyncadd.s32 $0xFFFFE000  }
0xd6: {  	[tilespmem:s25], [sflag:$0x2] =	stream.indirect.gather [hbm4b:s1+s23], $0x80, s4, s23, $0xb8;
	[tilespmem:$0x1E800] =	vst v63  }
0xd7: {  	_ =	swait.ge [sflag:s10], $0x2000  }
0xd8: {  	[sflag:s10] =	ssyncset.done $0x0  }
0xd9: {  	[sflag:s10] =	ssyncadd.s32 $0xFFFFE000  }
0xda: {  	[spmem:s2] =	stream.indirect.scatter.add.f32 [tilespmem:s28], [sflag:$0x7], $0x80, s26, s23, $0xb8;
	[tilespmem:$0x1E800] =	vst v63  }
0xdb: {  	_ =	swait.ge [sflag:s11], $0x2000  }
0xdc: {  	[sflag:s11] =	ssyncset.done $0x0  }
0xdd: {  	[sflag:s11] =	ssyncadd.s32 $0xFFFFE000  }
0xde: {  	[tilespmem:s28], [sflag:$0x3] =	stream.indirect.gather [hbm4b:s1+s23], $0x80, s4, s23, $0xb8;
	[tilespmem:$0x1E800] =	vst v63  }
0xdf: {  	_ =	swait.ge [sflag:s12], $0x2000  }
0xe0: {  	[sflag:s12] =	ssyncset.done $0x0  }
0xe1: {  	[sflag:s12] =	ssyncadd.s32 $0xFFFFE000  }
0xe2: {  	[spmem:s2] =	stream.indirect.scatter.add.f32 [tilespmem:s30], [sflag:$0x8], $0x80, s29, s23, $0xb8;
	[tilespmem:$0x1E800] =	vst v63  }
0xe3: {  	_ =	swait.ge [sflag:s13], $0x2000  }
0xe4: {  	[sflag:s13] =	ssyncset.done $0x0  }
0xe5: {  	[sflag:s13] =	ssyncadd.s32 $0xFFFFE000  }
0xe6: {  	[tilespmem:s30], [sflag:$0x4] =	stream.indirect.gather [hbm4b:s1+s23], $0x80, s4, s23, $0xb8;
	[tilespmem:$0x1E800] =	vst v63  }
0xe7: {  	_ =	swait.ge [sflag:s31], $0x2000  }
0xe8: {  	[sflag:s31] =	ssyncset.done $0x0  }
0xe9: {  	[sflag:s31] =	ssyncadd.s32 $0xFFFFE000  }
0xea: {  	_ =	swait.ge [sflag:s3], $0x2000  }
0xeb: {  	[sflag:s3] =	ssyncset.done $0x0  }
0xec: {  	s15 =	sadd.s32 $0x1, s15;
	[sflag:s3] =	ssyncadd.s32 $0xFFFFE000  }
0xed: {  	p0 =	sne.s32 s15, $0x4;
	_ =	swait.ge [sflag:s10], $0x2000  }
.Ltmp2:
0xee: {  	[sflag:s10] =	ssyncset.done $0x0;
	(pc) =	sbr.rel @p0 .LBB2_4-.Ltmp2, $4  }
0xef: {  	[sflag:s10] =	ssyncadd.s32 $0xFFFFE000  }
0xf0: {  	_ =	swait.ge [sflag:s12], $0x2000  }
0xf1: {  	[sflag:s12] =	ssyncset.done $0x0  }
0xf2: {  	[sflag:s12] =	ssyncadd.s32 $0xFFFFE000  }
0xf3: {  	s14 =	stileid.u32;
	[bflag:$0x0] =	sbarrier.arrive $0xFFFF  }
0xf4: {  	s14 =	sshll.u32 s14, $0x6;
	s16 =	rddreg [dreg:$0x5]  }
0xf5: {  	s17 =	rddreg [dreg:$0xf];
	s14 =	sor.u32 $0x1C09, s14;
	s15 =	sshrl.u32 s16, $0x3  }
0xf6: {  	[hbm:s17], [sflag:s14] =	dma.local [spmem:s15], $0x2800  }
0xf7: {  	_ =	swait.ge [sflag:s21], $0x2800  }
0xf8: {  	s17 =	rddreg [dreg:$0x4]  }
0xf9: {  	s18 =	rddreg [dreg:$0x10];
	s14 =	sadd.s32 $0x1, s17  }
0xfa: {  	p0 =	sne.s32 s14, s18  }
.Ltmp3:
0xfb: {  	_ = 	snop;
	(pc) =	sbr.rel @p0 .LBB2_1-.Ltmp3, $3  }
0xfc: {  	_ =	sdelay $0x1  }
0xfd: {  	[sflag:s21] =	ssyncset.done $0x0  }
0xfe: {  	[sflag:s21] =	ssyncadd.s32 $0xFFFFD800  }
0xff: {  	_ =	sfence.sel $0x180000  }
0x100: {  	[bflag:$0x0] =	sbarrier.arrive $0xFFFF  }
0x101: {  	_ =	strace $0x90000047  }
0x102: {  	s0 =	stileid.u32;
	[bflag:$0x2] =	sbarrier.arrive $0xFFFF  }
0x103: {  	p0 =	sne.s32 s0, $0x0;
	s0 =	rddreg [dreg:$0x3]  }
0x104: {  	s0 =	sadd.s32 @!p0 $0x100000, s0  }
0x105: {  	[sflag:s0] =	ssyncadd.tile.s32 @!p0 $0x1;
	_ =	shalt  }
.Lfunc_end2:
_tile_overlayer_lowered:
.L_overlay_start_2:
0x106: {  	(tag) =	ssettag $0x2  }
0x107: {  	s0 =	rddreg [dreg:$0x0];
	s2 =	stileid.u32  }
0x108: {  	s1 =	rddreg [dreg:$0x1];
	p0 =	sne.s32 s2, $0x0  }
0x109: {  	s3 =	rddreg [dreg:$0x2];
	[bflag:$0x3] =	sbarrier.arrive $0xFFFF;
	s2 =	simm.s32 @!p0 $0x1C09  }
0x10a: {  	[timem:s3], [sflag:s2] =	dma.local @!p0 [hbm:s0], s1  }
0x10b: {  	s0 =	simm.s32 @!p0 $0x9  }
0x10c: {  	_ =	swait.ge @!p0 [sflag:s0], s1  }
0x10d: {  	s1 =	ssub.s32 @!p0 $0x0, s1;
	[sflag:s0] =	ssyncset.done @!p0 $0x0  }
0x10e: {  	[sflag:s0] =	ssyncadd.s32 @!p0 s1  }
0x10f: {  	[bflag:$0x3] =	sbarrier.arrive $0xFFFF  }
0x110: {  	_ =	shalt  }

</sc_bundles>
